<compile_context>
chip_gen: v7x
topology: tpu7x:2x2x1
jax: 0.10.2.dev20260603
libtpu: 0.0.44.dev20260713+nightly
codegen_flags: <defaults>
</compile_context>

<pallas_src>
import functools

import jax
import jax.numpy as jnp
import numpy as np
from jax import lax
from jax.experimental import pallas as pl
from jax.experimental.pallas import tpu as pltpu
from jax.experimental.pallas import tpu_sc as plsc

NN = 10000
EE = 320000
N_PAD = 10240
ROWS_PT = N_PAD // 16
BPT = 160
NBT = 16 * BPT
E_PAD = NBT * 128
FW = 32
RB = 512
GRID_R = N_PAD // RB
BN_EPS = 1e-5



def _sc_mesh():
    return plsc.VectorSubcoreMesh(core_axis_name="c", subcore_axis_name="s")


def _fill_const(buf, rows, cols, val):
    def frow(r, carry):
        def fcol(k, c2):
            buf[r, pl.ds(k * 16, 16)] = jnp.full((16,), val, jnp.float32)
            return c2
        return lax.fori_loop(0, cols // 16, fcol, carry)
    lax.fori_loop(0, rows, frow, 0)


def _deg_call(dst_all):
    scratch = [
        pltpu.VMEM((128, 16), jnp.float32),
        pltpu.VMEM((128, 16), jnp.float32),
        pltpu.VMEM((BPT, 128), jnp.int32),
        pltpu.MemorySpace.VMEM_SHARED((N_PAD, 16), jnp.float32),
    ]

    @functools.partial(
        pl.kernel,
        out_type=jax.ShapeDtypeStruct((2 * N_PAD, 16), jnp.float32),
        mesh=_sc_mesh(),
        scratch_types=scratch,
        compiler_params=pltpu.CompilerParams(use_tc_tiling_on_sc=False),
    )
    def deg_kernel(dst_hbm, deg_hbm, ones_v, zeros_v, idx_v, acc):
        c = lax.axis_index("c")
        s = lax.axis_index("s")
        _fill_const(ones_v, 128, 16, 1.0)
        _fill_const(zeros_v, 128, 16, 0.0)

        def zslab(j, carry):
            pltpu.sync_copy(zeros_v, acc.at[pl.ds(s * ROWS_PT + j * 128, 128)])
            return carry
        lax.fori_loop(0, ROWS_PT // 128, zslab, 0)
        plsc.subcore_barrier()

        pltpu.sync_copy(dst_hbm.at[pl.ds(c * NBT + s * BPT, BPT)], idx_v)

        def scat(i, carry):
            pltpu.sync_copy(ones_v, acc.at[idx_v.at[i]], add=True)
            return carry
        lax.fori_loop(0, BPT, scat, 0)
        plsc.subcore_barrier()

        pltpu.sync_copy(
            acc.at[pl.ds(s * ROWS_PT, ROWS_PT)],
            deg_hbm.at[pl.ds(c * N_PAD + s * ROWS_PT, ROWS_PT)])

    return deg_kernel(dst_all)


def _make_agg(nch):
    nvi = 2 * nch
    NB = 5
    scratch = (
        [
            pltpu.VMEM((BPT, 128), jnp.int32),
            pltpu.VMEM((BPT, 128), jnp.int32),
        ]
        + [pltpu.VMEM((128, FW), jnp.float32) for _ in range(NB)]
        + [pltpu.MemorySpace.VMEM_SHARED((N_PAD, FW), jnp.float32),
           pltpu.MemorySpace.VMEM_SHARED((N_PAD, FW), jnp.float32)]
        + [pltpu.SemaphoreType.DMA for _ in range(2 * NB)]
    )

    @functools.partial(
        pl.kernel,
        out_type=jax.ShapeDtypeStruct((nvi, N_PAD, FW), jnp.float32),
        mesh=_sc_mesh(),
        scratch_types=scratch,
        compiler_params=pltpu.CompilerParams(use_tc_tiling_on_sc=False),
    )
    def agg_kernel(u_hbm, src_hbm, dst_hbm, out_hbm, *refs):
        srcb, dstb = refs[0], refs[1]
        rows = refs[2:2 + NB]
        acc = refs[2 + NB]
        usp = refs[3 + NB]
        gsem = refs[4 + NB:4 + 2 * NB]
        ssem = refs[4 + 2 * NB:4 + 3 * NB]
        c = lax.axis_index("c")
        s = lax.axis_index("s")
        base_b = c * NBT + s * BPT
        pltpu.sync_copy(src_hbm.at[pl.ds(base_b, BPT)], srcb)
        pltpu.sync_copy(dst_hbm.at[pl.ds(base_b, BPT)], dstb)

        def do_chunk(i, carry):
            vi = c * nch + i
            uview = u_hbm.at[vi]

            pltpu.sync_copy(uview.at[pl.ds(s * ROWS_PT, ROWS_PT)],
                            usp.at[pl.ds(s * ROWS_PT, ROWS_PT)])

            _fill_const(rows[NB - 1], 128, FW, 0.0)

            def zslab(j, c2):
                pltpu.sync_copy(rows[NB - 1],
                                acc.at[pl.ds(s * ROWS_PT + j * 128, 128)])
                return c2
            lax.fori_loop(0, ROWS_PT // 128, zslab, 0)
            plsc.subcore_barrier()

            for t in range(4):
                pltpu.async_copy(usp.at[srcb.at[t]], rows[t], gsem[t])

            def grp(j, c2):
                b0 = NB * j
                for u in range(NB):
                    b = b0 + u
                    tn = (u + 4) % NB

                    pltpu.make_async_copy(
                        usp.at[srcb.at[b]], rows[u], gsem[u]).wait()
                    pltpu.async_copy(rows[u], acc.at[dstb.at[b]], ssem[u],
                                     add=True)

                    @pl.when(b < BPT - 4)
                    def _prefetch():
                        @pl.when(b >= 1)
                        def _drain_prev():
                            pltpu.make_async_copy(
                                rows[tn], acc.at[dstb.at[b - 1]],
                                ssem[tn]).wait()
                        pltpu.async_copy(
                            usp.at[srcb.at[b + 4]], rows[tn], gsem[tn])
                return c2
            lax.fori_loop(0, BPT // NB, grp, 0)
            for t in range(NB):
                pltpu.make_async_copy(
                    rows[t], acc.at[dstb.at[BPT - NB + t]], ssem[t]).wait()
            plsc.subcore_barrier()

            pltpu.sync_copy(acc.at[pl.ds(s * ROWS_PT, ROWS_PT)],
                            out_hbm.at[vi].at[pl.ds(s * ROWS_PT, ROWS_PT)])
            plsc.subcore_barrier()
            return carry

        lax.fori_loop(0, nch, do_chunk, 0)

    return agg_kernel



def _embed_call(x_pad, w, b2d, deg1, deg2):
    def body(x_ref, w_ref, b_ref, d1_ref, d2_ref,
             h_ref, v_ref, i1_ref, i2_ref):
        i = pl.program_id(0)
        h = jnp.dot(x_ref[...], w_ref[...], preferred_element_type=jnp.float32)
        h = jnp.maximum(h + b_ref[...], 0.0)
        row = i * RB + lax.broadcasted_iota(jnp.int32, (RB, 16), 0)
        valid = row < NN
        d1 = d1_ref[...]
        d2 = d2_ref[...]
        dinv1 = jnp.where((d1 > 0) & valid, lax.rsqrt(d1), 0.0)
        dinv2 = jnp.where((d2 > 0) & valid, lax.rsqrt(d2), 0.0)
        h_ref[...] = h
        i1_ref[...] = dinv1
        i2_ref[...] = dinv2
        c1 = dinv1[:, :1]
        c2 = dinv2[:, :1]
        for k in range(4):
            v_ref[0, k] = h[:, k * FW:(k + 1) * FW] * c1
            v_ref[1, k] = h[:, k * FW:(k + 1) * FW] * c2

    return pl.pallas_call(
        body,
        grid=(GRID_R,),
        in_specs=[
            pl.BlockSpec((RB, 128), lambda i: (i, 0)),
            pl.BlockSpec((128, 128), lambda i: (0, 0)),
            pl.BlockSpec((1, 128), lambda i: (0, 0)),
            pl.BlockSpec((RB, 16), lambda i: (i, 0)),
            pl.BlockSpec((RB, 16), lambda i: (i, 0)),
        ],
        out_specs=[
            pl.BlockSpec((RB, 128), lambda i: (i, 0)),
            pl.BlockSpec((2, 4, RB, FW), lambda i: (0, 0, i, 0)),
            pl.BlockSpec((RB, 16), lambda i: (i, 0)),
            pl.BlockSpec((RB, 16), lambda i: (i, 0)),
        ],
        out_shape=[
            jax.ShapeDtypeStruct((N_PAD, 128), jnp.float32),
            jax.ShapeDtypeStruct((2, 4, N_PAD, FW), jnp.float32),
            jax.ShapeDtypeStruct((N_PAD, 16), jnp.float32),
            jax.ShapeDtypeStruct((N_PAD, 16), jnp.float32),
        ],
    )(x_pad, w, b2d, deg1, deg2)


def _prescale_bn_call(nvi, acc, dinv1, dinv2, gamma3d, beta3d):
    bn_scale = float(1.0 / np.sqrt(1.0 + BN_EPS))

    def body(a_ref, d1_ref, d2_ref, g_ref, b_ref, v_ref):
        ch = pl.program_id(0)
        a = jnp.concatenate([a_ref[k] for k in range(4)], axis=1)
        d1 = d1_ref[...][:, :1]
        d2 = d2_ref[...][:, :1]
        dsel = jnp.where(2 * ch < nvi, d1, d2)
        z = a * dsel * (g_ref[0, 0] * bn_scale) + b_ref[0, 0]
        for k in range(4):
            v_ref[0, k] = z[:, k * FW:(k + 1) * FW] * d1
            v_ref[1, k] = z[:, k * FW:(k + 1) * FW] * d2

    return pl.pallas_call(
        body,
        grid=(nvi, GRID_R),
        in_specs=[
            pl.BlockSpec((4, RB, FW), lambda ch, r: (ch, r, 0)),
            pl.BlockSpec((RB, 16), lambda ch, r: (r, 0)),
            pl.BlockSpec((RB, 16), lambda ch, r: (r, 0)),
            pl.BlockSpec((1, 1, 128), lambda ch, r: (ch, 0, 0)),
            pl.BlockSpec((1, 1, 128), lambda ch, r: (ch, 0, 0)),
        ],
        out_specs=pl.BlockSpec((2, 4, RB, FW), lambda ch, r: (0, ch, r, 0)),
        out_shape=jax.ShapeDtypeStruct((2, 4 * nvi, N_PAD, FW), jnp.float32),
    )(acc, dinv1, dinv2, gamma3d, beta3d)


def _z_bn_call(nvi, acc, dinv1, dinv2, gamma3d, beta3d):
    bn_scale = float(1.0 / np.sqrt(1.0 + BN_EPS))

    def body(a_ref, d1_ref, d2_ref, g_ref, b_ref, z_ref):
        ch = pl.program_id(0)
        a = jnp.concatenate([a_ref[k] for k in range(4)], axis=1)
        d1 = d1_ref[...][:, :1]
        d2 = d2_ref[...][:, :1]
        dsel = jnp.where(2 * ch < nvi, d1, d2)
        z_ref[0] = a * dsel * (g_ref[0, 0] * bn_scale) + b_ref[0, 0]

    return pl.pallas_call(
        body,
        grid=(nvi, GRID_R),
        in_specs=[
            pl.BlockSpec((4, RB, FW), lambda ch, r: (ch, r, 0)),
            pl.BlockSpec((RB, 16), lambda ch, r: (r, 0)),
            pl.BlockSpec((RB, 16), lambda ch, r: (r, 0)),
            pl.BlockSpec((1, 1, 128), lambda ch, r: (ch, 0, 0)),
            pl.BlockSpec((1, 1, 128), lambda ch, r: (ch, 0, 0)),
        ],
        out_specs=pl.BlockSpec((1, RB, 128), lambda ch, r: (ch, r, 0)),
        out_shape=jax.ShapeDtypeStruct((nvi, N_PAD, 128), jnp.float32),
    )(acc, dinv1, dinv2, gamma3d, beta3d)


def _bn2_project(acc, dinv1, dinv2, g32, b32, wa):
    bn_scale = float(1.0 / np.sqrt(1.0 + BN_EPS))

    def body(a_ref, d1_ref, d2_ref, g_ref, b_ref, wa_ref, v_ref):
        d1 = d1_ref[...][:, :1]
        d2 = d2_ref[...][:, :1]
        p1 = jnp.zeros((RB, 128), jnp.float32)
        p2 = jnp.zeros((RB, 128), jnp.float32)
        for k in range(16):
            dsel = d1 if k < 8 else d2
            z32 = a_ref[k] * dsel * (g_ref[k] * bn_scale) + b_ref[k]
            p1 += jnp.dot(z32, wa_ref[k], preferred_element_type=jnp.float32)
            p2 += jnp.dot(z32, wa_ref[16 + k],
                          preferred_element_type=jnp.float32)
        for k in range(4):
            v_ref[0, k] = p1[:, k * FW:(k + 1) * FW] * d1
            v_ref[1, k] = p2[:, k * FW:(k + 1) * FW] * d2

    return pl.pallas_call(
        body,
        grid=(GRID_R,),
        in_specs=[
            pl.BlockSpec((16, RB, FW), lambda i: (0, i, 0)),
            pl.BlockSpec((RB, 16), lambda i: (i, 0)),
            pl.BlockSpec((RB, 16), lambda i: (i, 0)),
            pl.BlockSpec((16, 1, FW), lambda i: (0, 0, 0)),
            pl.BlockSpec((16, 1, FW), lambda i: (0, 0, 0)),
            pl.BlockSpec((32, FW, 128), lambda i: (0, 0, 0)),
        ],
        out_specs=pl.BlockSpec((2, 4, RB, FW), lambda i: (0, 0, i, 0)),
        out_shape=jax.ShapeDtypeStruct((2, 4, N_PAD, FW), jnp.float32),
    )(acc, dinv1, dinv2, g32, b32, wa)


def _final_call(h, z1, z2, a3, dinv1, dinv2, w7, b2d):
    def body(h_ref, z1_ref, z2_ref, a3_ref, d1_ref, d2_ref, w7_ref,
             b_ref, o_ref):
        s = jnp.dot(h_ref[...], w7_ref[0], preferred_element_type=jnp.float32)
        for k in range(2):
            s += jnp.dot(z1_ref[k], w7_ref[1 + k],
                         preferred_element_type=jnp.float32)
        for k in range(4):
            s += jnp.dot(z2_ref[k], w7_ref[3 + k],
                         preferred_element_type=jnp.float32)
        d1 = d1_ref[...][:, :1]
        d2 = d2_ref[...][:, :1]
        q1 = jnp.concatenate([a3_ref[k] for k in range(4)], axis=1)
        q2 = jnp.concatenate([a3_ref[4 + k] for k in range(4)], axis=1)
        o_ref[...] = s + q1 * d1 + q2 * d2 + b_ref[...]

    return pl.pallas_call(
        body,
        grid=(GRID_R,),
        in_specs=[
            pl.BlockSpec((RB, 128), lambda i: (i, 0)),
            pl.BlockSpec((2, RB, 128), lambda i: (0, i, 0)),
            pl.BlockSpec((4, RB, 128), lambda i: (0, i, 0)),
            pl.BlockSpec((8, RB, FW), lambda i: (0, i, 0)),
            pl.BlockSpec((RB, 16), lambda i: (i, 0)),
            pl.BlockSpec((RB, 16), lambda i: (i, 0)),
            pl.BlockSpec((7, 128, 128), lambda i: (0, 0, 0)),
            pl.BlockSpec((1, 128), lambda i: (0, 0)),
        ],
        out_specs=pl.BlockSpec((RB, 128), lambda i: (i, 0)),
        out_shape=jax.ShapeDtypeStruct((N_PAD, 128), jnp.float32),
    )(h, z1, z2, a3, dinv1, dinv2, w7, b2d)



def _prep_edges(edge_index):
    pad = E_PAD - EE
    src = jnp.concatenate(
        [edge_index[0], jnp.full((pad,), NN, jnp.int32)]).reshape(NBT, 128)
    dst = jnp.concatenate(
        [edge_index[1], jnp.full((pad,), NN, jnp.int32)]).reshape(NBT, 128)
    return src, dst


def kernel(x, edge_index, edge_index2, W_embed, b_embed,
           bn0_gamma, bn0_beta, bn1_gamma, bn1_beta, W_out, b_out):
    s1, d1 = _prep_edges(edge_index)
    s2, d2 = _prep_edges(edge_index2)
    src_all = jnp.concatenate([s1, s2], axis=0)
    dst_all = jnp.concatenate([d1, d2], axis=0)

    deg_flat = _deg_call(dst_all)
    deg1 = deg_flat[:N_PAD]
    deg2 = deg_flat[N_PAD:]

    x_pad = jnp.pad(x, ((0, N_PAD - NN), (0, 0)))
    h, v0, dinv1, dinv2 = _embed_call(
        x_pad, W_embed, b_embed.reshape(1, 128), deg1, deg2)

    agg4 = _make_agg(4)
    acc1 = agg4(v0.reshape(8, N_PAD, FW), src_all, dst_all)
    v1 = _prescale_bn_call(2, acc1, dinv1, dinv2,
                           bn0_gamma.reshape(2, 1, 128),
                           bn0_beta.reshape(2, 1, 128))
    z1 = _z_bn_call(2, acc1, dinv1, dinv2,
                    bn0_gamma.reshape(2, 1, 128),
                    bn0_beta.reshape(2, 1, 128))

    acc2 = _make_agg(8)(v1.reshape(16, N_PAD, FW), src_all, dst_all)
    v3 = _bn2_project(acc2, dinv1, dinv2,
                      bn1_gamma.reshape(16, 1, FW),
                      bn1_beta.reshape(16, 1, FW),
                      W_out[896:].reshape(32, FW, 128))
    z2 = _z_bn_call(4, acc2, dinv1, dinv2,
                    bn1_gamma.reshape(4, 1, 128),
                    bn1_beta.reshape(4, 1, 128))

    acc3 = agg4(v3.reshape(8, N_PAD, FW), src_all, dst_all)

    out = _final_call(h, z1, z2, acc3, dinv1, dinv2,
                      W_out[:896].reshape(7, 128, 128),
                      b_out.reshape(1, 128))
    return out[:NN]

# --- scband reference (transcript-rebuilt; emitter-appended) ---
"""Pipeline reference for scband-h2-gcn-86947317941139 (READ-ONLY COPY).

The authoritative reference and input builder live on the scoring server;
editing this copy changes nothing except your own understanding.
"""

import jax, jax.numpy as jnp
import numpy as np

N = 10000
E = 320000
DIN = 128
H = 128
DOUT = 128


def gcn_agg(x, src, dst, n):
    # gcn_norm without self loops: D^{-1/2} A D^{-1/2}, deg = row sums (dst counts)
    deg = jax.ops.segment_sum(jnp.ones(src.shape[0], jnp.float32), dst, num_segments=n)
    dinv = jnp.where(deg > 0, 1.0 / jnp.sqrt(jnp.maximum(deg, 1.0)), 0.0)
    w = dinv[dst] * dinv[src]
    msg = x[src] * w[:, None]
    return jax.ops.segment_sum(msg, dst, num_segments=n)


def bn_eval(z, gamma, beta, eps=1e-5):
    # BatchNorm1d in eval mode with running_mean=0, running_var=1
    return z * (gamma / jnp.sqrt(1.0 + eps)) + beta


def setup_inputs(seed: int = 0):
    key = jax.random.key(seed)
    ks = jax.random.split(key, 12)
    x = jax.random.normal(ks[0], (N, DIN), jnp.float32)
    edge_index = jax.random.randint(ks[1], (2, E), 0, N, dtype=jnp.int32)
    edge_index2 = jax.random.randint(ks[2], (2, E), 0, N, dtype=jnp.int32)
    W_embed = jax.random.normal(ks[3], (DIN, H), jnp.float32) / np.sqrt(DIN)
    b_embed = jnp.zeros((H,), jnp.float32)
    bn0_gamma = jnp.ones((2 * H,), jnp.float32) + 0.01 * jax.random.normal(ks[4], (2 * H,), jnp.float32)
    bn0_beta = 0.01 * jax.random.normal(ks[5], (2 * H,), jnp.float32)
    bn1_gamma = jnp.ones((4 * H,), jnp.float32) + 0.01 * jax.random.normal(ks[6], (4 * H,), jnp.float32)
    bn1_beta = 0.01 * jax.random.normal(ks[7], (4 * H,), jnp.float32)
    last_dim = H * (2 ** 4 - 1)  # 1920
    W_out = jax.random.normal(ks[8], (last_dim, DOUT), jnp.float32) / np.sqrt(last_dim)
    b_out = jnp.zeros((DOUT,), jnp.float32)
    return {"x": x, "edge_index": edge_index, "edge_index2": edge_index2,
            "W_embed": W_embed, "b_embed": b_embed,
            "bn0_gamma": bn0_gamma, "bn0_beta": bn0_beta,
            "bn1_gamma": bn1_gamma, "bn1_beta": bn1_beta,
            "W_out": W_out, "b_out": b_out}


def reference(x, edge_index, edge_index2, W_embed, b_embed,
              bn0_gamma, bn0_beta, bn1_gamma, bn1_beta, W_out, b_out):
    n = x.shape[0]
    src1, dst1 = edge_index[0], edge_index[1]
    src2, dst2 = edge_index2[0], edge_index2[1]

    def conv(z):
        z1 = gcn_agg(z, src1, dst1, n)
        z2 = gcn_agg(z, src2, dst2, n)
        return jnp.concatenate([z1, z2], axis=1)

    # feature embed MLP (num_mlp_layers=1 -> single Linear) + relu
    h = jax.nn.relu(x @ W_embed + b_embed)
    xs = [h]
    # conv 1 + bn
    z = conv(h)
    z = bn_eval(z, bn0_gamma, bn0_beta)
    xs.append(z)
    # conv 2 + bn
    z = conv(z)
    z = bn_eval(z, bn1_gamma, bn1_beta)
    xs.append(z)
    # conv 3 (no bn)
    z = conv(z)
    xs.append(z)
    # JumpingKnowledge cat
    jk = jnp.concatenate(xs, axis=1)  # [N, 1920]
    # post_mp head (Linear)
    return jk @ W_out + b_out

if __name__ == "__main__":
    import jax
    _d = setup_inputs()
    print(jax.jit(kernel)(*tuple(_d.values())))

</pallas_src>

<mosaic_0001>
#map = affine_map<(d0, d1) -> (0, 0)>
module attributes {stable_mosaic.version = 14 : i64} {
  func.func @deg_kernel(%arg0: i32, %arg1: i32, %arg2: memref<5120x128xi32, #tpu.memory_space<hbm>>, %arg3: memref<20480x16xf32, #tpu.memory_space<hbm>>, %arg4: memref<128x16xf32, #tpu.memory_space<vmem>>, %arg5: memref<128x16xf32, #tpu.memory_space<vmem>>, %arg6: memref<160x128xi32, #tpu.memory_space<vmem>>, %arg7: memref<10240x16xf32, #tpu.memory_space<vmem_shared>>) attributes {dimension_semantics = [#tpu.dimension_semantics<core_parallel>, #tpu.dimension_semantics<subcore_parallel>], iteration_bounds = array<i64: 2, 16>, scalar_prefetch = 0 : i64, scratch_operands = 4 : i64, tpu.core_type = #tpu.core_type<sc_vector_subcore>, window_params = [{transform_indices = #map}, {transform_indices = #map}]} {
    %scan3A = arith.constant 0 : i32
    %scan3A_0 = arith.constant 0 : i32
    %scan3A_1 = arith.constant 128 : i32
    %scan3A_2 = arith.addi %scan3A_0, %scan3A_1 : i32
    %scan3A_3 = arith.constant 1 : i32
    scf.for %scan3A_34 = %scan3A_0 to %scan3A_2 step %scan3A_3  : i32 {
      %scan3A_35 = arith.constant 0 : i32
      %broadcast_in_dim3A = arith.constant 1.000000e+00 : f32
      %broadcast_in_dim3A_36 = vector.broadcast %broadcast_in_dim3A : f32 to vector<16xf32>
      %mul3A_37 = arith.constant 16 : i32
      %mul3A_38 = arith.muli %scan3A_35, %mul3A_37 : i32
      %swap3A = arith.index_cast %scan3A_34 : i32 to index
      %swap3A_39 = arith.index_cast %mul3A_38 : i32 to index
      %swap3A_40 = tpu.vector_load %arg4[%swap3A, %swap3A_39] {strides = array<i32>} : memref<128x16xf32, #tpu.memory_space<vmem>>, vector<1x16xf32>,
      %swap3A_41 = vector.shape_cast %swap3A_40 : vector<1x16xf32> to vector<16xf32>
      %swap3A_42 = vector.shape_cast %broadcast_in_dim3A_36 : vector<16xf32> to vector<1x16xf32>
      tpu.vector_store %arg4[%swap3A, %swap3A_39], %swap3A_42 {strides = array<i32>} : memref<128x16xf32, #tpu.memory_space<vmem>>, vector<1x16xf32>,
      %scan3A_43 = arith.constant 1 : i32
    }
    %scan3A_4 = arith.constant 128 : i32
    %scan3A_5 = arith.constant 0 : i32
    %scan3A_6 = arith.constant 0 : i32
    %scan3A_7 = arith.constant 128 : i32
    %scan3A_8 = arith.addi %scan3A_6, %scan3A_7 : i32
    %scan3A_9 = arith.constant 1 : i32
    scf.for %scan3A_34 = %scan3A_6 to %scan3A_8 step %scan3A_9  : i32 {
      %scan3A_35 = arith.constant 0 : i32
      %broadcast_in_dim3A = arith.constant 0.000000e+00 : f32
      %broadcast_in_dim3A_36 = vector.broadcast %broadcast_in_dim3A : f32 to vector<16xf32>
      %mul3A_37 = arith.constant 16 : i32
      %mul3A_38 = arith.muli %scan3A_35, %mul3A_37 : i32
      %swap3A = arith.index_cast %scan3A_34 : i32 to index
      %swap3A_39 = arith.index_cast %mul3A_38 : i32 to index
      %swap3A_40 = tpu.vector_load %arg5[%swap3A, %swap3A_39] {strides = array<i32>} : memref<128x16xf32, #tpu.memory_space<vmem>>, vector<1x16xf32>,
      %swap3A_41 = vector.shape_cast %swap3A_40 : vector<1x16xf32> to vector<16xf32>
      %swap3A_42 = vector.shape_cast %broadcast_in_dim3A_36 : vector<16xf32> to vector<1x16xf32>
      tpu.vector_store %arg5[%swap3A, %swap3A_39], %swap3A_42 {strides = array<i32>} : memref<128x16xf32, #tpu.memory_space<vmem>>, vector<1x16xf32>,
      %scan3A_43 = arith.constant 1 : i32
    }
    %scan3A_10 = arith.constant 128 : i32
    %scan3A_11 = arith.constant 0 : i32
    %scan3A_12 = arith.constant 0 : i32
    %scan3A_13 = arith.constant 5 : i32
    %scan3A_14 = arith.addi %scan3A_12, %scan3A_13 : i32
    %scan3A_15 = arith.constant 1 : i32
    scf.for %scan3A_34 = %scan3A_12 to %scan3A_14 step %scan3A_15  : i32 {
      %mul3A_35 = arith.constant 640 : i32
      %mul3A_36 = arith.muli %arg1, %mul3A_35 : i32
      %mul3A_37 = arith.constant 128 : i32
      %mul3A_38 = arith.muli %scan3A_34, %mul3A_37 : i32
      %add3A_39 = arith.addi %mul3A_36, %mul3A_38 : i32
      "tpu.region"() ({
        %run_scoped3A = tpu.sem_alloc : memref<!tpu.dma_semaphore, #tpu.memory_space<semaphore_mem>>
        %dma_start3A = arith.constant 0 : i32
        %dma_start3A_40 = tpu.memref_slice %arg7[%add3A_39, %dma_start3A] : memref<10240x16xf32, #tpu.memory_space<vmem_shared>> -> memref<128x16xf32, #tpu.memory_space<vmem_shared>>
        %dma_start3A_41 = arith.constant 0 : i32
        %dma_start3A_42 = tpu.memref_slice %arg7[%add3A_39, %dma_start3A_41] : memref<10240x16xf32, #tpu.memory_space<vmem_shared>> -> memref<128x16xf32, #tpu.memory_space<vmem_shared>>
        tpu.enqueue_dma source(%arg5 : memref<128x16xf32, #tpu.memory_space<vmem>>) target(%dma_start3A_42 : memref<128x16xf32, #tpu.memory_space<vmem_shared>>) target_semaphore(%run_scoped3A : memref<!tpu.dma_semaphore, #tpu.memory_space<semaphore_mem>>)
        %dma_wait3A = arith.constant 0 : i32
        %dma_wait3A_43 = tpu.memref_slice %arg7[%add3A_39, %dma_wait3A] : memref<10240x16xf32, #tpu.memory_space<vmem_shared>> -> memref<128x16xf32, #tpu.memory_space<vmem_shared>>
        %dma_wait3A_44 = arith.constant 0 : i32
        %dma_wait3A_45 = tpu.memref_slice %arg7[%add3A_39, %dma_wait3A_44] : memref<10240x16xf32, #tpu.memory_space<vmem_shared>> -> memref<128x16xf32, #tpu.memory_space<vmem_shared>>
        tpu.wait_dma2 semaphore(%run_scoped3A : memref<!tpu.dma_semaphore, #tpu.memory_space<semaphore_mem>>) src(%arg5 : memref<128x16xf32, #tpu.memory_space<vmem>>) dst(%dma_wait3A_45 : memref<128x16xf32, #tpu.memory_space<vmem_shared>>)
        tpu.yield
      }) : () -> ()
    }
    %scan3A_16 = arith.constant 5 : i32
    %barrier3A = arith.constant 0 : index
    tpu.barrier barrier_id(%barrier3A)
    %mul3A = arith.constant 2560 : i32
    %mul3A_17 = arith.muli %arg0, %mul3A : i32
    %mul3A_18 = arith.constant 160 : i32
    %mul3A_19 = arith.muli %arg1, %mul3A_18 : i32
    %add3A = arith.addi %mul3A_17, %mul3A_19 : i32
    "tpu.region"() ({
      %run_scoped3A = tpu.sem_alloc : memref<!tpu.dma_semaphore, #tpu.memory_space<semaphore_mem>>
      %dma_start3A = arith.constant 0 : i32
      %dma_start3A_34 = tpu.memref_slice %arg2[%add3A, %dma_start3A] : memref<5120x128xi32, #tpu.memory_space<hbm>> -> memref<160x128xi32, #tpu.memory_space<hbm>>
      %dma_start3A_35 = arith.constant 0 : i32
      %dma_start3A_36 = tpu.memref_slice %arg2[%add3A, %dma_start3A_35] : memref<5120x128xi32, #tpu.memory_space<hbm>> -> memref<160x128xi32, #tpu.memory_space<hbm>>
      tpu.enqueue_dma source(%dma_start3A_36 : memref<160x128xi32, #tpu.memory_space<hbm>>) target(%arg6 : memref<160x128xi32, #tpu.memory_space<vmem>>) target_semaphore(%run_scoped3A : memref<!tpu.dma_semaphore, #tpu.memory_space<semaphore_mem>>)
      %dma_wait3A = arith.constant 0 : i32
      %dma_wait3A_37 = tpu.memref_slice %arg2[%add3A, %dma_wait3A] : memref<5120x128xi32, #tpu.memory_space<hbm>> -> memref<160x128xi32, #tpu.memory_space<hbm>>
      %dma_wait3A_38 = arith.constant 0 : i32
      %dma_wait3A_39 = tpu.memref_slice %arg2[%add3A, %dma_wait3A_38] : memref<5120x128xi32, #tpu.memory_space<hbm>> -> memref<160x128xi32, #tpu.memory_space<hbm>>
      tpu.wait_dma2 semaphore(%run_scoped3A : memref<!tpu.dma_semaphore, #tpu.memory_space<semaphore_mem>>) src(%dma_wait3A_39 : memref<160x128xi32, #tpu.memory_space<hbm>>) dst(%arg6 : memref<160x128xi32, #tpu.memory_space<vmem>>)
      tpu.yield
    }) : () -> ()
    %scan3A_20 = arith.constant 0 : i32
    %scan3A_21 = arith.constant 0 : i32
    %scan3A_22 = arith.constant 160 : i32
    %scan3A_23 = arith.addi %scan3A_21, %scan3A_22 : i32
    %scan3A_24 = arith.constant 1 : i32
    scf.for %scan3A_34 = %scan3A_21 to %scan3A_23 step %scan3A_24  : i32 {
      "tpu.region"() ({
        %run_scoped3A = tpu.sem_alloc : memref<!tpu.dma_semaphore, #tpu.memory_space<semaphore_mem>>
        %dma_start3A = arith.constant 0 : i32
        %dma_start3A_35 = tpu.memref_slice %arg6[%scan3A_34, %dma_start3A] : memref<160x128xi32, #tpu.memory_space<vmem>> -> memref<1x128xi32, #tpu.memory_space<vmem>>
        %dma_start3A_36 = tpu.memref_squeeze %dma_start3A_35 : memref<1x128xi32, #tpu.memory_space<vmem>> -> memref<128xi32, #tpu.memory_space<vmem>>
        %dma_start3A_37 = arith.constant 0 : i32
        %dma_start3A_38 = arith.constant 0 : i32
        %dma_start3A_39 = tpu.memref_slice %arg7[%dma_start3A_37, %dma_start3A_38] : memref<10240x16xf32, #tpu.memory_space<vmem_shared>> -> memref<10240x16xf32, #tpu.memory_space<vmem_shared>>
        tpu.enqueue_indirect_dma source(%arg4 : memref<128x16xf32, #tpu.memory_space<vmem>>) target(%dma_start3A_39 : memref<10240x16xf32, #tpu.memory_space<vmem_shared>>) offsets(%dma_start3A_36 : memref<128xi32, #tpu.memory_space<vmem>>) semaphore(%run_scoped3A : memref<!tpu.dma_semaphore, #tpu.memory_space<semaphore_mem>>) {add = true}
        %dma_wait3A = arith.constant 0 : i32
        %dma_wait3A_40 = tpu.memref_slice %arg6[%scan3A_34, %dma_wait3A] : memref<160x128xi32, #tpu.memory_space<vmem>> -> memref<1x128xi32, #tpu.memory_space<vmem>>
        %dma_wait3A_41 = tpu.memref_squeeze %dma_wait3A_40 : memref<1x128xi32, #tpu.memory_space<vmem>> -> memref<128xi32, #tpu.memory_space<vmem>>
        %dma_wait3A_42 = arith.constant 0 : i32
        %dma_wait3A_43 = arith.constant 0 : i32
        %dma_wait3A_44 = tpu.memref_slice %arg7[%dma_wait3A_42, %dma_wait3A_43] : memref<10240x16xf32, #tpu.memory_space<vmem_shared>> -> memref<10240x16xf32, #tpu.memory_space<vmem_shared>>
        tpu.wait_indirect_dma semaphore(%run_scoped3A : memref<!tpu.dma_semaphore, #tpu.memory_space<semaphore_mem>>) src(%arg4 : memref<128x16xf32, #tpu.memory_space<vmem>>) dst(%dma_wait3A_44 : memref<10240x16xf32, #tpu.memory_space<vmem_shared>>)
        tpu.yield
      }) : () -> ()
    }
    %scan3A_25 = arith.constant 160 : i32
    %barrier3A_26 = arith.constant 0 : index
    tpu.barrier barrier_id(%barrier3A_26)
    %mul3A_27 = arith.constant 640 : i32
    %mul3A_28 = arith.muli %arg1, %mul3A_27 : i32
    %mul3A_29 = arith.constant 10240 : i32
    %mul3A_30 = arith.muli %arg0, %mul3A_29 : i32
    %mul3A_31 = arith.constant 640 : i32
    %mul3A_32 = arith.muli %arg1, %mul3A_31 : i32
    %add3A_33 = arith.addi %mul3A_30, %mul3A_32 : i32
    "tpu.region"() ({
      %run_scoped3A = tpu.sem_alloc : memref<!tpu.dma_semaphore, #tpu.memory_space<semaphore_mem>>
      %dma_start3A = arith.constant 0 : i32
      %dma_start3A_34 = tpu.memref_slice %arg3[%add3A_33, %dma_start3A] : memref<20480x16xf32, #tpu.memory_space<hbm>> -> memref<640x16xf32, #tpu.memory_space<hbm>>
      %dma_start3A_35 = arith.constant 0 : i32
      %dma_start3A_36 = tpu.memref_slice %arg7[%mul3A_28, %dma_start3A_35] : memref<10240x16xf32, #tpu.memory_space<vmem_shared>> -> memref<640x16xf32, #tpu.memory_space<vmem_shared>>
      tpu.enqueue_dma source(%dma_start3A_36 : memref<640x16xf32, #tpu.memory_space<vmem_shared>>) target(%dma_start3A_34 : memref<640x16xf32, #tpu.memory_space<hbm>>) target_semaphore(%run_scoped3A : memref<!tpu.dma_semaphore, #tpu.memory_space<semaphore_mem>>)
      %dma_wait3A = arith.constant 0 : i32
      %dma_wait3A_37 = tpu.memref_slice %arg3[%add3A_33, %dma_wait3A] : memref<20480x16xf32, #tpu.memory_space<hbm>> -> memref<640x16xf32, #tpu.memory_space<hbm>>
      %dma_wait3A_38 = arith.constant 0 : i32
      %dma_wait3A_39 = tpu.memref_slice %arg7[%mul3A_28, %dma_wait3A_38] : memref<10240x16xf32, #tpu.memory_space<vmem_shared>> -> memref<640x16xf32, #tpu.memory_space<vmem_shared>>
      tpu.wait_dma2 semaphore(%run_scoped3A : memref<!tpu.dma_semaphore, #tpu.memory_space<semaphore_mem>>) src(%dma_wait3A_39 : memref<640x16xf32, #tpu.memory_space<vmem_shared>>) dst(%dma_wait3A_37 : memref<640x16xf32, #tpu.memory_space<hbm>>)
      tpu.yield
    }) : () -> ()
    return
  }
}

#map = affine_map<(d0, d1) -> (0, 0, 0)>
#map1 = affine_map<(d0, d1) -> (0, 0)>
module attributes {stable_mosaic.version = 14 : i64} {
  func.func @agg_kernel(%arg0: i32, %arg1: i32, %arg2: memref<8x10240x32xf32, #tpu.memory_space<hbm>>, %arg3: memref<5120x128xi32, #tpu.memory_space<hbm>>, %arg4: memref<5120x128xi32, #tpu.memory_space<hbm>>, %arg5: memref<8x10240x32xf32, #tpu.memory_space<hbm>>, %arg6: memref<160x128xi32, #tpu.memory_space<vmem>>, %arg7: memref<160x128xi32, #tpu.memory_space<vmem>>, %arg8: memref<128x32xf32, #tpu.memory_space<vmem>>, %arg9: memref<128x32xf32, #tpu.memory_space<vmem>>, %arg10: memref<128x32xf32, #tpu.memory_space<vmem>>, %arg11: memref<128x32xf32, #tpu.memory_space<vmem>>, %arg12: memref<128x32xf32, #tpu.memory_space<vmem>>, %arg13: memref<10240x32xf32, #tpu.memory_space<vmem_shared>>, %arg14: memref<10240x32xf32, #tpu.memory_space<vmem_shared>>, %arg15: memref<!tpu.dma_semaphore, #tpu.memory_space<semaphore_mem>>, %arg16: memref<!tpu.dma_semaphore, #tpu.memory_space<semaphore_mem>>, %arg17: memref<!tpu.dma_semaphore, #tpu.memory_space<semaphore_mem>>, %arg18: memref<!tpu.dma_semaphore, #tpu.memory_space<semaphore_mem>>, %arg19: memref<!tpu.dma_semaphore, #tpu.memory_space<semaphore_mem>>, %arg20: memref<!tpu.dma_semaphore, #tpu.memory_space<semaphore_mem>>, %arg21: memref<!tpu.dma_semaphore, #tpu.memory_space<semaphore_mem>>, %arg22: memref<!tpu.dma_semaphore, #tpu.memory_space<semaphore_mem>>, %arg23: memref<!tpu.dma_semaphore, #tpu.memory_space<semaphore_mem>>, %arg24: memref<!tpu.dma_semaphore, #tpu.memory_space<semaphore_mem>>) attributes {dimension_semantics = [#tpu.dimension_semantics<core_parallel>, #tpu.dimension_semantics<subcore_parallel>], iteration_bounds = array<i64: 2, 16>, scalar_prefetch = 0 : i64, scratch_operands = 19 : i64, tpu.core_type = #tpu.core_type<sc_vector_subcore>, window_params = [{transform_indices = #map}, {transform_indices = #map1}, {transform_indices = #map1}, {transform_indices = #map}]} {
    %mul3A = arith.constant 2560 : i32
    %mul3A_0 = arith.muli %arg0, %mul3A : i32
    %mul3A_1 = arith.constant 160 : i32
    %mul3A_2 = arith.muli %arg1, %mul3A_1 : i32
    %add3A = arith.addi %mul3A_0, %mul3A_2 : i32
    "tpu.region"() ({
      %run_scoped3A = tpu.sem_alloc : memref<!tpu.dma_semaphore, #tpu.memory_space<semaphore_mem>>
      %dma_start3A = arith.constant 0 : i32
      %dma_start3A_8 = tpu.memref_slice %arg3[%add3A, %dma_start3A] : memref<5120x128xi32, #tpu.memory_space<hbm>> -> memref<160x128xi32, #tpu.memory_space<hbm>>
      %dma_start3A_9 = arith.constant 0 : i32
      %dma_start3A_10 = tpu.memref_slice %arg3[%add3A, %dma_start3A_9] : memref<5120x128xi32, #tpu.memory_space<hbm>> -> memref<160x128xi32, #tpu.memory_space<hbm>>
      tpu.enqueue_dma source(%dma_start3A_10 : memref<160x128xi32, #tpu.memory_space<hbm>>) target(%arg6 : memref<160x128xi32, #tpu.memory_space<vmem>>) target_semaphore(%run_scoped3A : memref<!tpu.dma_semaphore, #tpu.memory_space<semaphore_mem>>)
      %dma_wait3A = arith.constant 0 : i32
      %dma_wait3A_11 = tpu.memref_slice %arg3[%add3A, %dma_wait3A] : memref<5120x128xi32, #tpu.memory_space<hbm>> -> memref<160x128xi32, #tpu.memory_space<hbm>>
      %dma_wait3A_12 = arith.constant 0 : i32
      %dma_wait3A_13 = tpu.memref_slice %arg3[%add3A, %dma_wait3A_12] : memref<5120x128xi32, #tpu.memory_space<hbm>> -> memref<160x128xi32, #tpu.memory_space<hbm>>
      tpu.wait_dma2 semaphore(%run_scoped3A : memref<!tpu.dma_semaphore, #tpu.memory_space<semaphore_mem>>) src(%dma_wait3A_13 : memref<160x128xi32, #tpu.memory_space<hbm>>) dst(%arg6 : memref<160x128xi32, #tpu.memory_space<vmem>>)
      tpu.yield
    }) : () -> ()
    "tpu.region"() ({
      %run_scoped3A = tpu.sem_alloc : memref<!tpu.dma_semaphore, #tpu.memory_space<semaphore_mem>>
      %dma_start3A = arith.constant 0 : i32
      %dma_start3A_8 = tpu.memref_slice %arg4[%add3A, %dma_start3A] : memref<5120x128xi32, #tpu.memory_space<hbm>> -> memref<160x128xi32, #tpu.memory_space<hbm>>
      %dma_start3A_9 = arith.constant 0 : i32
      %dma_start3A_10 = tpu.memref_slice %arg4[%add3A, %dma_start3A_9] : memref<5120x128xi32, #tpu.memory_space<hbm>> -> memref<160x128xi32, #tpu.memory_space<hbm>>
      tpu.enqueue_dma source(%dma_start3A_10 : memref<160x128xi32, #tpu.memory_space<hbm>>) target(%arg7 : memref<160x128xi32, #tpu.memory_space<vmem>>) target_semaphore(%run_scoped3A : memref<!tpu.dma_semaphore, #tpu.memory_space<semaphore_mem>>)
      %dma_wait3A = arith.constant 0 : i32
      %dma_wait3A_11 = tpu.memref_slice %arg4[%add3A, %dma_wait3A] : memref<5120x128xi32, #tpu.memory_space<hbm>> -> memref<160x128xi32, #tpu.memory_space<hbm>>
      %dma_wait3A_12 = arith.constant 0 : i32
      %dma_wait3A_13 = tpu.memref_slice %arg4[%add3A, %dma_wait3A_12] : memref<5120x128xi32, #tpu.memory_space<hbm>> -> memref<160x128xi32, #tpu.memory_space<hbm>>
      tpu.wait_dma2 semaphore(%run_scoped3A : memref<!tpu.dma_semaphore, #tpu.memory_space<semaphore_mem>>) src(%dma_wait3A_13 : memref<160x128xi32, #tpu.memory_space<hbm>>) dst(%arg7 : memref<160x128xi32, #tpu.memory_space<vmem>>)
      tpu.yield
    }) : () -> ()
    %scan3A = arith.constant 0 : i32
    %scan3A_3 = arith.constant 0 : i32
    %scan3A_4 = arith.constant 4 : i32
    %scan3A_5 = arith.addi %scan3A_3, %scan3A_4 : i32
    %scan3A_6 = arith.constant 1 : i32
    scf.for %scan3A_8 = %scan3A_3 to %scan3A_5 step %scan3A_6  : i32 {
      %mul3A_9 = arith.constant 4 : i32
      %mul3A_10 = arith.muli %arg0, %mul3A_9 : i32
      %add3A_11 = arith.addi %mul3A_10, %scan3A_8 : i32
      %mul3A_12 = arith.constant 640 : i32
      %mul3A_13 = arith.muli %arg1, %mul3A_12 : i32
      %mul3A_14 = arith.constant 640 : i32
      %mul3A_15 = arith.muli %arg1, %mul3A_14 : i32
      "tpu.region"() ({
        %run_scoped3A = tpu.sem_alloc : memref<!tpu.dma_semaphore, #tpu.memory_space<semaphore_mem>>
        %dma_start3A_101 = arith.constant 0 : i32
        %dma_start3A_102 = tpu.memref_slice %arg14[%mul3A_15, %dma_start3A_101] : memref<10240x32xf32, #tpu.memory_space<vmem_shared>> -> memref<640x32xf32, #tpu.memory_space<vmem_shared>>
        %dma_start3A_103 = arith.constant 0 : i32
        %dma_start3A_104 = arith.constant 0 : i32
        %dma_start3A_105 = tpu.memref_slice %arg2[%add3A_11, %dma_start3A_103, %dma_start3A_104] : memref<8x10240x32xf32, #tpu.memory_space<hbm>> -> memref<1x10240x32xf32, #tpu.memory_space<hbm>>
        %dma_start3A_106 = tpu.memref_squeeze %dma_start3A_105 : memref<1x10240x32xf32, #tpu.memory_space<hbm>> -> memref<10240x32xf32, #tpu.memory_space<hbm>>
        %dma_start3A_107 = arith.constant 0 : i32
        %dma_start3A_108 = tpu.memref_slice %dma_start3A_106[%mul3A_13, %dma_start3A_107] : memref<10240x32xf32, #tpu.memory_space<hbm>> -> memref<640x32xf32, #tpu.memory_space<hbm>>
        tpu.enqueue_dma source(%dma_start3A_108 : memref<640x32xf32, #tpu.memory_space<hbm>>) target(%dma_start3A_102 : memref<640x32xf32, #tpu.memory_space<vmem_shared>>) target_semaphore(%run_scoped3A : memref<!tpu.dma_semaphore, #tpu.memory_space<semaphore_mem>>)
        %dma_wait3A_109 = arith.constant 0 : i32
        %dma_wait3A_110 = tpu.memref_slice %arg14[%mul3A_15, %dma_wait3A_109] : memref<10240x32xf32, #tpu.memory_space<vmem_shared>> -> memref<640x32xf32, #tpu.memory_space<vmem_shared>>
        %dma_wait3A_111 = arith.constant 0 : i32
        %dma_wait3A_112 = arith.constant 0 : i32
        %dma_wait3A_113 = tpu.memref_slice %arg2[%add3A_11, %dma_wait3A_111, %dma_wait3A_112] : memref<8x10240x32xf32, #tpu.memory_space<hbm>> -> memref<1x10240x32xf32, #tpu.memory_space<hbm>>
        %dma_wait3A_114 = tpu.memref_squeeze %dma_wait3A_113 : memref<1x10240x32xf32, #tpu.memory_space<hbm>> -> memref<10240x32xf32, #tpu.memory_space<hbm>>
        %dma_wait3A_115 = arith.constant 0 : i32
        %dma_wait3A_116 = tpu.memref_slice %dma_wait3A_114[%mul3A_13, %dma_wait3A_115] : memref<10240x32xf32, #tpu.memory_space<hbm>> -> memref<640x32xf32, #tpu.memory_space<hbm>>
        tpu.wait_dma2 semaphore(%run_scoped3A : memref<!tpu.dma_semaphore, #tpu.memory_space<semaphore_mem>>) src(%dma_wait3A_116 : memref<640x32xf32, #tpu.memory_space<hbm>>) dst(%dma_wait3A_110 : memref<640x32xf32, #tpu.memory_space<vmem_shared>>)
        tpu.yield
      }) : () -> ()
      %scan3A_16 = arith.constant 0 : i32
      %scan3A_17 = arith.constant 0 : i32
      %scan3A_18 = arith.constant 128 : i32
      %scan3A_19 = arith.addi %scan3A_17, %scan3A_18 : i32
      %scan3A_20 = arith.constant 1 : i32
      scf.for %scan3A_101 = %scan3A_17 to %scan3A_19 step %scan3A_20  : i32 {
        %scan3A_102 = arith.constant 0 : i32
        %scan3A_103 = arith.constant 2 : i32
        %scan3A_104 = arith.addi %scan3A_102, %scan3A_103 : i32
        %scan3A_105 = arith.constant 1 : i32
        scf.for %scan3A_107 = %scan3A_102 to %scan3A_104 step %scan3A_105  : i32 {
          %broadcast_in_dim3A = arith.constant 0.000000e+00 : f32
          %broadcast_in_dim3A_108 = vector.broadcast %broadcast_in_dim3A : f32 to vector<16xf32>
          %mul3A_109 = arith.constant 16 : i32
          %mul3A_110 = arith.muli %scan3A_107, %mul3A_109 : i32
          %swap3A = arith.index_cast %scan3A_101 : i32 to index
          %swap3A_111 = arith.index_cast %mul3A_110 : i32 to index
          %swap3A_112 = tpu.vector_load %arg12[%swap3A, %swap3A_111] {strides = array<i32>} : memref<128x32xf32, #tpu.memory_space<vmem>>, vector<1x16xf32>,
          %swap3A_113 = vector.shape_cast %swap3A_112 : vector<1x16xf32> to vector<16xf32>
          %swap3A_114 = vector.shape_cast %broadcast_in_dim3A_108 : vector<16xf32> to vector<1x16xf32>
          tpu.vector_store %arg12[%swap3A, %swap3A_111], %swap3A_114 {strides = array<i32>} : memref<128x32xf32, #tpu.memory_space<vmem>>, vector<1x16xf32>,
        }
        %scan3A_106 = arith.constant 2 : i32
      }
      %scan3A_21 = arith.constant 128 : i32
      %scan3A_22 = arith.constant 0 : i32
      %scan3A_23 = arith.constant 0 : i32
      %scan3A_24 = arith.constant 5 : i32
      %scan3A_25 = arith.addi %scan3A_23, %scan3A_24 : i32
      %scan3A_26 = arith.constant 1 : i32
      scf.for %scan3A_101 = %scan3A_23 to %scan3A_25 step %scan3A_26  : i32 {
        %mul3A_102 = arith.constant 640 : i32
        %mul3A_103 = arith.muli %arg1, %mul3A_102 : i32
        %mul3A_104 = arith.constant 128 : i32
        %mul3A_105 = arith.muli %scan3A_101, %mul3A_104 : i32
        %add3A_106 = arith.addi %mul3A_103, %mul3A_105 : i32
        "tpu.region"() ({
          %run_scoped3A = tpu.sem_alloc : memref<!tpu.dma_semaphore, #tpu.memory_space<semaphore_mem>>
          %dma_start3A_107 = arith.constant 0 : i32
          %dma_start3A_108 = tpu.memref_slice %arg13[%add3A_106, %dma_start3A_107] : memref<10240x32xf32, #tpu.memory_space<vmem_shared>> -> memref<128x32xf32, #tpu.memory_space<vmem_shared>>
          %dma_start3A_109 = arith.constant 0 : i32
          %dma_start3A_110 = tpu.memref_slice %arg13[%add3A_106, %dma_start3A_109] : memref<10240x32xf32, #tpu.memory_space<vmem_shared>> -> memref<128x32xf32, #tpu.memory_space<vmem_shared>>
          tpu.enqueue_dma source(%arg12 : memref<128x32xf32, #tpu.memory_space<vmem>>) target(%dma_start3A_110 : memref<128x32xf32, #tpu.memory_space<vmem_shared>>) target_semaphore(%run_scoped3A : memref<!tpu.dma_semaphore, #tpu.memory_space<semaphore_mem>>)
          %dma_wait3A_111 = arith.constant 0 : i32
          %dma_wait3A_112 = tpu.memref_slice %arg13[%add3A_106, %dma_wait3A_111] : memref<10240x32xf32, #tpu.memory_space<vmem_shared>> -> memref<128x32xf32, #tpu.memory_space<vmem_shared>>
          %dma_wait3A_113 = arith.constant 0 : i32
          %dma_wait3A_114 = tpu.memref_slice %arg13[%add3A_106, %dma_wait3A_113] : memref<10240x32xf32, #tpu.memory_space<vmem_shared>> -> memref<128x32xf32, #tpu.memory_space<vmem_shared>>
          tpu.wait_dma2 semaphore(%run_scoped3A : memref<!tpu.dma_semaphore, #tpu.memory_space<semaphore_mem>>) src(%arg12 : memref<128x32xf32, #tpu.memory_space<vmem>>) dst(%dma_wait3A_114 : memref<128x32xf32, #tpu.memory_space<vmem_shared>>)
          tpu.yield
        }) : () -> ()
      }
      %scan3A_27 = arith.constant 5 : i32
      %barrier3A = arith.constant 0 : index
      tpu.barrier barrier_id(%barrier3A)
      %dma_start3A = arith.constant 0 : i32
      %dma_start3A_28 = arith.constant 0 : i32
      %dma_start3A_29 = tpu.memref_slice %arg6[%dma_start3A, %dma_start3A_28] : memref<160x128xi32, #tpu.memory_space<vmem>> -> memref<1x128xi32, #tpu.memory_space<vmem>>
      %dma_start3A_30 = tpu.memref_squeeze %dma_start3A_29 : memref<1x128xi32, #tpu.memory_space<vmem>> -> memref<128xi32, #tpu.memory_space<vmem>>
      %dma_start3A_31 = arith.constant 0 : i32
      %dma_start3A_32 = arith.constant 0 : i32
      %dma_start3A_33 = tpu.memref_slice %arg14[%dma_start3A_31, %dma_start3A_32] : memref<10240x32xf32, #tpu.memory_space<vmem_shared>> -> memref<10240x32xf32, #tpu.memory_space<vmem_shared>>
      tpu.enqueue_indirect_dma source(%dma_start3A_33 : memref<10240x32xf32, #tpu.memory_space<vmem_shared>>) target(%arg8 : memref<128x32xf32, #tpu.memory_space<vmem>>) offsets(%dma_start3A_30 : memref<128xi32, #tpu.memory_space<vmem>>) semaphore(%arg15 : memref<!tpu.dma_semaphore, #tpu.memory_space<semaphore_mem>>)
      %dma_start3A_34 = arith.constant 1 : i32
      %dma_start3A_35 = arith.constant 0 : i32
      %dma_start3A_36 = tpu.memref_slice %arg6[%dma_start3A_34, %dma_start3A_35] : memref<160x128xi32, #tpu.memory_space<vmem>> -> memref<1x128xi32, #tpu.memory_space<vmem>>
      %dma_start3A_37 = tpu.memref_squeeze %dma_start3A_36 : memref<1x128xi32, #tpu.memory_space<vmem>> -> memref<128xi32, #tpu.memory_space<vmem>>
      %dma_start3A_38 = arith.constant 0 : i32
      %dma_start3A_39 = arith.constant 0 : i32
      %dma_start3A_40 = tpu.memref_slice %arg14[%dma_start3A_38, %dma_start3A_39] : memref<10240x32xf32, #tpu.memory_space<vmem_shared>> -> memref<10240x32xf32, #tpu.memory_space<vmem_shared>>
      tpu.enqueue_indirect_dma source(%dma_start3A_40 : memref<10240x32xf32, #tpu.memory_space<vmem_shared>>) target(%arg9 : memref<128x32xf32, #tpu.memory_space<vmem>>) offsets(%dma_start3A_37 : memref<128xi32, #tpu.memory_space<vmem>>) semaphore(%arg16 : memref<!tpu.dma_semaphore, #tpu.memory_space<semaphore_mem>>)
      %dma_start3A_41 = arith.constant 2 : i32
      %dma_start3A_42 = arith.constant 0 : i32
      %dma_start3A_43 = tpu.memref_slice %arg6[%dma_start3A_41, %dma_start3A_42] : memref<160x128xi32, #tpu.memory_space<vmem>> -> memref<1x128xi32, #tpu.memory_space<vmem>>
      %dma_start3A_44 = tpu.memref_squeeze %dma_start3A_43 : memref<1x128xi32, #tpu.memory_space<vmem>> -> memref<128xi32, #tpu.memory_space<vmem>>
      %dma_start3A_45 = arith.constant 0 : i32
      %dma_start3A_46 = arith.constant 0 : i32
      %dma_start3A_47 = tpu.memref_slice %arg14[%dma_start3A_45, %dma_start3A_46] : memref<10240x32xf32, #tpu.memory_space<vmem_shared>> -> memref<10240x32xf32, #tpu.memory_space<vmem_shared>>
      tpu.enqueue_indirect_dma source(%dma_start3A_47 : memref<10240x32xf32, #tpu.memory_space<vmem_shared>>) target(%arg10 : memref<128x32xf32, #tpu.memory_space<vmem>>) offsets(%dma_start3A_44 : memref<128xi32, #tpu.memory_space<vmem>>) semaphore(%arg17 : memref<!tpu.dma_semaphore, #tpu.memory_space<semaphore_mem>>)
      %dma_start3A_48 = arith.constant 3 : i32
      %dma_start3A_49 = arith.constant 0 : i32
      %dma_start3A_50 = tpu.memref_slice %arg6[%dma_start3A_48, %dma_start3A_49] : memref<160x128xi32, #tpu.memory_space<vmem>> -> memref<1x128xi32, #tpu.memory_space<vmem>>
      %dma_start3A_51 = tpu.memref_squeeze %dma_start3A_50 : memref<1x128xi32, #tpu.memory_space<vmem>> -> memref<128xi32, #tpu.memory_space<vmem>>
      %dma_start3A_52 = arith.constant 0 : i32
      %dma_start3A_53 = arith.constant 0 : i32
      %dma_start3A_54 = tpu.memref_slice %arg14[%dma_start3A_52, %dma_start3A_53] : memref<10240x32xf32, #tpu.memory_space<vmem_shared>> -> memref<10240x32xf32, #tpu.memory_space<vmem_shared>>
      tpu.enqueue_indirect_dma source(%dma_start3A_54 : memref<10240x32xf32, #tpu.memory_space<vmem_shared>>) target(%arg11 : memref<128x32xf32, #tpu.memory_space<vmem>>) offsets(%dma_start3A_51 : memref<128xi32, #tpu.memory_space<vmem>>) semaphore(%arg18 : memref<!tpu.dma_semaphore, #tpu.memory_space<semaphore_mem>>)
      %scan3A_55 = arith.constant 0 : i32
      %scan3A_56 = arith.constant 0 : i32
      %scan3A_57 = arith.constant 32 : i32
      %scan3A_58 = arith.addi %scan3A_56, %scan3A_57 : i32
      %scan3A_59 = arith.constant 1 : i32
      scf.for %scan3A_101 = %scan3A_56 to %scan3A_58 step %scan3A_59  : i32 {
        %mul3A_102 = arith.constant 5 : i32
        %mul3A_103 = arith.muli %mul3A_102, %scan3A_101 : i32
        %add3A_104 = arith.constant 0 : i32
        %add3A_105 = arith.addi %mul3A_103, %add3A_104 : i32
        %dma_wait3A_106 = arith.constant 0 : i32
        %dma_wait3A_107 = tpu.memref_slice %arg6[%add3A_105, %dma_wait3A_106] : memref<160x128xi32, #tpu.memory_space<vmem>> -> memref<1x128xi32, #tpu.memory_space<vmem>>
        %dma_wait3A_108 = tpu.memref_squeeze %dma_wait3A_107 : memref<1x128xi32, #tpu.memory_space<vmem>> -> memref<128xi32, #tpu.memory_space<vmem>>
        %dma_wait3A_109 = arith.constant 0 : i32
        %dma_wait3A_110 = arith.constant 0 : i32
        %dma_wait3A_111 = tpu.memref_slice %arg14[%dma_wait3A_109, %dma_wait3A_110] : memref<10240x32xf32, #tpu.memory_space<vmem_shared>> -> memref<10240x32xf32, #tpu.memory_space<vmem_shared>>
        tpu.wait_indirect_dma semaphore(%arg15 : memref<!tpu.dma_semaphore, #tpu.memory_space<semaphore_mem>>) src(%dma_wait3A_111 : memref<10240x32xf32, #tpu.memory_space<vmem_shared>>) dst(%arg8 : memref<128x32xf32, #tpu.memory_space<vmem>>)
        %dma_start3A_112 = arith.constant 0 : i32
        %dma_start3A_113 = tpu.memref_slice %arg7[%add3A_105, %dma_start3A_112] : memref<160x128xi32, #tpu.memory_space<vmem>> -> memref<1x128xi32, #tpu.memory_space<vmem>>
        %dma_start3A_114 = tpu.memref_squeeze %dma_start3A_113 : memref<1x128xi32, #tpu.memory_space<vmem>> -> memref<128xi32, #tpu.memory_space<vmem>>
        %dma_start3A_115 = arith.constant 0 : i32
        %dma_start3A_116 = arith.constant 0 : i32
        %dma_start3A_117 = tpu.memref_slice %arg13[%dma_start3A_115, %dma_start3A_116] : memref<10240x32xf32, #tpu.memory_space<vmem_shared>> -> memref<10240x32xf32, #tpu.memory_space<vmem_shared>>
        tpu.enqueue_indirect_dma source(%arg8 : memref<128x32xf32, #tpu.memory_space<vmem>>) target(%dma_start3A_117 : memref<10240x32xf32, #tpu.memory_space<vmem_shared>>) offsets(%dma_start3A_114 : memref<128xi32, #tpu.memory_space<vmem>>) semaphore(%arg20 : memref<!tpu.dma_semaphore, #tpu.memory_space<semaphore_mem>>) {add = true}
        %lt3A = arith.constant 156 : i32
        %lt3A_118 = arith.cmpi slt, %add3A_105, %lt3A : i32
        %convert_element_type3A = arith.extui %lt3A_118 : i1 to i32
        %cond3A = arith.constant 0 : i32
        %cond3A_119 = arith.cmpi ne, %convert_element_type3A, %cond3A : i32
        scf.if %cond3A_119 {
          %ge3A = arith.constant 1 : i32
          %ge3A_196 = arith.cmpi sge, %add3A_105, %ge3A : i32
          %convert_element_type3A_197 = arith.extui %ge3A_196 : i1 to i32
          %cond3A_198 = arith.constant 0 : i32
          %cond3A_199 = arith.cmpi ne, %convert_element_type3A_197, %cond3A_198 : i32
          scf.if %cond3A_199 {
            %sub3A = arith.constant 1 : i32
            %sub3A_208 = arith.subi %add3A_105, %sub3A : i32
            %dma_wait3A_209 = arith.constant 0 : i32
            %dma_wait3A_210 = tpu.memref_slice %arg7[%sub3A_208, %dma_wait3A_209] : memref<160x128xi32, #tpu.memory_space<vmem>> -> memref<1x128xi32, #tpu.memory_space<vmem>>
            %dma_wait3A_211 = tpu.memref_squeeze %dma_wait3A_210 : memref<1x128xi32, #tpu.memory_space<vmem>> -> memref<128xi32, #tpu.memory_space<vmem>>
            %dma_wait3A_212 = arith.constant 0 : i32
            %dma_wait3A_213 = arith.constant 0 : i32
            %dma_wait3A_214 = tpu.memref_slice %arg13[%dma_wait3A_212, %dma_wait3A_213] : memref<10240x32xf32, #tpu.memory_space<vmem_shared>> -> memref<10240x32xf32, #tpu.memory_space<vmem_shared>>
            tpu.wait_indirect_dma semaphore(%arg24 : memref<!tpu.dma_semaphore, #tpu.memory_space<semaphore_mem>>) src(%arg12 : memref<128x32xf32, #tpu.memory_space<vmem>>) dst(%dma_wait3A_214 : memref<10240x32xf32, #tpu.memory_space<vmem_shared>>)
          } else {
          }
          %add3A_200 = arith.constant 4 : i32
          %add3A_201 = arith.addi %add3A_105, %add3A_200 : i32
          %dma_start3A_202 = arith.constant 0 : i32
          %dma_start3A_203 = tpu.memref_slice %arg6[%add3A_201, %dma_start3A_202] : memref<160x128xi32, #tpu.memory_space<vmem>> -> memref<1x128xi32, #tpu.memory_space<vmem>>
          %dma_start3A_204 = tpu.memref_squeeze %dma_start3A_203 : memref<1x128xi32, #tpu.memory_space<vmem>> -> memref<128xi32, #tpu.memory_space<vmem>>
          %dma_start3A_205 = arith.constant 0 : i32
          %dma_start3A_206 = arith.constant 0 : i32
          %dma_start3A_207 = tpu.memref_slice %arg14[%dma_start3A_205, %dma_start3A_206] : memref<10240x32xf32, #tpu.memory_space<vmem_shared>> -> memref<10240x32xf32, #tpu.memory_space<vmem_shared>>
          tpu.enqueue_indirect_dma source(%dma_start3A_207 : memref<10240x32xf32, #tpu.memory_space<vmem_shared>>) target(%arg12 : memref<128x32xf32, #tpu.memory_space<vmem>>) offsets(%dma_start3A_204 : memref<128xi32, #tpu.memory_space<vmem>>) semaphore(%arg19 : memref<!tpu.dma_semaphore, #tpu.memory_space<semaphore_mem>>)
        } else {
        }
        %add3A_120 = arith.constant 1 : i32
        %add3A_121 = arith.addi %mul3A_103, %add3A_120 : i32
        %dma_wait3A_122 = arith.constant 0 : i32
        %dma_wait3A_123 = tpu.memref_slice %arg6[%add3A_121, %dma_wait3A_122] : memref<160x128xi32, #tpu.memory_space<vmem>> -> memref<1x128xi32, #tpu.memory_space<vmem>>
        %dma_wait3A_124 = tpu.memref_squeeze %dma_wait3A_123 : memref<1x128xi32, #tpu.memory_space<vmem>> -> memref<128xi32, #tpu.memory_space<vmem>>
        %dma_wait3A_125 = arith.constant 0 : i32
        %dma_wait3A_126 = arith.constant 0 : i32
        %dma_wait3A_127 = tpu.memref_slice %arg14[%dma_wait3A_125, %dma_wait3A_126] : memref<10240x32xf32, #tpu.memory_space<vmem_shared>> -> memref<10240x32xf32, #tpu.memory_space<vmem_shared>>
        tpu.wait_indirect_dma semaphore(%arg16 : memref<!tpu.dma_semaphore, #tpu.memory_space<semaphore_mem>>) src(%dma_wait3A_127 : memref<10240x32xf32, #tpu.memory_space<vmem_shared>>) dst(%arg9 : memref<128x32xf32, #tpu.memory_space<vmem>>)
        %dma_start3A_128 = arith.constant 0 : i32
        %dma_start3A_129 = tpu.memref_slice %arg7[%add3A_121, %dma_start3A_128] : memref<160x128xi32, #tpu.memory_space<vmem>> -> memref<1x128xi32, #tpu.memory_space<vmem>>
        %dma_start3A_130 = tpu.memref_squeeze %dma_start3A_129 : memref<1x128xi32, #tpu.memory_space<vmem>> -> memref<128xi32, #tpu.memory_space<vmem>>
        %dma_start3A_131 = arith.constant 0 : i32
        %dma_start3A_132 = arith.constant 0 : i32
        %dma_start3A_133 = tpu.memref_slice %arg13[%dma_start3A_131, %dma_start3A_132] : memref<10240x32xf32, #tpu.memory_space<vmem_shared>> -> memref<10240x32xf32, #tpu.memory_space<vmem_shared>>
        tpu.enqueue_indirect_dma source(%arg9 : memref<128x32xf32, #tpu.memory_space<vmem>>) target(%dma_start3A_133 : memref<10240x32xf32, #tpu.memory_space<vmem_shared>>) offsets(%dma_start3A_130 : memref<128xi32, #tpu.memory_space<vmem>>) semaphore(%arg21 : memref<!tpu.dma_semaphore, #tpu.memory_space<semaphore_mem>>) {add = true}
        %lt3A_134 = arith.constant 156 : i32
        %lt3A_135 = arith.cmpi slt, %add3A_121, %lt3A_134 : i32
        %convert_element_type3A_136 = arith.extui %lt3A_135 : i1 to i32
        %cond3A_137 = arith.constant 0 : i32
        %cond3A_138 = arith.cmpi ne, %convert_element_type3A_136, %cond3A_137 : i32
        scf.if %cond3A_138 {
          %ge3A = arith.constant 1 : i32
          %ge3A_196 = arith.cmpi sge, %add3A_121, %ge3A : i32
          %convert_element_type3A_197 = arith.extui %ge3A_196 : i1 to i32
          %cond3A_198 = arith.constant 0 : i32
          %cond3A_199 = arith.cmpi ne, %convert_element_type3A_197, %cond3A_198 : i32
          scf.if %cond3A_199 {
            %sub3A = arith.constant 1 : i32
            %sub3A_208 = arith.subi %add3A_121, %sub3A : i32
            %dma_wait3A_209 = arith.constant 0 : i32
            %dma_wait3A_210 = tpu.memref_slice %arg7[%sub3A_208, %dma_wait3A_209] : memref<160x128xi32, #tpu.memory_space<vmem>> -> memref<1x128xi32, #tpu.memory_space<vmem>>
            %dma_wait3A_211 = tpu.memref_squeeze %dma_wait3A_210 : memref<1x128xi32, #tpu.memory_space<vmem>> -> memref<128xi32, #tpu.memory_space<vmem>>
            %dma_wait3A_212 = arith.constant 0 : i32
            %dma_wait3A_213 = arith.constant 0 : i32
            %dma_wait3A_214 = tpu.memref_slice %arg13[%dma_wait3A_212, %dma_wait3A_213] : memref<10240x32xf32, #tpu.memory_space<vmem_shared>> -> memref<10240x32xf32, #tpu.memory_space<vmem_shared>>
            tpu.wait_indirect_dma semaphore(%arg20 : memref<!tpu.dma_semaphore, #tpu.memory_space<semaphore_mem>>) src(%arg8 : memref<128x32xf32, #tpu.memory_space<vmem>>) dst(%dma_wait3A_214 : memref<10240x32xf32, #tpu.memory_space<vmem_shared>>)
          } else {
          }
          %add3A_200 = arith.constant 4 : i32
          %add3A_201 = arith.addi %add3A_121, %add3A_200 : i32
          %dma_start3A_202 = arith.constant 0 : i32
          %dma_start3A_203 = tpu.memref_slice %arg6[%add3A_201, %dma_start3A_202] : memref<160x128xi32, #tpu.memory_space<vmem>> -> memref<1x128xi32, #tpu.memory_space<vmem>>
          %dma_start3A_204 = tpu.memref_squeeze %dma_start3A_203 : memref<1x128xi32, #tpu.memory_space<vmem>> -> memref<128xi32, #tpu.memory_space<vmem>>
          %dma_start3A_205 = arith.constant 0 : i32
          %dma_start3A_206 = arith.constant 0 : i32
          %dma_start3A_207 = tpu.memref_slice %arg14[%dma_start3A_205, %dma_start3A_206] : memref<10240x32xf32, #tpu.memory_space<vmem_shared>> -> memref<10240x32xf32, #tpu.memory_space<vmem_shared>>
          tpu.enqueue_indirect_dma source(%dma_start3A_207 : memref<10240x32xf32, #tpu.memory_space<vmem_shared>>) target(%arg8 : memref<128x32xf32, #tpu.memory_space<vmem>>) offsets(%dma_start3A_204 : memref<128xi32, #tpu.memory_space<vmem>>) semaphore(%arg15 : memref<!tpu.dma_semaphore, #tpu.memory_space<semaphore_mem>>)
        } else {
        }
        %add3A_139 = arith.constant 2 : i32
        %add3A_140 = arith.addi %mul3A_103, %add3A_139 : i32
        %dma_wait3A_141 = arith.constant 0 : i32
        %dma_wait3A_142 = tpu.memref_slice %arg6[%add3A_140, %dma_wait3A_141] : memref<160x128xi32, #tpu.memory_space<vmem>> -> memref<1x128xi32, #tpu.memory_space<vmem>>
        %dma_wait3A_143 = tpu.memref_squeeze %dma_wait3A_142 : memref<1x128xi32, #tpu.memory_space<vmem>> -> memref<128xi32, #tpu.memory_space<vmem>>
        %dma_wait3A_144 = arith.constant 0 : i32
        %dma_wait3A_145 = arith.constant 0 : i32
        %dma_wait3A_146 = tpu.memref_slice %arg14[%dma_wait3A_144, %dma_wait3A_145] : memref<10240x32xf32, #tpu.memory_space<vmem_shared>> -> memref<10240x32xf32, #tpu.memory_space<vmem_shared>>
        tpu.wait_indirect_dma semaphore(%arg17 : memref<!tpu.dma_semaphore, #tpu.memory_space<semaphore_mem>>) src(%dma_wait3A_146 : memref<10240x32xf32, #tpu.memory_space<vmem_shared>>) dst(%arg10 : memref<128x32xf32, #tpu.memory_space<vmem>>)
        %dma_start3A_147 = arith.constant 0 : i32
        %dma_start3A_148 = tpu.memref_slice %arg7[%add3A_140, %dma_start3A_147] : memref<160x128xi32, #tpu.memory_space<vmem>> -> memref<1x128xi32, #tpu.memory_space<vmem>>
        %dma_start3A_149 = tpu.memref_squeeze %dma_start3A_148 : memref<1x128xi32, #tpu.memory_space<vmem>> -> memref<128xi32, #tpu.memory_space<vmem>>
        %dma_start3A_150 = arith.constant 0 : i32
        %dma_start3A_151 = arith.constant 0 : i32
        %dma_start3A_152 = tpu.memref_slice %arg13[%dma_start3A_150, %dma_start3A_151] : memref<10240x32xf32, #tpu.memory_space<vmem_shared>> -> memref<10240x32xf32, #tpu.memory_space<vmem_shared>>
        tpu.enqueue_indirect_dma source(%arg10 : memref<128x32xf32, #tpu.memory_space<vmem>>) target(%dma_start3A_152 : memref<10240x32xf32, #tpu.memory_space<vmem_shared>>) offsets(%dma_start3A_149 : memref<128xi32, #tpu.memory_space<vmem>>) semaphore(%arg22 : memref<!tpu.dma_semaphore, #tpu.memory_space<semaphore_mem>>) {add = true}
        %lt3A_153 = arith.constant 156 : i32
        %lt3A_154 = arith.cmpi slt, %add3A_140, %lt3A_153 : i32
        %convert_element_type3A_155 = arith.extui %lt3A_154 : i1 to i32
        %cond3A_156 = arith.constant 0 : i32
        %cond3A_157 = arith.cmpi ne, %convert_element_type3A_155, %cond3A_156 : i32
        scf.if %cond3A_157 {
          %ge3A = arith.constant 1 : i32
          %ge3A_196 = arith.cmpi sge, %add3A_140, %ge3A : i32
          %convert_element_type3A_197 = arith.extui %ge3A_196 : i1 to i32
          %cond3A_198 = arith.constant 0 : i32
          %cond3A_199 = arith.cmpi ne, %convert_element_type3A_197, %cond3A_198 : i32
          scf.if %cond3A_199 {
            %sub3A = arith.constant 1 : i32
            %sub3A_208 = arith.subi %add3A_140, %sub3A : i32
            %dma_wait3A_209 = arith.constant 0 : i32
            %dma_wait3A_210 = tpu.memref_slice %arg7[%sub3A_208, %dma_wait3A_209] : memref<160x128xi32, #tpu.memory_space<vmem>> -> memref<1x128xi32, #tpu.memory_space<vmem>>
            %dma_wait3A_211 = tpu.memref_squeeze %dma_wait3A_210 : memref<1x128xi32, #tpu.memory_space<vmem>> -> memref<128xi32, #tpu.memory_space<vmem>>
            %dma_wait3A_212 = arith.constant 0 : i32
            %dma_wait3A_213 = arith.constant 0 : i32
            %dma_wait3A_214 = tpu.memref_slice %arg13[%dma_wait3A_212, %dma_wait3A_213] : memref<10240x32xf32, #tpu.memory_space<vmem_shared>> -> memref<10240x32xf32, #tpu.memory_space<vmem_shared>>
            tpu.wait_indirect_dma semaphore(%arg21 : memref<!tpu.dma_semaphore, #tpu.memory_space<semaphore_mem>>) src(%arg9 : memref<128x32xf32, #tpu.memory_space<vmem>>) dst(%dma_wait3A_214 : memref<10240x32xf32, #tpu.memory_space<vmem_shared>>)
          } else {
          }
          %add3A_200 = arith.constant 4 : i32
          %add3A_201 = arith.addi %add3A_140, %add3A_200 : i32
          %dma_start3A_202 = arith.constant 0 : i32
          %dma_start3A_203 = tpu.memref_slice %arg6[%add3A_201, %dma_start3A_202] : memref<160x128xi32, #tpu.memory_space<vmem>> -> memref<1x128xi32, #tpu.memory_space<vmem>>
          %dma_start3A_204 = tpu.memref_squeeze %dma_start3A_203 : memref<1x128xi32, #tpu.memory_space<vmem>> -> memref<128xi32, #tpu.memory_space<vmem>>
          %dma_start3A_205 = arith.constant 0 : i32
          %dma_start3A_206 = arith.constant 0 : i32
          %dma_start3A_207 = tpu.memref_slice %arg14[%dma_start3A_205, %dma_start3A_206] : memref<10240x32xf32, #tpu.memory_space<vmem_shared>> -> memref<10240x32xf32, #tpu.memory_space<vmem_shared>>
          tpu.enqueue_indirect_dma source(%dma_start3A_207 : memref<10240x32xf32, #tpu.memory_space<vmem_shared>>) target(%arg9 : memref<128x32xf32, #tpu.memory_space<vmem>>) offsets(%dma_start3A_204 : memref<128xi32, #tpu.memory_space<vmem>>) semaphore(%arg16 : memref<!tpu.dma_semaphore, #tpu.memory_space<semaphore_mem>>)
        } else {
        }
        %add3A_158 = arith.constant 3 : i32
        %add3A_159 = arith.addi %mul3A_103, %add3A_158 : i32
        %dma_wait3A_160 = arith.constant 0 : i32
        %dma_wait3A_161 = tpu.memref_slice %arg6[%add3A_159, %dma_wait3A_160] : memref<160x128xi32, #tpu.memory_space<vmem>> -> memref<1x128xi32, #tpu.memory_space<vmem>>
        %dma_wait3A_162 = tpu.memref_squeeze %dma_wait3A_161 : memref<1x128xi32, #tpu.memory_space<vmem>> -> memref<128xi32, #tpu.memory_space<vmem>>
        %dma_wait3A_163 = arith.constant 0 : i32
        %dma_wait3A_164 = arith.constant 0 : i32
        %dma_wait3A_165 = tpu.memref_slice %arg14[%dma_wait3A_163, %dma_wait3A_164] : memref<10240x32xf32, #tpu.memory_space<vmem_shared>> -> memref<10240x32xf32, #tpu.memory_space<vmem_shared>>
        tpu.wait_indirect_dma semaphore(%arg18 : memref<!tpu.dma_semaphore, #tpu.memory_space<semaphore_mem>>) src(%dma_wait3A_165 : memref<10240x32xf32, #tpu.memory_space<vmem_shared>>) dst(%arg11 : memref<128x32xf32, #tpu.memory_space<vmem>>)
        %dma_start3A_166 = arith.constant 0 : i32
        %dma_start3A_167 = tpu.memref_slice %arg7[%add3A_159, %dma_start3A_166] : memref<160x128xi32, #tpu.memory_space<vmem>> -> memref<1x128xi32, #tpu.memory_space<vmem>>
        %dma_start3A_168 = tpu.memref_squeeze %dma_start3A_167 : memref<1x128xi32, #tpu.memory_space<vmem>> -> memref<128xi32, #tpu.memory_space<vmem>>
        %dma_start3A_169 = arith.constant 0 : i32
        %dma_start3A_170 = arith.constant 0 : i32
        %dma_start3A_171 = tpu.memref_slice %arg13[%dma_start3A_169, %dma_start3A_170] : memref<10240x32xf32, #tpu.memory_space<vmem_shared>> -> memref<10240x32xf32, #tpu.memory_space<vmem_shared>>
        tpu.enqueue_indirect_dma source(%arg11 : memref<128x32xf32, #tpu.memory_space<vmem>>) target(%dma_start3A_171 : memref<10240x32xf32, #tpu.memory_space<vmem_shared>>) offsets(%dma_start3A_168 : memref<128xi32, #tpu.memory_space<vmem>>) semaphore(%arg23 : memref<!tpu.dma_semaphore, #tpu.memory_space<semaphore_mem>>) {add = true}
        %lt3A_172 = arith.constant 156 : i32
        %lt3A_173 = arith.cmpi slt, %add3A_159, %lt3A_172 : i32
        %convert_element_type3A_174 = arith.extui %lt3A_173 : i1 to i32
        %cond3A_175 = arith.constant 0 : i32
        %cond3A_176 = arith.cmpi ne, %convert_element_type3A_174, %cond3A_175 : i32
        scf.if %cond3A_176 {
          %ge3A = arith.constant 1 : i32
          %ge3A_196 = arith.cmpi sge, %add3A_159, %ge3A : i32
          %convert_element_type3A_197 = arith.extui %ge3A_196 : i1 to i32
          %cond3A_198 = arith.constant 0 : i32
          %cond3A_199 = arith.cmpi ne, %convert_element_type3A_197, %cond3A_198 : i32
          scf.if %cond3A_199 {
            %sub3A = arith.constant 1 : i32
            %sub3A_208 = arith.subi %add3A_159, %sub3A : i32
            %dma_wait3A_209 = arith.constant 0 : i32
            %dma_wait3A_210 = tpu.memref_slice %arg7[%sub3A_208, %dma_wait3A_209] : memref<160x128xi32, #tpu.memory_space<vmem>> -> memref<1x128xi32, #tpu.memory_space<vmem>>
            %dma_wait3A_211 = tpu.memref_squeeze %dma_wait3A_210 : memref<1x128xi32, #tpu.memory_space<vmem>> -> memref<128xi32, #tpu.memory_space<vmem>>
            %dma_wait3A_212 = arith.constant 0 : i32
            %dma_wait3A_213 = arith.constant 0 : i32
            %dma_wait3A_214 = tpu.memref_slice %arg13[%dma_wait3A_212, %dma_wait3A_213] : memref<10240x32xf32, #tpu.memory_space<vmem_shared>> -> memref<10240x32xf32, #tpu.memory_space<vmem_shared>>
            tpu.wait_indirect_dma semaphore(%arg22 : memref<!tpu.dma_semaphore, #tpu.memory_space<semaphore_mem>>) src(%arg10 : memref<128x32xf32, #tpu.memory_space<vmem>>) dst(%dma_wait3A_214 : memref<10240x32xf32, #tpu.memory_space<vmem_shared>>)
          } else {
          }
          %add3A_200 = arith.constant 4 : i32
          %add3A_201 = arith.addi %add3A_159, %add3A_200 : i32
          %dma_start3A_202 = arith.constant 0 : i32
          %dma_start3A_203 = tpu.memref_slice %arg6[%add3A_201, %dma_start3A_202] : memref<160x128xi32, #tpu.memory_space<vmem>> -> memref<1x128xi32, #tpu.memory_space<vmem>>
          %dma_start3A_204 = tpu.memref_squeeze %dma_start3A_203 : memref<1x128xi32, #tpu.memory_space<vmem>> -> memref<128xi32, #tpu.memory_space<vmem>>
          %dma_start3A_205 = arith.constant 0 : i32
          %dma_start3A_206 = arith.constant 0 : i32
          %dma_start3A_207 = tpu.memref_slice %arg14[%dma_start3A_205, %dma_start3A_206] : memref<10240x32xf32, #tpu.memory_space<vmem_shared>> -> memref<10240x32xf32, #tpu.memory_space<vmem_shared>>
          tpu.enqueue_indirect_dma source(%dma_start3A_207 : memref<10240x32xf32, #tpu.memory_space<vmem_shared>>) target(%arg10 : memref<128x32xf32, #tpu.memory_space<vmem>>) offsets(%dma_start3A_204 : memref<128xi32, #tpu.memory_space<vmem>>) semaphore(%arg17 : memref<!tpu.dma_semaphore, #tpu.memory_space<semaphore_mem>>)
        } else {
        }
        %add3A_177 = arith.constant 4 : i32
        %add3A_178 = arith.addi %mul3A_103, %add3A_177 : i32
        %dma_wait3A_179 = arith.constant 0 : i32
        %dma_wait3A_180 = tpu.memref_slice %arg6[%add3A_178, %dma_wait3A_179] : memref<160x128xi32, #tpu.memory_space<vmem>> -> memref<1x128xi32, #tpu.memory_space<vmem>>
        %dma_wait3A_181 = tpu.memref_squeeze %dma_wait3A_180 : memref<1x128xi32, #tpu.memory_space<vmem>> -> memref<128xi32, #tpu.memory_space<vmem>>
        %dma_wait3A_182 = arith.constant 0 : i32
        %dma_wait3A_183 = arith.constant 0 : i32
        %dma_wait3A_184 = tpu.memref_slice %arg14[%dma_wait3A_182, %dma_wait3A_183] : memref<10240x32xf32, #tpu.memory_space<vmem_shared>> -> memref<10240x32xf32, #tpu.memory_space<vmem_shared>>
        tpu.wait_indirect_dma semaphore(%arg19 : memref<!tpu.dma_semaphore, #tpu.memory_space<semaphore_mem>>) src(%dma_wait3A_184 : memref<10240x32xf32, #tpu.memory_space<vmem_shared>>) dst(%arg12 : memref<128x32xf32, #tpu.memory_space<vmem>>)
        %dma_start3A_185 = arith.constant 0 : i32
        %dma_start3A_186 = tpu.memref_slice %arg7[%add3A_178, %dma_start3A_185] : memref<160x128xi32, #tpu.memory_space<vmem>> -> memref<1x128xi32, #tpu.memory_space<vmem>>
        %dma_start3A_187 = tpu.memref_squeeze %dma_start3A_186 : memref<1x128xi32, #tpu.memory_space<vmem>> -> memref<128xi32, #tpu.memory_space<vmem>>
        %dma_start3A_188 = arith.constant 0 : i32
        %dma_start3A_189 = arith.constant 0 : i32
        %dma_start3A_190 = tpu.memref_slice %arg13[%dma_start3A_188, %dma_start3A_189] : memref<10240x32xf32, #tpu.memory_space<vmem_shared>> -> memref<10240x32xf32, #tpu.memory_space<vmem_shared>>
        tpu.enqueue_indirect_dma source(%arg12 : memref<128x32xf32, #tpu.memory_space<vmem>>) target(%dma_start3A_190 : memref<10240x32xf32, #tpu.memory_space<vmem_shared>>) offsets(%dma_start3A_187 : memref<128xi32, #tpu.memory_space<vmem>>) semaphore(%arg24 : memref<!tpu.dma_semaphore, #tpu.memory_space<semaphore_mem>>) {add = true}
        %lt3A_191 = arith.constant 156 : i32
        %lt3A_192 = arith.cmpi slt, %add3A_178, %lt3A_191 : i32
        %convert_element_type3A_193 = arith.extui %lt3A_192 : i1 to i32
        %cond3A_194 = arith.constant 0 : i32
        %cond3A_195 = arith.cmpi ne, %convert_element_type3A_193, %cond3A_194 : i32
        scf.if %cond3A_195 {
          %ge3A = arith.constant 1 : i32
          %ge3A_196 = arith.cmpi sge, %add3A_178, %ge3A : i32
          %convert_element_type3A_197 = arith.extui %ge3A_196 : i1 to i32
          %cond3A_198 = arith.constant 0 : i32
          %cond3A_199 = arith.cmpi ne, %convert_element_type3A_197, %cond3A_198 : i32
          scf.if %cond3A_199 {
            %sub3A = arith.constant 1 : i32
            %sub3A_208 = arith.subi %add3A_178, %sub3A : i32
            %dma_wait3A_209 = arith.constant 0 : i32
            %dma_wait3A_210 = tpu.memref_slice %arg7[%sub3A_208, %dma_wait3A_209] : memref<160x128xi32, #tpu.memory_space<vmem>> -> memref<1x128xi32, #tpu.memory_space<vmem>>
            %dma_wait3A_211 = tpu.memref_squeeze %dma_wait3A_210 : memref<1x128xi32, #tpu.memory_space<vmem>> -> memref<128xi32, #tpu.memory_space<vmem>>
            %dma_wait3A_212 = arith.constant 0 : i32
            %dma_wait3A_213 = arith.constant 0 : i32
            %dma_wait3A_214 = tpu.memref_slice %arg13[%dma_wait3A_212, %dma_wait3A_213] : memref<10240x32xf32, #tpu.memory_space<vmem_shared>> -> memref<10240x32xf32, #tpu.memory_space<vmem_shared>>
            tpu.wait_indirect_dma semaphore(%arg23 : memref<!tpu.dma_semaphore, #tpu.memory_space<semaphore_mem>>) src(%arg11 : memref<128x32xf32, #tpu.memory_space<vmem>>) dst(%dma_wait3A_214 : memref<10240x32xf32, #tpu.memory_space<vmem_shared>>)
          } else {
          }
          %add3A_200 = arith.constant 4 : i32
          %add3A_201 = arith.addi %add3A_178, %add3A_200 : i32
          %dma_start3A_202 = arith.constant 0 : i32
          %dma_start3A_203 = tpu.memref_slice %arg6[%add3A_201, %dma_start3A_202] : memref<160x128xi32, #tpu.memory_space<vmem>> -> memref<1x128xi32, #tpu.memory_space<vmem>>
          %dma_start3A_204 = tpu.memref_squeeze %dma_start3A_203 : memref<1x128xi32, #tpu.memory_space<vmem>> -> memref<128xi32, #tpu.memory_space<vmem>>
          %dma_start3A_205 = arith.constant 0 : i32
          %dma_start3A_206 = arith.constant 0 : i32
          %dma_start3A_207 = tpu.memref_slice %arg14[%dma_start3A_205, %dma_start3A_206] : memref<10240x32xf32, #tpu.memory_space<vmem_shared>> -> memref<10240x32xf32, #tpu.memory_space<vmem_shared>>
          tpu.enqueue_indirect_dma source(%dma_start3A_207 : memref<10240x32xf32, #tpu.memory_space<vmem_shared>>) target(%arg11 : memref<128x32xf32, #tpu.memory_space<vmem>>) offsets(%dma_start3A_204 : memref<128xi32, #tpu.memory_space<vmem>>) semaphore(%arg18 : memref<!tpu.dma_semaphore, #tpu.memory_space<semaphore_mem>>)
        } else {
        }
      }
      %scan3A_60 = arith.constant 32 : i32
      %dma_wait3A = arith.constant 155 : i32
      %dma_wait3A_61 = arith.constant 0 : i32
      %dma_wait3A_62 = tpu.memref_slice %arg7[%dma_wait3A, %dma_wait3A_61] : memref<160x128xi32, #tpu.memory_space<vmem>> -> memref<1x128xi32, #tpu.memory_space<vmem>>
      %dma_wait3A_63 = tpu.memref_squeeze %dma_wait3A_62 : memref<1x128xi32, #tpu.memory_space<vmem>> -> memref<128xi32, #tpu.memory_space<vmem>>
      %dma_wait3A_64 = arith.constant 0 : i32
      %dma_wait3A_65 = arith.constant 0 : i32
      %dma_wait3A_66 = tpu.memref_slice %arg13[%dma_wait3A_64, %dma_wait3A_65] : memref<10240x32xf32, #tpu.memory_space<vmem_shared>> -> memref<10240x32xf32, #tpu.memory_space<vmem_shared>>
      tpu.wait_indirect_dma semaphore(%arg20 : memref<!tpu.dma_semaphore, #tpu.memory_space<semaphore_mem>>) src(%arg8 : memref<128x32xf32, #tpu.memory_space<vmem>>) dst(%dma_wait3A_66 : memref<10240x32xf32, #tpu.memory_space<vmem_shared>>)
      %dma_wait3A_67 = arith.constant 156 : i32
      %dma_wait3A_68 = arith.constant 0 : i32
      %dma_wait3A_69 = tpu.memref_slice %arg7[%dma_wait3A_67, %dma_wait3A_68] : memref<160x128xi32, #tpu.memory_space<vmem>> -> memref<1x128xi32, #tpu.memory_space<vmem>>
      %dma_wait3A_70 = tpu.memref_squeeze %dma_wait3A_69 : memref<1x128xi32, #tpu.memory_space<vmem>> -> memref<128xi32, #tpu.memory_space<vmem>>
      %dma_wait3A_71 = arith.constant 0 : i32
      %dma_wait3A_72 = arith.constant 0 : i32
      %dma_wait3A_73 = tpu.memref_slice %arg13[%dma_wait3A_71, %dma_wait3A_72] : memref<10240x32xf32, #tpu.memory_space<vmem_shared>> -> memref<10240x32xf32, #tpu.memory_space<vmem_shared>>
      tpu.wait_indirect_dma semaphore(%arg21 : memref<!tpu.dma_semaphore, #tpu.memory_space<semaphore_mem>>) src(%arg9 : memref<128x32xf32, #tpu.memory_space<vmem>>) dst(%dma_wait3A_73 : memref<10240x32xf32, #tpu.memory_space<vmem_shared>>)
      %dma_wait3A_74 = arith.constant 157 : i32
      %dma_wait3A_75 = arith.constant 0 : i32
      %dma_wait3A_76 = tpu.memref_slice %arg7[%dma_wait3A_74, %dma_wait3A_75] : memref<160x128xi32, #tpu.memory_space<vmem>> -> memref<1x128xi32, #tpu.memory_space<vmem>>
      %dma_wait3A_77 = tpu.memref_squeeze %dma_wait3A_76 : memref<1x128xi32, #tpu.memory_space<vmem>> -> memref<128xi32, #tpu.memory_space<vmem>>
      %dma_wait3A_78 = arith.constant 0 : i32
      %dma_wait3A_79 = arith.constant 0 : i32
      %dma_wait3A_80 = tpu.memref_slice %arg13[%dma_wait3A_78, %dma_wait3A_79] : memref<10240x32xf32, #tpu.memory_space<vmem_shared>> -> memref<10240x32xf32, #tpu.memory_space<vmem_shared>>
      tpu.wait_indirect_dma semaphore(%arg22 : memref<!tpu.dma_semaphore, #tpu.memory_space<semaphore_mem>>) src(%arg10 : memref<128x32xf32, #tpu.memory_space<vmem>>) dst(%dma_wait3A_80 : memref<10240x32xf32, #tpu.memory_space<vmem_shared>>)
      %dma_wait3A_81 = arith.constant 158 : i32
      %dma_wait3A_82 = arith.constant 0 : i32
      %dma_wait3A_83 = tpu.memref_slice %arg7[%dma_wait3A_81, %dma_wait3A_82] : memref<160x128xi32, #tpu.memory_space<vmem>> -> memref<1x128xi32, #tpu.memory_space<vmem>>
      %dma_wait3A_84 = tpu.memref_squeeze %dma_wait3A_83 : memref<1x128xi32, #tpu.memory_space<vmem>> -> memref<128xi32, #tpu.memory_space<vmem>>
      %dma_wait3A_85 = arith.constant 0 : i32
      %dma_wait3A_86 = arith.constant 0 : i32
      %dma_wait3A_87 = tpu.memref_slice %arg13[%dma_wait3A_85, %dma_wait3A_86] : memref<10240x32xf32, #tpu.memory_space<vmem_shared>> -> memref<10240x32xf32, #tpu.memory_space<vmem_shared>>
      tpu.wait_indirect_dma semaphore(%arg23 : memref<!tpu.dma_semaphore, #tpu.memory_space<semaphore_mem>>) src(%arg11 : memref<128x32xf32, #tpu.memory_space<vmem>>) dst(%dma_wait3A_87 : memref<10240x32xf32, #tpu.memory_space<vmem_shared>>)
      %dma_wait3A_88 = arith.constant 159 : i32
      %dma_wait3A_89 = arith.constant 0 : i32
      %dma_wait3A_90 = tpu.memref_slice %arg7[%dma_wait3A_88, %dma_wait3A_89] : memref<160x128xi32, #tpu.memory_space<vmem>> -> memref<1x128xi32, #tpu.memory_space<vmem>>
      %dma_wait3A_91 = tpu.memref_squeeze %dma_wait3A_90 : memref<1x128xi32, #tpu.memory_space<vmem>> -> memref<128xi32, #tpu.memory_space<vmem>>
      %dma_wait3A_92 = arith.constant 0 : i32
      %dma_wait3A_93 = arith.constant 0 : i32
      %dma_wait3A_94 = tpu.memref_slice %arg13[%dma_wait3A_92, %dma_wait3A_93] : memref<10240x32xf32, #tpu.memory_space<vmem_shared>> -> memref<10240x32xf32, #tpu.memory_space<vmem_shared>>
      tpu.wait_indirect_dma semaphore(%arg24 : memref<!tpu.dma_semaphore, #tpu.memory_space<semaphore_mem>>) src(%arg12 : memref<128x32xf32, #tpu.memory_space<vmem>>) dst(%dma_wait3A_94 : memref<10240x32xf32, #tpu.memory_space<vmem_shared>>)
      %barrier3A_95 = arith.constant 0 : index
      tpu.barrier barrier_id(%barrier3A_95)
      %mul3A_96 = arith.constant 640 : i32
      %mul3A_97 = arith.muli %arg1, %mul3A_96 : i32
      %mul3A_98 = arith.constant 640 : i32
      %mul3A_99 = arith.muli %arg1, %mul3A_98 : i32
      "tpu.region"() ({
        %run_scoped3A = tpu.sem_alloc : memref<!tpu.dma_semaphore, #tpu.memory_space<semaphore_mem>>
        %dma_start3A_101 = arith.constant 0 : i32
        %dma_start3A_102 = arith.constant 0 : i32
        %dma_start3A_103 = tpu.memref_slice %arg5[%add3A_11, %dma_start3A_101, %dma_start3A_102] : memref<8x10240x32xf32, #tpu.memory_space<hbm>> -> memref<1x10240x32xf32, #tpu.memory_space<hbm>>
        %dma_start3A_104 = tpu.memref_squeeze %dma_start3A_103 : memref<1x10240x32xf32, #tpu.memory_space<hbm>> -> memref<10240x32xf32, #tpu.memory_space<hbm>>
        %dma_start3A_105 = arith.constant 0 : i32
        %dma_start3A_106 = tpu.memref_slice %dma_start3A_104[%mul3A_99, %dma_start3A_105] : memref<10240x32xf32, #tpu.memory_space<hbm>> -> memref<640x32xf32, #tpu.memory_space<hbm>>
        %dma_start3A_107 = arith.constant 0 : i32
        %dma_start3A_108 = tpu.memref_slice %arg13[%mul3A_97, %dma_start3A_107] : memref<10240x32xf32, #tpu.memory_space<vmem_shared>> -> memref<640x32xf32, #tpu.memory_space<vmem_shared>>
        tpu.enqueue_dma source(%dma_start3A_108 : memref<640x32xf32, #tpu.memory_space<vmem_shared>>) target(%dma_start3A_106 : memref<640x32xf32, #tpu.memory_space<hbm>>) target_semaphore(%run_scoped3A : memref<!tpu.dma_semaphore, #tpu.memory_space<semaphore_mem>>)
        %dma_wait3A_109 = arith.constant 0 : i32
        %dma_wait3A_110 = arith.constant 0 : i32
        %dma_wait3A_111 = tpu.memref_slice %arg5[%add3A_11, %dma_wait3A_109, %dma_wait3A_110] : memref<8x10240x32xf32, #tpu.memory_space<hbm>> -> memref<1x10240x32xf32, #tpu.memory_space<hbm>>
        %dma_wait3A_112 = tpu.memref_squeeze %dma_wait3A_111 : memref<1x10240x32xf32, #tpu.memory_space<hbm>> -> memref<10240x32xf32, #tpu.memory_space<hbm>>
        %dma_wait3A_113 = arith.constant 0 : i32
        %dma_wait3A_114 = tpu.memref_slice %dma_wait3A_112[%mul3A_99, %dma_wait3A_113] : memref<10240x32xf32, #tpu.memory_space<hbm>> -> memref<640x32xf32, #tpu.memory_space<hbm>>
        %dma_wait3A_115 = arith.constant 0 : i32
        %dma_wait3A_116 = tpu.memref_slice %arg13[%mul3A_97, %dma_wait3A_115] : memref<10240x32xf32, #tpu.memory_space<vmem_shared>> -> memref<640x32xf32, #tpu.memory_space<vmem_shared>>
        tpu.wait_dma2 semaphore(%run_scoped3A : memref<!tpu.dma_semaphore, #tpu.memory_space<semaphore_mem>>) src(%dma_wait3A_116 : memref<640x32xf32, #tpu.memory_space<vmem_shared>>) dst(%dma_wait3A_114 : memref<640x32xf32, #tpu.memory_space<hbm>>)
        tpu.yield
      }) : () -> ()
      %barrier3A_100 = arith.constant 0 : index
      tpu.barrier barrier_id(%barrier3A_100)
    }
    %scan3A_7 = arith.constant 4 : i32
    return
  }
}

#map = affine_map<(d0, d1) -> (0, 0, 0)>
#map1 = affine_map<(d0, d1) -> (0, 0)>
module attributes {stable_mosaic.version = 14 : i64} {
  func.func @agg_kernel(%arg0: i32, %arg1: i32, %arg2: memref<8x10240x32xf32, #tpu.memory_space<hbm>>, %arg3: memref<5120x128xi32, #tpu.memory_space<hbm>>, %arg4: memref<5120x128xi32, #tpu.memory_space<hbm>>, %arg5: memref<8x10240x32xf32, #tpu.memory_space<hbm>>, %arg6: memref<160x128xi32, #tpu.memory_space<vmem>>, %arg7: memref<160x128xi32, #tpu.memory_space<vmem>>, %arg8: memref<128x32xf32, #tpu.memory_space<vmem>>, %arg9: memref<128x32xf32, #tpu.memory_space<vmem>>, %arg10: memref<128x32xf32, #tpu.memory_space<vmem>>, %arg11: memref<128x32xf32, #tpu.memory_space<vmem>>, %arg12: memref<128x32xf32, #tpu.memory_space<vmem>>, %arg13: memref<10240x32xf32, #tpu.memory_space<vmem_shared>>, %arg14: memref<10240x32xf32, #tpu.memory_space<vmem_shared>>, %arg15: memref<!tpu.dma_semaphore, #tpu.memory_space<semaphore_mem>>, %arg16: memref<!tpu.dma_semaphore, #tpu.memory_space<semaphore_mem>>, %arg17: memref<!tpu.dma_semaphore, #tpu.memory_space<semaphore_mem>>, %arg18: memref<!tpu.dma_semaphore, #tpu.memory_space<semaphore_mem>>, %arg19: memref<!tpu.dma_semaphore, #tpu.memory_space<semaphore_mem>>, %arg20: memref<!tpu.dma_semaphore, #tpu.memory_space<semaphore_mem>>, %arg21: memref<!tpu.dma_semaphore, #tpu.memory_space<semaphore_mem>>, %arg22: memref<!tpu.dma_semaphore, #tpu.memory_space<semaphore_mem>>, %arg23: memref<!tpu.dma_semaphore, #tpu.memory_space<semaphore_mem>>, %arg24: memref<!tpu.dma_semaphore, #tpu.memory_space<semaphore_mem>>) attributes {dimension_semantics = [#tpu.dimension_semantics<core_parallel>, #tpu.dimension_semantics<subcore_parallel>], iteration_bounds = array<i64: 2, 16>, scalar_prefetch = 0 : i64, scratch_operands = 19 : i64, tpu.core_type = #tpu.core_type<sc_vector_subcore>, window_params = [{transform_indices = #map}, {transform_indices = #map1}, {transform_indices = #map1}, {transform_indices = #map}]} {
    %mul3A = arith.constant 2560 : i32
    %mul3A_0 = arith.muli %arg0, %mul3A : i32
    %mul3A_1 = arith.constant 160 : i32
    %mul3A_2 = arith.muli %arg1, %mul3A_1 : i32
    %add3A = arith.addi %mul3A_0, %mul3A_2 : i32
    "tpu.region"() ({
      %run_scoped3A = tpu.sem_alloc : memref<!tpu.dma_semaphore, #tpu.memory_space<semaphore_mem>>
      %dma_start3A = arith.constant 0 : i32
      %dma_start3A_8 = tpu.memref_slice %arg3[%add3A, %dma_start3A] : memref<5120x128xi32, #tpu.memory_space<hbm>> -> memref<160x128xi32, #tpu.memory_space<hbm>>
      %dma_start3A_9 = arith.constant 0 : i32
      %dma_start3A_10 = tpu.memref_slice %arg3[%add3A, %dma_start3A_9] : memref<5120x128xi32, #tpu.memory_space<hbm>> -> memref<160x128xi32, #tpu.memory_space<hbm>>
      tpu.enqueue_dma source(%dma_start3A_10 : memref<160x128xi32, #tpu.memory_space<hbm>>) target(%arg6 : memref<160x128xi32, #tpu.memory_space<vmem>>) target_semaphore(%run_scoped3A : memref<!tpu.dma_semaphore, #tpu.memory_space<semaphore_mem>>)
      %dma_wait3A = arith.constant 0 : i32
      %dma_wait3A_11 = tpu.memref_slice %arg3[%add3A, %dma_wait3A] : memref<5120x128xi32, #tpu.memory_space<hbm>> -> memref<160x128xi32, #tpu.memory_space<hbm>>
      %dma_wait3A_12 = arith.constant 0 : i32
      %dma_wait3A_13 = tpu.memref_slice %arg3[%add3A, %dma_wait3A_12] : memref<5120x128xi32, #tpu.memory_space<hbm>> -> memref<160x128xi32, #tpu.memory_space<hbm>>
      tpu.wait_dma2 semaphore(%run_scoped3A : memref<!tpu.dma_semaphore, #tpu.memory_space<semaphore_mem>>) src(%dma_wait3A_13 : memref<160x128xi32, #tpu.memory_space<hbm>>) dst(%arg6 : memref<160x128xi32, #tpu.memory_space<vmem>>)
      tpu.yield
    }) : () -> ()
    "tpu.region"() ({
      %run_scoped3A = tpu.sem_alloc : memref<!tpu.dma_semaphore, #tpu.memory_space<semaphore_mem>>
      %dma_start3A = arith.constant 0 : i32
      %dma_start3A_8 = tpu.memref_slice %arg4[%add3A, %dma_start3A] : memref<5120x128xi32, #tpu.memory_space<hbm>> -> memref<160x128xi32, #tpu.memory_space<hbm>>
      %dma_start3A_9 = arith.constant 0 : i32
      %dma_start3A_10 = tpu.memref_slice %arg4[%add3A, %dma_start3A_9] : memref<5120x128xi32, #tpu.memory_space<hbm>> -> memref<160x128xi32, #tpu.memory_space<hbm>>
      tpu.enqueue_dma source(%dma_start3A_10 : memref<160x128xi32, #tpu.memory_space<hbm>>) target(%arg7 : memref<160x128xi32, #tpu.memory_space<vmem>>) target_semaphore(%run_scoped3A : memref<!tpu.dma_semaphore, #tpu.memory_space<semaphore_mem>>)
      %dma_wait3A = arith.constant 0 : i32
      %dma_wait3A_11 = tpu.memref_slice %arg4[%add3A, %dma_wait3A] : memref<5120x128xi32, #tpu.memory_space<hbm>> -> memref<160x128xi32, #tpu.memory_space<hbm>>
      %dma_wait3A_12 = arith.constant 0 : i32
      %dma_wait3A_13 = tpu.memref_slice %arg4[%add3A, %dma_wait3A_12] : memref<5120x128xi32, #tpu.memory_space<hbm>> -> memref<160x128xi32, #tpu.memory_space<hbm>>
      tpu.wait_dma2 semaphore(%run_scoped3A : memref<!tpu.dma_semaphore, #tpu.memory_space<semaphore_mem>>) src(%dma_wait3A_13 : memref<160x128xi32, #tpu.memory_space<hbm>>) dst(%arg7 : memref<160x128xi32, #tpu.memory_space<vmem>>)
      tpu.yield
    }) : () -> ()
    %scan3A = arith.constant 0 : i32
    %scan3A_3 = arith.constant 0 : i32
    %scan3A_4 = arith.constant 4 : i32
    %scan3A_5 = arith.addi %scan3A_3, %scan3A_4 : i32
    %scan3A_6 = arith.constant 1 : i32
    scf.for %scan3A_8 = %scan3A_3 to %scan3A_5 step %scan3A_6  : i32 {
      %mul3A_9 = arith.constant 4 : i32
      %mul3A_10 = arith.muli %arg0, %mul3A_9 : i32
      %add3A_11 = arith.addi %mul3A_10, %scan3A_8 : i32
      %mul3A_12 = arith.constant 640 : i32
      %mul3A_13 = arith.muli %arg1, %mul3A_12 : i32
      %mul3A_14 = arith.constant 640 : i32
      %mul3A_15 = arith.muli %arg1, %mul3A_14 : i32
      "tpu.region"() ({
        %run_scoped3A = tpu.sem_alloc : memref<!tpu.dma_semaphore, #tpu.memory_space<semaphore_mem>>
        %dma_start3A_101 = arith.constant 0 : i32
        %dma_start3A_102 = tpu.memref_slice %arg14[%mul3A_15, %dma_start3A_101] : memref<10240x32xf32, #tpu.memory_space<vmem_shared>> -> memref<640x32xf32, #tpu.memory_space<vmem_shared>>
        %dma_start3A_103 = arith.constant 0 : i32
        %dma_start3A_104 = arith.constant 0 : i32
        %dma_start3A_105 = tpu.memref_slice %arg2[%add3A_11, %dma_start3A_103, %dma_start3A_104] : memref<8x10240x32xf32, #tpu.memory_space<hbm>> -> memref<1x10240x32xf32, #tpu.memory_space<hbm>>
        %dma_start3A_106 = tpu.memref_squeeze %dma_start3A_105 : memref<1x10240x32xf32, #tpu.memory_space<hbm>> -> memref<10240x32xf32, #tpu.memory_space<hbm>>
        %dma_start3A_107 = arith.constant 0 : i32
        %dma_start3A_108 = tpu.memref_slice %dma_start3A_106[%mul3A_13, %dma_start3A_107] : memref<10240x32xf32, #tpu.memory_space<hbm>> -> memref<640x32xf32, #tpu.memory_space<hbm>>
        tpu.enqueue_dma source(%dma_start3A_108 : memref<640x32xf32, #tpu.memory_space<hbm>>) target(%dma_start3A_102 : memref<640x32xf32, #tpu.memory_space<vmem_shared>>) target_semaphore(%run_scoped3A : memref<!tpu.dma_semaphore, #tpu.memory_space<semaphore_mem>>)
        %dma_wait3A_109 = arith.constant 0 : i32
        %dma_wait3A_110 = tpu.memref_slice %arg14[%mul3A_15, %dma_wait3A_109] : memref<10240x32xf32, #tpu.memory_space<vmem_shared>> -> memref<640x32xf32, #tpu.memory_space<vmem_shared>>
        %dma_wait3A_111 = arith.constant 0 : i32
        %dma_wait3A_112 = arith.constant 0 : i32
        %dma_wait3A_113 = tpu.memref_slice %arg2[%add3A_11, %dma_wait3A_111, %dma_wait3A_112] : memref<8x10240x32xf32, #tpu.memory_space<hbm>> -> memref<1x10240x32xf32, #tpu.memory_space<hbm>>
        %dma_wait3A_114 = tpu.memref_squeeze %dma_wait3A_113 : memref<1x10240x32xf32, #tpu.memory_space<hbm>> -> memref<10240x32xf32, #tpu.memory_space<hbm>>
        %dma_wait3A_115 = arith.constant 0 : i32
        %dma_wait3A_116 = tpu.memref_slice %dma_wait3A_114[%mul3A_13, %dma_wait3A_115] : memref<10240x32xf32, #tpu.memory_space<hbm>> -> memref<640x32xf32, #tpu.memory_space<hbm>>
        tpu.wait_dma2 semaphore(%run_scoped3A : memref<!tpu.dma_semaphore, #tpu.memory_space<semaphore_mem>>) src(%dma_wait3A_116 : memref<640x32xf32, #tpu.memory_space<hbm>>) dst(%dma_wait3A_110 : memref<640x32xf32, #tpu.memory_space<vmem_shared>>)
        tpu.yield
      }) : () -> ()
      %scan3A_16 = arith.constant 0 : i32
      %scan3A_17 = arith.constant 0 : i32
      %scan3A_18 = arith.constant 128 : i32
      %scan3A_19 = arith.addi %scan3A_17, %scan3A_18 : i32
      %scan3A_20 = arith.constant 1 : i32
      scf.for %scan3A_101 = %scan3A_17 to %scan3A_19 step %scan3A_20  : i32 {
        %scan3A_102 = arith.constant 0 : i32
        %scan3A_103 = arith.constant 2 : i32
        %scan3A_104 = arith.addi %scan3A_102, %scan3A_103 : i32
        %scan3A_105 = arith.constant 1 : i32
        scf.for %scan3A_107 = %scan3A_102 to %scan3A_104 step %scan3A_105  : i32 {
          %broadcast_in_dim3A = arith.constant 0.000000e+00 : f32
          %broadcast_in_dim3A_108 = vector.broadcast %broadcast_in_dim3A : f32 to vector<16xf32>
          %mul3A_109 = arith.constant 16 : i32
          %mul3A_110 = arith.muli %scan3A_107, %mul3A_109 : i32
          %swap3A = arith.index_cast %scan3A_101 : i32 to index
          %swap3A_111 = arith.index_cast %mul3A_110 : i32 to index
          %swap3A_112 = tpu.vector_load %arg12[%swap3A, %swap3A_111] {strides = array<i32>} : memref<128x32xf32, #tpu.memory_space<vmem>>, vector<1x16xf32>,
          %swap3A_113 = vector.shape_cast %swap3A_112 : vector<1x16xf32> to vector<16xf32>
          %swap3A_114 = vector.shape_cast %broadcast_in_dim3A_108 : vector<16xf32> to vector<1x16xf32>
          tpu.vector_store %arg12[%swap3A, %swap3A_111], %swap3A_114 {strides = array<i32>} : memref<128x32xf32, #tpu.memory_space<vmem>>, vector<1x16xf32>,
        }
        %scan3A_106 = arith.constant 2 : i32
      }
      %scan3A_21 = arith.constant 128 : i32
      %scan3A_22 = arith.constant 0 : i32
      %scan3A_23 = arith.constant 0 : i32
      %scan3A_24 = arith.constant 5 : i32
      %scan3A_25 = arith.addi %scan3A_23, %scan3A_24 : i32
      %scan3A_26 = arith.constant 1 : i32
      scf.for %scan3A_101 = %scan3A_23 to %scan3A_25 step %scan3A_26  : i32 {
        %mul3A_102 = arith.constant 640 : i32
        %mul3A_103 = arith.muli %arg1, %mul3A_102 : i32
        %mul3A_104 = arith.constant 128 : i32
        %mul3A_105 = arith.muli %scan3A_101, %mul3A_104 : i32
        %add3A_106 = arith.addi %mul3A_103, %mul3A_105 : i32
        "tpu.region"() ({
          %run_scoped3A = tpu.sem_alloc : memref<!tpu.dma_semaphore, #tpu.memory_space<semaphore_mem>>
          %dma_start3A_107 = arith.constant 0 : i32
          %dma_start3A_108 = tpu.memref_slice %arg13[%add3A_106, %dma_start3A_107] : memref<10240x32xf32, #tpu.memory_space<vmem_shared>> -> memref<128x32xf32, #tpu.memory_space<vmem_shared>>
          %dma_start3A_109 = arith.constant 0 : i32
          %dma_start3A_110 = tpu.memref_slice %arg13[%add3A_106, %dma_start3A_109] : memref<10240x32xf32, #tpu.memory_space<vmem_shared>> -> memref<128x32xf32, #tpu.memory_space<vmem_shared>>
          tpu.enqueue_dma source(%arg12 : memref<128x32xf32, #tpu.memory_space<vmem>>) target(%dma_start3A_110 : memref<128x32xf32, #tpu.memory_space<vmem_shared>>) target_semaphore(%run_scoped3A : memref<!tpu.dma_semaphore, #tpu.memory_space<semaphore_mem>>)
          %dma_wait3A_111 = arith.constant 0 : i32
          %dma_wait3A_112 = tpu.memref_slice %arg13[%add3A_106, %dma_wait3A_111] : memref<10240x32xf32, #tpu.memory_space<vmem_shared>> -> memref<128x32xf32, #tpu.memory_space<vmem_shared>>
          %dma_wait3A_113 = arith.constant 0 : i32
          %dma_wait3A_114 = tpu.memref_slice %arg13[%add3A_106, %dma_wait3A_113] : memref<10240x32xf32, #tpu.memory_space<vmem_shared>> -> memref<128x32xf32, #tpu.memory_space<vmem_shared>>
          tpu.wait_dma2 semaphore(%run_scoped3A : memref<!tpu.dma_semaphore, #tpu.memory_space<semaphore_mem>>) src(%arg12 : memref<128x32xf32, #tpu.memory_space<vmem>>) dst(%dma_wait3A_114 : memref<128x32xf32, #tpu.memory_space<vmem_shared>>)
          tpu.yield
        }) : () -> ()
      }
      %scan3A_27 = arith.constant 5 : i32
      %barrier3A = arith.constant 0 : index
      tpu.barrier barrier_id(%barrier3A)
      %dma_start3A = arith.constant 0 : i32
      %dma_start3A_28 = arith.constant 0 : i32
      %dma_start3A_29 = tpu.memref_slice %arg6[%dma_start3A, %dma_start3A_28] : memref<160x128xi32, #tpu.memory_space<vmem>> -> memref<1x128xi32, #tpu.memory_space<vmem>>
      %dma_start3A_30 = tpu.memref_squeeze %dma_start3A_29 : memref<1x128xi32, #tpu.memory_space<vmem>> -> memref<128xi32, #tpu.memory_space<vmem>>
      %dma_start3A_31 = arith.constant 0 : i32
      %dma_start3A_32 = arith.constant 0 : i32
      %dma_start3A_33 = tpu.memref_slice %arg14[%dma_start3A_31, %dma_start3A_32] : memref<10240x32xf32, #tpu.memory_space<vmem_shared>> -> memref<10240x32xf32, #tpu.memory_space<vmem_shared>>
      tpu.enqueue_indirect_dma source(%dma_start3A_33 : memref<10240x32xf32, #tpu.memory_space<vmem_shared>>) target(%arg8 : memref<128x32xf32, #tpu.memory_space<vmem>>) offsets(%dma_start3A_30 : memref<128xi32, #tpu.memory_space<vmem>>) semaphore(%arg15 : memref<!tpu.dma_semaphore, #tpu.memory_space<semaphore_mem>>)
      %dma_start3A_34 = arith.constant 1 : i32
      %dma_start3A_35 = arith.constant 0 : i32
      %dma_start3A_36 = tpu.memref_slice %arg6[%dma_start3A_34, %dma_start3A_35] : memref<160x128xi32, #tpu.memory_space<vmem>> -> memref<1x128xi32, #tpu.memory_space<vmem>>
      %dma_start3A_37 = tpu.memref_squeeze %dma_start3A_36 : memref<1x128xi32, #tpu.memory_space<vmem>> -> memref<128xi32, #tpu.memory_space<vmem>>
      %dma_start3A_38 = arith.constant 0 : i32
      %dma_start3A_39 = arith.constant 0 : i32
      %dma_start3A_40 = tpu.memref_slice %arg14[%dma_start3A_38, %dma_start3A_39] : memref<10240x32xf32, #tpu.memory_space<vmem_shared>> -> memref<10240x32xf32, #tpu.memory_space<vmem_shared>>
      tpu.enqueue_indirect_dma source(%dma_start3A_40 : memref<10240x32xf32, #tpu.memory_space<vmem_shared>>) target(%arg9 : memref<128x32xf32, #tpu.memory_space<vmem>>) offsets(%dma_start3A_37 : memref<128xi32, #tpu.memory_space<vmem>>) semaphore(%arg16 : memref<!tpu.dma_semaphore, #tpu.memory_space<semaphore_mem>>)
      %dma_start3A_41 = arith.constant 2 : i32
      %dma_start3A_42 = arith.constant 0 : i32
      %dma_start3A_43 = tpu.memref_slice %arg6[%dma_start3A_41, %dma_start3A_42] : memref<160x128xi32, #tpu.memory_space<vmem>> -> memref<1x128xi32, #tpu.memory_space<vmem>>
      %dma_start3A_44 = tpu.memref_squeeze %dma_start3A_43 : memref<1x128xi32, #tpu.memory_space<vmem>> -> memref<128xi32, #tpu.memory_space<vmem>>
      %dma_start3A_45 = arith.constant 0 : i32
      %dma_start3A_46 = arith.constant 0 : i32
      %dma_start3A_47 = tpu.memref_slice %arg14[%dma_start3A_45, %dma_start3A_46] : memref<10240x32xf32, #tpu.memory_space<vmem_shared>> -> memref<10240x32xf32, #tpu.memory_space<vmem_shared>>
      tpu.enqueue_indirect_dma source(%dma_start3A_47 : memref<10240x32xf32, #tpu.memory_space<vmem_shared>>) target(%arg10 : memref<128x32xf32, #tpu.memory_space<vmem>>) offsets(%dma_start3A_44 : memref<128xi32, #tpu.memory_space<vmem>>) semaphore(%arg17 : memref<!tpu.dma_semaphore, #tpu.memory_space<semaphore_mem>>)
      %dma_start3A_48 = arith.constant 3 : i32
      %dma_start3A_49 = arith.constant 0 : i32
      %dma_start3A_50 = tpu.memref_slice %arg6[%dma_start3A_48, %dma_start3A_49] : memref<160x128xi32, #tpu.memory_space<vmem>> -> memref<1x128xi32, #tpu.memory_space<vmem>>
      %dma_start3A_51 = tpu.memref_squeeze %dma_start3A_50 : memref<1x128xi32, #tpu.memory_space<vmem>> -> memref<128xi32, #tpu.memory_space<vmem>>
      %dma_start3A_52 = arith.constant 0 : i32
      %dma_start3A_53 = arith.constant 0 : i32
      %dma_start3A_54 = tpu.memref_slice %arg14[%dma_start3A_52, %dma_start3A_53] : memref<10240x32xf32, #tpu.memory_space<vmem_shared>> -> memref<10240x32xf32, #tpu.memory_space<vmem_shared>>
      tpu.enqueue_indirect_dma source(%dma_start3A_54 : memref<10240x32xf32, #tpu.memory_space<vmem_shared>>) target(%arg11 : memref<128x32xf32, #tpu.memory_space<vmem>>) offsets(%dma_start3A_51 : memref<128xi32, #tpu.memory_space<vmem>>) semaphore(%arg18 : memref<!tpu.dma_semaphore, #tpu.memory_space<semaphore_mem>>)
      %scan3A_55 = arith.constant 0 : i32
      %scan3A_56 = arith.constant 0 : i32
      %scan3A_57 = arith.constant 32 : i32
      %scan3A_58 = arith.addi %scan3A_56, %scan3A_57 : i32
      %scan3A_59 = arith.constant 1 : i32
      scf.for %scan3A_101 = %scan3A_56 to %scan3A_58 step %scan3A_59  : i32 {
        %mul3A_102 = arith.constant 5 : i32
        %mul3A_103 = arith.muli %mul3A_102, %scan3A_101 : i32
        %add3A_104 = arith.constant 0 : i32
        %add3A_105 = arith.addi %mul3A_103, %add3A_104 : i32
        %dma_wait3A_106 = arith.constant 0 : i32
        %dma_wait3A_107 = tpu.memref_slice %arg6[%add3A_105, %dma_wait3A_106] : memref<160x128xi32, #tpu.memory_space<vmem>> -> memref<1x128xi32, #tpu.memory_space<vmem>>
        %dma_wait3A_108 = tpu.memref_squeeze %dma_wait3A_107 : memref<1x128xi32, #tpu.memory_space<vmem>> -> memref<128xi32, #tpu.memory_space<vmem>>
        %dma_wait3A_109 = arith.constant 0 : i32
        %dma_wait3A_110 = arith.constant 0 : i32
        %dma_wait3A_111 = tpu.memref_slice %arg14[%dma_wait3A_109, %dma_wait3A_110] : memref<10240x32xf32, #tpu.memory_space<vmem_shared>> -> memref<10240x32xf32, #tpu.memory_space<vmem_shared>>
        tpu.wait_indirect_dma semaphore(%arg15 : memref<!tpu.dma_semaphore, #tpu.memory_space<semaphore_mem>>) src(%dma_wait3A_111 : memref<10240x32xf32, #tpu.memory_space<vmem_shared>>) dst(%arg8 : memref<128x32xf32, #tpu.memory_space<vmem>>)
        %dma_start3A_112 = arith.constant 0 : i32
        %dma_start3A_113 = tpu.memref_slice %arg7[%add3A_105, %dma_start3A_112] : memref<160x128xi32, #tpu.memory_space<vmem>> -> memref<1x128xi32, #tpu.memory_space<vmem>>
        %dma_start3A_114 = tpu.memref_squeeze %dma_start3A_113 : memref<1x128xi32, #tpu.memory_space<vmem>> -> memref<128xi32, #tpu.memory_space<vmem>>
        %dma_start3A_115 = arith.constant 0 : i32
        %dma_start3A_116 = arith.constant 0 : i32
        %dma_start3A_117 = tpu.memref_slice %arg13[%dma_start3A_115, %dma_start3A_116] : memref<10240x32xf32, #tpu.memory_space<vmem_shared>> -> memref<10240x32xf32, #tpu.memory_space<vmem_shared>>
        tpu.enqueue_indirect_dma source(%arg8 : memref<128x32xf32, #tpu.memory_space<vmem>>) target(%dma_start3A_117 : memref<10240x32xf32, #tpu.memory_space<vmem_shared>>) offsets(%dma_start3A_114 : memref<128xi32, #tpu.memory_space<vmem>>) semaphore(%arg20 : memref<!tpu.dma_semaphore, #tpu.memory_space<semaphore_mem>>) {add = true}
        %lt3A = arith.constant 156 : i32
        %lt3A_118 = arith.cmpi slt, %add3A_105, %lt3A : i32
        %convert_element_type3A = arith.extui %lt3A_118 : i1 to i32
        %cond3A = arith.constant 0 : i32
        %cond3A_119 = arith.cmpi ne, %convert_element_type3A, %cond3A : i32
        scf.if %cond3A_119 {
          %ge3A = arith.constant 1 : i32
          %ge3A_196 = arith.cmpi sge, %add3A_105, %ge3A : i32
          %convert_element_type3A_197 = arith.extui %ge3A_196 : i1 to i32
          %cond3A_198 = arith.constant 0 : i32
          %cond3A_199 = arith.cmpi ne, %convert_element_type3A_197, %cond3A_198 : i32
          scf.if %cond3A_199 {
            %sub3A = arith.constant 1 : i32
            %sub3A_208 = arith.subi %add3A_105, %sub3A : i32
            %dma_wait3A_209 = arith.constant 0 : i32
            %dma_wait3A_210 = tpu.memref_slice %arg7[%sub3A_208, %dma_wait3A_209] : memref<160x128xi32, #tpu.memory_space<vmem>> -> memref<1x128xi32, #tpu.memory_space<vmem>>
            %dma_wait3A_211 = tpu.memref_squeeze %dma_wait3A_210 : memref<1x128xi32, #tpu.memory_space<vmem>> -> memref<128xi32, #tpu.memory_space<vmem>>
            %dma_wait3A_212 = arith.constant 0 : i32
            %dma_wait3A_213 = arith.constant 0 : i32
            %dma_wait3A_214 = tpu.memref_slice %arg13[%dma_wait3A_212, %dma_wait3A_213] : memref<10240x32xf32, #tpu.memory_space<vmem_shared>> -> memref<10240x32xf32, #tpu.memory_space<vmem_shared>>
            tpu.wait_indirect_dma semaphore(%arg24 : memref<!tpu.dma_semaphore, #tpu.memory_space<semaphore_mem>>) src(%arg12 : memref<128x32xf32, #tpu.memory_space<vmem>>) dst(%dma_wait3A_214 : memref<10240x32xf32, #tpu.memory_space<vmem_shared>>)
          } else {
          }
          %add3A_200 = arith.constant 4 : i32
          %add3A_201 = arith.addi %add3A_105, %add3A_200 : i32
          %dma_start3A_202 = arith.constant 0 : i32
          %dma_start3A_203 = tpu.memref_slice %arg6[%add3A_201, %dma_start3A_202] : memref<160x128xi32, #tpu.memory_space<vmem>> -> memref<1x128xi32, #tpu.memory_space<vmem>>
          %dma_start3A_204 = tpu.memref_squeeze %dma_start3A_203 : memref<1x128xi32, #tpu.memory_space<vmem>> -> memref<128xi32, #tpu.memory_space<vmem>>
          %dma_start3A_205 = arith.constant 0 : i32
          %dma_start3A_206 = arith.constant 0 : i32
          %dma_start3A_207 = tpu.memref_slice %arg14[%dma_start3A_205, %dma_start3A_206] : memref<10240x32xf32, #tpu.memory_space<vmem_shared>> -> memref<10240x32xf32, #tpu.memory_space<vmem_shared>>
          tpu.enqueue_indirect_dma source(%dma_start3A_207 : memref<10240x32xf32, #tpu.memory_space<vmem_shared>>) target(%arg12 : memref<128x32xf32, #tpu.memory_space<vmem>>) offsets(%dma_start3A_204 : memref<128xi32, #tpu.memory_space<vmem>>) semaphore(%arg19 : memref<!tpu.dma_semaphore, #tpu.memory_space<semaphore_mem>>)
        } else {
        }
        %add3A_120 = arith.constant 1 : i32
        %add3A_121 = arith.addi %mul3A_103, %add3A_120 : i32
        %dma_wait3A_122 = arith.constant 0 : i32
        %dma_wait3A_123 = tpu.memref_slice %arg6[%add3A_121, %dma_wait3A_122] : memref<160x128xi32, #tpu.memory_space<vmem>> -> memref<1x128xi32, #tpu.memory_space<vmem>>
        %dma_wait3A_124 = tpu.memref_squeeze %dma_wait3A_123 : memref<1x128xi32, #tpu.memory_space<vmem>> -> memref<128xi32, #tpu.memory_space<vmem>>
        %dma_wait3A_125 = arith.constant 0 : i32
        %dma_wait3A_126 = arith.constant 0 : i32
        %dma_wait3A_127 = tpu.memref_slice %arg14[%dma_wait3A_125, %dma_wait3A_126] : memref<10240x32xf32, #tpu.memory_space<vmem_shared>> -> memref<10240x32xf32, #tpu.memory_space<vmem_shared>>
        tpu.wait_indirect_dma semaphore(%arg16 : memref<!tpu.dma_semaphore, #tpu.memory_space<semaphore_mem>>) src(%dma_wait3A_127 : memref<10240x32xf32, #tpu.memory_space<vmem_shared>>) dst(%arg9 : memref<128x32xf32, #tpu.memory_space<vmem>>)
        %dma_start3A_128 = arith.constant 0 : i32
        %dma_start3A_129 = tpu.memref_slice %arg7[%add3A_121, %dma_start3A_128] : memref<160x128xi32, #tpu.memory_space<vmem>> -> memref<1x128xi32, #tpu.memory_space<vmem>>
        %dma_start3A_130 = tpu.memref_squeeze %dma_start3A_129 : memref<1x128xi32, #tpu.memory_space<vmem>> -> memref<128xi32, #tpu.memory_space<vmem>>
        %dma_start3A_131 = arith.constant 0 : i32
        %dma_start3A_132 = arith.constant 0 : i32
        %dma_start3A_133 = tpu.memref_slice %arg13[%dma_start3A_131, %dma_start3A_132] : memref<10240x32xf32, #tpu.memory_space<vmem_shared>> -> memref<10240x32xf32, #tpu.memory_space<vmem_shared>>
        tpu.enqueue_indirect_dma source(%arg9 : memref<128x32xf32, #tpu.memory_space<vmem>>) target(%dma_start3A_133 : memref<10240x32xf32, #tpu.memory_space<vmem_shared>>) offsets(%dma_start3A_130 : memref<128xi32, #tpu.memory_space<vmem>>) semaphore(%arg21 : memref<!tpu.dma_semaphore, #tpu.memory_space<semaphore_mem>>) {add = true}
        %lt3A_134 = arith.constant 156 : i32
        %lt3A_135 = arith.cmpi slt, %add3A_121, %lt3A_134 : i32
        %convert_element_type3A_136 = arith.extui %lt3A_135 : i1 to i32
        %cond3A_137 = arith.constant 0 : i32
        %cond3A_138 = arith.cmpi ne, %convert_element_type3A_136, %cond3A_137 : i32
        scf.if %cond3A_138 {
          %ge3A = arith.constant 1 : i32
          %ge3A_196 = arith.cmpi sge, %add3A_121, %ge3A : i32
          %convert_element_type3A_197 = arith.extui %ge3A_196 : i1 to i32
          %cond3A_198 = arith.constant 0 : i32
          %cond3A_199 = arith.cmpi ne, %convert_element_type3A_197, %cond3A_198 : i32
          scf.if %cond3A_199 {
            %sub3A = arith.constant 1 : i32
            %sub3A_208 = arith.subi %add3A_121, %sub3A : i32
            %dma_wait3A_209 = arith.constant 0 : i32
            %dma_wait3A_210 = tpu.memref_slice %arg7[%sub3A_208, %dma_wait3A_209] : memref<160x128xi32, #tpu.memory_space<vmem>> -> memref<1x128xi32, #tpu.memory_space<vmem>>
            %dma_wait3A_211 = tpu.memref_squeeze %dma_wait3A_210 : memref<1x128xi32, #tpu.memory_space<vmem>> -> memref<128xi32, #tpu.memory_space<vmem>>
            %dma_wait3A_212 = arith.constant 0 : i32
            %dma_wait3A_213 = arith.constant 0 : i32
            %dma_wait3A_214 = tpu.memref_slice %arg13[%dma_wait3A_212, %dma_wait3A_213] : memref<10240x32xf32, #tpu.memory_space<vmem_shared>> -> memref<10240x32xf32, #tpu.memory_space<vmem_shared>>
            tpu.wait_indirect_dma semaphore(%arg20 : memref<!tpu.dma_semaphore, #tpu.memory_space<semaphore_mem>>) src(%arg8 : memref<128x32xf32, #tpu.memory_space<vmem>>) dst(%dma_wait3A_214 : memref<10240x32xf32, #tpu.memory_space<vmem_shared>>)
          } else {
          }
          %add3A_200 = arith.constant 4 : i32
          %add3A_201 = arith.addi %add3A_121, %add3A_200 : i32
          %dma_start3A_202 = arith.constant 0 : i32
          %dma_start3A_203 = tpu.memref_slice %arg6[%add3A_201, %dma_start3A_202] : memref<160x128xi32, #tpu.memory_space<vmem>> -> memref<1x128xi32, #tpu.memory_space<vmem>>
          %dma_start3A_204 = tpu.memref_squeeze %dma_start3A_203 : memref<1x128xi32, #tpu.memory_space<vmem>> -> memref<128xi32, #tpu.memory_space<vmem>>
          %dma_start3A_205 = arith.constant 0 : i32
          %dma_start3A_206 = arith.constant 0 : i32
          %dma_start3A_207 = tpu.memref_slice %arg14[%dma_start3A_205, %dma_start3A_206] : memref<10240x32xf32, #tpu.memory_space<vmem_shared>> -> memref<10240x32xf32, #tpu.memory_space<vmem_shared>>
          tpu.enqueue_indirect_dma source(%dma_start3A_207 : memref<10240x32xf32, #tpu.memory_space<vmem_shared>>) target(%arg8 : memref<128x32xf32, #tpu.memory_space<vmem>>) offsets(%dma_start3A_204 : memref<128xi32, #tpu.memory_space<vmem>>) semaphore(%arg15 : memref<!tpu.dma_semaphore, #tpu.memory_space<semaphore_mem>>)
        } else {
        }
        %add3A_139 = arith.constant 2 : i32
        %add3A_140 = arith.addi %mul3A_103, %add3A_139 : i32
        %dma_wait3A_141 = arith.constant 0 : i32
        %dma_wait3A_142 = tpu.memref_slice %arg6[%add3A_140, %dma_wait3A_141] : memref<160x128xi32, #tpu.memory_space<vmem>> -> memref<1x128xi32, #tpu.memory_space<vmem>>
        %dma_wait3A_143 = tpu.memref_squeeze %dma_wait3A_142 : memref<1x128xi32, #tpu.memory_space<vmem>> -> memref<128xi32, #tpu.memory_space<vmem>>
        %dma_wait3A_144 = arith.constant 0 : i32
        %dma_wait3A_145 = arith.constant 0 : i32
        %dma_wait3A_146 = tpu.memref_slice %arg14[%dma_wait3A_144, %dma_wait3A_145] : memref<10240x32xf32, #tpu.memory_space<vmem_shared>> -> memref<10240x32xf32, #tpu.memory_space<vmem_shared>>
        tpu.wait_indirect_dma semaphore(%arg17 : memref<!tpu.dma_semaphore, #tpu.memory_space<semaphore_mem>>) src(%dma_wait3A_146 : memref<10240x32xf32, #tpu.memory_space<vmem_shared>>) dst(%arg10 : memref<128x32xf32, #tpu.memory_space<vmem>>)
        %dma_start3A_147 = arith.constant 0 : i32
        %dma_start3A_148 = tpu.memref_slice %arg7[%add3A_140, %dma_start3A_147] : memref<160x128xi32, #tpu.memory_space<vmem>> -> memref<1x128xi32, #tpu.memory_space<vmem>>
        %dma_start3A_149 = tpu.memref_squeeze %dma_start3A_148 : memref<1x128xi32, #tpu.memory_space<vmem>> -> memref<128xi32, #tpu.memory_space<vmem>>
        %dma_start3A_150 = arith.constant 0 : i32
        %dma_start3A_151 = arith.constant 0 : i32
        %dma_start3A_152 = tpu.memref_slice %arg13[%dma_start3A_150, %dma_start3A_151] : memref<10240x32xf32, #tpu.memory_space<vmem_shared>> -> memref<10240x32xf32, #tpu.memory_space<vmem_shared>>
        tpu.enqueue_indirect_dma source(%arg10 : memref<128x32xf32, #tpu.memory_space<vmem>>) target(%dma_start3A_152 : memref<10240x32xf32, #tpu.memory_space<vmem_shared>>) offsets(%dma_start3A_149 : memref<128xi32, #tpu.memory_space<vmem>>) semaphore(%arg22 : memref<!tpu.dma_semaphore, #tpu.memory_space<semaphore_mem>>) {add = true}
        %lt3A_153 = arith.constant 156 : i32
        %lt3A_154 = arith.cmpi slt, %add3A_140, %lt3A_153 : i32
        %convert_element_type3A_155 = arith.extui %lt3A_154 : i1 to i32
        %cond3A_156 = arith.constant 0 : i32
        %cond3A_157 = arith.cmpi ne, %convert_element_type3A_155, %cond3A_156 : i32
        scf.if %cond3A_157 {
          %ge3A = arith.constant 1 : i32
          %ge3A_196 = arith.cmpi sge, %add3A_140, %ge3A : i32
          %convert_element_type3A_197 = arith.extui %ge3A_196 : i1 to i32
          %cond3A_198 = arith.constant 0 : i32
          %cond3A_199 = arith.cmpi ne, %convert_element_type3A_197, %cond3A_198 : i32
          scf.if %cond3A_199 {
            %sub3A = arith.constant 1 : i32
            %sub3A_208 = arith.subi %add3A_140, %sub3A : i32
            %dma_wait3A_209 = arith.constant 0 : i32
            %dma_wait3A_210 = tpu.memref_slice %arg7[%sub3A_208, %dma_wait3A_209] : memref<160x128xi32, #tpu.memory_space<vmem>> -> memref<1x128xi32, #tpu.memory_space<vmem>>
            %dma_wait3A_211 = tpu.memref_squeeze %dma_wait3A_210 : memref<1x128xi32, #tpu.memory_space<vmem>> -> memref<128xi32, #tpu.memory_space<vmem>>
            %dma_wait3A_212 = arith.constant 0 : i32
            %dma_wait3A_213 = arith.constant 0 : i32
            %dma_wait3A_214 = tpu.memref_slice %arg13[%dma_wait3A_212, %dma_wait3A_213] : memref<10240x32xf32, #tpu.memory_space<vmem_shared>> -> memref<10240x32xf32, #tpu.memory_space<vmem_shared>>
            tpu.wait_indirect_dma semaphore(%arg21 : memref<!tpu.dma_semaphore, #tpu.memory_space<semaphore_mem>>) src(%arg9 : memref<128x32xf32, #tpu.memory_space<vmem>>) dst(%dma_wait3A_214 : memref<10240x32xf32, #tpu.memory_space<vmem_shared>>)
          } else {
          }
          %add3A_200 = arith.constant 4 : i32
          %add3A_201 = arith.addi %add3A_140, %add3A_200 : i32
          %dma_start3A_202 = arith.constant 0 : i32
          %dma_start3A_203 = tpu.memref_slice %arg6[%add3A_201, %dma_start3A_202] : memref<160x128xi32, #tpu.memory_space<vmem>> -> memref<1x128xi32, #tpu.memory_space<vmem>>
          %dma_start3A_204 = tpu.memref_squeeze %dma_start3A_203 : memref<1x128xi32, #tpu.memory_space<vmem>> -> memref<128xi32, #tpu.memory_space<vmem>>
          %dma_start3A_205 = arith.constant 0 : i32
          %dma_start3A_206 = arith.constant 0 : i32
          %dma_start3A_207 = tpu.memref_slice %arg14[%dma_start3A_205, %dma_start3A_206] : memref<10240x32xf32, #tpu.memory_space<vmem_shared>> -> memref<10240x32xf32, #tpu.memory_space<vmem_shared>>
          tpu.enqueue_indirect_dma source(%dma_start3A_207 : memref<10240x32xf32, #tpu.memory_space<vmem_shared>>) target(%arg9 : memref<128x32xf32, #tpu.memory_space<vmem>>) offsets(%dma_start3A_204 : memref<128xi32, #tpu.memory_space<vmem>>) semaphore(%arg16 : memref<!tpu.dma_semaphore, #tpu.memory_space<semaphore_mem>>)
        } else {
        }
        %add3A_158 = arith.constant 3 : i32
        %add3A_159 = arith.addi %mul3A_103, %add3A_158 : i32
        %dma_wait3A_160 = arith.constant 0 : i32
        %dma_wait3A_161 = tpu.memref_slice %arg6[%add3A_159, %dma_wait3A_160] : memref<160x128xi32, #tpu.memory_space<vmem>> -> memref<1x128xi32, #tpu.memory_space<vmem>>
        %dma_wait3A_162 = tpu.memref_squeeze %dma_wait3A_161 : memref<1x128xi32, #tpu.memory_space<vmem>> -> memref<128xi32, #tpu.memory_space<vmem>>
        %dma_wait3A_163 = arith.constant 0 : i32
        %dma_wait3A_164 = arith.constant 0 : i32
        %dma_wait3A_165 = tpu.memref_slice %arg14[%dma_wait3A_163, %dma_wait3A_164] : memref<10240x32xf32, #tpu.memory_space<vmem_shared>> -> memref<10240x32xf32, #tpu.memory_space<vmem_shared>>
        tpu.wait_indirect_dma semaphore(%arg18 : memref<!tpu.dma_semaphore, #tpu.memory_space<semaphore_mem>>) src(%dma_wait3A_165 : memref<10240x32xf32, #tpu.memory_space<vmem_shared>>) dst(%arg11 : memref<128x32xf32, #tpu.memory_space<vmem>>)
        %dma_start3A_166 = arith.constant 0 : i32
        %dma_start3A_167 = tpu.memref_slice %arg7[%add3A_159, %dma_start3A_166] : memref<160x128xi32, #tpu.memory_space<vmem>> -> memref<1x128xi32, #tpu.memory_space<vmem>>
        %dma_start3A_168 = tpu.memref_squeeze %dma_start3A_167 : memref<1x128xi32, #tpu.memory_space<vmem>> -> memref<128xi32, #tpu.memory_space<vmem>>
        %dma_start3A_169 = arith.constant 0 : i32
        %dma_start3A_170 = arith.constant 0 : i32
        %dma_start3A_171 = tpu.memref_slice %arg13[%dma_start3A_169, %dma_start3A_170] : memref<10240x32xf32, #tpu.memory_space<vmem_shared>> -> memref<10240x32xf32, #tpu.memory_space<vmem_shared>>
        tpu.enqueue_indirect_dma source(%arg11 : memref<128x32xf32, #tpu.memory_space<vmem>>) target(%dma_start3A_171 : memref<10240x32xf32, #tpu.memory_space<vmem_shared>>) offsets(%dma_start3A_168 : memref<128xi32, #tpu.memory_space<vmem>>) semaphore(%arg23 : memref<!tpu.dma_semaphore, #tpu.memory_space<semaphore_mem>>) {add = true}
        %lt3A_172 = arith.constant 156 : i32
        %lt3A_173 = arith.cmpi slt, %add3A_159, %lt3A_172 : i32
        %convert_element_type3A_174 = arith.extui %lt3A_173 : i1 to i32
        %cond3A_175 = arith.constant 0 : i32
        %cond3A_176 = arith.cmpi ne, %convert_element_type3A_174, %cond3A_175 : i32
        scf.if %cond3A_176 {
          %ge3A = arith.constant 1 : i32
          %ge3A_196 = arith.cmpi sge, %add3A_159, %ge3A : i32
          %convert_element_type3A_197 = arith.extui %ge3A_196 : i1 to i32
          %cond3A_198 = arith.constant 0 : i32
          %cond3A_199 = arith.cmpi ne, %convert_element_type3A_197, %cond3A_198 : i32
          scf.if %cond3A_199 {
            %sub3A = arith.constant 1 : i32
            %sub3A_208 = arith.subi %add3A_159, %sub3A : i32
            %dma_wait3A_209 = arith.constant 0 : i32
            %dma_wait3A_210 = tpu.memref_slice %arg7[%sub3A_208, %dma_wait3A_209] : memref<160x128xi32, #tpu.memory_space<vmem>> -> memref<1x128xi32, #tpu.memory_space<vmem>>
            %dma_wait3A_211 = tpu.memref_squeeze %dma_wait3A_210 : memref<1x128xi32, #tpu.memory_space<vmem>> -> memref<128xi32, #tpu.memory_space<vmem>>
            %dma_wait3A_212 = arith.constant 0 : i32
            %dma_wait3A_213 = arith.constant 0 : i32
            %dma_wait3A_214 = tpu.memref_slice %arg13[%dma_wait3A_212, %dma_wait3A_213] : memref<10240x32xf32, #tpu.memory_space<vmem_shared>> -> memref<10240x32xf32, #tpu.memory_space<vmem_shared>>
            tpu.wait_indirect_dma semaphore(%arg22 : memref<!tpu.dma_semaphore, #tpu.memory_space<semaphore_mem>>) src(%arg10 : memref<128x32xf32, #tpu.memory_space<vmem>>) dst(%dma_wait3A_214 : memref<10240x32xf32, #tpu.memory_space<vmem_shared>>)
          } else {
          }
          %add3A_200 = arith.constant 4 : i32
          %add3A_201 = arith.addi %add3A_159, %add3A_200 : i32
          %dma_start3A_202 = arith.constant 0 : i32
          %dma_start3A_203 = tpu.memref_slice %arg6[%add3A_201, %dma_start3A_202] : memref<160x128xi32, #tpu.memory_space<vmem>> -> memref<1x128xi32, #tpu.memory_space<vmem>>
          %dma_start3A_204 = tpu.memref_squeeze %dma_start3A_203 : memref<1x128xi32, #tpu.memory_space<vmem>> -> memref<128xi32, #tpu.memory_space<vmem>>
          %dma_start3A_205 = arith.constant 0 : i32
          %dma_start3A_206 = arith.constant 0 : i32
          %dma_start3A_207 = tpu.memref_slice %arg14[%dma_start3A_205, %dma_start3A_206] : memref<10240x32xf32, #tpu.memory_space<vmem_shared>> -> memref<10240x32xf32, #tpu.memory_space<vmem_shared>>
          tpu.enqueue_indirect_dma source(%dma_start3A_207 : memref<10240x32xf32, #tpu.memory_space<vmem_shared>>) target(%arg10 : memref<128x32xf32, #tpu.memory_space<vmem>>) offsets(%dma_start3A_204 : memref<128xi32, #tpu.memory_space<vmem>>) semaphore(%arg17 : memref<!tpu.dma_semaphore, #tpu.memory_space<semaphore_mem>>)
        } else {
        }
        %add3A_177 = arith.constant 4 : i32
        %add3A_178 = arith.addi %mul3A_103, %add3A_177 : i32
        %dma_wait3A_179 = arith.constant 0 : i32
        %dma_wait3A_180 = tpu.memref_slice %arg6[%add3A_178, %dma_wait3A_179] : memref<160x128xi32, #tpu.memory_space<vmem>> -> memref<1x128xi32, #tpu.memory_space<vmem>>
        %dma_wait3A_181 = tpu.memref_squeeze %dma_wait3A_180 : memref<1x128xi32, #tpu.memory_space<vmem>> -> memref<128xi32, #tpu.memory_space<vmem>>
        %dma_wait3A_182 = arith.constant 0 : i32
        %dma_wait3A_183 = arith.constant 0 : i32
        %dma_wait3A_184 = tpu.memref_slice %arg14[%dma_wait3A_182, %dma_wait3A_183] : memref<10240x32xf32, #tpu.memory_space<vmem_shared>> -> memref<10240x32xf32, #tpu.memory_space<vmem_shared>>
        tpu.wait_indirect_dma semaphore(%arg19 : memref<!tpu.dma_semaphore, #tpu.memory_space<semaphore_mem>>) src(%dma_wait3A_184 : memref<10240x32xf32, #tpu.memory_space<vmem_shared>>) dst(%arg12 : memref<128x32xf32, #tpu.memory_space<vmem>>)
        %dma_start3A_185 = arith.constant 0 : i32
        %dma_start3A_186 = tpu.memref_slice %arg7[%add3A_178, %dma_start3A_185] : memref<160x128xi32, #tpu.memory_space<vmem>> -> memref<1x128xi32, #tpu.memory_space<vmem>>
        %dma_start3A_187 = tpu.memref_squeeze %dma_start3A_186 : memref<1x128xi32, #tpu.memory_space<vmem>> -> memref<128xi32, #tpu.memory_space<vmem>>
        %dma_start3A_188 = arith.constant 0 : i32
        %dma_start3A_189 = arith.constant 0 : i32
        %dma_start3A_190 = tpu.memref_slice %arg13[%dma_start3A_188, %dma_start3A_189] : memref<10240x32xf32, #tpu.memory_space<vmem_shared>> -> memref<10240x32xf32, #tpu.memory_space<vmem_shared>>
        tpu.enqueue_indirect_dma source(%arg12 : memref<128x32xf32, #tpu.memory_space<vmem>>) target(%dma_start3A_190 : memref<10240x32xf32, #tpu.memory_space<vmem_shared>>) offsets(%dma_start3A_187 : memref<128xi32, #tpu.memory_space<vmem>>) semaphore(%arg24 : memref<!tpu.dma_semaphore, #tpu.memory_space<semaphore_mem>>) {add = true}
        %lt3A_191 = arith.constant 156 : i32
        %lt3A_192 = arith.cmpi slt, %add3A_178, %lt3A_191 : i32
        %convert_element_type3A_193 = arith.extui %lt3A_192 : i1 to i32
        %cond3A_194 = arith.constant 0 : i32
        %cond3A_195 = arith.cmpi ne, %convert_element_type3A_193, %cond3A_194 : i32
        scf.if %cond3A_195 {
          %ge3A = arith.constant 1 : i32
          %ge3A_196 = arith.cmpi sge, %add3A_178, %ge3A : i32
          %convert_element_type3A_197 = arith.extui %ge3A_196 : i1 to i32
          %cond3A_198 = arith.constant 0 : i32
          %cond3A_199 = arith.cmpi ne, %convert_element_type3A_197, %cond3A_198 : i32
          scf.if %cond3A_199 {
            %sub3A = arith.constant 1 : i32
            %sub3A_208 = arith.subi %add3A_178, %sub3A : i32
            %dma_wait3A_209 = arith.constant 0 : i32
            %dma_wait3A_210 = tpu.memref_slice %arg7[%sub3A_208, %dma_wait3A_209] : memref<160x128xi32, #tpu.memory_space<vmem>> -> memref<1x128xi32, #tpu.memory_space<vmem>>
            %dma_wait3A_211 = tpu.memref_squeeze %dma_wait3A_210 : memref<1x128xi32, #tpu.memory_space<vmem>> -> memref<128xi32, #tpu.memory_space<vmem>>
            %dma_wait3A_212 = arith.constant 0 : i32
            %dma_wait3A_213 = arith.constant 0 : i32
            %dma_wait3A_214 = tpu.memref_slice %arg13[%dma_wait3A_212, %dma_wait3A_213] : memref<10240x32xf32, #tpu.memory_space<vmem_shared>> -> memref<10240x32xf32, #tpu.memory_space<vmem_shared>>
            tpu.wait_indirect_dma semaphore(%arg23 : memref<!tpu.dma_semaphore, #tpu.memory_space<semaphore_mem>>) src(%arg11 : memref<128x32xf32, #tpu.memory_space<vmem>>) dst(%dma_wait3A_214 : memref<10240x32xf32, #tpu.memory_space<vmem_shared>>)
          } else {
          }
          %add3A_200 = arith.constant 4 : i32
          %add3A_201 = arith.addi %add3A_178, %add3A_200 : i32
          %dma_start3A_202 = arith.constant 0 : i32
          %dma_start3A_203 = tpu.memref_slice %arg6[%add3A_201, %dma_start3A_202] : memref<160x128xi32, #tpu.memory_space<vmem>> -> memref<1x128xi32, #tpu.memory_space<vmem>>
          %dma_start3A_204 = tpu.memref_squeeze %dma_start3A_203 : memref<1x128xi32, #tpu.memory_space<vmem>> -> memref<128xi32, #tpu.memory_space<vmem>>
          %dma_start3A_205 = arith.constant 0 : i32
          %dma_start3A_206 = arith.constant 0 : i32
          %dma_start3A_207 = tpu.memref_slice %arg14[%dma_start3A_205, %dma_start3A_206] : memref<10240x32xf32, #tpu.memory_space<vmem_shared>> -> memref<10240x32xf32, #tpu.memory_space<vmem_shared>>
          tpu.enqueue_indirect_dma source(%dma_start3A_207 : memref<10240x32xf32, #tpu.memory_space<vmem_shared>>) target(%arg11 : memref<128x32xf32, #tpu.memory_space<vmem>>) offsets(%dma_start3A_204 : memref<128xi32, #tpu.memory_space<vmem>>) semaphore(%arg18 : memref<!tpu.dma_semaphore, #tpu.memory_space<semaphore_mem>>)
        } else {
        }
      }
      %scan3A_60 = arith.constant 32 : i32
      %dma_wait3A = arith.constant 155 : i32
      %dma_wait3A_61 = arith.constant 0 : i32
      %dma_wait3A_62 = tpu.memref_slice %arg7[%dma_wait3A, %dma_wait3A_61] : memref<160x128xi32, #tpu.memory_space<vmem>> -> memref<1x128xi32, #tpu.memory_space<vmem>>
      %dma_wait3A_63 = tpu.memref_squeeze %dma_wait3A_62 : memref<1x128xi32, #tpu.memory_space<vmem>> -> memref<128xi32, #tpu.memory_space<vmem>>
      %dma_wait3A_64 = arith.constant 0 : i32
      %dma_wait3A_65 = arith.constant 0 : i32
      %dma_wait3A_66 = tpu.memref_slice %arg13[%dma_wait3A_64, %dma_wait3A_65] : memref<10240x32xf32, #tpu.memory_space<vmem_shared>> -> memref<10240x32xf32, #tpu.memory_space<vmem_shared>>
      tpu.wait_indirect_dma semaphore(%arg20 : memref<!tpu.dma_semaphore, #tpu.memory_space<semaphore_mem>>) src(%arg8 : memref<128x32xf32, #tpu.memory_space<vmem>>) dst(%dma_wait3A_66 : memref<10240x32xf32, #tpu.memory_space<vmem_shared>>)
      %dma_wait3A_67 = arith.constant 156 : i32
      %dma_wait3A_68 = arith.constant 0 : i32
      %dma_wait3A_69 = tpu.memref_slice %arg7[%dma_wait3A_67, %dma_wait3A_68] : memref<160x128xi32, #tpu.memory_space<vmem>> -> memref<1x128xi32, #tpu.memory_space<vmem>>
      %dma_wait3A_70 = tpu.memref_squeeze %dma_wait3A_69 : memref<1x128xi32, #tpu.memory_space<vmem>> -> memref<128xi32, #tpu.memory_space<vmem>>
      %dma_wait3A_71 = arith.constant 0 : i32
      %dma_wait3A_72 = arith.constant 0 : i32
      %dma_wait3A_73 = tpu.memref_slice %arg13[%dma_wait3A_71, %dma_wait3A_72] : memref<10240x32xf32, #tpu.memory_space<vmem_shared>> -> memref<10240x32xf32, #tpu.memory_space<vmem_shared>>
      tpu.wait_indirect_dma semaphore(%arg21 : memref<!tpu.dma_semaphore, #tpu.memory_space<semaphore_mem>>) src(%arg9 : memref<128x32xf32, #tpu.memory_space<vmem>>) dst(%dma_wait3A_73 : memref<10240x32xf32, #tpu.memory_space<vmem_shared>>)
      %dma_wait3A_74 = arith.constant 157 : i32
      %dma_wait3A_75 = arith.constant 0 : i32
      %dma_wait3A_76 = tpu.memref_slice %arg7[%dma_wait3A_74, %dma_wait3A_75] : memref<160x128xi32, #tpu.memory_space<vmem>> -> memref<1x128xi32, #tpu.memory_space<vmem>>
      %dma_wait3A_77 = tpu.memref_squeeze %dma_wait3A_76 : memref<1x128xi32, #tpu.memory_space<vmem>> -> memref<128xi32, #tpu.memory_space<vmem>>
      %dma_wait3A_78 = arith.constant 0 : i32
      %dma_wait3A_79 = arith.constant 0 : i32
      %dma_wait3A_80 = tpu.memref_slice %arg13[%dma_wait3A_78, %dma_wait3A_79] : memref<10240x32xf32, #tpu.memory_space<vmem_shared>> -> memref<10240x32xf32, #tpu.memory_space<vmem_shared>>
      tpu.wait_indirect_dma semaphore(%arg22 : memref<!tpu.dma_semaphore, #tpu.memory_space<semaphore_mem>>) src(%arg10 : memref<128x32xf32, #tpu.memory_space<vmem>>) dst(%dma_wait3A_80 : memref<10240x32xf32, #tpu.memory_space<vmem_shared>>)
      %dma_wait3A_81 = arith.constant 158 : i32
      %dma_wait3A_82 = arith.constant 0 : i32
      %dma_wait3A_83 = tpu.memref_slice %arg7[%dma_wait3A_81, %dma_wait3A_82] : memref<160x128xi32, #tpu.memory_space<vmem>> -> memref<1x128xi32, #tpu.memory_space<vmem>>
      %dma_wait3A_84 = tpu.memref_squeeze %dma_wait3A_83 : memref<1x128xi32, #tpu.memory_space<vmem>> -> memref<128xi32, #tpu.memory_space<vmem>>
      %dma_wait3A_85 = arith.constant 0 : i32
      %dma_wait3A_86 = arith.constant 0 : i32
      %dma_wait3A_87 = tpu.memref_slice %arg13[%dma_wait3A_85, %dma_wait3A_86] : memref<10240x32xf32, #tpu.memory_space<vmem_shared>> -> memref<10240x32xf32, #tpu.memory_space<vmem_shared>>
      tpu.wait_indirect_dma semaphore(%arg23 : memref<!tpu.dma_semaphore, #tpu.memory_space<semaphore_mem>>) src(%arg11 : memref<128x32xf32, #tpu.memory_space<vmem>>) dst(%dma_wait3A_87 : memref<10240x32xf32, #tpu.memory_space<vmem_shared>>)
      %dma_wait3A_88 = arith.constant 159 : i32
      %dma_wait3A_89 = arith.constant 0 : i32
      %dma_wait3A_90 = tpu.memref_slice %arg7[%dma_wait3A_88, %dma_wait3A_89] : memref<160x128xi32, #tpu.memory_space<vmem>> -> memref<1x128xi32, #tpu.memory_space<vmem>>
      %dma_wait3A_91 = tpu.memref_squeeze %dma_wait3A_90 : memref<1x128xi32, #tpu.memory_space<vmem>> -> memref<128xi32, #tpu.memory_space<vmem>>
      %dma_wait3A_92 = arith.constant 0 : i32
      %dma_wait3A_93 = arith.constant 0 : i32
      %dma_wait3A_94 = tpu.memref_slice %arg13[%dma_wait3A_92, %dma_wait3A_93] : memref<10240x32xf32, #tpu.memory_space<vmem_shared>> -> memref<10240x32xf32, #tpu.memory_space<vmem_shared>>
      tpu.wait_indirect_dma semaphore(%arg24 : memref<!tpu.dma_semaphore, #tpu.memory_space<semaphore_mem>>) src(%arg12 : memref<128x32xf32, #tpu.memory_space<vmem>>) dst(%dma_wait3A_94 : memref<10240x32xf32, #tpu.memory_space<vmem_shared>>)
      %barrier3A_95 = arith.constant 0 : index
      tpu.barrier barrier_id(%barrier3A_95)
      %mul3A_96 = arith.constant 640 : i32
      %mul3A_97 = arith.muli %arg1, %mul3A_96 : i32
      %mul3A_98 = arith.constant 640 : i32
      %mul3A_99 = arith.muli %arg1, %mul3A_98 : i32
      "tpu.region"() ({
        %run_scoped3A = tpu.sem_alloc : memref<!tpu.dma_semaphore, #tpu.memory_space<semaphore_mem>>
        %dma_start3A_101 = arith.constant 0 : i32
        %dma_start3A_102 = arith.constant 0 : i32
        %dma_start3A_103 = tpu.memref_slice %arg5[%add3A_11, %dma_start3A_101, %dma_start3A_102] : memref<8x10240x32xf32, #tpu.memory_space<hbm>> -> memref<1x10240x32xf32, #tpu.memory_space<hbm>>
        %dma_start3A_104 = tpu.memref_squeeze %dma_start3A_103 : memref<1x10240x32xf32, #tpu.memory_space<hbm>> -> memref<10240x32xf32, #tpu.memory_space<hbm>>
        %dma_start3A_105 = arith.constant 0 : i32
        %dma_start3A_106 = tpu.memref_slice %dma_start3A_104[%mul3A_99, %dma_start3A_105] : memref<10240x32xf32, #tpu.memory_space<hbm>> -> memref<640x32xf32, #tpu.memory_space<hbm>>
        %dma_start3A_107 = arith.constant 0 : i32
        %dma_start3A_108 = tpu.memref_slice %arg13[%mul3A_97, %dma_start3A_107] : memref<10240x32xf32, #tpu.memory_space<vmem_shared>> -> memref<640x32xf32, #tpu.memory_space<vmem_shared>>
        tpu.enqueue_dma source(%dma_start3A_108 : memref<640x32xf32, #tpu.memory_space<vmem_shared>>) target(%dma_start3A_106 : memref<640x32xf32, #tpu.memory_space<hbm>>) target_semaphore(%run_scoped3A : memref<!tpu.dma_semaphore, #tpu.memory_space<semaphore_mem>>)
        %dma_wait3A_109 = arith.constant 0 : i32
        %dma_wait3A_110 = arith.constant 0 : i32
        %dma_wait3A_111 = tpu.memref_slice %arg5[%add3A_11, %dma_wait3A_109, %dma_wait3A_110] : memref<8x10240x32xf32, #tpu.memory_space<hbm>> -> memref<1x10240x32xf32, #tpu.memory_space<hbm>>
        %dma_wait3A_112 = tpu.memref_squeeze %dma_wait3A_111 : memref<1x10240x32xf32, #tpu.memory_space<hbm>> -> memref<10240x32xf32, #tpu.memory_space<hbm>>
        %dma_wait3A_113 = arith.constant 0 : i32
        %dma_wait3A_114 = tpu.memref_slice %dma_wait3A_112[%mul3A_99, %dma_wait3A_113] : memref<10240x32xf32, #tpu.memory_space<hbm>> -> memref<640x32xf32, #tpu.memory_space<hbm>>
        %dma_wait3A_115 = arith.constant 0 : i32
        %dma_wait3A_116 = tpu.memref_slice %arg13[%mul3A_97, %dma_wait3A_115] : memref<10240x32xf32, #tpu.memory_space<vmem_shared>> -> memref<640x32xf32, #tpu.memory_space<vmem_shared>>
        tpu.wait_dma2 semaphore(%run_scoped3A : memref<!tpu.dma_semaphore, #tpu.memory_space<semaphore_mem>>) src(%dma_wait3A_116 : memref<640x32xf32, #tpu.memory_space<vmem_shared>>) dst(%dma_wait3A_114 : memref<640x32xf32, #tpu.memory_space<hbm>>)
        tpu.yield
      }) : () -> ()
      %barrier3A_100 = arith.constant 0 : index
      tpu.barrier barrier_id(%barrier3A_100)
    }
    %scan3A_7 = arith.constant 4 : i32
    return
  }
}

#map = affine_map<(d0, d1) -> (0, 0, 0)>
#map1 = affine_map<(d0, d1) -> (0, 0)>
module attributes {stable_mosaic.version = 14 : i64} {
  func.func @agg_kernel(%arg0: i32, %arg1: i32, %arg2: memref<16x10240x32xf32, #tpu.memory_space<hbm>>, %arg3: memref<5120x128xi32, #tpu.memory_space<hbm>>, %arg4: memref<5120x128xi32, #tpu.memory_space<hbm>>, %arg5: memref<16x10240x32xf32, #tpu.memory_space<hbm>>, %arg6: memref<160x128xi32, #tpu.memory_space<vmem>>, %arg7: memref<160x128xi32, #tpu.memory_space<vmem>>, %arg8: memref<128x32xf32, #tpu.memory_space<vmem>>, %arg9: memref<128x32xf32, #tpu.memory_space<vmem>>, %arg10: memref<128x32xf32, #tpu.memory_space<vmem>>, %arg11: memref<128x32xf32, #tpu.memory_space<vmem>>, %arg12: memref<128x32xf32, #tpu.memory_space<vmem>>, %arg13: memref<10240x32xf32, #tpu.memory_space<vmem_shared>>, %arg14: memref<10240x32xf32, #tpu.memory_space<vmem_shared>>, %arg15: memref<!tpu.dma_semaphore, #tpu.memory_space<semaphore_mem>>, %arg16: memref<!tpu.dma_semaphore, #tpu.memory_space<semaphore_mem>>, %arg17: memref<!tpu.dma_semaphore, #tpu.memory_space<semaphore_mem>>, %arg18: memref<!tpu.dma_semaphore, #tpu.memory_space<semaphore_mem>>, %arg19: memref<!tpu.dma_semaphore, #tpu.memory_space<semaphore_mem>>, %arg20: memref<!tpu.dma_semaphore, #tpu.memory_space<semaphore_mem>>, %arg21: memref<!tpu.dma_semaphore, #tpu.memory_space<semaphore_mem>>, %arg22: memref<!tpu.dma_semaphore, #tpu.memory_space<semaphore_mem>>, %arg23: memref<!tpu.dma_semaphore, #tpu.memory_space<semaphore_mem>>, %arg24: memref<!tpu.dma_semaphore, #tpu.memory_space<semaphore_mem>>) attributes {dimension_semantics = [#tpu.dimension_semantics<core_parallel>, #tpu.dimension_semantics<subcore_parallel>], iteration_bounds = array<i64: 2, 16>, scalar_prefetch = 0 : i64, scratch_operands = 19 : i64, tpu.core_type = #tpu.core_type<sc_vector_subcore>, window_params = [{transform_indices = #map}, {transform_indices = #map1}, {transform_indices = #map1}, {transform_indices = #map}]} {
    %mul3A = arith.constant 2560 : i32
    %mul3A_0 = arith.muli %arg0, %mul3A : i32
    %mul3A_1 = arith.constant 160 : i32
    %mul3A_2 = arith.muli %arg1, %mul3A_1 : i32
    %add3A = arith.addi %mul3A_0, %mul3A_2 : i32
    "tpu.region"() ({
      %run_scoped3A = tpu.sem_alloc : memref<!tpu.dma_semaphore, #tpu.memory_space<semaphore_mem>>
      %dma_start3A = arith.constant 0 : i32
      %dma_start3A_8 = tpu.memref_slice %arg3[%add3A, %dma_start3A] : memref<5120x128xi32, #tpu.memory_space<hbm>> -> memref<160x128xi32, #tpu.memory_space<hbm>>
      %dma_start3A_9 = arith.constant 0 : i32
      %dma_start3A_10 = tpu.memref_slice %arg3[%add3A, %dma_start3A_9] : memref<5120x128xi32, #tpu.memory_space<hbm>> -> memref<160x128xi32, #tpu.memory_space<hbm>>
      tpu.enqueue_dma source(%dma_start3A_10 : memref<160x128xi32, #tpu.memory_space<hbm>>) target(%arg6 : memref<160x128xi32, #tpu.memory_space<vmem>>) target_semaphore(%run_scoped3A : memref<!tpu.dma_semaphore, #tpu.memory_space<semaphore_mem>>)
      %dma_wait3A = arith.constant 0 : i32
      %dma_wait3A_11 = tpu.memref_slice %arg3[%add3A, %dma_wait3A] : memref<5120x128xi32, #tpu.memory_space<hbm>> -> memref<160x128xi32, #tpu.memory_space<hbm>>
      %dma_wait3A_12 = arith.constant 0 : i32
      %dma_wait3A_13 = tpu.memref_slice %arg3[%add3A, %dma_wait3A_12] : memref<5120x128xi32, #tpu.memory_space<hbm>> -> memref<160x128xi32, #tpu.memory_space<hbm>>
      tpu.wait_dma2 semaphore(%run_scoped3A : memref<!tpu.dma_semaphore, #tpu.memory_space<semaphore_mem>>) src(%dma_wait3A_13 : memref<160x128xi32, #tpu.memory_space<hbm>>) dst(%arg6 : memref<160x128xi32, #tpu.memory_space<vmem>>)
      tpu.yield
    }) : () -> ()
    "tpu.region"() ({
      %run_scoped3A = tpu.sem_alloc : memref<!tpu.dma_semaphore, #tpu.memory_space<semaphore_mem>>
      %dma_start3A = arith.constant 0 : i32
      %dma_start3A_8 = tpu.memref_slice %arg4[%add3A, %dma_start3A] : memref<5120x128xi32, #tpu.memory_space<hbm>> -> memref<160x128xi32, #tpu.memory_space<hbm>>
      %dma_start3A_9 = arith.constant 0 : i32
      %dma_start3A_10 = tpu.memref_slice %arg4[%add3A, %dma_start3A_9] : memref<5120x128xi32, #tpu.memory_space<hbm>> -> memref<160x128xi32, #tpu.memory_space<hbm>>
      tpu.enqueue_dma source(%dma_start3A_10 : memref<160x128xi32, #tpu.memory_space<hbm>>) target(%arg7 : memref<160x128xi32, #tpu.memory_space<vmem>>) target_semaphore(%run_scoped3A : memref<!tpu.dma_semaphore, #tpu.memory_space<semaphore_mem>>)
      %dma_wait3A = arith.constant 0 : i32
      %dma_wait3A_11 = tpu.memref_slice %arg4[%add3A, %dma_wait3A] : memref<5120x128xi32, #tpu.memory_space<hbm>> -> memref<160x128xi32, #tpu.memory_space<hbm>>
      %dma_wait3A_12 = arith.constant 0 : i32
      %dma_wait3A_13 = tpu.memref_slice %arg4[%add3A, %dma_wait3A_12] : memref<5120x128xi32, #tpu.memory_space<hbm>> -> memref<160x128xi32, #tpu.memory_space<hbm>>
      tpu.wait_dma2 semaphore(%run_scoped3A : memref<!tpu.dma_semaphore, #tpu.memory_space<semaphore_mem>>) src(%dma_wait3A_13 : memref<160x128xi32, #tpu.memory_space<hbm>>) dst(%arg7 : memref<160x128xi32, #tpu.memory_space<vmem>>)
      tpu.yield
    }) : () -> ()
    %scan3A = arith.constant 0 : i32
    %scan3A_3 = arith.constant 0 : i32
    %scan3A_4 = arith.constant 8 : i32
    %scan3A_5 = arith.addi %scan3A_3, %scan3A_4 : i32
    %scan3A_6 = arith.constant 1 : i32
    scf.for %scan3A_8 = %scan3A_3 to %scan3A_5 step %scan3A_6  : i32 {
      %mul3A_9 = arith.constant 8 : i32
      %mul3A_10 = arith.muli %arg0, %mul3A_9 : i32
      %add3A_11 = arith.addi %mul3A_10, %scan3A_8 : i32
      %mul3A_12 = arith.constant 640 : i32
      %mul3A_13 = arith.muli %arg1, %mul3A_12 : i32
      %mul3A_14 = arith.constant 640 : i32
      %mul3A_15 = arith.muli %arg1, %mul3A_14 : i32
      "tpu.region"() ({
        %run_scoped3A = tpu.sem_alloc : memref<!tpu.dma_semaphore, #tpu.memory_space<semaphore_mem>>
        %dma_start3A_101 = arith.constant 0 : i32
        %dma_start3A_102 = tpu.memref_slice %arg14[%mul3A_15, %dma_start3A_101] : memref<10240x32xf32, #tpu.memory_space<vmem_shared>> -> memref<640x32xf32, #tpu.memory_space<vmem_shared>>
        %dma_start3A_103 = arith.constant 0 : i32
        %dma_start3A_104 = arith.constant 0 : i32
        %dma_start3A_105 = tpu.memref_slice %arg2[%add3A_11, %dma_start3A_103, %dma_start3A_104] : memref<16x10240x32xf32, #tpu.memory_space<hbm>> -> memref<1x10240x32xf32, #tpu.memory_space<hbm>>
        %dma_start3A_106 = tpu.memref_squeeze %dma_start3A_105 : memref<1x10240x32xf32, #tpu.memory_space<hbm>> -> memref<10240x32xf32, #tpu.memory_space<hbm>>
        %dma_start3A_107 = arith.constant 0 : i32
        %dma_start3A_108 = tpu.memref_slice %dma_start3A_106[%mul3A_13, %dma_start3A_107] : memref<10240x32xf32, #tpu.memory_space<hbm>> -> memref<640x32xf32, #tpu.memory_space<hbm>>
        tpu.enqueue_dma source(%dma_start3A_108 : memref<640x32xf32, #tpu.memory_space<hbm>>) target(%dma_start3A_102 : memref<640x32xf32, #tpu.memory_space<vmem_shared>>) target_semaphore(%run_scoped3A : memref<!tpu.dma_semaphore, #tpu.memory_space<semaphore_mem>>)
        %dma_wait3A_109 = arith.constant 0 : i32
        %dma_wait3A_110 = tpu.memref_slice %arg14[%mul3A_15, %dma_wait3A_109] : memref<10240x32xf32, #tpu.memory_space<vmem_shared>> -> memref<640x32xf32, #tpu.memory_space<vmem_shared>>
        %dma_wait3A_111 = arith.constant 0 : i32
        %dma_wait3A_112 = arith.constant 0 : i32
        %dma_wait3A_113 = tpu.memref_slice %arg2[%add3A_11, %dma_wait3A_111, %dma_wait3A_112] : memref<16x10240x32xf32, #tpu.memory_space<hbm>> -> memref<1x10240x32xf32, #tpu.memory_space<hbm>>
        %dma_wait3A_114 = tpu.memref_squeeze %dma_wait3A_113 : memref<1x10240x32xf32, #tpu.memory_space<hbm>> -> memref<10240x32xf32, #tpu.memory_space<hbm>>
        %dma_wait3A_115 = arith.constant 0 : i32
        %dma_wait3A_116 = tpu.memref_slice %dma_wait3A_114[%mul3A_13, %dma_wait3A_115] : memref<10240x32xf32, #tpu.memory_space<hbm>> -> memref<640x32xf32, #tpu.memory_space<hbm>>
        tpu.wait_dma2 semaphore(%run_scoped3A : memref<!tpu.dma_semaphore, #tpu.memory_space<semaphore_mem>>) src(%dma_wait3A_116 : memref<640x32xf32, #tpu.memory_space<hbm>>) dst(%dma_wait3A_110 : memref<640x32xf32, #tpu.memory_space<vmem_shared>>)
        tpu.yield
      }) : () -> ()
      %scan3A_16 = arith.constant 0 : i32
      %scan3A_17 = arith.constant 0 : i32
      %scan3A_18 = arith.constant 128 : i32
      %scan3A_19 = arith.addi %scan3A_17, %scan3A_18 : i32
      %scan3A_20 = arith.constant 1 : i32
      scf.for %scan3A_101 = %scan3A_17 to %scan3A_19 step %scan3A_20  : i32 {
        %scan3A_102 = arith.constant 0 : i32
        %scan3A_103 = arith.constant 2 : i32
        %scan3A_104 = arith.addi %scan3A_102, %scan3A_103 : i32
        %scan3A_105 = arith.constant 1 : i32
        scf.for %scan3A_107 = %scan3A_102 to %scan3A_104 step %scan3A_105  : i32 {
          %broadcast_in_dim3A = arith.constant 0.000000e+00 : f32
          %broadcast_in_dim3A_108 = vector.broadcast %broadcast_in_dim3A : f32 to vector<16xf32>
          %mul3A_109 = arith.constant 16 : i32
          %mul3A_110 = arith.muli %scan3A_107, %mul3A_109 : i32
          %swap3A = arith.index_cast %scan3A_101 : i32 to index
          %swap3A_111 = arith.index_cast %mul3A_110 : i32 to index
          %swap3A_112 = tpu.vector_load %arg12[%swap3A, %swap3A_111] {strides = array<i32>} : memref<128x32xf32, #tpu.memory_space<vmem>>, vector<1x16xf32>,
          %swap3A_113 = vector.shape_cast %swap3A_112 : vector<1x16xf32> to vector<16xf32>
          %swap3A_114 = vector.shape_cast %broadcast_in_dim3A_108 : vector<16xf32> to vector<1x16xf32>
          tpu.vector_store %arg12[%swap3A, %swap3A_111], %swap3A_114 {strides = array<i32>} : memref<128x32xf32, #tpu.memory_space<vmem>>, vector<1x16xf32>,
        }
        %scan3A_106 = arith.constant 2 : i32
      }
      %scan3A_21 = arith.constant 128 : i32
      %scan3A_22 = arith.constant 0 : i32
      %scan3A_23 = arith.constant 0 : i32
      %scan3A_24 = arith.constant 5 : i32
      %scan3A_25 = arith.addi %scan3A_23, %scan3A_24 : i32
      %scan3A_26 = arith.constant 1 : i32
      scf.for %scan3A_101 = %scan3A_23 to %scan3A_25 step %scan3A_26  : i32 {
        %mul3A_102 = arith.constant 640 : i32
        %mul3A_103 = arith.muli %arg1, %mul3A_102 : i32
        %mul3A_104 = arith.constant 128 : i32
        %mul3A_105 = arith.muli %scan3A_101, %mul3A_104 : i32
        %add3A_106 = arith.addi %mul3A_103, %mul3A_105 : i32
        "tpu.region"() ({
          %run_scoped3A = tpu.sem_alloc : memref<!tpu.dma_semaphore, #tpu.memory_space<semaphore_mem>>
          %dma_start3A_107 = arith.constant 0 : i32
          %dma_start3A_108 = tpu.memref_slice %arg13[%add3A_106, %dma_start3A_107] : memref<10240x32xf32, #tpu.memory_space<vmem_shared>> -> memref<128x32xf32, #tpu.memory_space<vmem_shared>>
          %dma_start3A_109 = arith.constant 0 : i32
          %dma_start3A_110 = tpu.memref_slice %arg13[%add3A_106, %dma_start3A_109] : memref<10240x32xf32, #tpu.memory_space<vmem_shared>> -> memref<128x32xf32, #tpu.memory_space<vmem_shared>>
          tpu.enqueue_dma source(%arg12 : memref<128x32xf32, #tpu.memory_space<vmem>>) target(%dma_start3A_110 : memref<128x32xf32, #tpu.memory_space<vmem_shared>>) target_semaphore(%run_scoped3A : memref<!tpu.dma_semaphore, #tpu.memory_space<semaphore_mem>>)
          %dma_wait3A_111 = arith.constant 0 : i32
          %dma_wait3A_112 = tpu.memref_slice %arg13[%add3A_106, %dma_wait3A_111] : memref<10240x32xf32, #tpu.memory_space<vmem_shared>> -> memref<128x32xf32, #tpu.memory_space<vmem_shared>>
          %dma_wait3A_113 = arith.constant 0 : i32
          %dma_wait3A_114 = tpu.memref_slice %arg13[%add3A_106, %dma_wait3A_113] : memref<10240x32xf32, #tpu.memory_space<vmem_shared>> -> memref<128x32xf32, #tpu.memory_space<vmem_shared>>
          tpu.wait_dma2 semaphore(%run_scoped3A : memref<!tpu.dma_semaphore, #tpu.memory_space<semaphore_mem>>) src(%arg12 : memref<128x32xf32, #tpu.memory_space<vmem>>) dst(%dma_wait3A_114 : memref<128x32xf32, #tpu.memory_space<vmem_shared>>)
          tpu.yield
        }) : () -> ()
      }
      %scan3A_27 = arith.constant 5 : i32
      %barrier3A = arith.constant 0 : index
      tpu.barrier barrier_id(%barrier3A)
      %dma_start3A = arith.constant 0 : i32
      %dma_start3A_28 = arith.constant 0 : i32
      %dma_start3A_29 = tpu.memref_slice %arg6[%dma_start3A, %dma_start3A_28] : memref<160x128xi32, #tpu.memory_space<vmem>> -> memref<1x128xi32, #tpu.memory_space<vmem>>
      %dma_start3A_30 = tpu.memref_squeeze %dma_start3A_29 : memref<1x128xi32, #tpu.memory_space<vmem>> -> memref<128xi32, #tpu.memory_space<vmem>>
      %dma_start3A_31 = arith.constant 0 : i32
      %dma_start3A_32 = arith.constant 0 : i32
      %dma_start3A_33 = tpu.memref_slice %arg14[%dma_start3A_31, %dma_start3A_32] : memref<10240x32xf32, #tpu.memory_space<vmem_shared>> -> memref<10240x32xf32, #tpu.memory_space<vmem_shared>>
      tpu.enqueue_indirect_dma source(%dma_start3A_33 : memref<10240x32xf32, #tpu.memory_space<vmem_shared>>) target(%arg8 : memref<128x32xf32, #tpu.memory_space<vmem>>) offsets(%dma_start3A_30 : memref<128xi32, #tpu.memory_space<vmem>>) semaphore(%arg15 : memref<!tpu.dma_semaphore, #tpu.memory_space<semaphore_mem>>)
      %dma_start3A_34 = arith.constant 1 : i32
      %dma_start3A_35 = arith.constant 0 : i32
      %dma_start3A_36 = tpu.memref_slice %arg6[%dma_start3A_34, %dma_start3A_35] : memref<160x128xi32, #tpu.memory_space<vmem>> -> memref<1x128xi32, #tpu.memory_space<vmem>>
      %dma_start3A_37 = tpu.memref_squeeze %dma_start3A_36 : memref<1x128xi32, #tpu.memory_space<vmem>> -> memref<128xi32, #tpu.memory_space<vmem>>
      %dma_start3A_38 = arith.constant 0 : i32
      %dma_start3A_39 = arith.constant 0 : i32
      %dma_start3A_40 = tpu.memref_slice %arg14[%dma_start3A_38, %dma_start3A_39] : memref<10240x32xf32, #tpu.memory_space<vmem_shared>> -> memref<10240x32xf32, #tpu.memory_space<vmem_shared>>
      tpu.enqueue_indirect_dma source(%dma_start3A_40 : memref<10240x32xf32, #tpu.memory_space<vmem_shared>>) target(%arg9 : memref<128x32xf32, #tpu.memory_space<vmem>>) offsets(%dma_start3A_37 : memref<128xi32, #tpu.memory_space<vmem>>) semaphore(%arg16 : memref<!tpu.dma_semaphore, #tpu.memory_space<semaphore_mem>>)
      %dma_start3A_41 = arith.constant 2 : i32
      %dma_start3A_42 = arith.constant 0 : i32
      %dma_start3A_43 = tpu.memref_slice %arg6[%dma_start3A_41, %dma_start3A_42] : memref<160x128xi32, #tpu.memory_space<vmem>> -> memref<1x128xi32, #tpu.memory_space<vmem>>
      %dma_start3A_44 = tpu.memref_squeeze %dma_start3A_43 : memref<1x128xi32, #tpu.memory_space<vmem>> -> memref<128xi32, #tpu.memory_space<vmem>>
      %dma_start3A_45 = arith.constant 0 : i32
      %dma_start3A_46 = arith.constant 0 : i32
      %dma_start3A_47 = tpu.memref_slice %arg14[%dma_start3A_45, %dma_start3A_46] : memref<10240x32xf32, #tpu.memory_space<vmem_shared>> -> memref<10240x32xf32, #tpu.memory_space<vmem_shared>>
      tpu.enqueue_indirect_dma source(%dma_start3A_47 : memref<10240x32xf32, #tpu.memory_space<vmem_shared>>) target(%arg10 : memref<128x32xf32, #tpu.memory_space<vmem>>) offsets(%dma_start3A_44 : memref<128xi32, #tpu.memory_space<vmem>>) semaphore(%arg17 : memref<!tpu.dma_semaphore, #tpu.memory_space<semaphore_mem>>)
      %dma_start3A_48 = arith.constant 3 : i32
      %dma_start3A_49 = arith.constant 0 : i32
      %dma_start3A_50 = tpu.memref_slice %arg6[%dma_start3A_48, %dma_start3A_49] : memref<160x128xi32, #tpu.memory_space<vmem>> -> memref<1x128xi32, #tpu.memory_space<vmem>>
      %dma_start3A_51 = tpu.memref_squeeze %dma_start3A_50 : memref<1x128xi32, #tpu.memory_space<vmem>> -> memref<128xi32, #tpu.memory_space<vmem>>
      %dma_start3A_52 = arith.constant 0 : i32
      %dma_start3A_53 = arith.constant 0 : i32
      %dma_start3A_54 = tpu.memref_slice %arg14[%dma_start3A_52, %dma_start3A_53] : memref<10240x32xf32, #tpu.memory_space<vmem_shared>> -> memref<10240x32xf32, #tpu.memory_space<vmem_shared>>
      tpu.enqueue_indirect_dma source(%dma_start3A_54 : memref<10240x32xf32, #tpu.memory_space<vmem_shared>>) target(%arg11 : memref<128x32xf32, #tpu.memory_space<vmem>>) offsets(%dma_start3A_51 : memref<128xi32, #tpu.memory_space<vmem>>) semaphore(%arg18 : memref<!tpu.dma_semaphore, #tpu.memory_space<semaphore_mem>>)
      %scan3A_55 = arith.constant 0 : i32
      %scan3A_56 = arith.constant 0 : i32
      %scan3A_57 = arith.constant 32 : i32
      %scan3A_58 = arith.addi %scan3A_56, %scan3A_57 : i32
      %scan3A_59 = arith.constant 1 : i32
      scf.for %scan3A_101 = %scan3A_56 to %scan3A_58 step %scan3A_59  : i32 {
        %mul3A_102 = arith.constant 5 : i32
        %mul3A_103 = arith.muli %mul3A_102, %scan3A_101 : i32
        %add3A_104 = arith.constant 0 : i32
        %add3A_105 = arith.addi %mul3A_103, %add3A_104 : i32
        %dma_wait3A_106 = arith.constant 0 : i32
        %dma_wait3A_107 = tpu.memref_slice %arg6[%add3A_105, %dma_wait3A_106] : memref<160x128xi32, #tpu.memory_space<vmem>> -> memref<1x128xi32, #tpu.memory_space<vmem>>
        %dma_wait3A_108 = tpu.memref_squeeze %dma_wait3A_107 : memref<1x128xi32, #tpu.memory_space<vmem>> -> memref<128xi32, #tpu.memory_space<vmem>>
        %dma_wait3A_109 = arith.constant 0 : i32
        %dma_wait3A_110 = arith.constant 0 : i32
        %dma_wait3A_111 = tpu.memref_slice %arg14[%dma_wait3A_109, %dma_wait3A_110] : memref<10240x32xf32, #tpu.memory_space<vmem_shared>> -> memref<10240x32xf32, #tpu.memory_space<vmem_shared>>
        tpu.wait_indirect_dma semaphore(%arg15 : memref<!tpu.dma_semaphore, #tpu.memory_space<semaphore_mem>>) src(%dma_wait3A_111 : memref<10240x32xf32, #tpu.memory_space<vmem_shared>>) dst(%arg8 : memref<128x32xf32, #tpu.memory_space<vmem>>)
        %dma_start3A_112 = arith.constant 0 : i32
        %dma_start3A_113 = tpu.memref_slice %arg7[%add3A_105, %dma_start3A_112] : memref<160x128xi32, #tpu.memory_space<vmem>> -> memref<1x128xi32, #tpu.memory_space<vmem>>
        %dma_start3A_114 = tpu.memref_squeeze %dma_start3A_113 : memref<1x128xi32, #tpu.memory_space<vmem>> -> memref<128xi32, #tpu.memory_space<vmem>>
        %dma_start3A_115 = arith.constant 0 : i32
        %dma_start3A_116 = arith.constant 0 : i32
        %dma_start3A_117 = tpu.memref_slice %arg13[%dma_start3A_115, %dma_start3A_116] : memref<10240x32xf32, #tpu.memory_space<vmem_shared>> -> memref<10240x32xf32, #tpu.memory_space<vmem_shared>>
        tpu.enqueue_indirect_dma source(%arg8 : memref<128x32xf32, #tpu.memory_space<vmem>>) target(%dma_start3A_117 : memref<10240x32xf32, #tpu.memory_space<vmem_shared>>) offsets(%dma_start3A_114 : memref<128xi32, #tpu.memory_space<vmem>>) semaphore(%arg20 : memref<!tpu.dma_semaphore, #tpu.memory_space<semaphore_mem>>) {add = true}
        %lt3A = arith.constant 156 : i32
        %lt3A_118 = arith.cmpi slt, %add3A_105, %lt3A : i32
        %convert_element_type3A = arith.extui %lt3A_118 : i1 to i32
        %cond3A = arith.constant 0 : i32
        %cond3A_119 = arith.cmpi ne, %convert_element_type3A, %cond3A : i32
        scf.if %cond3A_119 {
          %ge3A = arith.constant 1 : i32
          %ge3A_196 = arith.cmpi sge, %add3A_105, %ge3A : i32
          %convert_element_type3A_197 = arith.extui %ge3A_196 : i1 to i32
          %cond3A_198 = arith.constant 0 : i32
          %cond3A_199 = arith.cmpi ne, %convert_element_type3A_197, %cond3A_198 : i32
          scf.if %cond3A_199 {
            %sub3A = arith.constant 1 : i32
            %sub3A_208 = arith.subi %add3A_105, %sub3A : i32
            %dma_wait3A_209 = arith.constant 0 : i32
            %dma_wait3A_210 = tpu.memref_slice %arg7[%sub3A_208, %dma_wait3A_209] : memref<160x128xi32, #tpu.memory_space<vmem>> -> memref<1x128xi32, #tpu.memory_space<vmem>>
            %dma_wait3A_211 = tpu.memref_squeeze %dma_wait3A_210 : memref<1x128xi32, #tpu.memory_space<vmem>> -> memref<128xi32, #tpu.memory_space<vmem>>
            %dma_wait3A_212 = arith.constant 0 : i32
            %dma_wait3A_213 = arith.constant 0 : i32
            %dma_wait3A_214 = tpu.memref_slice %arg13[%dma_wait3A_212, %dma_wait3A_213] : memref<10240x32xf32, #tpu.memory_space<vmem_shared>> -> memref<10240x32xf32, #tpu.memory_space<vmem_shared>>
            tpu.wait_indirect_dma semaphore(%arg24 : memref<!tpu.dma_semaphore, #tpu.memory_space<semaphore_mem>>) src(%arg12 : memref<128x32xf32, #tpu.memory_space<vmem>>) dst(%dma_wait3A_214 : memref<10240x32xf32, #tpu.memory_space<vmem_shared>>)
          } else {
          }
          %add3A_200 = arith.constant 4 : i32
          %add3A_201 = arith.addi %add3A_105, %add3A_200 : i32
          %dma_start3A_202 = arith.constant 0 : i32
          %dma_start3A_203 = tpu.memref_slice %arg6[%add3A_201, %dma_start3A_202] : memref<160x128xi32, #tpu.memory_space<vmem>> -> memref<1x128xi32, #tpu.memory_space<vmem>>
          %dma_start3A_204 = tpu.memref_squeeze %dma_start3A_203 : memref<1x128xi32, #tpu.memory_space<vmem>> -> memref<128xi32, #tpu.memory_space<vmem>>
          %dma_start3A_205 = arith.constant 0 : i32
          %dma_start3A_206 = arith.constant 0 : i32
          %dma_start3A_207 = tpu.memref_slice %arg14[%dma_start3A_205, %dma_start3A_206] : memref<10240x32xf32, #tpu.memory_space<vmem_shared>> -> memref<10240x32xf32, #tpu.memory_space<vmem_shared>>
          tpu.enqueue_indirect_dma source(%dma_start3A_207 : memref<10240x32xf32, #tpu.memory_space<vmem_shared>>) target(%arg12 : memref<128x32xf32, #tpu.memory_space<vmem>>) offsets(%dma_start3A_204 : memref<128xi32, #tpu.memory_space<vmem>>) semaphore(%arg19 : memref<!tpu.dma_semaphore, #tpu.memory_space<semaphore_mem>>)
        } else {
        }
        %add3A_120 = arith.constant 1 : i32
        %add3A_121 = arith.addi %mul3A_103, %add3A_120 : i32
        %dma_wait3A_122 = arith.constant 0 : i32
        %dma_wait3A_123 = tpu.memref_slice %arg6[%add3A_121, %dma_wait3A_122] : memref<160x128xi32, #tpu.memory_space<vmem>> -> memref<1x128xi32, #tpu.memory_space<vmem>>
        %dma_wait3A_124 = tpu.memref_squeeze %dma_wait3A_123 : memref<1x128xi32, #tpu.memory_space<vmem>> -> memref<128xi32, #tpu.memory_space<vmem>>
        %dma_wait3A_125 = arith.constant 0 : i32
        %dma_wait3A_126 = arith.constant 0 : i32
        %dma_wait3A_127 = tpu.memref_slice %arg14[%dma_wait3A_125, %dma_wait3A_126] : memref<10240x32xf32, #tpu.memory_space<vmem_shared>> -> memref<10240x32xf32, #tpu.memory_space<vmem_shared>>
        tpu.wait_indirect_dma semaphore(%arg16 : memref<!tpu.dma_semaphore, #tpu.memory_space<semaphore_mem>>) src(%dma_wait3A_127 : memref<10240x32xf32, #tpu.memory_space<vmem_shared>>) dst(%arg9 : memref<128x32xf32, #tpu.memory_space<vmem>>)
        %dma_start3A_128 = arith.constant 0 : i32
        %dma_start3A_129 = tpu.memref_slice %arg7[%add3A_121, %dma_start3A_128] : memref<160x128xi32, #tpu.memory_space<vmem>> -> memref<1x128xi32, #tpu.memory_space<vmem>>
        %dma_start3A_130 = tpu.memref_squeeze %dma_start3A_129 : memref<1x128xi32, #tpu.memory_space<vmem>> -> memref<128xi32, #tpu.memory_space<vmem>>
        %dma_start3A_131 = arith.constant 0 : i32
        %dma_start3A_132 = arith.constant 0 : i32
        %dma_start3A_133 = tpu.memref_slice %arg13[%dma_start3A_131, %dma_start3A_132] : memref<10240x32xf32, #tpu.memory_space<vmem_shared>> -> memref<10240x32xf32, #tpu.memory_space<vmem_shared>>
        tpu.enqueue_indirect_dma source(%arg9 : memref<128x32xf32, #tpu.memory_space<vmem>>) target(%dma_start3A_133 : memref<10240x32xf32, #tpu.memory_space<vmem_shared>>) offsets(%dma_start3A_130 : memref<128xi32, #tpu.memory_space<vmem>>) semaphore(%arg21 : memref<!tpu.dma_semaphore, #tpu.memory_space<semaphore_mem>>) {add = true}
        %lt3A_134 = arith.constant 156 : i32
        %lt3A_135 = arith.cmpi slt, %add3A_121, %lt3A_134 : i32
        %convert_element_type3A_136 = arith.extui %lt3A_135 : i1 to i32
        %cond3A_137 = arith.constant 0 : i32
        %cond3A_138 = arith.cmpi ne, %convert_element_type3A_136, %cond3A_137 : i32
        scf.if %cond3A_138 {
          %ge3A = arith.constant 1 : i32
          %ge3A_196 = arith.cmpi sge, %add3A_121, %ge3A : i32
          %convert_element_type3A_197 = arith.extui %ge3A_196 : i1 to i32
          %cond3A_198 = arith.constant 0 : i32
          %cond3A_199 = arith.cmpi ne, %convert_element_type3A_197, %cond3A_198 : i32
          scf.if %cond3A_199 {
            %sub3A = arith.constant 1 : i32
            %sub3A_208 = arith.subi %add3A_121, %sub3A : i32
            %dma_wait3A_209 = arith.constant 0 : i32
            %dma_wait3A_210 = tpu.memref_slice %arg7[%sub3A_208, %dma_wait3A_209] : memref<160x128xi32, #tpu.memory_space<vmem>> -> memref<1x128xi32, #tpu.memory_space<vmem>>
            %dma_wait3A_211 = tpu.memref_squeeze %dma_wait3A_210 : memref<1x128xi32, #tpu.memory_space<vmem>> -> memref<128xi32, #tpu.memory_space<vmem>>
            %dma_wait3A_212 = arith.constant 0 : i32
            %dma_wait3A_213 = arith.constant 0 : i32
            %dma_wait3A_214 = tpu.memref_slice %arg13[%dma_wait3A_212, %dma_wait3A_213] : memref<10240x32xf32, #tpu.memory_space<vmem_shared>> -> memref<10240x32xf32, #tpu.memory_space<vmem_shared>>
            tpu.wait_indirect_dma semaphore(%arg20 : memref<!tpu.dma_semaphore, #tpu.memory_space<semaphore_mem>>) src(%arg8 : memref<128x32xf32, #tpu.memory_space<vmem>>) dst(%dma_wait3A_214 : memref<10240x32xf32, #tpu.memory_space<vmem_shared>>)
          } else {
          }
          %add3A_200 = arith.constant 4 : i32
          %add3A_201 = arith.addi %add3A_121, %add3A_200 : i32
          %dma_start3A_202 = arith.constant 0 : i32
          %dma_start3A_203 = tpu.memref_slice %arg6[%add3A_201, %dma_start3A_202] : memref<160x128xi32, #tpu.memory_space<vmem>> -> memref<1x128xi32, #tpu.memory_space<vmem>>
          %dma_start3A_204 = tpu.memref_squeeze %dma_start3A_203 : memref<1x128xi32, #tpu.memory_space<vmem>> -> memref<128xi32, #tpu.memory_space<vmem>>
          %dma_start3A_205 = arith.constant 0 : i32
          %dma_start3A_206 = arith.constant 0 : i32
          %dma_start3A_207 = tpu.memref_slice %arg14[%dma_start3A_205, %dma_start3A_206] : memref<10240x32xf32, #tpu.memory_space<vmem_shared>> -> memref<10240x32xf32, #tpu.memory_space<vmem_shared>>
          tpu.enqueue_indirect_dma source(%dma_start3A_207 : memref<10240x32xf32, #tpu.memory_space<vmem_shared>>) target(%arg8 : memref<128x32xf32, #tpu.memory_space<vmem>>) offsets(%dma_start3A_204 : memref<128xi32, #tpu.memory_space<vmem>>) semaphore(%arg15 : memref<!tpu.dma_semaphore, #tpu.memory_space<semaphore_mem>>)
        } else {
        }
        %add3A_139 = arith.constant 2 : i32
        %add3A_140 = arith.addi %mul3A_103, %add3A_139 : i32
        %dma_wait3A_141 = arith.constant 0 : i32
        %dma_wait3A_142 = tpu.memref_slice %arg6[%add3A_140, %dma_wait3A_141] : memref<160x128xi32, #tpu.memory_space<vmem>> -> memref<1x128xi32, #tpu.memory_space<vmem>>
        %dma_wait3A_143 = tpu.memref_squeeze %dma_wait3A_142 : memref<1x128xi32, #tpu.memory_space<vmem>> -> memref<128xi32, #tpu.memory_space<vmem>>
        %dma_wait3A_144 = arith.constant 0 : i32
        %dma_wait3A_145 = arith.constant 0 : i32
        %dma_wait3A_146 = tpu.memref_slice %arg14[%dma_wait3A_144, %dma_wait3A_145] : memref<10240x32xf32, #tpu.memory_space<vmem_shared>> -> memref<10240x32xf32, #tpu.memory_space<vmem_shared>>
        tpu.wait_indirect_dma semaphore(%arg17 : memref<!tpu.dma_semaphore, #tpu.memory_space<semaphore_mem>>) src(%dma_wait3A_146 : memref<10240x32xf32, #tpu.memory_space<vmem_shared>>) dst(%arg10 : memref<128x32xf32, #tpu.memory_space<vmem>>)
        %dma_start3A_147 = arith.constant 0 : i32
        %dma_start3A_148 = tpu.memref_slice %arg7[%add3A_140, %dma_start3A_147] : memref<160x128xi32, #tpu.memory_space<vmem>> -> memref<1x128xi32, #tpu.memory_space<vmem>>
        %dma_start3A_149 = tpu.memref_squeeze %dma_start3A_148 : memref<1x128xi32, #tpu.memory_space<vmem>> -> memref<128xi32, #tpu.memory_space<vmem>>
        %dma_start3A_150 = arith.constant 0 : i32
        %dma_start3A_151 = arith.constant 0 : i32
        %dma_start3A_152 = tpu.memref_slice %arg13[%dma_start3A_150, %dma_start3A_151] : memref<10240x32xf32, #tpu.memory_space<vmem_shared>> -> memref<10240x32xf32, #tpu.memory_space<vmem_shared>>
        tpu.enqueue_indirect_dma source(%arg10 : memref<128x32xf32, #tpu.memory_space<vmem>>) target(%dma_start3A_152 : memref<10240x32xf32, #tpu.memory_space<vmem_shared>>) offsets(%dma_start3A_149 : memref<128xi32, #tpu.memory_space<vmem>>) semaphore(%arg22 : memref<!tpu.dma_semaphore, #tpu.memory_space<semaphore_mem>>) {add = true}
        %lt3A_153 = arith.constant 156 : i32
        %lt3A_154 = arith.cmpi slt, %add3A_140, %lt3A_153 : i32
        %convert_element_type3A_155 = arith.extui %lt3A_154 : i1 to i32
        %cond3A_156 = arith.constant 0 : i32
        %cond3A_157 = arith.cmpi ne, %convert_element_type3A_155, %cond3A_156 : i32
        scf.if %cond3A_157 {
          %ge3A = arith.constant 1 : i32
          %ge3A_196 = arith.cmpi sge, %add3A_140, %ge3A : i32
          %convert_element_type3A_197 = arith.extui %ge3A_196 : i1 to i32
          %cond3A_198 = arith.constant 0 : i32
          %cond3A_199 = arith.cmpi ne, %convert_element_type3A_197, %cond3A_198 : i32
          scf.if %cond3A_199 {
            %sub3A = arith.constant 1 : i32
            %sub3A_208 = arith.subi %add3A_140, %sub3A : i32
            %dma_wait3A_209 = arith.constant 0 : i32
            %dma_wait3A_210 = tpu.memref_slice %arg7[%sub3A_208, %dma_wait3A_209] : memref<160x128xi32, #tpu.memory_space<vmem>> -> memref<1x128xi32, #tpu.memory_space<vmem>>
            %dma_wait3A_211 = tpu.memref_squeeze %dma_wait3A_210 : memref<1x128xi32, #tpu.memory_space<vmem>> -> memref<128xi32, #tpu.memory_space<vmem>>
            %dma_wait3A_212 = arith.constant 0 : i32
            %dma_wait3A_213 = arith.constant 0 : i32
            %dma_wait3A_214 = tpu.memref_slice %arg13[%dma_wait3A_212, %dma_wait3A_213] : memref<10240x32xf32, #tpu.memory_space<vmem_shared>> -> memref<10240x32xf32, #tpu.memory_space<vmem_shared>>
            tpu.wait_indirect_dma semaphore(%arg21 : memref<!tpu.dma_semaphore, #tpu.memory_space<semaphore_mem>>) src(%arg9 : memref<128x32xf32, #tpu.memory_space<vmem>>) dst(%dma_wait3A_214 : memref<10240x32xf32, #tpu.memory_space<vmem_shared>>)
          } else {
          }
          %add3A_200 = arith.constant 4 : i32
          %add3A_201 = arith.addi %add3A_140, %add3A_200 : i32
          %dma_start3A_202 = arith.constant 0 : i32
          %dma_start3A_203 = tpu.memref_slice %arg6[%add3A_201, %dma_start3A_202] : memref<160x128xi32, #tpu.memory_space<vmem>> -> memref<1x128xi32, #tpu.memory_space<vmem>>
          %dma_start3A_204 = tpu.memref_squeeze %dma_start3A_203 : memref<1x128xi32, #tpu.memory_space<vmem>> -> memref<128xi32, #tpu.memory_space<vmem>>
          %dma_start3A_205 = arith.constant 0 : i32
          %dma_start3A_206 = arith.constant 0 : i32
          %dma_start3A_207 = tpu.memref_slice %arg14[%dma_start3A_205, %dma_start3A_206] : memref<10240x32xf32, #tpu.memory_space<vmem_shared>> -> memref<10240x32xf32, #tpu.memory_space<vmem_shared>>
          tpu.enqueue_indirect_dma source(%dma_start3A_207 : memref<10240x32xf32, #tpu.memory_space<vmem_shared>>) target(%arg9 : memref<128x32xf32, #tpu.memory_space<vmem>>) offsets(%dma_start3A_204 : memref<128xi32, #tpu.memory_space<vmem>>) semaphore(%arg16 : memref<!tpu.dma_semaphore, #tpu.memory_space<semaphore_mem>>)
        } else {
        }
        %add3A_158 = arith.constant 3 : i32
        %add3A_159 = arith.addi %mul3A_103, %add3A_158 : i32
        %dma_wait3A_160 = arith.constant 0 : i32
        %dma_wait3A_161 = tpu.memref_slice %arg6[%add3A_159, %dma_wait3A_160] : memref<160x128xi32, #tpu.memory_space<vmem>> -> memref<1x128xi32, #tpu.memory_space<vmem>>
        %dma_wait3A_162 = tpu.memref_squeeze %dma_wait3A_161 : memref<1x128xi32, #tpu.memory_space<vmem>> -> memref<128xi32, #tpu.memory_space<vmem>>
        %dma_wait3A_163 = arith.constant 0 : i32
        %dma_wait3A_164 = arith.constant 0 : i32
        %dma_wait3A_165 = tpu.memref_slice %arg14[%dma_wait3A_163, %dma_wait3A_164] : memref<10240x32xf32, #tpu.memory_space<vmem_shared>> -> memref<10240x32xf32, #tpu.memory_space<vmem_shared>>
        tpu.wait_indirect_dma semaphore(%arg18 : memref<!tpu.dma_semaphore, #tpu.memory_space<semaphore_mem>>) src(%dma_wait3A_165 : memref<10240x32xf32, #tpu.memory_space<vmem_shared>>) dst(%arg11 : memref<128x32xf32, #tpu.memory_space<vmem>>)
        %dma_start3A_166 = arith.constant 0 : i32
        %dma_start3A_167 = tpu.memref_slice %arg7[%add3A_159, %dma_start3A_166] : memref<160x128xi32, #tpu.memory_space<vmem>> -> memref<1x128xi32, #tpu.memory_space<vmem>>
        %dma_start3A_168 = tpu.memref_squeeze %dma_start3A_167 : memref<1x128xi32, #tpu.memory_space<vmem>> -> memref<128xi32, #tpu.memory_space<vmem>>
        %dma_start3A_169 = arith.constant 0 : i32
        %dma_start3A_170 = arith.constant 0 : i32
        %dma_start3A_171 = tpu.memref_slice %arg13[%dma_start3A_169, %dma_start3A_170] : memref<10240x32xf32, #tpu.memory_space<vmem_shared>> -> memref<10240x32xf32, #tpu.memory_space<vmem_shared>>
        tpu.enqueue_indirect_dma source(%arg11 : memref<128x32xf32, #tpu.memory_space<vmem>>) target(%dma_start3A_171 : memref<10240x32xf32, #tpu.memory_space<vmem_shared>>) offsets(%dma_start3A_168 : memref<128xi32, #tpu.memory_space<vmem>>) semaphore(%arg23 : memref<!tpu.dma_semaphore, #tpu.memory_space<semaphore_mem>>) {add = true}
        %lt3A_172 = arith.constant 156 : i32
        %lt3A_173 = arith.cmpi slt, %add3A_159, %lt3A_172 : i32
        %convert_element_type3A_174 = arith.extui %lt3A_173 : i1 to i32
        %cond3A_175 = arith.constant 0 : i32
        %cond3A_176 = arith.cmpi ne, %convert_element_type3A_174, %cond3A_175 : i32
        scf.if %cond3A_176 {
          %ge3A = arith.constant 1 : i32
          %ge3A_196 = arith.cmpi sge, %add3A_159, %ge3A : i32
          %convert_element_type3A_197 = arith.extui %ge3A_196 : i1 to i32
          %cond3A_198 = arith.constant 0 : i32
          %cond3A_199 = arith.cmpi ne, %convert_element_type3A_197, %cond3A_198 : i32
          scf.if %cond3A_199 {
            %sub3A = arith.constant 1 : i32
            %sub3A_208 = arith.subi %add3A_159, %sub3A : i32
            %dma_wait3A_209 = arith.constant 0 : i32
            %dma_wait3A_210 = tpu.memref_slice %arg7[%sub3A_208, %dma_wait3A_209] : memref<160x128xi32, #tpu.memory_space<vmem>> -> memref<1x128xi32, #tpu.memory_space<vmem>>
            %dma_wait3A_211 = tpu.memref_squeeze %dma_wait3A_210 : memref<1x128xi32, #tpu.memory_space<vmem>> -> memref<128xi32, #tpu.memory_space<vmem>>
            %dma_wait3A_212 = arith.constant 0 : i32
            %dma_wait3A_213 = arith.constant 0 : i32
            %dma_wait3A_214 = tpu.memref_slice %arg13[%dma_wait3A_212, %dma_wait3A_213] : memref<10240x32xf32, #tpu.memory_space<vmem_shared>> -> memref<10240x32xf32, #tpu.memory_space<vmem_shared>>
            tpu.wait_indirect_dma semaphore(%arg22 : memref<!tpu.dma_semaphore, #tpu.memory_space<semaphore_mem>>) src(%arg10 : memref<128x32xf32, #tpu.memory_space<vmem>>) dst(%dma_wait3A_214 : memref<10240x32xf32, #tpu.memory_space<vmem_shared>>)
          } else {
          }
          %add3A_200 = arith.constant 4 : i32
          %add3A_201 = arith.addi %add3A_159, %add3A_200 : i32
          %dma_start3A_202 = arith.constant 0 : i32
          %dma_start3A_203 = tpu.memref_slice %arg6[%add3A_201, %dma_start3A_202] : memref<160x128xi32, #tpu.memory_space<vmem>> -> memref<1x128xi32, #tpu.memory_space<vmem>>
          %dma_start3A_204 = tpu.memref_squeeze %dma_start3A_203 : memref<1x128xi32, #tpu.memory_space<vmem>> -> memref<128xi32, #tpu.memory_space<vmem>>
          %dma_start3A_205 = arith.constant 0 : i32
          %dma_start3A_206 = arith.constant 0 : i32
          %dma_start3A_207 = tpu.memref_slice %arg14[%dma_start3A_205, %dma_start3A_206] : memref<10240x32xf32, #tpu.memory_space<vmem_shared>> -> memref<10240x32xf32, #tpu.memory_space<vmem_shared>>
          tpu.enqueue_indirect_dma source(%dma_start3A_207 : memref<10240x32xf32, #tpu.memory_space<vmem_shared>>) target(%arg10 : memref<128x32xf32, #tpu.memory_space<vmem>>) offsets(%dma_start3A_204 : memref<128xi32, #tpu.memory_space<vmem>>) semaphore(%arg17 : memref<!tpu.dma_semaphore, #tpu.memory_space<semaphore_mem>>)
        } else {
        }
        %add3A_177 = arith.constant 4 : i32
        %add3A_178 = arith.addi %mul3A_103, %add3A_177 : i32
        %dma_wait3A_179 = arith.constant 0 : i32
        %dma_wait3A_180 = tpu.memref_slice %arg6[%add3A_178, %dma_wait3A_179] : memref<160x128xi32, #tpu.memory_space<vmem>> -> memref<1x128xi32, #tpu.memory_space<vmem>>
        %dma_wait3A_181 = tpu.memref_squeeze %dma_wait3A_180 : memref<1x128xi32, #tpu.memory_space<vmem>> -> memref<128xi32, #tpu.memory_space<vmem>>
        %dma_wait3A_182 = arith.constant 0 : i32
        %dma_wait3A_183 = arith.constant 0 : i32
        %dma_wait3A_184 = tpu.memref_slice %arg14[%dma_wait3A_182, %dma_wait3A_183] : memref<10240x32xf32, #tpu.memory_space<vmem_shared>> -> memref<10240x32xf32, #tpu.memory_space<vmem_shared>>
        tpu.wait_indirect_dma semaphore(%arg19 : memref<!tpu.dma_semaphore, #tpu.memory_space<semaphore_mem>>) src(%dma_wait3A_184 : memref<10240x32xf32, #tpu.memory_space<vmem_shared>>) dst(%arg12 : memref<128x32xf32, #tpu.memory_space<vmem>>)
        %dma_start3A_185 = arith.constant 0 : i32
        %dma_start3A_186 = tpu.memref_slice %arg7[%add3A_178, %dma_start3A_185] : memref<160x128xi32, #tpu.memory_space<vmem>> -> memref<1x128xi32, #tpu.memory_space<vmem>>
        %dma_start3A_187 = tpu.memref_squeeze %dma_start3A_186 : memref<1x128xi32, #tpu.memory_space<vmem>> -> memref<128xi32, #tpu.memory_space<vmem>>
        %dma_start3A_188 = arith.constant 0 : i32
        %dma_start3A_189 = arith.constant 0 : i32
        %dma_start3A_190 = tpu.memref_slice %arg13[%dma_start3A_188, %dma_start3A_189] : memref<10240x32xf32, #tpu.memory_space<vmem_shared>> -> memref<10240x32xf32, #tpu.memory_space<vmem_shared>>
        tpu.enqueue_indirect_dma source(%arg12 : memref<128x32xf32, #tpu.memory_space<vmem>>) target(%dma_start3A_190 : memref<10240x32xf32, #tpu.memory_space<vmem_shared>>) offsets(%dma_start3A_187 : memref<128xi32, #tpu.memory_space<vmem>>) semaphore(%arg24 : memref<!tpu.dma_semaphore, #tpu.memory_space<semaphore_mem>>) {add = true}
        %lt3A_191 = arith.constant 156 : i32
        %lt3A_192 = arith.cmpi slt, %add3A_178, %lt3A_191 : i32
        %convert_element_type3A_193 = arith.extui %lt3A_192 : i1 to i32
        %cond3A_194 = arith.constant 0 : i32
        %cond3A_195 = arith.cmpi ne, %convert_element_type3A_193, %cond3A_194 : i32
        scf.if %cond3A_195 {
          %ge3A = arith.constant 1 : i32
          %ge3A_196 = arith.cmpi sge, %add3A_178, %ge3A : i32
          %convert_element_type3A_197 = arith.extui %ge3A_196 : i1 to i32
          %cond3A_198 = arith.constant 0 : i32
          %cond3A_199 = arith.cmpi ne, %convert_element_type3A_197, %cond3A_198 : i32
          scf.if %cond3A_199 {
            %sub3A = arith.constant 1 : i32
            %sub3A_208 = arith.subi %add3A_178, %sub3A : i32
            %dma_wait3A_209 = arith.constant 0 : i32
            %dma_wait3A_210 = tpu.memref_slice %arg7[%sub3A_208, %dma_wait3A_209] : memref<160x128xi32, #tpu.memory_space<vmem>> -> memref<1x128xi32, #tpu.memory_space<vmem>>
            %dma_wait3A_211 = tpu.memref_squeeze %dma_wait3A_210 : memref<1x128xi32, #tpu.memory_space<vmem>> -> memref<128xi32, #tpu.memory_space<vmem>>
            %dma_wait3A_212 = arith.constant 0 : i32
            %dma_wait3A_213 = arith.constant 0 : i32
            %dma_wait3A_214 = tpu.memref_slice %arg13[%dma_wait3A_212, %dma_wait3A_213] : memref<10240x32xf32, #tpu.memory_space<vmem_shared>> -> memref<10240x32xf32, #tpu.memory_space<vmem_shared>>
            tpu.wait_indirect_dma semaphore(%arg23 : memref<!tpu.dma_semaphore, #tpu.memory_space<semaphore_mem>>) src(%arg11 : memref<128x32xf32, #tpu.memory_space<vmem>>) dst(%dma_wait3A_214 : memref<10240x32xf32, #tpu.memory_space<vmem_shared>>)
          } else {
          }
          %add3A_200 = arith.constant 4 : i32
          %add3A_201 = arith.addi %add3A_178, %add3A_200 : i32
          %dma_start3A_202 = arith.constant 0 : i32
          %dma_start3A_203 = tpu.memref_slice %arg6[%add3A_201, %dma_start3A_202] : memref<160x128xi32, #tpu.memory_space<vmem>> -> memref<1x128xi32, #tpu.memory_space<vmem>>
          %dma_start3A_204 = tpu.memref_squeeze %dma_start3A_203 : memref<1x128xi32, #tpu.memory_space<vmem>> -> memref<128xi32, #tpu.memory_space<vmem>>
          %dma_start3A_205 = arith.constant 0 : i32
          %dma_start3A_206 = arith.constant 0 : i32
          %dma_start3A_207 = tpu.memref_slice %arg14[%dma_start3A_205, %dma_start3A_206] : memref<10240x32xf32, #tpu.memory_space<vmem_shared>> -> memref<10240x32xf32, #tpu.memory_space<vmem_shared>>
          tpu.enqueue_indirect_dma source(%dma_start3A_207 : memref<10240x32xf32, #tpu.memory_space<vmem_shared>>) target(%arg11 : memref<128x32xf32, #tpu.memory_space<vmem>>) offsets(%dma_start3A_204 : memref<128xi32, #tpu.memory_space<vmem>>) semaphore(%arg18 : memref<!tpu.dma_semaphore, #tpu.memory_space<semaphore_mem>>)
        } else {
        }
      }
      %scan3A_60 = arith.constant 32 : i32
      %dma_wait3A = arith.constant 155 : i32
      %dma_wait3A_61 = arith.constant 0 : i32
      %dma_wait3A_62 = tpu.memref_slice %arg7[%dma_wait3A, %dma_wait3A_61] : memref<160x128xi32, #tpu.memory_space<vmem>> -> memref<1x128xi32, #tpu.memory_space<vmem>>
      %dma_wait3A_63 = tpu.memref_squeeze %dma_wait3A_62 : memref<1x128xi32, #tpu.memory_space<vmem>> -> memref<128xi32, #tpu.memory_space<vmem>>
      %dma_wait3A_64 = arith.constant 0 : i32
      %dma_wait3A_65 = arith.constant 0 : i32
      %dma_wait3A_66 = tpu.memref_slice %arg13[%dma_wait3A_64, %dma_wait3A_65] : memref<10240x32xf32, #tpu.memory_space<vmem_shared>> -> memref<10240x32xf32, #tpu.memory_space<vmem_shared>>
      tpu.wait_indirect_dma semaphore(%arg20 : memref<!tpu.dma_semaphore, #tpu.memory_space<semaphore_mem>>) src(%arg8 : memref<128x32xf32, #tpu.memory_space<vmem>>) dst(%dma_wait3A_66 : memref<10240x32xf32, #tpu.memory_space<vmem_shared>>)
      %dma_wait3A_67 = arith.constant 156 : i32
      %dma_wait3A_68 = arith.constant 0 : i32
      %dma_wait3A_69 = tpu.memref_slice %arg7[%dma_wait3A_67, %dma_wait3A_68] : memref<160x128xi32, #tpu.memory_space<vmem>> -> memref<1x128xi32, #tpu.memory_space<vmem>>
      %dma_wait3A_70 = tpu.memref_squeeze %dma_wait3A_69 : memref<1x128xi32, #tpu.memory_space<vmem>> -> memref<128xi32, #tpu.memory_space<vmem>>
      %dma_wait3A_71 = arith.constant 0 : i32
      %dma_wait3A_72 = arith.constant 0 : i32
      %dma_wait3A_73 = tpu.memref_slice %arg13[%dma_wait3A_71, %dma_wait3A_72] : memref<10240x32xf32, #tpu.memory_space<vmem_shared>> -> memref<10240x32xf32, #tpu.memory_space<vmem_shared>>
      tpu.wait_indirect_dma semaphore(%arg21 : memref<!tpu.dma_semaphore, #tpu.memory_space<semaphore_mem>>) src(%arg9 : memref<128x32xf32, #tpu.memory_space<vmem>>) dst(%dma_wait3A_73 : memref<10240x32xf32, #tpu.memory_space<vmem_shared>>)
      %dma_wait3A_74 = arith.constant 157 : i32
      %dma_wait3A_75 = arith.constant 0 : i32
      %dma_wait3A_76 = tpu.memref_slice %arg7[%dma_wait3A_74, %dma_wait3A_75] : memref<160x128xi32, #tpu.memory_space<vmem>> -> memref<1x128xi32, #tpu.memory_space<vmem>>
      %dma_wait3A_77 = tpu.memref_squeeze %dma_wait3A_76 : memref<1x128xi32, #tpu.memory_space<vmem>> -> memref<128xi32, #tpu.memory_space<vmem>>
      %dma_wait3A_78 = arith.constant 0 : i32
      %dma_wait3A_79 = arith.constant 0 : i32
      %dma_wait3A_80 = tpu.memref_slice %arg13[%dma_wait3A_78, %dma_wait3A_79] : memref<10240x32xf32, #tpu.memory_space<vmem_shared>> -> memref<10240x32xf32, #tpu.memory_space<vmem_shared>>
      tpu.wait_indirect_dma semaphore(%arg22 : memref<!tpu.dma_semaphore, #tpu.memory_space<semaphore_mem>>) src(%arg10 : memref<128x32xf32, #tpu.memory_space<vmem>>) dst(%dma_wait3A_80 : memref<10240x32xf32, #tpu.memory_space<vmem_shared>>)
      %dma_wait3A_81 = arith.constant 158 : i32
      %dma_wait3A_82 = arith.constant 0 : i32
      %dma_wait3A_83 = tpu.memref_slice %arg7[%dma_wait3A_81, %dma_wait3A_82] : memref<160x128xi32, #tpu.memory_space<vmem>> -> memref<1x128xi32, #tpu.memory_space<vmem>>
      %dma_wait3A_84 = tpu.memref_squeeze %dma_wait3A_83 : memref<1x128xi32, #tpu.memory_space<vmem>> -> memref<128xi32, #tpu.memory_space<vmem>>
      %dma_wait3A_85 = arith.constant 0 : i32
      %dma_wait3A_86 = arith.constant 0 : i32
      %dma_wait3A_87 = tpu.memref_slice %arg13[%dma_wait3A_85, %dma_wait3A_86] : memref<10240x32xf32, #tpu.memory_space<vmem_shared>> -> memref<10240x32xf32, #tpu.memory_space<vmem_shared>>
      tpu.wait_indirect_dma semaphore(%arg23 : memref<!tpu.dma_semaphore, #tpu.memory_space<semaphore_mem>>) src(%arg11 : memref<128x32xf32, #tpu.memory_space<vmem>>) dst(%dma_wait3A_87 : memref<10240x32xf32, #tpu.memory_space<vmem_shared>>)
      %dma_wait3A_88 = arith.constant 159 : i32
      %dma_wait3A_89 = arith.constant 0 : i32
      %dma_wait3A_90 = tpu.memref_slice %arg7[%dma_wait3A_88, %dma_wait3A_89] : memref<160x128xi32, #tpu.memory_space<vmem>> -> memref<1x128xi32, #tpu.memory_space<vmem>>
      %dma_wait3A_91 = tpu.memref_squeeze %dma_wait3A_90 : memref<1x128xi32, #tpu.memory_space<vmem>> -> memref<128xi32, #tpu.memory_space<vmem>>
      %dma_wait3A_92 = arith.constant 0 : i32
      %dma_wait3A_93 = arith.constant 0 : i32
      %dma_wait3A_94 = tpu.memref_slice %arg13[%dma_wait3A_92, %dma_wait3A_93] : memref<10240x32xf32, #tpu.memory_space<vmem_shared>> -> memref<10240x32xf32, #tpu.memory_space<vmem_shared>>
      tpu.wait_indirect_dma semaphore(%arg24 : memref<!tpu.dma_semaphore, #tpu.memory_space<semaphore_mem>>) src(%arg12 : memref<128x32xf32, #tpu.memory_space<vmem>>) dst(%dma_wait3A_94 : memref<10240x32xf32, #tpu.memory_space<vmem_shared>>)
      %barrier3A_95 = arith.constant 0 : index
      tpu.barrier barrier_id(%barrier3A_95)
      %mul3A_96 = arith.constant 640 : i32
      %mul3A_97 = arith.muli %arg1, %mul3A_96 : i32
      %mul3A_98 = arith.constant 640 : i32
      %mul3A_99 = arith.muli %arg1, %mul3A_98 : i32
      "tpu.region"() ({
        %run_scoped3A = tpu.sem_alloc : memref<!tpu.dma_semaphore, #tpu.memory_space<semaphore_mem>>
        %dma_start3A_101 = arith.constant 0 : i32
        %dma_start3A_102 = arith.constant 0 : i32
        %dma_start3A_103 = tpu.memref_slice %arg5[%add3A_11, %dma_start3A_101, %dma_start3A_102] : memref<16x10240x32xf32, #tpu.memory_space<hbm>> -> memref<1x10240x32xf32, #tpu.memory_space<hbm>>
        %dma_start3A_104 = tpu.memref_squeeze %dma_start3A_103 : memref<1x10240x32xf32, #tpu.memory_space<hbm>> -> memref<10240x32xf32, #tpu.memory_space<hbm>>
        %dma_start3A_105 = arith.constant 0 : i32
        %dma_start3A_106 = tpu.memref_slice %dma_start3A_104[%mul3A_99, %dma_start3A_105] : memref<10240x32xf32, #tpu.memory_space<hbm>> -> memref<640x32xf32, #tpu.memory_space<hbm>>
        %dma_start3A_107 = arith.constant 0 : i32
        %dma_start3A_108 = tpu.memref_slice %arg13[%mul3A_97, %dma_start3A_107] : memref<10240x32xf32, #tpu.memory_space<vmem_shared>> -> memref<640x32xf32, #tpu.memory_space<vmem_shared>>
        tpu.enqueue_dma source(%dma_start3A_108 : memref<640x32xf32, #tpu.memory_space<vmem_shared>>) target(%dma_start3A_106 : memref<640x32xf32, #tpu.memory_space<hbm>>) target_semaphore(%run_scoped3A : memref<!tpu.dma_semaphore, #tpu.memory_space<semaphore_mem>>)
        %dma_wait3A_109 = arith.constant 0 : i32
        %dma_wait3A_110 = arith.constant 0 : i32
        %dma_wait3A_111 = tpu.memref_slice %arg5[%add3A_11, %dma_wait3A_109, %dma_wait3A_110] : memref<16x10240x32xf32, #tpu.memory_space<hbm>> -> memref<1x10240x32xf32, #tpu.memory_space<hbm>>
        %dma_wait3A_112 = tpu.memref_squeeze %dma_wait3A_111 : memref<1x10240x32xf32, #tpu.memory_space<hbm>> -> memref<10240x32xf32, #tpu.memory_space<hbm>>
        %dma_wait3A_113 = arith.constant 0 : i32
        %dma_wait3A_114 = tpu.memref_slice %dma_wait3A_112[%mul3A_99, %dma_wait3A_113] : memref<10240x32xf32, #tpu.memory_space<hbm>> -> memref<640x32xf32, #tpu.memory_space<hbm>>
        %dma_wait3A_115 = arith.constant 0 : i32
        %dma_wait3A_116 = tpu.memref_slice %arg13[%mul3A_97, %dma_wait3A_115] : memref<10240x32xf32, #tpu.memory_space<vmem_shared>> -> memref<640x32xf32, #tpu.memory_space<vmem_shared>>
        tpu.wait_dma2 semaphore(%run_scoped3A : memref<!tpu.dma_semaphore, #tpu.memory_space<semaphore_mem>>) src(%dma_wait3A_116 : memref<640x32xf32, #tpu.memory_space<vmem_shared>>) dst(%dma_wait3A_114 : memref<640x32xf32, #tpu.memory_space<hbm>>)
        tpu.yield
      }) : () -> ()
      %barrier3A_100 = arith.constant 0 : index
      tpu.barrier barrier_id(%barrier3A_100)
    }
    %scan3A_7 = arith.constant 8 : i32
    return
  }
}

module attributes {stable_mosaic.version = 14 : i64} {
  func.func @body(%arg0: i32, %arg1: memref<512x128xf32, #tpu.memory_space<vmem>>, %arg2: memref<128x128xf32, #tpu.memory_space<vmem>>, %arg3: memref<1x128xf32, #tpu.memory_space<vmem>>, %arg4: memref<512x16xf32, #tpu.memory_space<vmem>>, %arg5: memref<512x16xf32, #tpu.memory_space<vmem>>, %arg6: memref<512x128xf32, #tpu.memory_space<vmem>>, %arg7: memref<2x4x512x32xf32, #tpu.memory_space<vmem>>, %arg8: memref<512x16xf32, #tpu.memory_space<vmem>>, %arg9: memref<512x16xf32, #tpu.memory_space<vmem>>) attributes {dimension_semantics = [#tpu.dimension_semantics<arbitrary>], iteration_bounds = array<i64: 20>, scalar_prefetch = 0 : i64, scratch_operands = 0 : i64, tpu.core_type = #tpu.core_type<tc>, window_params = [{transform_indices = @transform_0, window_bounds = array<i64: 512, 128>}, {pipeline_mode = #tpu.pipeline_mode<synchronous>, transform_indices = @transform_1, window_bounds = array<i64: 128, 128>}, {pipeline_mode = #tpu.pipeline_mode<synchronous>, transform_indices = @transform_2, window_bounds = array<i64: 1, 128>}, {transform_indices = @transform_3, window_bounds = array<i64: 512, 16>}, {transform_indices = @transform_4, window_bounds = array<i64: 512, 16>}, {transform_indices = @transform_5, window_bounds = array<i64: 512, 128>}, {transform_indices = @transform_6, window_bounds = array<i64: 2, 4, 512, 32>}, {transform_indices = @transform_7, window_bounds = array<i64: 512, 16>}, {transform_indices = @transform_8, window_bounds = array<i64: 512, 16>}]} {
    %get3A = arith.constant 0 : index
    %get3A_0 = arith.constant 0 : index
    %get3A_1 = vector.load %arg1[%get3A, %get3A_0] : memref<512x128xf32, #tpu.memory_space<vmem>>, vector<512x128xf32>
    %get3A_2 = arith.constant 0 : index
    %get3A_3 = arith.constant 0 : index
    %get3A_4 = vector.load %arg2[%get3A_2, %get3A_3] : memref<128x128xf32, #tpu.memory_space<vmem>>, vector<128x128xf32>
    %dot_general3A = arith.constant dense<0.000000e+00> : vector<512x128xf32>
    %dot_general3A_5 = tpu.matmul %get3A_1, %get3A_4, %dot_general3A {dimension_numbers = #tpu.dot_dimension_numbers<[1], [0], [0], [1], [0, 0, 1, 1], [], []>, transpose_lhs_hint = false} : vector<512x128xf32>, vector<128x128xf32>, vector<512x128xf32> -> vector<512x128xf32>
    %get3A_6 = arith.constant 0 : index
    %get3A_7 = arith.constant 0 : index
    %get3A_8 = vector.load %arg3[%get3A_6, %get3A_7] : memref<1x128xf32, #tpu.memory_space<vmem>>, vector<1x128xf32>
    %add3A = vector.broadcast %get3A_8 : vector<1x128xf32> to vector<512x128xf32>
    %add3A_9 = arith.addf %dot_general3A_5, %add3A : vector<512x128xf32>
    %max3A = arith.constant 0.000000e+00 : f32
    %max3A_10 = vector.broadcast %max3A : f32 to vector<512x128xf32>
    %max3A_11 = arith.maximumf %add3A_9, %max3A_10 : vector<512x128xf32>
    %mul3A = arith.constant 512 : i32
    %mul3A_12 = arith.muli %arg0, %mul3A : i32
    %iota3A = tpu.iota {dimensions = array<i32: 0>} : vector<512x16xi32>
    %add3A_13 = vector.broadcast %mul3A_12 : i32 to vector<512x16xi32>
    %add3A_14 = arith.addi %add3A_13, %iota3A : vector<512x16xi32>
    %lt3A = arith.constant 10000 : i32
    %lt3A_15 = vector.broadcast %lt3A : i32 to vector<512x16xi32>
    %lt3A_16 = arith.cmpi slt, %add3A_14, %lt3A_15 : vector<512x16xi32>
    %get3A_17 = arith.constant 0 : index
    %get3A_18 = arith.constant 0 : index
    %get3A_19 = vector.load %arg4[%get3A_17, %get3A_18] : memref<512x16xf32, #tpu.memory_space<vmem>>, vector<512x16xf32>
    %get3A_20 = arith.constant 0 : index
    %get3A_21 = arith.constant 0 : index
    %get3A_22 = vector.load %arg5[%get3A_20, %get3A_21] : memref<512x16xf32, #tpu.memory_space<vmem>>, vector<512x16xf32>
    %gt3A = arith.constant 0.000000e+00 : f32
    %gt3A_23 = vector.broadcast %gt3A : f32 to vector<512x16xf32>
    %gt3A_24 = arith.cmpf ogt, %get3A_19, %gt3A_23 : vector<512x16xf32>
    %and3A = arith.andi %gt3A_24, %lt3A_16 : vector<512x16xi1>
    %rsqrt3A = math.rsqrt %get3A_19 : vector<512x16xf32>
    %jit3A = arith.constant 0.000000e+00 : f32
    %broadcast_in_dim3A = vector.broadcast %jit3A : f32 to vector<512x16xf32>
    %select_n3A = arith.select %and3A, %rsqrt3A, %broadcast_in_dim3A : vector<512x16xi1>, vector<512x16xf32>
    %gt3A_25 = arith.constant 0.000000e+00 : f32
    %gt3A_26 = vector.broadcast %gt3A_25 : f32 to vector<512x16xf32>
    %gt3A_27 = arith.cmpf ogt, %get3A_22, %gt3A_26 : vector<512x16xf32>
    %and3A_28 = arith.andi %gt3A_27, %lt3A_16 : vector<512x16xi1>
    %rsqrt3A_29 = math.rsqrt %get3A_22 : vector<512x16xf32>
    %jit3A_30 = arith.constant 0.000000e+00 : f32
    %broadcast_in_dim3A_31 = vector.broadcast %jit3A_30 : f32 to vector<512x16xf32>
    %select_n3A_32 = arith.select %and3A_28, %rsqrt3A_29, %broadcast_in_dim3A_31 : vector<512x16xi1>, vector<512x16xf32>
    %swap3A = arith.constant 0 : index
    %swap3A_33 = arith.constant 0 : index
    %swap3A_34 = vector.load %arg6[%swap3A, %swap3A_33] : memref<512x128xf32, #tpu.memory_space<vmem>>, vector<512x128xf32>
    tpu.vector_store %arg6[%swap3A, %swap3A_33], %max3A_11 {strides = array<i32>} : memref<512x128xf32, #tpu.memory_space<vmem>>, vector<512x128xf32>,
    %swap3A_35 = arith.constant 0 : index
    %swap3A_36 = arith.constant 0 : index
    %swap3A_37 = vector.load %arg8[%swap3A_35, %swap3A_36] : memref<512x16xf32, #tpu.memory_space<vmem>>, vector<512x16xf32>
    tpu.vector_store %arg8[%swap3A_35, %swap3A_36], %select_n3A {strides = array<i32>} : memref<512x16xf32, #tpu.memory_space<vmem>>, vector<512x16xf32>,
    %swap3A_38 = arith.constant 0 : index
    %swap3A_39 = arith.constant 0 : index
    %swap3A_40 = vector.load %arg9[%swap3A_38, %swap3A_39] : memref<512x16xf32, #tpu.memory_space<vmem>>, vector<512x16xf32>
    tpu.vector_store %arg9[%swap3A_38, %swap3A_39], %select_n3A_32 {strides = array<i32>} : memref<512x16xf32, #tpu.memory_space<vmem>>, vector<512x16xf32>,
    %slice3A = vector.extract_strided_slice %select_n3A {offsets = [0, 0], sizes = [512, 1], strides = [1, 1]} : vector<512x16xf32> to vector<512x1xf32>
    %slice3A_41 = vector.extract_strided_slice %select_n3A_32 {offsets = [0, 0], sizes = [512, 1], strides = [1, 1]} : vector<512x16xf32> to vector<512x1xf32>
    %slice3A_42 = vector.extract_strided_slice %max3A_11 {offsets = [0, 0], sizes = [512, 32], strides = [1, 1]} : vector<512x128xf32> to vector<512x32xf32>
    %mul3A_43 = vector.broadcast %slice3A : vector<512x1xf32> to vector<512x32xf32>
    %mul3A_44 = arith.mulf %slice3A_42, %mul3A_43 : vector<512x32xf32>
    %swap3A_45 = arith.constant 0 : index
    %swap3A_46 = arith.constant 0 : index
    %swap3A_47 = arith.constant 0 : index
    %swap3A_48 = arith.constant 0 : index
    %swap3A_49 = vector.load %arg7[%swap3A_45, %swap3A_46, %swap3A_47, %swap3A_48] : memref<2x4x512x32xf32, #tpu.memory_space<vmem>>, vector<1x1x512x32xf32>
    %swap3A_50 = vector.shape_cast %swap3A_49 : vector<1x1x512x32xf32> to vector<512x32xf32>
    %swap3A_51 = vector.shape_cast %mul3A_44 : vector<512x32xf32> to vector<1x1x512x32xf32>
    tpu.vector_store %arg7[%swap3A_45, %swap3A_46, %swap3A_47, %swap3A_48], %swap3A_51 {strides = array<i32>} : memref<2x4x512x32xf32, #tpu.memory_space<vmem>>, vector<1x1x512x32xf32>,
    %slice3A_52 = vector.extract_strided_slice %max3A_11 {offsets = [0, 0], sizes = [512, 32], strides = [1, 1]} : vector<512x128xf32> to vector<512x32xf32>
    %mul3A_53 = vector.broadcast %slice3A_41 : vector<512x1xf32> to vector<512x32xf32>
    %mul3A_54 = arith.mulf %slice3A_52, %mul3A_53 : vector<512x32xf32>
    %swap3A_55 = arith.constant 1 : index
    %swap3A_56 = arith.constant 0 : index
    %swap3A_57 = arith.constant 0 : index
    %swap3A_58 = arith.constant 0 : index
    %swap3A_59 = vector.load %arg7[%swap3A_55, %swap3A_56, %swap3A_57, %swap3A_58] : memref<2x4x512x32xf32, #tpu.memory_space<vmem>>, vector<1x1x512x32xf32>
    %swap3A_60 = vector.shape_cast %swap3A_59 : vector<1x1x512x32xf32> to vector<512x32xf32>
    %swap3A_61 = vector.shape_cast %mul3A_54 : vector<512x32xf32> to vector<1x1x512x32xf32>
    tpu.vector_store %arg7[%swap3A_55, %swap3A_56, %swap3A_57, %swap3A_58], %swap3A_61 {strides = array<i32>} : memref<2x4x512x32xf32, #tpu.memory_space<vmem>>, vector<1x1x512x32xf32>,
    %slice3A_62 = vector.extract_strided_slice %max3A_11 {offsets = [0, 32], sizes = [512, 32], strides = [1, 1]} : vector<512x128xf32> to vector<512x32xf32>
    %mul3A_63 = vector.broadcast %slice3A : vector<512x1xf32> to vector<512x32xf32>
    %mul3A_64 = arith.mulf %slice3A_62, %mul3A_63 : vector<512x32xf32>
    %swap3A_65 = arith.constant 0 : index
    %swap3A_66 = arith.constant 1 : index
    %swap3A_67 = arith.constant 0 : index
    %swap3A_68 = arith.constant 0 : index
    %swap3A_69 = vector.load %arg7[%swap3A_65, %swap3A_66, %swap3A_67, %swap3A_68] : memref<2x4x512x32xf32, #tpu.memory_space<vmem>>, vector<1x1x512x32xf32>
    %swap3A_70 = vector.shape_cast %swap3A_69 : vector<1x1x512x32xf32> to vector<512x32xf32>
    %swap3A_71 = vector.shape_cast %mul3A_64 : vector<512x32xf32> to vector<1x1x512x32xf32>
    tpu.vector_store %arg7[%swap3A_65, %swap3A_66, %swap3A_67, %swap3A_68], %swap3A_71 {strides = array<i32>} : memref<2x4x512x32xf32, #tpu.memory_space<vmem>>, vector<1x1x512x32xf32>,
    %slice3A_72 = vector.extract_strided_slice %max3A_11 {offsets = [0, 32], sizes = [512, 32], strides = [1, 1]} : vector<512x128xf32> to vector<512x32xf32>
    %mul3A_73 = vector.broadcast %slice3A_41 : vector<512x1xf32> to vector<512x32xf32>
    %mul3A_74 = arith.mulf %slice3A_72, %mul3A_73 : vector<512x32xf32>
    %swap3A_75 = arith.constant 1 : index
    %swap3A_76 = arith.constant 1 : index
    %swap3A_77 = arith.constant 0 : index
    %swap3A_78 = arith.constant 0 : index
    %swap3A_79 = vector.load %arg7[%swap3A_75, %swap3A_76, %swap3A_77, %swap3A_78] : memref<2x4x512x32xf32, #tpu.memory_space<vmem>>, vector<1x1x512x32xf32>
    %swap3A_80 = vector.shape_cast %swap3A_79 : vector<1x1x512x32xf32> to vector<512x32xf32>
    %swap3A_81 = vector.shape_cast %mul3A_74 : vector<512x32xf32> to vector<1x1x512x32xf32>
    tpu.vector_store %arg7[%swap3A_75, %swap3A_76, %swap3A_77, %swap3A_78], %swap3A_81 {strides = array<i32>} : memref<2x4x512x32xf32, #tpu.memory_space<vmem>>, vector<1x1x512x32xf32>,
    %slice3A_82 = vector.extract_strided_slice %max3A_11 {offsets = [0, 64], sizes = [512, 32], strides = [1, 1]} : vector<512x128xf32> to vector<512x32xf32>
    %mul3A_83 = vector.broadcast %slice3A : vector<512x1xf32> to vector<512x32xf32>
    %mul3A_84 = arith.mulf %slice3A_82, %mul3A_83 : vector<512x32xf32>
    %swap3A_85 = arith.constant 0 : index
    %swap3A_86 = arith.constant 2 : index
    %swap3A_87 = arith.constant 0 : index
    %swap3A_88 = arith.constant 0 : index
    %swap3A_89 = vector.load %arg7[%swap3A_85, %swap3A_86, %swap3A_87, %swap3A_88] : memref<2x4x512x32xf32, #tpu.memory_space<vmem>>, vector<1x1x512x32xf32>
    %swap3A_90 = vector.shape_cast %swap3A_89 : vector<1x1x512x32xf32> to vector<512x32xf32>
    %swap3A_91 = vector.shape_cast %mul3A_84 : vector<512x32xf32> to vector<1x1x512x32xf32>
    tpu.vector_store %arg7[%swap3A_85, %swap3A_86, %swap3A_87, %swap3A_88], %swap3A_91 {strides = array<i32>} : memref<2x4x512x32xf32, #tpu.memory_space<vmem>>, vector<1x1x512x32xf32>,
    %slice3A_92 = vector.extract_strided_slice %max3A_11 {offsets = [0, 64], sizes = [512, 32], strides = [1, 1]} : vector<512x128xf32> to vector<512x32xf32>
    %mul3A_93 = vector.broadcast %slice3A_41 : vector<512x1xf32> to vector<512x32xf32>
    %mul3A_94 = arith.mulf %slice3A_92, %mul3A_93 : vector<512x32xf32>
    %swap3A_95 = arith.constant 1 : index
    %swap3A_96 = arith.constant 2 : index
    %swap3A_97 = arith.constant 0 : index
    %swap3A_98 = arith.constant 0 : index
    %swap3A_99 = vector.load %arg7[%swap3A_95, %swap3A_96, %swap3A_97, %swap3A_98] : memref<2x4x512x32xf32, #tpu.memory_space<vmem>>, vector<1x1x512x32xf32>
    %swap3A_100 = vector.shape_cast %swap3A_99 : vector<1x1x512x32xf32> to vector<512x32xf32>
    %swap3A_101 = vector.shape_cast %mul3A_94 : vector<512x32xf32> to vector<1x1x512x32xf32>
    tpu.vector_store %arg7[%swap3A_95, %swap3A_96, %swap3A_97, %swap3A_98], %swap3A_101 {strides = array<i32>} : memref<2x4x512x32xf32, #tpu.memory_space<vmem>>, vector<1x1x512x32xf32>,
    %slice3A_102 = vector.extract_strided_slice %max3A_11 {offsets = [0, 96], sizes = [512, 32], strides = [1, 1]} : vector<512x128xf32> to vector<512x32xf32>
    %mul3A_103 = vector.broadcast %slice3A : vector<512x1xf32> to vector<512x32xf32>
    %mul3A_104 = arith.mulf %slice3A_102, %mul3A_103 : vector<512x32xf32>
    %swap3A_105 = arith.constant 0 : index
    %swap3A_106 = arith.constant 3 : index
    %swap3A_107 = arith.constant 0 : index
    %swap3A_108 = arith.constant 0 : index
    %swap3A_109 = vector.load %arg7[%swap3A_105, %swap3A_106, %swap3A_107, %swap3A_108] : memref<2x4x512x32xf32, #tpu.memory_space<vmem>>, vector<1x1x512x32xf32>
    %swap3A_110 = vector.shape_cast %swap3A_109 : vector<1x1x512x32xf32> to vector<512x32xf32>
    %swap3A_111 = vector.shape_cast %mul3A_104 : vector<512x32xf32> to vector<1x1x512x32xf32>
    tpu.vector_store %arg7[%swap3A_105, %swap3A_106, %swap3A_107, %swap3A_108], %swap3A_111 {strides = array<i32>} : memref<2x4x512x32xf32, #tpu.memory_space<vmem>>, vector<1x1x512x32xf32>,
    %slice3A_112 = vector.extract_strided_slice %max3A_11 {offsets = [0, 96], sizes = [512, 32], strides = [1, 1]} : vector<512x128xf32> to vector<512x32xf32>
    %mul3A_113 = vector.broadcast %slice3A_41 : vector<512x1xf32> to vector<512x32xf32>
    %mul3A_114 = arith.mulf %slice3A_112, %mul3A_113 : vector<512x32xf32>
    %swap3A_115 = arith.constant 1 : index
    %swap3A_116 = arith.constant 3 : index
    %swap3A_117 = arith.constant 0 : index
    %swap3A_118 = arith.constant 0 : index
    %swap3A_119 = vector.load %arg7[%swap3A_115, %swap3A_116, %swap3A_117, %swap3A_118] : memref<2x4x512x32xf32, #tpu.memory_space<vmem>>, vector<1x1x512x32xf32>
    %swap3A_120 = vector.shape_cast %swap3A_119 : vector<1x1x512x32xf32> to vector<512x32xf32>
    %swap3A_121 = vector.shape_cast %mul3A_114 : vector<512x32xf32> to vector<1x1x512x32xf32>
    tpu.vector_store %arg7[%swap3A_115, %swap3A_116, %swap3A_117, %swap3A_118], %swap3A_121 {strides = array<i32>} : memref<2x4x512x32xf32, #tpu.memory_space<vmem>>, vector<1x1x512x32xf32>,
    return
  }
  func.func @transform_0(%arg0: i32) -> (i32, i32) {
    %c0_i32 = arith.constant 0 : i32
    %c0_i32_0 = arith.constant 0 : i32
    return %arg0, %c0_i32 : i32, i32
  }
  func.func @transform_1(%arg0: i32) -> (i32, i32) {
    %c0_i32 = arith.constant 0 : i32
    %c0_i32_0 = arith.constant 0 : i32
    %c0_i32_1 = arith.constant 0 : i32
    return %c0_i32, %c0_i32_0 : i32, i32
  }
  func.func @transform_2(%arg0: i32) -> (i32, i32) {
    %c0_i32 = arith.constant 0 : i32
    %c0_i32_0 = arith.constant 0 : i32
    %c0_i32_1 = arith.constant 0 : i32
    return %c0_i32, %c0_i32_0 : i32, i32
  }
  func.func @transform_3(%arg0: i32) -> (i32, i32) {
    %c0_i32 = arith.constant 0 : i32
    %c0_i32_0 = arith.constant 0 : i32
    return %arg0, %c0_i32 : i32, i32
  }
  func.func @transform_4(%arg0: i32) -> (i32, i32) {
    %c0_i32 = arith.constant 0 : i32
    %c0_i32_0 = arith.constant 0 : i32
    return %arg0, %c0_i32 : i32, i32
  }
  func.func @transform_5(%arg0: i32) -> (i32, i32) {
    %c0_i32 = arith.constant 0 : i32
    %c0_i32_0 = arith.constant 0 : i32
    return %arg0, %c0_i32 : i32, i32
  }
  func.func @transform_6(%arg0: i32) -> (i32, i32, i32, i32) {
    %c0_i32 = arith.constant 0 : i32
    %c0_i32_0 = arith.constant 0 : i32
    %c0_i32_1 = arith.constant 0 : i32
    %c0_i32_2 = arith.constant 0 : i32
    return %c0_i32, %c0_i32_0, %arg0, %c0_i32_1 : i32, i32, i32, i32
  }
  func.func @transform_7(%arg0: i32) -> (i32, i32) {
    %c0_i32 = arith.constant 0 : i32
    %c0_i32_0 = arith.constant 0 : i32
    return %arg0, %c0_i32 : i32, i32
  }
  func.func @transform_8(%arg0: i32) -> (i32, i32) {
    %c0_i32 = arith.constant 0 : i32
    %c0_i32_0 = arith.constant 0 : i32
    return %arg0, %c0_i32 : i32, i32
  }
}

module attributes {stable_mosaic.version = 14 : i64} {
  func.func @body(%arg0: i32, %arg1: i32, %arg2: memref<4x512x32xf32, #tpu.memory_space<vmem>>, %arg3: memref<512x16xf32, #tpu.memory_space<vmem>>, %arg4: memref<512x16xf32, #tpu.memory_space<vmem>>, %arg5: memref<1x1x128xf32, #tpu.memory_space<vmem>>, %arg6: memref<1x1x128xf32, #tpu.memory_space<vmem>>, %arg7: memref<2x4x512x32xf32, #tpu.memory_space<vmem>>) attributes {dimension_semantics = [#tpu.dimension_semantics<arbitrary>, #tpu.dimension_semantics<arbitrary>], iteration_bounds = array<i64: 2, 20>, scalar_prefetch = 0 : i64, scratch_operands = 0 : i64, tpu.core_type = #tpu.core_type<tc>, window_params = [{transform_indices = @transform_0, window_bounds = array<i64: 4, 512, 32>}, {transform_indices = @transform_1, window_bounds = array<i64: 512, 16>}, {transform_indices = @transform_2, window_bounds = array<i64: 512, 16>}, {transform_indices = @transform_3, window_bounds = array<i64: 1, 1, 128>}, {transform_indices = @transform_4, window_bounds = array<i64: 1, 1, 128>}, {transform_indices = @transform_5, window_bounds = array<i64: 2, 4, 512, 32>}]} {
    %get3A = arith.constant 0 : index
    %get3A_0 = arith.constant 0 : index
    %get3A_1 = arith.constant 0 : index
    %get3A_2 = vector.load %arg2[%get3A, %get3A_0, %get3A_1] : memref<4x512x32xf32, #tpu.memory_space<vmem>>, vector<1x512x32xf32>
    %get3A_3 = vector.shape_cast %get3A_2 : vector<1x512x32xf32> to vector<512x32xf32>
    %get3A_4 = arith.constant 1 : index
    %get3A_5 = arith.constant 0 : index
    %get3A_6 = arith.constant 0 : index
    %get3A_7 = vector.load %arg2[%get3A_4, %get3A_5, %get3A_6] : memref<4x512x32xf32, #tpu.memory_space<vmem>>, vector<1x512x32xf32>
    %get3A_8 = vector.shape_cast %get3A_7 : vector<1x512x32xf32> to vector<512x32xf32>
    %get3A_9 = arith.constant 2 : index
    %get3A_10 = arith.constant 0 : index
    %get3A_11 = arith.constant 0 : index
    %get3A_12 = vector.load %arg2[%get3A_9, %get3A_10, %get3A_11] : memref<4x512x32xf32, #tpu.memory_space<vmem>>, vector<1x512x32xf32>
    %get3A_13 = vector.shape_cast %get3A_12 : vector<1x512x32xf32> to vector<512x32xf32>
    %get3A_14 = arith.constant 3 : index
    %get3A_15 = arith.constant 0 : index
    %get3A_16 = arith.constant 0 : index
    %get3A_17 = vector.load %arg2[%get3A_14, %get3A_15, %get3A_16] : memref<4x512x32xf32, #tpu.memory_space<vmem>>, vector<1x512x32xf32>
    %get3A_18 = vector.shape_cast %get3A_17 : vector<1x512x32xf32> to vector<512x32xf32>
    %concatenate3A = tpu.concatenate %get3A_3, %get3A_8, %get3A_13, %get3A_18 in 1 : vector<512x32xf32>, vector<512x32xf32>, vector<512x32xf32>, vector<512x32xf32> -> vector<512x128xf32>
    %get3A_19 = arith.constant 0 : index
    %get3A_20 = arith.constant 0 : index
    %get3A_21 = vector.load %arg3[%get3A_19, %get3A_20] : memref<512x16xf32, #tpu.memory_space<vmem>>, vector<512x16xf32>
    %slice3A = vector.extract_strided_slice %get3A_21 {offsets = [0, 0], sizes = [512, 1], strides = [1, 1]} : vector<512x16xf32> to vector<512x1xf32>
    %get3A_22 = arith.constant 0 : index
    %get3A_23 = arith.constant 0 : index
    %get3A_24 = vector.load %arg4[%get3A_22, %get3A_23] : memref<512x16xf32, #tpu.memory_space<vmem>>, vector<512x16xf32>
    %slice3A_25 = vector.extract_strided_slice %get3A_24 {offsets = [0, 0], sizes = [512, 1], strides = [1, 1]} : vector<512x16xf32> to vector<512x1xf32>
    %mul3A = arith.constant 2 : i32
    %mul3A_26 = arith.muli %mul3A, %arg0 : i32
    %lt3A = arith.constant 2 : i32
    %lt3A_27 = arith.cmpi slt, %mul3A_26, %lt3A : i32
    %select_n3A = arith.select %lt3A_27, %slice3A, %slice3A_25 : vector<512x1xf32>
    %mul3A_28 = vector.broadcast %select_n3A : vector<512x1xf32> to vector<512x128xf32>
    %mul3A_29 = arith.mulf %concatenate3A, %mul3A_28 : vector<512x128xf32>
    %get3A_30 = arith.constant 0 : index
    %get3A_31 = arith.constant 0 : index
    %get3A_32 = arith.constant 0 : index
    %get3A_33 = vector.load %arg5[%get3A_30, %get3A_31, %get3A_32] : memref<1x1x128xf32, #tpu.memory_space<vmem>>, vector<1x1x128xf32>
    %get3A_34 = vector.shape_cast %get3A_33 : vector<1x1x128xf32> to vector<128xf32>
    %mul3A_35 = arith.constant 0.999994993 : f32
    %mul3A_36 = vector.broadcast %mul3A_35 : f32 to vector<128xf32>
    %mul3A_37 = arith.mulf %get3A_34, %mul3A_36 : vector<128xf32>
    %broadcast_in_dim3A = vector.shape_cast %mul3A_37 : vector<128xf32> to vector<1x128xf32>
    %mul3A_38 = vector.broadcast %broadcast_in_dim3A : vector<1x128xf32> to vector<512x128xf32>
    %mul3A_39 = arith.mulf %mul3A_29, %mul3A_38 : vector<512x128xf32>
    %get3A_40 = arith.constant 0 : index
    %get3A_41 = arith.constant 0 : index
    %get3A_42 = arith.constant 0 : index
    %get3A_43 = vector.load %arg6[%get3A_40, %get3A_41, %get3A_42] : memref<1x1x128xf32, #tpu.memory_space<vmem>>, vector<1x1x128xf32>
    %get3A_44 = vector.shape_cast %get3A_43 : vector<1x1x128xf32> to vector<128xf32>
    %broadcast_in_dim3A_45 = vector.shape_cast %get3A_44 : vector<128xf32> to vector<1x128xf32>
    %add3A = vector.broadcast %broadcast_in_dim3A_45 : vector<1x128xf32> to vector<512x128xf32>
    %add3A_46 = arith.addf %mul3A_39, %add3A : vector<512x128xf32>
    %slice3A_47 = vector.extract_strided_slice %add3A_46 {offsets = [0, 0], sizes = [512, 32], strides = [1, 1]} : vector<512x128xf32> to vector<512x32xf32>
    %mul3A_48 = vector.broadcast %slice3A : vector<512x1xf32> to vector<512x32xf32>
    %mul3A_49 = arith.mulf %slice3A_47, %mul3A_48 : vector<512x32xf32>
    %swap3A = arith.constant 0 : index
    %swap3A_50 = arith.constant 0 : index
    %swap3A_51 = arith.constant 0 : index
    %swap3A_52 = arith.constant 0 : index
    %swap3A_53 = vector.load %arg7[%swap3A, %swap3A_50, %swap3A_51, %swap3A_52] : memref<2x4x512x32xf32, #tpu.memory_space<vmem>>, vector<1x1x512x32xf32>
    %swap3A_54 = vector.shape_cast %swap3A_53 : vector<1x1x512x32xf32> to vector<512x32xf32>
    %swap3A_55 = vector.shape_cast %mul3A_49 : vector<512x32xf32> to vector<1x1x512x32xf32>
    tpu.vector_store %arg7[%swap3A, %swap3A_50, %swap3A_51, %swap3A_52], %swap3A_55 {strides = array<i32>} : memref<2x4x512x32xf32, #tpu.memory_space<vmem>>, vector<1x1x512x32xf32>,
    %slice3A_56 = vector.extract_strided_slice %add3A_46 {offsets = [0, 0], sizes = [512, 32], strides = [1, 1]} : vector<512x128xf32> to vector<512x32xf32>
    %mul3A_57 = vector.broadcast %slice3A_25 : vector<512x1xf32> to vector<512x32xf32>
    %mul3A_58 = arith.mulf %slice3A_56, %mul3A_57 : vector<512x32xf32>
    %swap3A_59 = arith.constant 1 : index
    %swap3A_60 = arith.constant 0 : index
    %swap3A_61 = arith.constant 0 : index
    %swap3A_62 = arith.constant 0 : index
    %swap3A_63 = vector.load %arg7[%swap3A_59, %swap3A_60, %swap3A_61, %swap3A_62] : memref<2x4x512x32xf32, #tpu.memory_space<vmem>>, vector<1x1x512x32xf32>
    %swap3A_64 = vector.shape_cast %swap3A_63 : vector<1x1x512x32xf32> to vector<512x32xf32>
    %swap3A_65 = vector.shape_cast %mul3A_58 : vector<512x32xf32> to vector<1x1x512x32xf32>
    tpu.vector_store %arg7[%swap3A_59, %swap3A_60, %swap3A_61, %swap3A_62], %swap3A_65 {strides = array<i32>} : memref<2x4x512x32xf32, #tpu.memory_space<vmem>>, vector<1x1x512x32xf32>,
    %slice3A_66 = vector.extract_strided_slice %add3A_46 {offsets = [0, 32], sizes = [512, 32], strides = [1, 1]} : vector<512x128xf32> to vector<512x32xf32>
    %mul3A_67 = vector.broadcast %slice3A : vector<512x1xf32> to vector<512x32xf32>
    %mul3A_68 = arith.mulf %slice3A_66, %mul3A_67 : vector<512x32xf32>
    %swap3A_69 = arith.constant 0 : index
    %swap3A_70 = arith.constant 1 : index
    %swap3A_71 = arith.constant 0 : index
    %swap3A_72 = arith.constant 0 : index
    %swap3A_73 = vector.load %arg7[%swap3A_69, %swap3A_70, %swap3A_71, %swap3A_72] : memref<2x4x512x32xf32, #tpu.memory_space<vmem>>, vector<1x1x512x32xf32>
    %swap3A_74 = vector.shape_cast %swap3A_73 : vector<1x1x512x32xf32> to vector<512x32xf32>
    %swap3A_75 = vector.shape_cast %mul3A_68 : vector<512x32xf32> to vector<1x1x512x32xf32>
    tpu.vector_store %arg7[%swap3A_69, %swap3A_70, %swap3A_71, %swap3A_72], %swap3A_75 {strides = array<i32>} : memref<2x4x512x32xf32, #tpu.memory_space<vmem>>, vector<1x1x512x32xf32>,
    %slice3A_76 = vector.extract_strided_slice %add3A_46 {offsets = [0, 32], sizes = [512, 32], strides = [1, 1]} : vector<512x128xf32> to vector<512x32xf32>
    %mul3A_77 = vector.broadcast %slice3A_25 : vector<512x1xf32> to vector<512x32xf32>
    %mul3A_78 = arith.mulf %slice3A_76, %mul3A_77 : vector<512x32xf32>
    %swap3A_79 = arith.constant 1 : index
    %swap3A_80 = arith.constant 1 : index
    %swap3A_81 = arith.constant 0 : index
    %swap3A_82 = arith.constant 0 : index
    %swap3A_83 = vector.load %arg7[%swap3A_79, %swap3A_80, %swap3A_81, %swap3A_82] : memref<2x4x512x32xf32, #tpu.memory_space<vmem>>, vector<1x1x512x32xf32>
    %swap3A_84 = vector.shape_cast %swap3A_83 : vector<1x1x512x32xf32> to vector<512x32xf32>
    %swap3A_85 = vector.shape_cast %mul3A_78 : vector<512x32xf32> to vector<1x1x512x32xf32>
    tpu.vector_store %arg7[%swap3A_79, %swap3A_80, %swap3A_81, %swap3A_82], %swap3A_85 {strides = array<i32>} : memref<2x4x512x32xf32, #tpu.memory_space<vmem>>, vector<1x1x512x32xf32>,
    %slice3A_86 = vector.extract_strided_slice %add3A_46 {offsets = [0, 64], sizes = [512, 32], strides = [1, 1]} : vector<512x128xf32> to vector<512x32xf32>
    %mul3A_87 = vector.broadcast %slice3A : vector<512x1xf32> to vector<512x32xf32>
    %mul3A_88 = arith.mulf %slice3A_86, %mul3A_87 : vector<512x32xf32>
    %swap3A_89 = arith.constant 0 : index
    %swap3A_90 = arith.constant 2 : index
    %swap3A_91 = arith.constant 0 : index
    %swap3A_92 = arith.constant 0 : index
    %swap3A_93 = vector.load %arg7[%swap3A_89, %swap3A_90, %swap3A_91, %swap3A_92] : memref<2x4x512x32xf32, #tpu.memory_space<vmem>>, vector<1x1x512x32xf32>
    %swap3A_94 = vector.shape_cast %swap3A_93 : vector<1x1x512x32xf32> to vector<512x32xf32>
    %swap3A_95 = vector.shape_cast %mul3A_88 : vector<512x32xf32> to vector<1x1x512x32xf32>
    tpu.vector_store %arg7[%swap3A_89, %swap3A_90, %swap3A_91, %swap3A_92], %swap3A_95 {strides = array<i32>} : memref<2x4x512x32xf32, #tpu.memory_space<vmem>>, vector<1x1x512x32xf32>,
    %slice3A_96 = vector.extract_strided_slice %add3A_46 {offsets = [0, 64], sizes = [512, 32], strides = [1, 1]} : vector<512x128xf32> to vector<512x32xf32>
    %mul3A_97 = vector.broadcast %slice3A_25 : vector<512x1xf32> to vector<512x32xf32>
    %mul3A_98 = arith.mulf %slice3A_96, %mul3A_97 : vector<512x32xf32>
    %swap3A_99 = arith.constant 1 : index
    %swap3A_100 = arith.constant 2 : index
    %swap3A_101 = arith.constant 0 : index
    %swap3A_102 = arith.constant 0 : index
    %swap3A_103 = vector.load %arg7[%swap3A_99, %swap3A_100, %swap3A_101, %swap3A_102] : memref<2x4x512x32xf32, #tpu.memory_space<vmem>>, vector<1x1x512x32xf32>
    %swap3A_104 = vector.shape_cast %swap3A_103 : vector<1x1x512x32xf32> to vector<512x32xf32>
    %swap3A_105 = vector.shape_cast %mul3A_98 : vector<512x32xf32> to vector<1x1x512x32xf32>
    tpu.vector_store %arg7[%swap3A_99, %swap3A_100, %swap3A_101, %swap3A_102], %swap3A_105 {strides = array<i32>} : memref<2x4x512x32xf32, #tpu.memory_space<vmem>>, vector<1x1x512x32xf32>,
    %slice3A_106 = vector.extract_strided_slice %add3A_46 {offsets = [0, 96], sizes = [512, 32], strides = [1, 1]} : vector<512x128xf32> to vector<512x32xf32>
    %mul3A_107 = vector.broadcast %slice3A : vector<512x1xf32> to vector<512x32xf32>
    %mul3A_108 = arith.mulf %slice3A_106, %mul3A_107 : vector<512x32xf32>
    %swap3A_109 = arith.constant 0 : index
    %swap3A_110 = arith.constant 3 : index
    %swap3A_111 = arith.constant 0 : index
    %swap3A_112 = arith.constant 0 : index
    %swap3A_113 = vector.load %arg7[%swap3A_109, %swap3A_110, %swap3A_111, %swap3A_112] : memref<2x4x512x32xf32, #tpu.memory_space<vmem>>, vector<1x1x512x32xf32>
    %swap3A_114 = vector.shape_cast %swap3A_113 : vector<1x1x512x32xf32> to vector<512x32xf32>
    %swap3A_115 = vector.shape_cast %mul3A_108 : vector<512x32xf32> to vector<1x1x512x32xf32>
    tpu.vector_store %arg7[%swap3A_109, %swap3A_110, %swap3A_111, %swap3A_112], %swap3A_115 {strides = array<i32>} : memref<2x4x512x32xf32, #tpu.memory_space<vmem>>, vector<1x1x512x32xf32>,
    %slice3A_116 = vector.extract_strided_slice %add3A_46 {offsets = [0, 96], sizes = [512, 32], strides = [1, 1]} : vector<512x128xf32> to vector<512x32xf32>
    %mul3A_117 = vector.broadcast %slice3A_25 : vector<512x1xf32> to vector<512x32xf32>
    %mul3A_118 = arith.mulf %slice3A_116, %mul3A_117 : vector<512x32xf32>
    %swap3A_119 = arith.constant 1 : index
    %swap3A_120 = arith.constant 3 : index
    %swap3A_121 = arith.constant 0 : index
    %swap3A_122 = arith.constant 0 : index
    %swap3A_123 = vector.load %arg7[%swap3A_119, %swap3A_120, %swap3A_121, %swap3A_122] : memref<2x4x512x32xf32, #tpu.memory_space<vmem>>, vector<1x1x512x32xf32>
    %swap3A_124 = vector.shape_cast %swap3A_123 : vector<1x1x512x32xf32> to vector<512x32xf32>
    %swap3A_125 = vector.shape_cast %mul3A_118 : vector<512x32xf32> to vector<1x1x512x32xf32>
    tpu.vector_store %arg7[%swap3A_119, %swap3A_120, %swap3A_121, %swap3A_122], %swap3A_125 {strides = array<i32>} : memref<2x4x512x32xf32, #tpu.memory_space<vmem>>, vector<1x1x512x32xf32>,
    return
  }
  func.func @transform_0(%arg0: i32, %arg1: i32) -> (i32, i32, i32) {
    %c0_i32 = arith.constant 0 : i32
    %c0_i32_0 = arith.constant 0 : i32
    return %arg0, %arg1, %c0_i32 : i32, i32, i32
  }
  func.func @transform_1(%arg0: i32, %arg1: i32) -> (i32, i32) {
    %c0_i32 = arith.constant 0 : i32
    %c0_i32_0 = arith.constant 0 : i32
    return %arg1, %c0_i32 : i32, i32
  }
  func.func @transform_2(%arg0: i32, %arg1: i32) -> (i32, i32) {
    %c0_i32 = arith.constant 0 : i32
    %c0_i32_0 = arith.constant 0 : i32
    return %arg1, %c0_i32 : i32, i32
  }
  func.func @transform_3(%arg0: i32, %arg1: i32) -> (i32, i32, i32) {
    %c0_i32 = arith.constant 0 : i32
    %c0_i32_0 = arith.constant 0 : i32
    %c0_i32_1 = arith.constant 0 : i32
    return %arg0, %c0_i32, %c0_i32_0 : i32, i32, i32
  }
  func.func @transform_4(%arg0: i32, %arg1: i32) -> (i32, i32, i32) {
    %c0_i32 = arith.constant 0 : i32
    %c0_i32_0 = arith.constant 0 : i32
    %c0_i32_1 = arith.constant 0 : i32
    return %arg0, %c0_i32, %c0_i32_0 : i32, i32, i32
  }
  func.func @transform_5(%arg0: i32, %arg1: i32) -> (i32, i32, i32, i32) {
    %c0_i32 = arith.constant 0 : i32
    %c0_i32_0 = arith.constant 0 : i32
    %c0_i32_1 = arith.constant 0 : i32
    return %c0_i32, %arg0, %arg1, %c0_i32_0 : i32, i32, i32, i32
  }
}

module attributes {stable_mosaic.version = 14 : i64} {
  func.func @body(%arg0: i32, %arg1: memref<16x512x32xf32, #tpu.memory_space<vmem>>, %arg2: memref<512x16xf32, #tpu.memory_space<vmem>>, %arg3: memref<512x16xf32, #tpu.memory_space<vmem>>, %arg4: memref<16x1x32xf32, #tpu.memory_space<vmem>>, %arg5: memref<16x1x32xf32, #tpu.memory_space<vmem>>, %arg6: memref<32x32x128xf32, #tpu.memory_space<vmem>>, %arg7: memref<2x4x512x32xf32, #tpu.memory_space<vmem>>) attributes {dimension_semantics = [#tpu.dimension_semantics<arbitrary>], iteration_bounds = array<i64: 20>, scalar_prefetch = 0 : i64, scratch_operands = 0 : i64, tpu.core_type = #tpu.core_type<tc>, window_params = [{transform_indices = @transform_0, window_bounds = array<i64: 16, 512, 32>}, {transform_indices = @transform_1, window_bounds = array<i64: 512, 16>}, {transform_indices = @transform_2, window_bounds = array<i64: 512, 16>}, {pipeline_mode = #tpu.pipeline_mode<synchronous>, transform_indices = @transform_3, window_bounds = array<i64: 16, 1, 32>}, {pipeline_mode = #tpu.pipeline_mode<synchronous>, transform_indices = @transform_4, window_bounds = array<i64: 16, 1, 32>}, {pipeline_mode = #tpu.pipeline_mode<synchronous>, transform_indices = @transform_5, window_bounds = array<i64: 32, 32, 128>}, {transform_indices = @transform_6, window_bounds = array<i64: 2, 4, 512, 32>}]} {
    %get3A = arith.constant 0 : index
    %get3A_0 = arith.constant 0 : index
    %get3A_1 = vector.load %arg2[%get3A, %get3A_0] : memref<512x16xf32, #tpu.memory_space<vmem>>, vector<512x16xf32>
    %slice3A = vector.extract_strided_slice %get3A_1 {offsets = [0, 0], sizes = [512, 1], strides = [1, 1]} : vector<512x16xf32> to vector<512x1xf32>
    %get3A_2 = arith.constant 0 : index
    %get3A_3 = arith.constant 0 : index
    %get3A_4 = vector.load %arg3[%get3A_2, %get3A_3] : memref<512x16xf32, #tpu.memory_space<vmem>>, vector<512x16xf32>
    %slice3A_5 = vector.extract_strided_slice %get3A_4 {offsets = [0, 0], sizes = [512, 1], strides = [1, 1]} : vector<512x16xf32> to vector<512x1xf32>
    %broadcast_in_dim3A = arith.constant 0.000000e+00 : f32
    %broadcast_in_dim3A_6 = vector.broadcast %broadcast_in_dim3A : f32 to vector<512x128xf32>
    %broadcast_in_dim3A_7 = arith.constant 0.000000e+00 : f32
    %broadcast_in_dim3A_8 = vector.broadcast %broadcast_in_dim3A_7 : f32 to vector<512x128xf32>
    %get3A_9 = arith.constant 0 : index
    %get3A_10 = arith.constant 0 : index
    %get3A_11 = arith.constant 0 : index
    %get3A_12 = vector.load %arg1[%get3A_9, %get3A_10, %get3A_11] : memref<16x512x32xf32, #tpu.memory_space<vmem>>, vector<1x512x32xf32>
    %get3A_13 = vector.shape_cast %get3A_12 : vector<1x512x32xf32> to vector<512x32xf32>
    %mul3A = vector.broadcast %slice3A : vector<512x1xf32> to vector<512x32xf32>
    %mul3A_14 = arith.mulf %get3A_13, %mul3A : vector<512x32xf32>
    %get3A_15 = arith.constant 0 : index
    %get3A_16 = arith.constant 0 : index
    %get3A_17 = arith.constant 0 : index
    %get3A_18 = vector.load %arg4[%get3A_15, %get3A_16, %get3A_17] : memref<16x1x32xf32, #tpu.memory_space<vmem>>, vector<1x1x32xf32>
    %get3A_19 = vector.shape_cast %get3A_18 : vector<1x1x32xf32> to vector<1x32xf32>
    %mul3A_20 = arith.constant 0.999994993 : f32
    %mul3A_21 = vector.broadcast %mul3A_20 : f32 to vector<1x32xf32>
    %mul3A_22 = arith.mulf %get3A_19, %mul3A_21 : vector<1x32xf32>
    %mul3A_23 = vector.broadcast %mul3A_22 : vector<1x32xf32> to vector<512x32xf32>
    %mul3A_24 = arith.mulf %mul3A_14, %mul3A_23 : vector<512x32xf32>
    %get3A_25 = arith.constant 0 : index
    %get3A_26 = arith.constant 0 : index
    %get3A_27 = arith.constant 0 : index
    %get3A_28 = vector.load %arg5[%get3A_25, %get3A_26, %get3A_27] : memref<16x1x32xf32, #tpu.memory_space<vmem>>, vector<1x1x32xf32>
    %get3A_29 = vector.shape_cast %get3A_28 : vector<1x1x32xf32> to vector<1x32xf32>
    %add3A = vector.broadcast %get3A_29 : vector<1x32xf32> to vector<512x32xf32>
    %add3A_30 = arith.addf %mul3A_24, %add3A : vector<512x32xf32>
    %get3A_31 = arith.constant 0 : index
    %get3A_32 = arith.constant 0 : index
    %get3A_33 = arith.constant 0 : index
    %get3A_34 = vector.load %arg6[%get3A_31, %get3A_32, %get3A_33] : memref<32x32x128xf32, #tpu.memory_space<vmem>>, vector<1x32x128xf32>
    %get3A_35 = vector.shape_cast %get3A_34 : vector<1x32x128xf32> to vector<32x128xf32>
    %dot_general3A = arith.constant dense<0.000000e+00> : vector<512x128xf32>
    %dot_general3A_36 = tpu.matmul %add3A_30, %get3A_35, %dot_general3A {dimension_numbers = #tpu.dot_dimension_numbers<[1], [0], [0], [1], [0, 0, 1, 1], [], []>, transpose_lhs_hint = false} : vector<512x32xf32>, vector<32x128xf32>, vector<512x128xf32> -> vector<512x128xf32>
    %add3A_37 = arith.addf %broadcast_in_dim3A_6, %dot_general3A_36 : vector<512x128xf32>
    %get3A_38 = arith.constant 16 : index
    %get3A_39 = arith.constant 0 : index
    %get3A_40 = arith.constant 0 : index
    %get3A_41 = vector.load %arg6[%get3A_38, %get3A_39, %get3A_40] : memref<32x32x128xf32, #tpu.memory_space<vmem>>, vector<1x32x128xf32>
    %get3A_42 = vector.shape_cast %get3A_41 : vector<1x32x128xf32> to vector<32x128xf32>
    %dot_general3A_43 = arith.constant dense<0.000000e+00> : vector<512x128xf32>
    %dot_general3A_44 = tpu.matmul %add3A_30, %get3A_42, %dot_general3A_43 {dimension_numbers = #tpu.dot_dimension_numbers<[1], [0], [0], [1], [0, 0, 1, 1], [], []>, transpose_lhs_hint = false} : vector<512x32xf32>, vector<32x128xf32>, vector<512x128xf32> -> vector<512x128xf32>
    %add3A_45 = arith.addf %broadcast_in_dim3A_8, %dot_general3A_44 : vector<512x128xf32>
    %get3A_46 = arith.constant 1 : index
    %get3A_47 = arith.constant 0 : index
    %get3A_48 = arith.constant 0 : index
    %get3A_49 = vector.load %arg1[%get3A_46, %get3A_47, %get3A_48] : memref<16x512x32xf32, #tpu.memory_space<vmem>>, vector<1x512x32xf32>
    %get3A_50 = vector.shape_cast %get3A_49 : vector<1x512x32xf32> to vector<512x32xf32>
    %mul3A_51 = vector.broadcast %slice3A : vector<512x1xf32> to vector<512x32xf32>
    %mul3A_52 = arith.mulf %get3A_50, %mul3A_51 : vector<512x32xf32>
    %get3A_53 = arith.constant 1 : index
    %get3A_54 = arith.constant 0 : index
    %get3A_55 = arith.constant 0 : index
    %get3A_56 = vector.load %arg4[%get3A_53, %get3A_54, %get3A_55] : memref<16x1x32xf32, #tpu.memory_space<vmem>>, vector<1x1x32xf32>
    %get3A_57 = vector.shape_cast %get3A_56 : vector<1x1x32xf32> to vector<1x32xf32>
    %mul3A_58 = arith.constant 0.999994993 : f32
    %mul3A_59 = vector.broadcast %mul3A_58 : f32 to vector<1x32xf32>
    %mul3A_60 = arith.mulf %get3A_57, %mul3A_59 : vector<1x32xf32>
    %mul3A_61 = vector.broadcast %mul3A_60 : vector<1x32xf32> to vector<512x32xf32>
    %mul3A_62 = arith.mulf %mul3A_52, %mul3A_61 : vector<512x32xf32>
    %get3A_63 = arith.constant 1 : index
    %get3A_64 = arith.constant 0 : index
    %get3A_65 = arith.constant 0 : index
    %get3A_66 = vector.load %arg5[%get3A_63, %get3A_64, %get3A_65] : memref<16x1x32xf32, #tpu.memory_space<vmem>>, vector<1x1x32xf32>
    %get3A_67 = vector.shape_cast %get3A_66 : vector<1x1x32xf32> to vector<1x32xf32>
    %add3A_68 = vector.broadcast %get3A_67 : vector<1x32xf32> to vector<512x32xf32>
    %add3A_69 = arith.addf %mul3A_62, %add3A_68 : vector<512x32xf32>
    %get3A_70 = arith.constant 1 : index
    %get3A_71 = arith.constant 0 : index
    %get3A_72 = arith.constant 0 : index
    %get3A_73 = vector.load %arg6[%get3A_70, %get3A_71, %get3A_72] : memref<32x32x128xf32, #tpu.memory_space<vmem>>, vector<1x32x128xf32>
    %get3A_74 = vector.shape_cast %get3A_73 : vector<1x32x128xf32> to vector<32x128xf32>
    %dot_general3A_75 = arith.constant dense<0.000000e+00> : vector<512x128xf32>
    %dot_general3A_76 = tpu.matmul %add3A_69, %get3A_74, %dot_general3A_75 {dimension_numbers = #tpu.dot_dimension_numbers<[1], [0], [0], [1], [0, 0, 1, 1], [], []>, transpose_lhs_hint = false} : vector<512x32xf32>, vector<32x128xf32>, vector<512x128xf32> -> vector<512x128xf32>
    %add3A_77 = arith.addf %add3A_37, %dot_general3A_76 : vector<512x128xf32>
    %get3A_78 = arith.constant 17 : index
    %get3A_79 = arith.constant 0 : index
    %get3A_80 = arith.constant 0 : index
    %get3A_81 = vector.load %arg6[%get3A_78, %get3A_79, %get3A_80] : memref<32x32x128xf32, #tpu.memory_space<vmem>>, vector<1x32x128xf32>
    %get3A_82 = vector.shape_cast %get3A_81 : vector<1x32x128xf32> to vector<32x128xf32>
    %dot_general3A_83 = arith.constant dense<0.000000e+00> : vector<512x128xf32>
    %dot_general3A_84 = tpu.matmul %add3A_69, %get3A_82, %dot_general3A_83 {dimension_numbers = #tpu.dot_dimension_numbers<[1], [0], [0], [1], [0, 0, 1, 1], [], []>, transpose_lhs_hint = false} : vector<512x32xf32>, vector<32x128xf32>, vector<512x128xf32> -> vector<512x128xf32>
    %add3A_85 = arith.addf %add3A_45, %dot_general3A_84 : vector<512x128xf32>
    %get3A_86 = arith.constant 2 : index
    %get3A_87 = arith.constant 0 : index
    %get3A_88 = arith.constant 0 : index
    %get3A_89 = vector.load %arg1[%get3A_86, %get3A_87, %get3A_88] : memref<16x512x32xf32, #tpu.memory_space<vmem>>, vector<1x512x32xf32>
    %get3A_90 = vector.shape_cast %get3A_89 : vector<1x512x32xf32> to vector<512x32xf32>
    %mul3A_91 = vector.broadcast %slice3A : vector<512x1xf32> to vector<512x32xf32>
    %mul3A_92 = arith.mulf %get3A_90, %mul3A_91 : vector<512x32xf32>
    %get3A_93 = arith.constant 2 : index
    %get3A_94 = arith.constant 0 : index
    %get3A_95 = arith.constant 0 : index
    %get3A_96 = vector.load %arg4[%get3A_93, %get3A_94, %get3A_95] : memref<16x1x32xf32, #tpu.memory_space<vmem>>, vector<1x1x32xf32>
    %get3A_97 = vector.shape_cast %get3A_96 : vector<1x1x32xf32> to vector<1x32xf32>
    %mul3A_98 = arith.constant 0.999994993 : f32
    %mul3A_99 = vector.broadcast %mul3A_98 : f32 to vector<1x32xf32>
    %mul3A_100 = arith.mulf %get3A_97, %mul3A_99 : vector<1x32xf32>
    %mul3A_101 = vector.broadcast %mul3A_100 : vector<1x32xf32> to vector<512x32xf32>
    %mul3A_102 = arith.mulf %mul3A_92, %mul3A_101 : vector<512x32xf32>
    %get3A_103 = arith.constant 2 : index
    %get3A_104 = arith.constant 0 : index
    %get3A_105 = arith.constant 0 : index
    %get3A_106 = vector.load %arg5[%get3A_103, %get3A_104, %get3A_105] : memref<16x1x32xf32, #tpu.memory_space<vmem>>, vector<1x1x32xf32>
    %get3A_107 = vector.shape_cast %get3A_106 : vector<1x1x32xf32> to vector<1x32xf32>
    %add3A_108 = vector.broadcast %get3A_107 : vector<1x32xf32> to vector<512x32xf32>
    %add3A_109 = arith.addf %mul3A_102, %add3A_108 : vector<512x32xf32>
    %get3A_110 = arith.constant 2 : index
    %get3A_111 = arith.constant 0 : index
    %get3A_112 = arith.constant 0 : index
    %get3A_113 = vector.load %arg6[%get3A_110, %get3A_111, %get3A_112] : memref<32x32x128xf32, #tpu.memory_space<vmem>>, vector<1x32x128xf32>
    %get3A_114 = vector.shape_cast %get3A_113 : vector<1x32x128xf32> to vector<32x128xf32>
    %dot_general3A_115 = arith.constant dense<0.000000e+00> : vector<512x128xf32>
    %dot_general3A_116 = tpu.matmul %add3A_109, %get3A_114, %dot_general3A_115 {dimension_numbers = #tpu.dot_dimension_numbers<[1], [0], [0], [1], [0, 0, 1, 1], [], []>, transpose_lhs_hint = false} : vector<512x32xf32>, vector<32x128xf32>, vector<512x128xf32> -> vector<512x128xf32>
    %add3A_117 = arith.addf %add3A_77, %dot_general3A_116 : vector<512x128xf32>
    %get3A_118 = arith.constant 18 : index
    %get3A_119 = arith.constant 0 : index
    %get3A_120 = arith.constant 0 : index
    %get3A_121 = vector.load %arg6[%get3A_118, %get3A_119, %get3A_120] : memref<32x32x128xf32, #tpu.memory_space<vmem>>, vector<1x32x128xf32>
    %get3A_122 = vector.shape_cast %get3A_121 : vector<1x32x128xf32> to vector<32x128xf32>
    %dot_general3A_123 = arith.constant dense<0.000000e+00> : vector<512x128xf32>
    %dot_general3A_124 = tpu.matmul %add3A_109, %get3A_122, %dot_general3A_123 {dimension_numbers = #tpu.dot_dimension_numbers<[1], [0], [0], [1], [0, 0, 1, 1], [], []>, transpose_lhs_hint = false} : vector<512x32xf32>, vector<32x128xf32>, vector<512x128xf32> -> vector<512x128xf32>
    %add3A_125 = arith.addf %add3A_85, %dot_general3A_124 : vector<512x128xf32>
    %get3A_126 = arith.constant 3 : index
    %get3A_127 = arith.constant 0 : index
    %get3A_128 = arith.constant 0 : index
    %get3A_129 = vector.load %arg1[%get3A_126, %get3A_127, %get3A_128] : memref<16x512x32xf32, #tpu.memory_space<vmem>>, vector<1x512x32xf32>
    %get3A_130 = vector.shape_cast %get3A_129 : vector<1x512x32xf32> to vector<512x32xf32>
    %mul3A_131 = vector.broadcast %slice3A : vector<512x1xf32> to vector<512x32xf32>
    %mul3A_132 = arith.mulf %get3A_130, %mul3A_131 : vector<512x32xf32>
    %get3A_133 = arith.constant 3 : index
    %get3A_134 = arith.constant 0 : index
    %get3A_135 = arith.constant 0 : index
    %get3A_136 = vector.load %arg4[%get3A_133, %get3A_134, %get3A_135] : memref<16x1x32xf32, #tpu.memory_space<vmem>>, vector<1x1x32xf32>
    %get3A_137 = vector.shape_cast %get3A_136 : vector<1x1x32xf32> to vector<1x32xf32>
    %mul3A_138 = arith.constant 0.999994993 : f32
    %mul3A_139 = vector.broadcast %mul3A_138 : f32 to vector<1x32xf32>
    %mul3A_140 = arith.mulf %get3A_137, %mul3A_139 : vector<1x32xf32>
    %mul3A_141 = vector.broadcast %mul3A_140 : vector<1x32xf32> to vector<512x32xf32>
    %mul3A_142 = arith.mulf %mul3A_132, %mul3A_141 : vector<512x32xf32>
    %get3A_143 = arith.constant 3 : index
    %get3A_144 = arith.constant 0 : index
    %get3A_145 = arith.constant 0 : index
    %get3A_146 = vector.load %arg5[%get3A_143, %get3A_144, %get3A_145] : memref<16x1x32xf32, #tpu.memory_space<vmem>>, vector<1x1x32xf32>
    %get3A_147 = vector.shape_cast %get3A_146 : vector<1x1x32xf32> to vector<1x32xf32>
    %add3A_148 = vector.broadcast %get3A_147 : vector<1x32xf32> to vector<512x32xf32>
    %add3A_149 = arith.addf %mul3A_142, %add3A_148 : vector<512x32xf32>
    %get3A_150 = arith.constant 3 : index
    %get3A_151 = arith.constant 0 : index
    %get3A_152 = arith.constant 0 : index
    %get3A_153 = vector.load %arg6[%get3A_150, %get3A_151, %get3A_152] : memref<32x32x128xf32, #tpu.memory_space<vmem>>, vector<1x32x128xf32>
    %get3A_154 = vector.shape_cast %get3A_153 : vector<1x32x128xf32> to vector<32x128xf32>
    %dot_general3A_155 = arith.constant dense<0.000000e+00> : vector<512x128xf32>
    %dot_general3A_156 = tpu.matmul %add3A_149, %get3A_154, %dot_general3A_155 {dimension_numbers = #tpu.dot_dimension_numbers<[1], [0], [0], [1], [0, 0, 1, 1], [], []>, transpose_lhs_hint = false} : vector<512x32xf32>, vector<32x128xf32>, vector<512x128xf32> -> vector<512x128xf32>
    %add3A_157 = arith.addf %add3A_117, %dot_general3A_156 : vector<512x128xf32>
    %get3A_158 = arith.constant 19 : index
    %get3A_159 = arith.constant 0 : index
    %get3A_160 = arith.constant 0 : index
    %get3A_161 = vector.load %arg6[%get3A_158, %get3A_159, %get3A_160] : memref<32x32x128xf32, #tpu.memory_space<vmem>>, vector<1x32x128xf32>
    %get3A_162 = vector.shape_cast %get3A_161 : vector<1x32x128xf32> to vector<32x128xf32>
    %dot_general3A_163 = arith.constant dense<0.000000e+00> : vector<512x128xf32>
    %dot_general3A_164 = tpu.matmul %add3A_149, %get3A_162, %dot_general3A_163 {dimension_numbers = #tpu.dot_dimension_numbers<[1], [0], [0], [1], [0, 0, 1, 1], [], []>, transpose_lhs_hint = false} : vector<512x32xf32>, vector<32x128xf32>, vector<512x128xf32> -> vector<512x128xf32>
    %add3A_165 = arith.addf %add3A_125, %dot_general3A_164 : vector<512x128xf32>
    %get3A_166 = arith.constant 4 : index
    %get3A_167 = arith.constant 0 : index
    %get3A_168 = arith.constant 0 : index
    %get3A_169 = vector.load %arg1[%get3A_166, %get3A_167, %get3A_168] : memref<16x512x32xf32, #tpu.memory_space<vmem>>, vector<1x512x32xf32>
    %get3A_170 = vector.shape_cast %get3A_169 : vector<1x512x32xf32> to vector<512x32xf32>
    %mul3A_171 = vector.broadcast %slice3A : vector<512x1xf32> to vector<512x32xf32>
    %mul3A_172 = arith.mulf %get3A_170, %mul3A_171 : vector<512x32xf32>
    %get3A_173 = arith.constant 4 : index
    %get3A_174 = arith.constant 0 : index
    %get3A_175 = arith.constant 0 : index
    %get3A_176 = vector.load %arg4[%get3A_173, %get3A_174, %get3A_175] : memref<16x1x32xf32, #tpu.memory_space<vmem>>, vector<1x1x32xf32>
    %get3A_177 = vector.shape_cast %get3A_176 : vector<1x1x32xf32> to vector<1x32xf32>
    %mul3A_178 = arith.constant 0.999994993 : f32
    %mul3A_179 = vector.broadcast %mul3A_178 : f32 to vector<1x32xf32>
    %mul3A_180 = arith.mulf %get3A_177, %mul3A_179 : vector<1x32xf32>
    %mul3A_181 = vector.broadcast %mul3A_180 : vector<1x32xf32> to vector<512x32xf32>
    %mul3A_182 = arith.mulf %mul3A_172, %mul3A_181 : vector<512x32xf32>
    %get3A_183 = arith.constant 4 : index
    %get3A_184 = arith.constant 0 : index
    %get3A_185 = arith.constant 0 : index
    %get3A_186 = vector.load %arg5[%get3A_183, %get3A_184, %get3A_185] : memref<16x1x32xf32, #tpu.memory_space<vmem>>, vector<1x1x32xf32>
    %get3A_187 = vector.shape_cast %get3A_186 : vector<1x1x32xf32> to vector<1x32xf32>
    %add3A_188 = vector.broadcast %get3A_187 : vector<1x32xf32> to vector<512x32xf32>
    %add3A_189 = arith.addf %mul3A_182, %add3A_188 : vector<512x32xf32>
    %get3A_190 = arith.constant 4 : index
    %get3A_191 = arith.constant 0 : index
    %get3A_192 = arith.constant 0 : index
    %get3A_193 = vector.load %arg6[%get3A_190, %get3A_191, %get3A_192] : memref<32x32x128xf32, #tpu.memory_space<vmem>>, vector<1x32x128xf32>
    %get3A_194 = vector.shape_cast %get3A_193 : vector<1x32x128xf32> to vector<32x128xf32>
    %dot_general3A_195 = arith.constant dense<0.000000e+00> : vector<512x128xf32>
    %dot_general3A_196 = tpu.matmul %add3A_189, %get3A_194, %dot_general3A_195 {dimension_numbers = #tpu.dot_dimension_numbers<[1], [0], [0], [1], [0, 0, 1, 1], [], []>, transpose_lhs_hint = false} : vector<512x32xf32>, vector<32x128xf32>, vector<512x128xf32> -> vector<512x128xf32>
    %add3A_197 = arith.addf %add3A_157, %dot_general3A_196 : vector<512x128xf32>
    %get3A_198 = arith.constant 20 : index
    %get3A_199 = arith.constant 0 : index
    %get3A_200 = arith.constant 0 : index
    %get3A_201 = vector.load %arg6[%get3A_198, %get3A_199, %get3A_200] : memref<32x32x128xf32, #tpu.memory_space<vmem>>, vector<1x32x128xf32>
    %get3A_202 = vector.shape_cast %get3A_201 : vector<1x32x128xf32> to vector<32x128xf32>
    %dot_general3A_203 = arith.constant dense<0.000000e+00> : vector<512x128xf32>
    %dot_general3A_204 = tpu.matmul %add3A_189, %get3A_202, %dot_general3A_203 {dimension_numbers = #tpu.dot_dimension_numbers<[1], [0], [0], [1], [0, 0, 1, 1], [], []>, transpose_lhs_hint = false} : vector<512x32xf32>, vector<32x128xf32>, vector<512x128xf32> -> vector<512x128xf32>
    %add3A_205 = arith.addf %add3A_165, %dot_general3A_204 : vector<512x128xf32>
    %get3A_206 = arith.constant 5 : index
    %get3A_207 = arith.constant 0 : index
    %get3A_208 = arith.constant 0 : index
    %get3A_209 = vector.load %arg1[%get3A_206, %get3A_207, %get3A_208] : memref<16x512x32xf32, #tpu.memory_space<vmem>>, vector<1x512x32xf32>
    %get3A_210 = vector.shape_cast %get3A_209 : vector<1x512x32xf32> to vector<512x32xf32>
    %mul3A_211 = vector.broadcast %slice3A : vector<512x1xf32> to vector<512x32xf32>
    %mul3A_212 = arith.mulf %get3A_210, %mul3A_211 : vector<512x32xf32>
    %get3A_213 = arith.constant 5 : index
    %get3A_214 = arith.constant 0 : index
    %get3A_215 = arith.constant 0 : index
    %get3A_216 = vector.load %arg4[%get3A_213, %get3A_214, %get3A_215] : memref<16x1x32xf32, #tpu.memory_space<vmem>>, vector<1x1x32xf32>
    %get3A_217 = vector.shape_cast %get3A_216 : vector<1x1x32xf32> to vector<1x32xf32>
    %mul3A_218 = arith.constant 0.999994993 : f32
    %mul3A_219 = vector.broadcast %mul3A_218 : f32 to vector<1x32xf32>
    %mul3A_220 = arith.mulf %get3A_217, %mul3A_219 : vector<1x32xf32>
    %mul3A_221 = vector.broadcast %mul3A_220 : vector<1x32xf32> to vector<512x32xf32>
    %mul3A_222 = arith.mulf %mul3A_212, %mul3A_221 : vector<512x32xf32>
    %get3A_223 = arith.constant 5 : index
    %get3A_224 = arith.constant 0 : index
    %get3A_225 = arith.constant 0 : index
    %get3A_226 = vector.load %arg5[%get3A_223, %get3A_224, %get3A_225] : memref<16x1x32xf32, #tpu.memory_space<vmem>>, vector<1x1x32xf32>
    %get3A_227 = vector.shape_cast %get3A_226 : vector<1x1x32xf32> to vector<1x32xf32>
    %add3A_228 = vector.broadcast %get3A_227 : vector<1x32xf32> to vector<512x32xf32>
    %add3A_229 = arith.addf %mul3A_222, %add3A_228 : vector<512x32xf32>
    %get3A_230 = arith.constant 5 : index
    %get3A_231 = arith.constant 0 : index
    %get3A_232 = arith.constant 0 : index
    %get3A_233 = vector.load %arg6[%get3A_230, %get3A_231, %get3A_232] : memref<32x32x128xf32, #tpu.memory_space<vmem>>, vector<1x32x128xf32>
    %get3A_234 = vector.shape_cast %get3A_233 : vector<1x32x128xf32> to vector<32x128xf32>
    %dot_general3A_235 = arith.constant dense<0.000000e+00> : vector<512x128xf32>
    %dot_general3A_236 = tpu.matmul %add3A_229, %get3A_234, %dot_general3A_235 {dimension_numbers = #tpu.dot_dimension_numbers<[1], [0], [0], [1], [0, 0, 1, 1], [], []>, transpose_lhs_hint = false} : vector<512x32xf32>, vector<32x128xf32>, vector<512x128xf32> -> vector<512x128xf32>
    %add3A_237 = arith.addf %add3A_197, %dot_general3A_236 : vector<512x128xf32>
    %get3A_238 = arith.constant 21 : index
    %get3A_239 = arith.constant 0 : index
    %get3A_240 = arith.constant 0 : index
    %get3A_241 = vector.load %arg6[%get3A_238, %get3A_239, %get3A_240] : memref<32x32x128xf32, #tpu.memory_space<vmem>>, vector<1x32x128xf32>
    %get3A_242 = vector.shape_cast %get3A_241 : vector<1x32x128xf32> to vector<32x128xf32>
    %dot_general3A_243 = arith.constant dense<0.000000e+00> : vector<512x128xf32>
    %dot_general3A_244 = tpu.matmul %add3A_229, %get3A_242, %dot_general3A_243 {dimension_numbers = #tpu.dot_dimension_numbers<[1], [0], [0], [1], [0, 0, 1, 1], [], []>, transpose_lhs_hint = false} : vector<512x32xf32>, vector<32x128xf32>, vector<512x128xf32> -> vector<512x128xf32>
    %add3A_245 = arith.addf %add3A_205, %dot_general3A_244 : vector<512x128xf32>
    %get3A_246 = arith.constant 6 : index
    %get3A_247 = arith.constant 0 : index
    %get3A_248 = arith.constant 0 : index
    %get3A_249 = vector.load %arg1[%get3A_246, %get3A_247, %get3A_248] : memref<16x512x32xf32, #tpu.memory_space<vmem>>, vector<1x512x32xf32>
    %get3A_250 = vector.shape_cast %get3A_249 : vector<1x512x32xf32> to vector<512x32xf32>
    %mul3A_251 = vector.broadcast %slice3A : vector<512x1xf32> to vector<512x32xf32>
    %mul3A_252 = arith.mulf %get3A_250, %mul3A_251 : vector<512x32xf32>
    %get3A_253 = arith.constant 6 : index
    %get3A_254 = arith.constant 0 : index
    %get3A_255 = arith.constant 0 : index
    %get3A_256 = vector.load %arg4[%get3A_253, %get3A_254, %get3A_255] : memref<16x1x32xf32, #tpu.memory_space<vmem>>, vector<1x1x32xf32>
    %get3A_257 = vector.shape_cast %get3A_256 : vector<1x1x32xf32> to vector<1x32xf32>
    %mul3A_258 = arith.constant 0.999994993 : f32
    %mul3A_259 = vector.broadcast %mul3A_258 : f32 to vector<1x32xf32>
    %mul3A_260 = arith.mulf %get3A_257, %mul3A_259 : vector<1x32xf32>
    %mul3A_261 = vector.broadcast %mul3A_260 : vector<1x32xf32> to vector<512x32xf32>
    %mul3A_262 = arith.mulf %mul3A_252, %mul3A_261 : vector<512x32xf32>
    %get3A_263 = arith.constant 6 : index
    %get3A_264 = arith.constant 0 : index
    %get3A_265 = arith.constant 0 : index
    %get3A_266 = vector.load %arg5[%get3A_263, %get3A_264, %get3A_265] : memref<16x1x32xf32, #tpu.memory_space<vmem>>, vector<1x1x32xf32>
    %get3A_267 = vector.shape_cast %get3A_266 : vector<1x1x32xf32> to vector<1x32xf32>
    %add3A_268 = vector.broadcast %get3A_267 : vector<1x32xf32> to vector<512x32xf32>
    %add3A_269 = arith.addf %mul3A_262, %add3A_268 : vector<512x32xf32>
    %get3A_270 = arith.constant 6 : index
    %get3A_271 = arith.constant 0 : index
    %get3A_272 = arith.constant 0 : index
    %get3A_273 = vector.load %arg6[%get3A_270, %get3A_271, %get3A_272] : memref<32x32x128xf32, #tpu.memory_space<vmem>>, vector<1x32x128xf32>
    %get3A_274 = vector.shape_cast %get3A_273 : vector<1x32x128xf32> to vector<32x128xf32>
    %dot_general3A_275 = arith.constant dense<0.000000e+00> : vector<512x128xf32>
    %dot_general3A_276 = tpu.matmul %add3A_269, %get3A_274, %dot_general3A_275 {dimension_numbers = #tpu.dot_dimension_numbers<[1], [0], [0], [1], [0, 0, 1, 1], [], []>, transpose_lhs_hint = false} : vector<512x32xf32>, vector<32x128xf32>, vector<512x128xf32> -> vector<512x128xf32>
    %add3A_277 = arith.addf %add3A_237, %dot_general3A_276 : vector<512x128xf32>
    %get3A_278 = arith.constant 22 : index
    %get3A_279 = arith.constant 0 : index
    %get3A_280 = arith.constant 0 : index
    %get3A_281 = vector.load %arg6[%get3A_278, %get3A_279, %get3A_280] : memref<32x32x128xf32, #tpu.memory_space<vmem>>, vector<1x32x128xf32>
    %get3A_282 = vector.shape_cast %get3A_281 : vector<1x32x128xf32> to vector<32x128xf32>
    %dot_general3A_283 = arith.constant dense<0.000000e+00> : vector<512x128xf32>
    %dot_general3A_284 = tpu.matmul %add3A_269, %get3A_282, %dot_general3A_283 {dimension_numbers = #tpu.dot_dimension_numbers<[1], [0], [0], [1], [0, 0, 1, 1], [], []>, transpose_lhs_hint = false} : vector<512x32xf32>, vector<32x128xf32>, vector<512x128xf32> -> vector<512x128xf32>
    %add3A_285 = arith.addf %add3A_245, %dot_general3A_284 : vector<512x128xf32>
    %get3A_286 = arith.constant 7 : index
    %get3A_287 = arith.constant 0 : index
    %get3A_288 = arith.constant 0 : index
    %get3A_289 = vector.load %arg1[%get3A_286, %get3A_287, %get3A_288] : memref<16x512x32xf32, #tpu.memory_space<vmem>>, vector<1x512x32xf32>
    %get3A_290 = vector.shape_cast %get3A_289 : vector<1x512x32xf32> to vector<512x32xf32>
    %mul3A_291 = vector.broadcast %slice3A : vector<512x1xf32> to vector<512x32xf32>
    %mul3A_292 = arith.mulf %get3A_290, %mul3A_291 : vector<512x32xf32>
    %get3A_293 = arith.constant 7 : index
    %get3A_294 = arith.constant 0 : index
    %get3A_295 = arith.constant 0 : index
    %get3A_296 = vector.load %arg4[%get3A_293, %get3A_294, %get3A_295] : memref<16x1x32xf32, #tpu.memory_space<vmem>>, vector<1x1x32xf32>
    %get3A_297 = vector.shape_cast %get3A_296 : vector<1x1x32xf32> to vector<1x32xf32>
    %mul3A_298 = arith.constant 0.999994993 : f32
    %mul3A_299 = vector.broadcast %mul3A_298 : f32 to vector<1x32xf32>
    %mul3A_300 = arith.mulf %get3A_297, %mul3A_299 : vector<1x32xf32>
    %mul3A_301 = vector.broadcast %mul3A_300 : vector<1x32xf32> to vector<512x32xf32>
    %mul3A_302 = arith.mulf %mul3A_292, %mul3A_301 : vector<512x32xf32>
    %get3A_303 = arith.constant 7 : index
    %get3A_304 = arith.constant 0 : index
    %get3A_305 = arith.constant 0 : index
    %get3A_306 = vector.load %arg5[%get3A_303, %get3A_304, %get3A_305] : memref<16x1x32xf32, #tpu.memory_space<vmem>>, vector<1x1x32xf32>
    %get3A_307 = vector.shape_cast %get3A_306 : vector<1x1x32xf32> to vector<1x32xf32>
    %add3A_308 = vector.broadcast %get3A_307 : vector<1x32xf32> to vector<512x32xf32>
    %add3A_309 = arith.addf %mul3A_302, %add3A_308 : vector<512x32xf32>
    %get3A_310 = arith.constant 7 : index
    %get3A_311 = arith.constant 0 : index
    %get3A_312 = arith.constant 0 : index
    %get3A_313 = vector.load %arg6[%get3A_310, %get3A_311, %get3A_312] : memref<32x32x128xf32, #tpu.memory_space<vmem>>, vector<1x32x128xf32>
    %get3A_314 = vector.shape_cast %get3A_313 : vector<1x32x128xf32> to vector<32x128xf32>
    %dot_general3A_315 = arith.constant dense<0.000000e+00> : vector<512x128xf32>
    %dot_general3A_316 = tpu.matmul %add3A_309, %get3A_314, %dot_general3A_315 {dimension_numbers = #tpu.dot_dimension_numbers<[1], [0], [0], [1], [0, 0, 1, 1], [], []>, transpose_lhs_hint = false} : vector<512x32xf32>, vector<32x128xf32>, vector<512x128xf32> -> vector<512x128xf32>
    %add3A_317 = arith.addf %add3A_277, %dot_general3A_316 : vector<512x128xf32>
    %get3A_318 = arith.constant 23 : index
    %get3A_319 = arith.constant 0 : index
    %get3A_320 = arith.constant 0 : index
    %get3A_321 = vector.load %arg6[%get3A_318, %get3A_319, %get3A_320] : memref<32x32x128xf32, #tpu.memory_space<vmem>>, vector<1x32x128xf32>
    %get3A_322 = vector.shape_cast %get3A_321 : vector<1x32x128xf32> to vector<32x128xf32>
    %dot_general3A_323 = arith.constant dense<0.000000e+00> : vector<512x128xf32>
    %dot_general3A_324 = tpu.matmul %add3A_309, %get3A_322, %dot_general3A_323 {dimension_numbers = #tpu.dot_dimension_numbers<[1], [0], [0], [1], [0, 0, 1, 1], [], []>, transpose_lhs_hint = false} : vector<512x32xf32>, vector<32x128xf32>, vector<512x128xf32> -> vector<512x128xf32>
    %add3A_325 = arith.addf %add3A_285, %dot_general3A_324 : vector<512x128xf32>
    %get3A_326 = arith.constant 8 : index
    %get3A_327 = arith.constant 0 : index
    %get3A_328 = arith.constant 0 : index
    %get3A_329 = vector.load %arg1[%get3A_326, %get3A_327, %get3A_328] : memref<16x512x32xf32, #tpu.memory_space<vmem>>, vector<1x512x32xf32>
    %get3A_330 = vector.shape_cast %get3A_329 : vector<1x512x32xf32> to vector<512x32xf32>
    %mul3A_331 = vector.broadcast %slice3A_5 : vector<512x1xf32> to vector<512x32xf32>
    %mul3A_332 = arith.mulf %get3A_330, %mul3A_331 : vector<512x32xf32>
    %get3A_333 = arith.constant 8 : index
    %get3A_334 = arith.constant 0 : index
    %get3A_335 = arith.constant 0 : index
    %get3A_336 = vector.load %arg4[%get3A_333, %get3A_334, %get3A_335] : memref<16x1x32xf32, #tpu.memory_space<vmem>>, vector<1x1x32xf32>
    %get3A_337 = vector.shape_cast %get3A_336 : vector<1x1x32xf32> to vector<1x32xf32>
    %mul3A_338 = arith.constant 0.999994993 : f32
    %mul3A_339 = vector.broadcast %mul3A_338 : f32 to vector<1x32xf32>
    %mul3A_340 = arith.mulf %get3A_337, %mul3A_339 : vector<1x32xf32>
    %mul3A_341 = vector.broadcast %mul3A_340 : vector<1x32xf32> to vector<512x32xf32>
    %mul3A_342 = arith.mulf %mul3A_332, %mul3A_341 : vector<512x32xf32>
    %get3A_343 = arith.constant 8 : index
    %get3A_344 = arith.constant 0 : index
    %get3A_345 = arith.constant 0 : index
    %get3A_346 = vector.load %arg5[%get3A_343, %get3A_344, %get3A_345] : memref<16x1x32xf32, #tpu.memory_space<vmem>>, vector<1x1x32xf32>
    %get3A_347 = vector.shape_cast %get3A_346 : vector<1x1x32xf32> to vector<1x32xf32>
    %add3A_348 = vector.broadcast %get3A_347 : vector<1x32xf32> to vector<512x32xf32>
    %add3A_349 = arith.addf %mul3A_342, %add3A_348 : vector<512x32xf32>
    %get3A_350 = arith.constant 8 : index
    %get3A_351 = arith.constant 0 : index
    %get3A_352 = arith.constant 0 : index
    %get3A_353 = vector.load %arg6[%get3A_350, %get3A_351, %get3A_352] : memref<32x32x128xf32, #tpu.memory_space<vmem>>, vector<1x32x128xf32>
    %get3A_354 = vector.shape_cast %get3A_353 : vector<1x32x128xf32> to vector<32x128xf32>
    %dot_general3A_355 = arith.constant dense<0.000000e+00> : vector<512x128xf32>
    %dot_general3A_356 = tpu.matmul %add3A_349, %get3A_354, %dot_general3A_355 {dimension_numbers = #tpu.dot_dimension_numbers<[1], [0], [0], [1], [0, 0, 1, 1], [], []>, transpose_lhs_hint = false} : vector<512x32xf32>, vector<32x128xf32>, vector<512x128xf32> -> vector<512x128xf32>
    %add3A_357 = arith.addf %add3A_317, %dot_general3A_356 : vector<512x128xf32>
    %get3A_358 = arith.constant 24 : index
    %get3A_359 = arith.constant 0 : index
    %get3A_360 = arith.constant 0 : index
    %get3A_361 = vector.load %arg6[%get3A_358, %get3A_359, %get3A_360] : memref<32x32x128xf32, #tpu.memory_space<vmem>>, vector<1x32x128xf32>
    %get3A_362 = vector.shape_cast %get3A_361 : vector<1x32x128xf32> to vector<32x128xf32>
    %dot_general3A_363 = arith.constant dense<0.000000e+00> : vector<512x128xf32>
    %dot_general3A_364 = tpu.matmul %add3A_349, %get3A_362, %dot_general3A_363 {dimension_numbers = #tpu.dot_dimension_numbers<[1], [0], [0], [1], [0, 0, 1, 1], [], []>, transpose_lhs_hint = false} : vector<512x32xf32>, vector<32x128xf32>, vector<512x128xf32> -> vector<512x128xf32>
    %add3A_365 = arith.addf %add3A_325, %dot_general3A_364 : vector<512x128xf32>
    %get3A_366 = arith.constant 9 : index
    %get3A_367 = arith.constant 0 : index
    %get3A_368 = arith.constant 0 : index
    %get3A_369 = vector.load %arg1[%get3A_366, %get3A_367, %get3A_368] : memref<16x512x32xf32, #tpu.memory_space<vmem>>, vector<1x512x32xf32>
    %get3A_370 = vector.shape_cast %get3A_369 : vector<1x512x32xf32> to vector<512x32xf32>
    %mul3A_371 = vector.broadcast %slice3A_5 : vector<512x1xf32> to vector<512x32xf32>
    %mul3A_372 = arith.mulf %get3A_370, %mul3A_371 : vector<512x32xf32>
    %get3A_373 = arith.constant 9 : index
    %get3A_374 = arith.constant 0 : index
    %get3A_375 = arith.constant 0 : index
    %get3A_376 = vector.load %arg4[%get3A_373, %get3A_374, %get3A_375] : memref<16x1x32xf32, #tpu.memory_space<vmem>>, vector<1x1x32xf32>
    %get3A_377 = vector.shape_cast %get3A_376 : vector<1x1x32xf32> to vector<1x32xf32>
    %mul3A_378 = arith.constant 0.999994993 : f32
    %mul3A_379 = vector.broadcast %mul3A_378 : f32 to vector<1x32xf32>
    %mul3A_380 = arith.mulf %get3A_377, %mul3A_379 : vector<1x32xf32>
    %mul3A_381 = vector.broadcast %mul3A_380 : vector<1x32xf32> to vector<512x32xf32>
    %mul3A_382 = arith.mulf %mul3A_372, %mul3A_381 : vector<512x32xf32>
    %get3A_383 = arith.constant 9 : index
    %get3A_384 = arith.constant 0 : index
    %get3A_385 = arith.constant 0 : index
    %get3A_386 = vector.load %arg5[%get3A_383, %get3A_384, %get3A_385] : memref<16x1x32xf32, #tpu.memory_space<vmem>>, vector<1x1x32xf32>
    %get3A_387 = vector.shape_cast %get3A_386 : vector<1x1x32xf32> to vector<1x32xf32>
    %add3A_388 = vector.broadcast %get3A_387 : vector<1x32xf32> to vector<512x32xf32>
    %add3A_389 = arith.addf %mul3A_382, %add3A_388 : vector<512x32xf32>
    %get3A_390 = arith.constant 9 : index
    %get3A_391 = arith.constant 0 : index
    %get3A_392 = arith.constant 0 : index
    %get3A_393 = vector.load %arg6[%get3A_390, %get3A_391, %get3A_392] : memref<32x32x128xf32, #tpu.memory_space<vmem>>, vector<1x32x128xf32>
    %get3A_394 = vector.shape_cast %get3A_393 : vector<1x32x128xf32> to vector<32x128xf32>
    %dot_general3A_395 = arith.constant dense<0.000000e+00> : vector<512x128xf32>
    %dot_general3A_396 = tpu.matmul %add3A_389, %get3A_394, %dot_general3A_395 {dimension_numbers = #tpu.dot_dimension_numbers<[1], [0], [0], [1], [0, 0, 1, 1], [], []>, transpose_lhs_hint = false} : vector<512x32xf32>, vector<32x128xf32>, vector<512x128xf32> -> vector<512x128xf32>
    %add3A_397 = arith.addf %add3A_357, %dot_general3A_396 : vector<512x128xf32>
    %get3A_398 = arith.constant 25 : index
    %get3A_399 = arith.constant 0 : index
    %get3A_400 = arith.constant 0 : index
    %get3A_401 = vector.load %arg6[%get3A_398, %get3A_399, %get3A_400] : memref<32x32x128xf32, #tpu.memory_space<vmem>>, vector<1x32x128xf32>
    %get3A_402 = vector.shape_cast %get3A_401 : vector<1x32x128xf32> to vector<32x128xf32>
    %dot_general3A_403 = arith.constant dense<0.000000e+00> : vector<512x128xf32>
    %dot_general3A_404 = tpu.matmul %add3A_389, %get3A_402, %dot_general3A_403 {dimension_numbers = #tpu.dot_dimension_numbers<[1], [0], [0], [1], [0, 0, 1, 1], [], []>, transpose_lhs_hint = false} : vector<512x32xf32>, vector<32x128xf32>, vector<512x128xf32> -> vector<512x128xf32>
    %add3A_405 = arith.addf %add3A_365, %dot_general3A_404 : vector<512x128xf32>
    %get3A_406 = arith.constant 10 : index
    %get3A_407 = arith.constant 0 : index
    %get3A_408 = arith.constant 0 : index
    %get3A_409 = vector.load %arg1[%get3A_406, %get3A_407, %get3A_408] : memref<16x512x32xf32, #tpu.memory_space<vmem>>, vector<1x512x32xf32>
    %get3A_410 = vector.shape_cast %get3A_409 : vector<1x512x32xf32> to vector<512x32xf32>
    %mul3A_411 = vector.broadcast %slice3A_5 : vector<512x1xf32> to vector<512x32xf32>
    %mul3A_412 = arith.mulf %get3A_410, %mul3A_411 : vector<512x32xf32>
    %get3A_413 = arith.constant 10 : index
    %get3A_414 = arith.constant 0 : index
    %get3A_415 = arith.constant 0 : index
    %get3A_416 = vector.load %arg4[%get3A_413, %get3A_414, %get3A_415] : memref<16x1x32xf32, #tpu.memory_space<vmem>>, vector<1x1x32xf32>
    %get3A_417 = vector.shape_cast %get3A_416 : vector<1x1x32xf32> to vector<1x32xf32>
    %mul3A_418 = arith.constant 0.999994993 : f32
    %mul3A_419 = vector.broadcast %mul3A_418 : f32 to vector<1x32xf32>
    %mul3A_420 = arith.mulf %get3A_417, %mul3A_419 : vector<1x32xf32>
    %mul3A_421 = vector.broadcast %mul3A_420 : vector<1x32xf32> to vector<512x32xf32>
    %mul3A_422 = arith.mulf %mul3A_412, %mul3A_421 : vector<512x32xf32>
    %get3A_423 = arith.constant 10 : index
    %get3A_424 = arith.constant 0 : index
    %get3A_425 = arith.constant 0 : index
    %get3A_426 = vector.load %arg5[%get3A_423, %get3A_424, %get3A_425] : memref<16x1x32xf32, #tpu.memory_space<vmem>>, vector<1x1x32xf32>
    %get3A_427 = vector.shape_cast %get3A_426 : vector<1x1x32xf32> to vector<1x32xf32>
    %add3A_428 = vector.broadcast %get3A_427 : vector<1x32xf32> to vector<512x32xf32>
    %add3A_429 = arith.addf %mul3A_422, %add3A_428 : vector<512x32xf32>
    %get3A_430 = arith.constant 10 : index
    %get3A_431 = arith.constant 0 : index
    %get3A_432 = arith.constant 0 : index
    %get3A_433 = vector.load %arg6[%get3A_430, %get3A_431, %get3A_432] : memref<32x32x128xf32, #tpu.memory_space<vmem>>, vector<1x32x128xf32>
    %get3A_434 = vector.shape_cast %get3A_433 : vector<1x32x128xf32> to vector<32x128xf32>
    %dot_general3A_435 = arith.constant dense<0.000000e+00> : vector<512x128xf32>
    %dot_general3A_436 = tpu.matmul %add3A_429, %get3A_434, %dot_general3A_435 {dimension_numbers = #tpu.dot_dimension_numbers<[1], [0], [0], [1], [0, 0, 1, 1], [], []>, transpose_lhs_hint = false} : vector<512x32xf32>, vector<32x128xf32>, vector<512x128xf32> -> vector<512x128xf32>
    %add3A_437 = arith.addf %add3A_397, %dot_general3A_436 : vector<512x128xf32>
    %get3A_438 = arith.constant 26 : index
    %get3A_439 = arith.constant 0 : index
    %get3A_440 = arith.constant 0 : index
    %get3A_441 = vector.load %arg6[%get3A_438, %get3A_439, %get3A_440] : memref<32x32x128xf32, #tpu.memory_space<vmem>>, vector<1x32x128xf32>
    %get3A_442 = vector.shape_cast %get3A_441 : vector<1x32x128xf32> to vector<32x128xf32>
    %dot_general3A_443 = arith.constant dense<0.000000e+00> : vector<512x128xf32>
    %dot_general3A_444 = tpu.matmul %add3A_429, %get3A_442, %dot_general3A_443 {dimension_numbers = #tpu.dot_dimension_numbers<[1], [0], [0], [1], [0, 0, 1, 1], [], []>, transpose_lhs_hint = false} : vector<512x32xf32>, vector<32x128xf32>, vector<512x128xf32> -> vector<512x128xf32>
    %add3A_445 = arith.addf %add3A_405, %dot_general3A_444 : vector<512x128xf32>
    %get3A_446 = arith.constant 11 : index
    %get3A_447 = arith.constant 0 : index
    %get3A_448 = arith.constant 0 : index
    %get3A_449 = vector.load %arg1[%get3A_446, %get3A_447, %get3A_448] : memref<16x512x32xf32, #tpu.memory_space<vmem>>, vector<1x512x32xf32>
    %get3A_450 = vector.shape_cast %get3A_449 : vector<1x512x32xf32> to vector<512x32xf32>
    %mul3A_451 = vector.broadcast %slice3A_5 : vector<512x1xf32> to vector<512x32xf32>
    %mul3A_452 = arith.mulf %get3A_450, %mul3A_451 : vector<512x32xf32>
    %get3A_453 = arith.constant 11 : index
    %get3A_454 = arith.constant 0 : index
    %get3A_455 = arith.constant 0 : index
    %get3A_456 = vector.load %arg4[%get3A_453, %get3A_454, %get3A_455] : memref<16x1x32xf32, #tpu.memory_space<vmem>>, vector<1x1x32xf32>
    %get3A_457 = vector.shape_cast %get3A_456 : vector<1x1x32xf32> to vector<1x32xf32>
    %mul3A_458 = arith.constant 0.999994993 : f32
    %mul3A_459 = vector.broadcast %mul3A_458 : f32 to vector<1x32xf32>
    %mul3A_460 = arith.mulf %get3A_457, %mul3A_459 : vector<1x32xf32>
    %mul3A_461 = vector.broadcast %mul3A_460 : vector<1x32xf32> to vector<512x32xf32>
    %mul3A_462 = arith.mulf %mul3A_452, %mul3A_461 : vector<512x32xf32>
    %get3A_463 = arith.constant 11 : index
    %get3A_464 = arith.constant 0 : index
    %get3A_465 = arith.constant 0 : index
    %get3A_466 = vector.load %arg5[%get3A_463, %get3A_464, %get3A_465] : memref<16x1x32xf32, #tpu.memory_space<vmem>>, vector<1x1x32xf32>
    %get3A_467 = vector.shape_cast %get3A_466 : vector<1x1x32xf32> to vector<1x32xf32>
    %add3A_468 = vector.broadcast %get3A_467 : vector<1x32xf32> to vector<512x32xf32>
    %add3A_469 = arith.addf %mul3A_462, %add3A_468 : vector<512x32xf32>
    %get3A_470 = arith.constant 11 : index
    %get3A_471 = arith.constant 0 : index
    %get3A_472 = arith.constant 0 : index
    %get3A_473 = vector.load %arg6[%get3A_470, %get3A_471, %get3A_472] : memref<32x32x128xf32, #tpu.memory_space<vmem>>, vector<1x32x128xf32>
    %get3A_474 = vector.shape_cast %get3A_473 : vector<1x32x128xf32> to vector<32x128xf32>
    %dot_general3A_475 = arith.constant dense<0.000000e+00> : vector<512x128xf32>
    %dot_general3A_476 = tpu.matmul %add3A_469, %get3A_474, %dot_general3A_475 {dimension_numbers = #tpu.dot_dimension_numbers<[1], [0], [0], [1], [0, 0, 1, 1], [], []>, transpose_lhs_hint = false} : vector<512x32xf32>, vector<32x128xf32>, vector<512x128xf32> -> vector<512x128xf32>
    %add3A_477 = arith.addf %add3A_437, %dot_general3A_476 : vector<512x128xf32>
    %get3A_478 = arith.constant 27 : index
    %get3A_479 = arith.constant 0 : index
    %get3A_480 = arith.constant 0 : index
    %get3A_481 = vector.load %arg6[%get3A_478, %get3A_479, %get3A_480] : memref<32x32x128xf32, #tpu.memory_space<vmem>>, vector<1x32x128xf32>
    %get3A_482 = vector.shape_cast %get3A_481 : vector<1x32x128xf32> to vector<32x128xf32>
    %dot_general3A_483 = arith.constant dense<0.000000e+00> : vector<512x128xf32>
    %dot_general3A_484 = tpu.matmul %add3A_469, %get3A_482, %dot_general3A_483 {dimension_numbers = #tpu.dot_dimension_numbers<[1], [0], [0], [1], [0, 0, 1, 1], [], []>, transpose_lhs_hint = false} : vector<512x32xf32>, vector<32x128xf32>, vector<512x128xf32> -> vector<512x128xf32>
    %add3A_485 = arith.addf %add3A_445, %dot_general3A_484 : vector<512x128xf32>
    %get3A_486 = arith.constant 12 : index
    %get3A_487 = arith.constant 0 : index
    %get3A_488 = arith.constant 0 : index
    %get3A_489 = vector.load %arg1[%get3A_486, %get3A_487, %get3A_488] : memref<16x512x32xf32, #tpu.memory_space<vmem>>, vector<1x512x32xf32>
    %get3A_490 = vector.shape_cast %get3A_489 : vector<1x512x32xf32> to vector<512x32xf32>
    %mul3A_491 = vector.broadcast %slice3A_5 : vector<512x1xf32> to vector<512x32xf32>
    %mul3A_492 = arith.mulf %get3A_490, %mul3A_491 : vector<512x32xf32>
    %get3A_493 = arith.constant 12 : index
    %get3A_494 = arith.constant 0 : index
    %get3A_495 = arith.constant 0 : index
    %get3A_496 = vector.load %arg4[%get3A_493, %get3A_494, %get3A_495] : memref<16x1x32xf32, #tpu.memory_space<vmem>>, vector<1x1x32xf32>
    %get3A_497 = vector.shape_cast %get3A_496 : vector<1x1x32xf32> to vector<1x32xf32>
    %mul3A_498 = arith.constant 0.999994993 : f32
    %mul3A_499 = vector.broadcast %mul3A_498 : f32 to vector<1x32xf32>
    %mul3A_500 = arith.mulf %get3A_497, %mul3A_499 : vector<1x32xf32>
    %mul3A_501 = vector.broadcast %mul3A_500 : vector<1x32xf32> to vector<512x32xf32>
    %mul3A_502 = arith.mulf %mul3A_492, %mul3A_501 : vector<512x32xf32>
    %get3A_503 = arith.constant 12 : index
    %get3A_504 = arith.constant 0 : index
    %get3A_505 = arith.constant 0 : index
    %get3A_506 = vector.load %arg5[%get3A_503, %get3A_504, %get3A_505] : memref<16x1x32xf32, #tpu.memory_space<vmem>>, vector<1x1x32xf32>
    %get3A_507 = vector.shape_cast %get3A_506 : vector<1x1x32xf32> to vector<1x32xf32>
    %add3A_508 = vector.broadcast %get3A_507 : vector<1x32xf32> to vector<512x32xf32>
    %add3A_509 = arith.addf %mul3A_502, %add3A_508 : vector<512x32xf32>
    %get3A_510 = arith.constant 12 : index
    %get3A_511 = arith.constant 0 : index
    %get3A_512 = arith.constant 0 : index
    %get3A_513 = vector.load %arg6[%get3A_510, %get3A_511, %get3A_512] : memref<32x32x128xf32, #tpu.memory_space<vmem>>, vector<1x32x128xf32>
    %get3A_514 = vector.shape_cast %get3A_513 : vector<1x32x128xf32> to vector<32x128xf32>
    %dot_general3A_515 = arith.constant dense<0.000000e+00> : vector<512x128xf32>
    %dot_general3A_516 = tpu.matmul %add3A_509, %get3A_514, %dot_general3A_515 {dimension_numbers = #tpu.dot_dimension_numbers<[1], [0], [0], [1], [0, 0, 1, 1], [], []>, transpose_lhs_hint = false} : vector<512x32xf32>, vector<32x128xf32>, vector<512x128xf32> -> vector<512x128xf32>
    %add3A_517 = arith.addf %add3A_477, %dot_general3A_516 : vector<512x128xf32>
    %get3A_518 = arith.constant 28 : index
    %get3A_519 = arith.constant 0 : index
    %get3A_520 = arith.constant 0 : index
    %get3A_521 = vector.load %arg6[%get3A_518, %get3A_519, %get3A_520] : memref<32x32x128xf32, #tpu.memory_space<vmem>>, vector<1x32x128xf32>
    %get3A_522 = vector.shape_cast %get3A_521 : vector<1x32x128xf32> to vector<32x128xf32>
    %dot_general3A_523 = arith.constant dense<0.000000e+00> : vector<512x128xf32>
    %dot_general3A_524 = tpu.matmul %add3A_509, %get3A_522, %dot_general3A_523 {dimension_numbers = #tpu.dot_dimension_numbers<[1], [0], [0], [1], [0, 0, 1, 1], [], []>, transpose_lhs_hint = false} : vector<512x32xf32>, vector<32x128xf32>, vector<512x128xf32> -> vector<512x128xf32>
    %add3A_525 = arith.addf %add3A_485, %dot_general3A_524 : vector<512x128xf32>
    %get3A_526 = arith.constant 13 : index
    %get3A_527 = arith.constant 0 : index
    %get3A_528 = arith.constant 0 : index
    %get3A_529 = vector.load %arg1[%get3A_526, %get3A_527, %get3A_528] : memref<16x512x32xf32, #tpu.memory_space<vmem>>, vector<1x512x32xf32>
    %get3A_530 = vector.shape_cast %get3A_529 : vector<1x512x32xf32> to vector<512x32xf32>
    %mul3A_531 = vector.broadcast %slice3A_5 : vector<512x1xf32> to vector<512x32xf32>
    %mul3A_532 = arith.mulf %get3A_530, %mul3A_531 : vector<512x32xf32>
    %get3A_533 = arith.constant 13 : index
    %get3A_534 = arith.constant 0 : index
    %get3A_535 = arith.constant 0 : index
    %get3A_536 = vector.load %arg4[%get3A_533, %get3A_534, %get3A_535] : memref<16x1x32xf32, #tpu.memory_space<vmem>>, vector<1x1x32xf32>
    %get3A_537 = vector.shape_cast %get3A_536 : vector<1x1x32xf32> to vector<1x32xf32>
    %mul3A_538 = arith.constant 0.999994993 : f32
    %mul3A_539 = vector.broadcast %mul3A_538 : f32 to vector<1x32xf32>
    %mul3A_540 = arith.mulf %get3A_537, %mul3A_539 : vector<1x32xf32>
    %mul3A_541 = vector.broadcast %mul3A_540 : vector<1x32xf32> to vector<512x32xf32>
    %mul3A_542 = arith.mulf %mul3A_532, %mul3A_541 : vector<512x32xf32>
    %get3A_543 = arith.constant 13 : index
    %get3A_544 = arith.constant 0 : index
    %get3A_545 = arith.constant 0 : index
    %get3A_546 = vector.load %arg5[%get3A_543, %get3A_544, %get3A_545] : memref<16x1x32xf32, #tpu.memory_space<vmem>>, vector<1x1x32xf32>
    %get3A_547 = vector.shape_cast %get3A_546 : vector<1x1x32xf32> to vector<1x32xf32>
    %add3A_548 = vector.broadcast %get3A_547 : vector<1x32xf32> to vector<512x32xf32>
    %add3A_549 = arith.addf %mul3A_542, %add3A_548 : vector<512x32xf32>
    %get3A_550 = arith.constant 13 : index
    %get3A_551 = arith.constant 0 : index
    %get3A_552 = arith.constant 0 : index
    %get3A_553 = vector.load %arg6[%get3A_550, %get3A_551, %get3A_552] : memref<32x32x128xf32, #tpu.memory_space<vmem>>, vector<1x32x128xf32>
    %get3A_554 = vector.shape_cast %get3A_553 : vector<1x32x128xf32> to vector<32x128xf32>
    %dot_general3A_555 = arith.constant dense<0.000000e+00> : vector<512x128xf32>
    %dot_general3A_556 = tpu.matmul %add3A_549, %get3A_554, %dot_general3A_555 {dimension_numbers = #tpu.dot_dimension_numbers<[1], [0], [0], [1], [0, 0, 1, 1], [], []>, transpose_lhs_hint = false} : vector<512x32xf32>, vector<32x128xf32>, vector<512x128xf32> -> vector<512x128xf32>
    %add3A_557 = arith.addf %add3A_517, %dot_general3A_556 : vector<512x128xf32>
    %get3A_558 = arith.constant 29 : index
    %get3A_559 = arith.constant 0 : index
    %get3A_560 = arith.constant 0 : index
    %get3A_561 = vector.load %arg6[%get3A_558, %get3A_559, %get3A_560] : memref<32x32x128xf32, #tpu.memory_space<vmem>>, vector<1x32x128xf32>
    %get3A_562 = vector.shape_cast %get3A_561 : vector<1x32x128xf32> to vector<32x128xf32>
    %dot_general3A_563 = arith.constant dense<0.000000e+00> : vector<512x128xf32>
    %dot_general3A_564 = tpu.matmul %add3A_549, %get3A_562, %dot_general3A_563 {dimension_numbers = #tpu.dot_dimension_numbers<[1], [0], [0], [1], [0, 0, 1, 1], [], []>, transpose_lhs_hint = false} : vector<512x32xf32>, vector<32x128xf32>, vector<512x128xf32> -> vector<512x128xf32>
    %add3A_565 = arith.addf %add3A_525, %dot_general3A_564 : vector<512x128xf32>
    %get3A_566 = arith.constant 14 : index
    %get3A_567 = arith.constant 0 : index
    %get3A_568 = arith.constant 0 : index
    %get3A_569 = vector.load %arg1[%get3A_566, %get3A_567, %get3A_568] : memref<16x512x32xf32, #tpu.memory_space<vmem>>, vector<1x512x32xf32>
    %get3A_570 = vector.shape_cast %get3A_569 : vector<1x512x32xf32> to vector<512x32xf32>
    %mul3A_571 = vector.broadcast %slice3A_5 : vector<512x1xf32> to vector<512x32xf32>
    %mul3A_572 = arith.mulf %get3A_570, %mul3A_571 : vector<512x32xf32>
    %get3A_573 = arith.constant 14 : index
    %get3A_574 = arith.constant 0 : index
    %get3A_575 = arith.constant 0 : index
    %get3A_576 = vector.load %arg4[%get3A_573, %get3A_574, %get3A_575] : memref<16x1x32xf32, #tpu.memory_space<vmem>>, vector<1x1x32xf32>
    %get3A_577 = vector.shape_cast %get3A_576 : vector<1x1x32xf32> to vector<1x32xf32>
    %mul3A_578 = arith.constant 0.999994993 : f32
    %mul3A_579 = vector.broadcast %mul3A_578 : f32 to vector<1x32xf32>
    %mul3A_580 = arith.mulf %get3A_577, %mul3A_579 : vector<1x32xf32>
    %mul3A_581 = vector.broadcast %mul3A_580 : vector<1x32xf32> to vector<512x32xf32>
    %mul3A_582 = arith.mulf %mul3A_572, %mul3A_581 : vector<512x32xf32>
    %get3A_583 = arith.constant 14 : index
    %get3A_584 = arith.constant 0 : index
    %get3A_585 = arith.constant 0 : index
    %get3A_586 = vector.load %arg5[%get3A_583, %get3A_584, %get3A_585] : memref<16x1x32xf32, #tpu.memory_space<vmem>>, vector<1x1x32xf32>
    %get3A_587 = vector.shape_cast %get3A_586 : vector<1x1x32xf32> to vector<1x32xf32>
    %add3A_588 = vector.broadcast %get3A_587 : vector<1x32xf32> to vector<512x32xf32>
    %add3A_589 = arith.addf %mul3A_582, %add3A_588 : vector<512x32xf32>
    %get3A_590 = arith.constant 14 : index
    %get3A_591 = arith.constant 0 : index
    %get3A_592 = arith.constant 0 : index
    %get3A_593 = vector.load %arg6[%get3A_590, %get3A_591, %get3A_592] : memref<32x32x128xf32, #tpu.memory_space<vmem>>, vector<1x32x128xf32>
    %get3A_594 = vector.shape_cast %get3A_593 : vector<1x32x128xf32> to vector<32x128xf32>
    %dot_general3A_595 = arith.constant dense<0.000000e+00> : vector<512x128xf32>
    %dot_general3A_596 = tpu.matmul %add3A_589, %get3A_594, %dot_general3A_595 {dimension_numbers = #tpu.dot_dimension_numbers<[1], [0], [0], [1], [0, 0, 1, 1], [], []>, transpose_lhs_hint = false} : vector<512x32xf32>, vector<32x128xf32>, vector<512x128xf32> -> vector<512x128xf32>
    %add3A_597 = arith.addf %add3A_557, %dot_general3A_596 : vector<512x128xf32>
    %get3A_598 = arith.constant 30 : index
    %get3A_599 = arith.constant 0 : index
    %get3A_600 = arith.constant 0 : index
    %get3A_601 = vector.load %arg6[%get3A_598, %get3A_599, %get3A_600] : memref<32x32x128xf32, #tpu.memory_space<vmem>>, vector<1x32x128xf32>
    %get3A_602 = vector.shape_cast %get3A_601 : vector<1x32x128xf32> to vector<32x128xf32>
    %dot_general3A_603 = arith.constant dense<0.000000e+00> : vector<512x128xf32>
    %dot_general3A_604 = tpu.matmul %add3A_589, %get3A_602, %dot_general3A_603 {dimension_numbers = #tpu.dot_dimension_numbers<[1], [0], [0], [1], [0, 0, 1, 1], [], []>, transpose_lhs_hint = false} : vector<512x32xf32>, vector<32x128xf32>, vector<512x128xf32> -> vector<512x128xf32>
    %add3A_605 = arith.addf %add3A_565, %dot_general3A_604 : vector<512x128xf32>
    %get3A_606 = arith.constant 15 : index
    %get3A_607 = arith.constant 0 : index
    %get3A_608 = arith.constant 0 : index
    %get3A_609 = vector.load %arg1[%get3A_606, %get3A_607, %get3A_608] : memref<16x512x32xf32, #tpu.memory_space<vmem>>, vector<1x512x32xf32>
    %get3A_610 = vector.shape_cast %get3A_609 : vector<1x512x32xf32> to vector<512x32xf32>
    %mul3A_611 = vector.broadcast %slice3A_5 : vector<512x1xf32> to vector<512x32xf32>
    %mul3A_612 = arith.mulf %get3A_610, %mul3A_611 : vector<512x32xf32>
    %get3A_613 = arith.constant 15 : index
    %get3A_614 = arith.constant 0 : index
    %get3A_615 = arith.constant 0 : index
    %get3A_616 = vector.load %arg4[%get3A_613, %get3A_614, %get3A_615] : memref<16x1x32xf32, #tpu.memory_space<vmem>>, vector<1x1x32xf32>
    %get3A_617 = vector.shape_cast %get3A_616 : vector<1x1x32xf32> to vector<1x32xf32>
    %mul3A_618 = arith.constant 0.999994993 : f32
    %mul3A_619 = vector.broadcast %mul3A_618 : f32 to vector<1x32xf32>
    %mul3A_620 = arith.mulf %get3A_617, %mul3A_619 : vector<1x32xf32>
    %mul3A_621 = vector.broadcast %mul3A_620 : vector<1x32xf32> to vector<512x32xf32>
    %mul3A_622 = arith.mulf %mul3A_612, %mul3A_621 : vector<512x32xf32>
    %get3A_623 = arith.constant 15 : index
    %get3A_624 = arith.constant 0 : index
    %get3A_625 = arith.constant 0 : index
    %get3A_626 = vector.load %arg5[%get3A_623, %get3A_624, %get3A_625] : memref<16x1x32xf32, #tpu.memory_space<vmem>>, vector<1x1x32xf32>
    %get3A_627 = vector.shape_cast %get3A_626 : vector<1x1x32xf32> to vector<1x32xf32>
    %add3A_628 = vector.broadcast %get3A_627 : vector<1x32xf32> to vector<512x32xf32>
    %add3A_629 = arith.addf %mul3A_622, %add3A_628 : vector<512x32xf32>
    %get3A_630 = arith.constant 15 : index
    %get3A_631 = arith.constant 0 : index
    %get3A_632 = arith.constant 0 : index
    %get3A_633 = vector.load %arg6[%get3A_630, %get3A_631, %get3A_632] : memref<32x32x128xf32, #tpu.memory_space<vmem>>, vector<1x32x128xf32>
    %get3A_634 = vector.shape_cast %get3A_633 : vector<1x32x128xf32> to vector<32x128xf32>
    %dot_general3A_635 = arith.constant dense<0.000000e+00> : vector<512x128xf32>
    %dot_general3A_636 = tpu.matmul %add3A_629, %get3A_634, %dot_general3A_635 {dimension_numbers = #tpu.dot_dimension_numbers<[1], [0], [0], [1], [0, 0, 1, 1], [], []>, transpose_lhs_hint = false} : vector<512x32xf32>, vector<32x128xf32>, vector<512x128xf32> -> vector<512x128xf32>
    %add3A_637 = arith.addf %add3A_597, %dot_general3A_636 : vector<512x128xf32>
    %get3A_638 = arith.constant 31 : index
    %get3A_639 = arith.constant 0 : index
    %get3A_640 = arith.constant 0 : index
    %get3A_641 = vector.load %arg6[%get3A_638, %get3A_639, %get3A_640] : memref<32x32x128xf32, #tpu.memory_space<vmem>>, vector<1x32x128xf32>
    %get3A_642 = vector.shape_cast %get3A_641 : vector<1x32x128xf32> to vector<32x128xf32>
    %dot_general3A_643 = arith.constant dense<0.000000e+00> : vector<512x128xf32>
    %dot_general3A_644 = tpu.matmul %add3A_629, %get3A_642, %dot_general3A_643 {dimension_numbers = #tpu.dot_dimension_numbers<[1], [0], [0], [1], [0, 0, 1, 1], [], []>, transpose_lhs_hint = false} : vector<512x32xf32>, vector<32x128xf32>, vector<512x128xf32> -> vector<512x128xf32>
    %add3A_645 = arith.addf %add3A_605, %dot_general3A_644 : vector<512x128xf32>
    %slice3A_646 = vector.extract_strided_slice %add3A_637 {offsets = [0, 0], sizes = [512, 32], strides = [1, 1]} : vector<512x128xf32> to vector<512x32xf32>
    %mul3A_647 = vector.broadcast %slice3A : vector<512x1xf32> to vector<512x32xf32>
    %mul3A_648 = arith.mulf %slice3A_646, %mul3A_647 : vector<512x32xf32>
    %swap3A = arith.constant 0 : index
    %swap3A_649 = arith.constant 0 : index
    %swap3A_650 = arith.constant 0 : index
    %swap3A_651 = arith.constant 0 : index
    %swap3A_652 = vector.load %arg7[%swap3A, %swap3A_649, %swap3A_650, %swap3A_651] : memref<2x4x512x32xf32, #tpu.memory_space<vmem>>, vector<1x1x512x32xf32>
    %swap3A_653 = vector.shape_cast %swap3A_652 : vector<1x1x512x32xf32> to vector<512x32xf32>
    %swap3A_654 = vector.shape_cast %mul3A_648 : vector<512x32xf32> to vector<1x1x512x32xf32>
    tpu.vector_store %arg7[%swap3A, %swap3A_649, %swap3A_650, %swap3A_651], %swap3A_654 {strides = array<i32>} : memref<2x4x512x32xf32, #tpu.memory_space<vmem>>, vector<1x1x512x32xf32>,
    %slice3A_655 = vector.extract_strided_slice %add3A_645 {offsets = [0, 0], sizes = [512, 32], strides = [1, 1]} : vector<512x128xf32> to vector<512x32xf32>
    %mul3A_656 = vector.broadcast %slice3A_5 : vector<512x1xf32> to vector<512x32xf32>
    %mul3A_657 = arith.mulf %slice3A_655, %mul3A_656 : vector<512x32xf32>
    %swap3A_658 = arith.constant 1 : index
    %swap3A_659 = arith.constant 0 : index
    %swap3A_660 = arith.constant 0 : index
    %swap3A_661 = arith.constant 0 : index
    %swap3A_662 = vector.load %arg7[%swap3A_658, %swap3A_659, %swap3A_660, %swap3A_661] : memref<2x4x512x32xf32, #tpu.memory_space<vmem>>, vector<1x1x512x32xf32>
    %swap3A_663 = vector.shape_cast %swap3A_662 : vector<1x1x512x32xf32> to vector<512x32xf32>
    %swap3A_664 = vector.shape_cast %mul3A_657 : vector<512x32xf32> to vector<1x1x512x32xf32>
    tpu.vector_store %arg7[%swap3A_658, %swap3A_659, %swap3A_660, %swap3A_661], %swap3A_664 {strides = array<i32>} : memref<2x4x512x32xf32, #tpu.memory_space<vmem>>, vector<1x1x512x32xf32>,
    %slice3A_665 = vector.extract_strided_slice %add3A_637 {offsets = [0, 32], sizes = [512, 32], strides = [1, 1]} : vector<512x128xf32> to vector<512x32xf32>
    %mul3A_666 = vector.broadcast %slice3A : vector<512x1xf32> to vector<512x32xf32>
    %mul3A_667 = arith.mulf %slice3A_665, %mul3A_666 : vector<512x32xf32>
    %swap3A_668 = arith.constant 0 : index
    %swap3A_669 = arith.constant 1 : index
    %swap3A_670 = arith.constant 0 : index
    %swap3A_671 = arith.constant 0 : index
    %swap3A_672 = vector.load %arg7[%swap3A_668, %swap3A_669, %swap3A_670, %swap3A_671] : memref<2x4x512x32xf32, #tpu.memory_space<vmem>>, vector<1x1x512x32xf32>
    %swap3A_673 = vector.shape_cast %swap3A_672 : vector<1x1x512x32xf32> to vector<512x32xf32>
    %swap3A_674 = vector.shape_cast %mul3A_667 : vector<512x32xf32> to vector<1x1x512x32xf32>
    tpu.vector_store %arg7[%swap3A_668, %swap3A_669, %swap3A_670, %swap3A_671], %swap3A_674 {strides = array<i32>} : memref<2x4x512x32xf32, #tpu.memory_space<vmem>>, vector<1x1x512x32xf32>,
    %slice3A_675 = vector.extract_strided_slice %add3A_645 {offsets = [0, 32], sizes = [512, 32], strides = [1, 1]} : vector<512x128xf32> to vector<512x32xf32>
    %mul3A_676 = vector.broadcast %slice3A_5 : vector<512x1xf32> to vector<512x32xf32>
    %mul3A_677 = arith.mulf %slice3A_675, %mul3A_676 : vector<512x32xf32>
    %swap3A_678 = arith.constant 1 : index
    %swap3A_679 = arith.constant 1 : index
    %swap3A_680 = arith.constant 0 : index
    %swap3A_681 = arith.constant 0 : index
    %swap3A_682 = vector.load %arg7[%swap3A_678, %swap3A_679, %swap3A_680, %swap3A_681] : memref<2x4x512x32xf32, #tpu.memory_space<vmem>>, vector<1x1x512x32xf32>
    %swap3A_683 = vector.shape_cast %swap3A_682 : vector<1x1x512x32xf32> to vector<512x32xf32>
    %swap3A_684 = vector.shape_cast %mul3A_677 : vector<512x32xf32> to vector<1x1x512x32xf32>
    tpu.vector_store %arg7[%swap3A_678, %swap3A_679, %swap3A_680, %swap3A_681], %swap3A_684 {strides = array<i32>} : memref<2x4x512x32xf32, #tpu.memory_space<vmem>>, vector<1x1x512x32xf32>,
    %slice3A_685 = vector.extract_strided_slice %add3A_637 {offsets = [0, 64], sizes = [512, 32], strides = [1, 1]} : vector<512x128xf32> to vector<512x32xf32>
    %mul3A_686 = vector.broadcast %slice3A : vector<512x1xf32> to vector<512x32xf32>
    %mul3A_687 = arith.mulf %slice3A_685, %mul3A_686 : vector<512x32xf32>
    %swap3A_688 = arith.constant 0 : index
    %swap3A_689 = arith.constant 2 : index
    %swap3A_690 = arith.constant 0 : index
    %swap3A_691 = arith.constant 0 : index
    %swap3A_692 = vector.load %arg7[%swap3A_688, %swap3A_689, %swap3A_690, %swap3A_691] : memref<2x4x512x32xf32, #tpu.memory_space<vmem>>, vector<1x1x512x32xf32>
    %swap3A_693 = vector.shape_cast %swap3A_692 : vector<1x1x512x32xf32> to vector<512x32xf32>
    %swap3A_694 = vector.shape_cast %mul3A_687 : vector<512x32xf32> to vector<1x1x512x32xf32>
    tpu.vector_store %arg7[%swap3A_688, %swap3A_689, %swap3A_690, %swap3A_691], %swap3A_694 {strides = array<i32>} : memref<2x4x512x32xf32, #tpu.memory_space<vmem>>, vector<1x1x512x32xf32>,
    %slice3A_695 = vector.extract_strided_slice %add3A_645 {offsets = [0, 64], sizes = [512, 32], strides = [1, 1]} : vector<512x128xf32> to vector<512x32xf32>
    %mul3A_696 = vector.broadcast %slice3A_5 : vector<512x1xf32> to vector<512x32xf32>
    %mul3A_697 = arith.mulf %slice3A_695, %mul3A_696 : vector<512x32xf32>
    %swap3A_698 = arith.constant 1 : index
    %swap3A_699 = arith.constant 2 : index
    %swap3A_700 = arith.constant 0 : index
    %swap3A_701 = arith.constant 0 : index
    %swap3A_702 = vector.load %arg7[%swap3A_698, %swap3A_699, %swap3A_700, %swap3A_701] : memref<2x4x512x32xf32, #tpu.memory_space<vmem>>, vector<1x1x512x32xf32>
    %swap3A_703 = vector.shape_cast %swap3A_702 : vector<1x1x512x32xf32> to vector<512x32xf32>
    %swap3A_704 = vector.shape_cast %mul3A_697 : vector<512x32xf32> to vector<1x1x512x32xf32>
    tpu.vector_store %arg7[%swap3A_698, %swap3A_699, %swap3A_700, %swap3A_701], %swap3A_704 {strides = array<i32>} : memref<2x4x512x32xf32, #tpu.memory_space<vmem>>, vector<1x1x512x32xf32>,
    %slice3A_705 = vector.extract_strided_slice %add3A_637 {offsets = [0, 96], sizes = [512, 32], strides = [1, 1]} : vector<512x128xf32> to vector<512x32xf32>
    %mul3A_706 = vector.broadcast %slice3A : vector<512x1xf32> to vector<512x32xf32>
    %mul3A_707 = arith.mulf %slice3A_705, %mul3A_706 : vector<512x32xf32>
    %swap3A_708 = arith.constant 0 : index
    %swap3A_709 = arith.constant 3 : index
    %swap3A_710 = arith.constant 0 : index
    %swap3A_711 = arith.constant 0 : index
    %swap3A_712 = vector.load %arg7[%swap3A_708, %swap3A_709, %swap3A_710, %swap3A_711] : memref<2x4x512x32xf32, #tpu.memory_space<vmem>>, vector<1x1x512x32xf32>
    %swap3A_713 = vector.shape_cast %swap3A_712 : vector<1x1x512x32xf32> to vector<512x32xf32>
    %swap3A_714 = vector.shape_cast %mul3A_707 : vector<512x32xf32> to vector<1x1x512x32xf32>
    tpu.vector_store %arg7[%swap3A_708, %swap3A_709, %swap3A_710, %swap3A_711], %swap3A_714 {strides = array<i32>} : memref<2x4x512x32xf32, #tpu.memory_space<vmem>>, vector<1x1x512x32xf32>,
    %slice3A_715 = vector.extract_strided_slice %add3A_645 {offsets = [0, 96], sizes = [512, 32], strides = [1, 1]} : vector<512x128xf32> to vector<512x32xf32>
    %mul3A_716 = vector.broadcast %slice3A_5 : vector<512x1xf32> to vector<512x32xf32>
    %mul3A_717 = arith.mulf %slice3A_715, %mul3A_716 : vector<512x32xf32>
    %swap3A_718 = arith.constant 1 : index
    %swap3A_719 = arith.constant 3 : index
    %swap3A_720 = arith.constant 0 : index
    %swap3A_721 = arith.constant 0 : index
    %swap3A_722 = vector.load %arg7[%swap3A_718, %swap3A_719, %swap3A_720, %swap3A_721] : memref<2x4x512x32xf32, #tpu.memory_space<vmem>>, vector<1x1x512x32xf32>
    %swap3A_723 = vector.shape_cast %swap3A_722 : vector<1x1x512x32xf32> to vector<512x32xf32>
    %swap3A_724 = vector.shape_cast %mul3A_717 : vector<512x32xf32> to vector<1x1x512x32xf32>
    tpu.vector_store %arg7[%swap3A_718, %swap3A_719, %swap3A_720, %swap3A_721], %swap3A_724 {strides = array<i32>} : memref<2x4x512x32xf32, #tpu.memory_space<vmem>>, vector<1x1x512x32xf32>,
    return
  }
  func.func @transform_0(%arg0: i32) -> (i32, i32, i32) {
    %c0_i32 = arith.constant 0 : i32
    %c0_i32_0 = arith.constant 0 : i32
    %c0_i32_1 = arith.constant 0 : i32
    return %c0_i32, %arg0, %c0_i32_0 : i32, i32, i32
  }
  func.func @transform_1(%arg0: i32) -> (i32, i32) {
    %c0_i32 = arith.constant 0 : i32
    %c0_i32_0 = arith.constant 0 : i32
    return %arg0, %c0_i32 : i32, i32
  }
  func.func @transform_2(%arg0: i32) -> (i32, i32) {
    %c0_i32 = arith.constant 0 : i32
    %c0_i32_0 = arith.constant 0 : i32
    return %arg0, %c0_i32 : i32, i32
  }
  func.func @transform_3(%arg0: i32) -> (i32, i32, i32) {
    %c0_i32 = arith.constant 0 : i32
    %c0_i32_0 = arith.constant 0 : i32
    %c0_i32_1 = arith.constant 0 : i32
    %c0_i32_2 = arith.constant 0 : i32
    return %c0_i32, %c0_i32_0, %c0_i32_1 : i32, i32, i32
  }
  func.func @transform_4(%arg0: i32) -> (i32, i32, i32) {
    %c0_i32 = arith.constant 0 : i32
    %c0_i32_0 = arith.constant 0 : i32
    %c0_i32_1 = arith.constant 0 : i32
    %c0_i32_2 = arith.constant 0 : i32
    return %c0_i32, %c0_i32_0, %c0_i32_1 : i32, i32, i32
  }
  func.func @transform_5(%arg0: i32) -> (i32, i32, i32) {
    %c0_i32 = arith.constant 0 : i32
    %c0_i32_0 = arith.constant 0 : i32
    %c0_i32_1 = arith.constant 0 : i32
    %c0_i32_2 = arith.constant 0 : i32
    return %c0_i32, %c0_i32_0, %c0_i32_1 : i32, i32, i32
  }
  func.func @transform_6(%arg0: i32) -> (i32, i32, i32, i32) {
    %c0_i32 = arith.constant 0 : i32
    %c0_i32_0 = arith.constant 0 : i32
    %c0_i32_1 = arith.constant 0 : i32
    %c0_i32_2 = arith.constant 0 : i32
    return %c0_i32, %c0_i32_0, %arg0, %c0_i32_1 : i32, i32, i32, i32
  }
}

module attributes {stable_mosaic.version = 14 : i64} {
  func.func @body(%arg0: i32, %arg1: i32, %arg2: memref<4x512x32xf32, #tpu.memory_space<vmem>>, %arg3: memref<512x16xf32, #tpu.memory_space<vmem>>, %arg4: memref<512x16xf32, #tpu.memory_space<vmem>>, %arg5: memref<1x1x128xf32, #tpu.memory_space<vmem>>, %arg6: memref<1x1x128xf32, #tpu.memory_space<vmem>>, %arg7: memref<1x512x128xf32, #tpu.memory_space<vmem>>) attributes {dimension_semantics = [#tpu.dimension_semantics<arbitrary>, #tpu.dimension_semantics<arbitrary>], iteration_bounds = array<i64: 2, 20>, scalar_prefetch = 0 : i64, scratch_operands = 0 : i64, tpu.core_type = #tpu.core_type<tc>, window_params = [{transform_indices = @transform_0, window_bounds = array<i64: 4, 512, 32>}, {transform_indices = @transform_1, window_bounds = array<i64: 512, 16>}, {transform_indices = @transform_2, window_bounds = array<i64: 512, 16>}, {transform_indices = @transform_3, window_bounds = array<i64: 1, 1, 128>}, {transform_indices = @transform_4, window_bounds = array<i64: 1, 1, 128>}, {transform_indices = @transform_5, window_bounds = array<i64: 1, 512, 128>}]} {
    %get3A = arith.constant 0 : index
    %get3A_0 = arith.constant 0 : index
    %get3A_1 = arith.constant 0 : index
    %get3A_2 = vector.load %arg2[%get3A, %get3A_0, %get3A_1] : memref<4x512x32xf32, #tpu.memory_space<vmem>>, vector<1x512x32xf32>
    %get3A_3 = vector.shape_cast %get3A_2 : vector<1x512x32xf32> to vector<512x32xf32>
    %get3A_4 = arith.constant 1 : index
    %get3A_5 = arith.constant 0 : index
    %get3A_6 = arith.constant 0 : index
    %get3A_7 = vector.load %arg2[%get3A_4, %get3A_5, %get3A_6] : memref<4x512x32xf32, #tpu.memory_space<vmem>>, vector<1x512x32xf32>
    %get3A_8 = vector.shape_cast %get3A_7 : vector<1x512x32xf32> to vector<512x32xf32>
    %get3A_9 = arith.constant 2 : index
    %get3A_10 = arith.constant 0 : index
    %get3A_11 = arith.constant 0 : index
    %get3A_12 = vector.load %arg2[%get3A_9, %get3A_10, %get3A_11] : memref<4x512x32xf32, #tpu.memory_space<vmem>>, vector<1x512x32xf32>
    %get3A_13 = vector.shape_cast %get3A_12 : vector<1x512x32xf32> to vector<512x32xf32>
    %get3A_14 = arith.constant 3 : index
    %get3A_15 = arith.constant 0 : index
    %get3A_16 = arith.constant 0 : index
    %get3A_17 = vector.load %arg2[%get3A_14, %get3A_15, %get3A_16] : memref<4x512x32xf32, #tpu.memory_space<vmem>>, vector<1x512x32xf32>
    %get3A_18 = vector.shape_cast %get3A_17 : vector<1x512x32xf32> to vector<512x32xf32>
    %concatenate3A = tpu.concatenate %get3A_3, %get3A_8, %get3A_13, %get3A_18 in 1 : vector<512x32xf32>, vector<512x32xf32>, vector<512x32xf32>, vector<512x32xf32> -> vector<512x128xf32>
    %get3A_19 = arith.constant 0 : index
    %get3A_20 = arith.constant 0 : index
    %get3A_21 = vector.load %arg3[%get3A_19, %get3A_20] : memref<512x16xf32, #tpu.memory_space<vmem>>, vector<512x16xf32>
    %slice3A = vector.extract_strided_slice %get3A_21 {offsets = [0, 0], sizes = [512, 1], strides = [1, 1]} : vector<512x16xf32> to vector<512x1xf32>
    %get3A_22 = arith.constant 0 : index
    %get3A_23 = arith.constant 0 : index
    %get3A_24 = vector.load %arg4[%get3A_22, %get3A_23] : memref<512x16xf32, #tpu.memory_space<vmem>>, vector<512x16xf32>
    %slice3A_25 = vector.extract_strided_slice %get3A_24 {offsets = [0, 0], sizes = [512, 1], strides = [1, 1]} : vector<512x16xf32> to vector<512x1xf32>
    %mul3A = arith.constant 2 : i32
    %mul3A_26 = arith.muli %mul3A, %arg0 : i32
    %lt3A = arith.constant 2 : i32
    %lt3A_27 = arith.cmpi slt, %mul3A_26, %lt3A : i32
    %select_n3A = arith.select %lt3A_27, %slice3A, %slice3A_25 : vector<512x1xf32>
    %mul3A_28 = vector.broadcast %select_n3A : vector<512x1xf32> to vector<512x128xf32>
    %mul3A_29 = arith.mulf %concatenate3A, %mul3A_28 : vector<512x128xf32>
    %get3A_30 = arith.constant 0 : index
    %get3A_31 = arith.constant 0 : index
    %get3A_32 = arith.constant 0 : index
    %get3A_33 = vector.load %arg5[%get3A_30, %get3A_31, %get3A_32] : memref<1x1x128xf32, #tpu.memory_space<vmem>>, vector<1x1x128xf32>
    %get3A_34 = vector.shape_cast %get3A_33 : vector<1x1x128xf32> to vector<128xf32>
    %mul3A_35 = arith.constant 0.999994993 : f32
    %mul3A_36 = vector.broadcast %mul3A_35 : f32 to vector<128xf32>
    %mul3A_37 = arith.mulf %get3A_34, %mul3A_36 : vector<128xf32>
    %broadcast_in_dim3A = vector.shape_cast %mul3A_37 : vector<128xf32> to vector<1x128xf32>
    %mul3A_38 = vector.broadcast %broadcast_in_dim3A : vector<1x128xf32> to vector<512x128xf32>
    %mul3A_39 = arith.mulf %mul3A_29, %mul3A_38 : vector<512x128xf32>
    %get3A_40 = arith.constant 0 : index
    %get3A_41 = arith.constant 0 : index
    %get3A_42 = arith.constant 0 : index
    %get3A_43 = vector.load %arg6[%get3A_40, %get3A_41, %get3A_42] : memref<1x1x128xf32, #tpu.memory_space<vmem>>, vector<1x1x128xf32>
    %get3A_44 = vector.shape_cast %get3A_43 : vector<1x1x128xf32> to vector<128xf32>
    %broadcast_in_dim3A_45 = vector.shape_cast %get3A_44 : vector<128xf32> to vector<1x128xf32>
    %add3A = vector.broadcast %broadcast_in_dim3A_45 : vector<1x128xf32> to vector<512x128xf32>
    %add3A_46 = arith.addf %mul3A_39, %add3A : vector<512x128xf32>
    %swap3A = arith.constant 0 : index
    %swap3A_47 = arith.constant 0 : index
    %swap3A_48 = arith.constant 0 : index
    %swap3A_49 = vector.load %arg7[%swap3A, %swap3A_47, %swap3A_48] : memref<1x512x128xf32, #tpu.memory_space<vmem>>, vector<1x512x128xf32>
    %swap3A_50 = vector.shape_cast %swap3A_49 : vector<1x512x128xf32> to vector<512x128xf32>
    %swap3A_51 = vector.shape_cast %add3A_46 : vector<512x128xf32> to vector<1x512x128xf32>
    tpu.vector_store %arg7[%swap3A, %swap3A_47, %swap3A_48], %swap3A_51 {strides = array<i32>} : memref<1x512x128xf32, #tpu.memory_space<vmem>>, vector<1x512x128xf32>,
    return
  }
  func.func @transform_0(%arg0: i32, %arg1: i32) -> (i32, i32, i32) {
    %c0_i32 = arith.constant 0 : i32
    %c0_i32_0 = arith.constant 0 : i32
    return %arg0, %arg1, %c0_i32 : i32, i32, i32
  }
  func.func @transform_1(%arg0: i32, %arg1: i32) -> (i32, i32) {
    %c0_i32 = arith.constant 0 : i32
    %c0_i32_0 = arith.constant 0 : i32
    return %arg1, %c0_i32 : i32, i32
  }
  func.func @transform_2(%arg0: i32, %arg1: i32) -> (i32, i32) {
    %c0_i32 = arith.constant 0 : i32
    %c0_i32_0 = arith.constant 0 : i32
    return %arg1, %c0_i32 : i32, i32
  }
  func.func @transform_3(%arg0: i32, %arg1: i32) -> (i32, i32, i32) {
    %c0_i32 = arith.constant 0 : i32
    %c0_i32_0 = arith.constant 0 : i32
    %c0_i32_1 = arith.constant 0 : i32
    return %arg0, %c0_i32, %c0_i32_0 : i32, i32, i32
  }
  func.func @transform_4(%arg0: i32, %arg1: i32) -> (i32, i32, i32) {
    %c0_i32 = arith.constant 0 : i32
    %c0_i32_0 = arith.constant 0 : i32
    %c0_i32_1 = arith.constant 0 : i32
    return %arg0, %c0_i32, %c0_i32_0 : i32, i32, i32
  }
  func.func @transform_5(%arg0: i32, %arg1: i32) -> (i32, i32, i32) {
    %c0_i32 = arith.constant 0 : i32
    %c0_i32_0 = arith.constant 0 : i32
    return %arg0, %arg1, %c0_i32 : i32, i32, i32
  }
}

module attributes {stable_mosaic.version = 14 : i64} {
  func.func @body(%arg0: i32, %arg1: i32, %arg2: memref<4x512x32xf32, #tpu.memory_space<vmem>>, %arg3: memref<512x16xf32, #tpu.memory_space<vmem>>, %arg4: memref<512x16xf32, #tpu.memory_space<vmem>>, %arg5: memref<1x1x128xf32, #tpu.memory_space<vmem>>, %arg6: memref<1x1x128xf32, #tpu.memory_space<vmem>>, %arg7: memref<1x512x128xf32, #tpu.memory_space<vmem>>) attributes {dimension_semantics = [#tpu.dimension_semantics<arbitrary>, #tpu.dimension_semantics<arbitrary>], iteration_bounds = array<i64: 4, 20>, scalar_prefetch = 0 : i64, scratch_operands = 0 : i64, tpu.core_type = #tpu.core_type<tc>, window_params = [{transform_indices = @transform_0, window_bounds = array<i64: 4, 512, 32>}, {transform_indices = @transform_1, window_bounds = array<i64: 512, 16>}, {transform_indices = @transform_2, window_bounds = array<i64: 512, 16>}, {transform_indices = @transform_3, window_bounds = array<i64: 1, 1, 128>}, {transform_indices = @transform_4, window_bounds = array<i64: 1, 1, 128>}, {transform_indices = @transform_5, window_bounds = array<i64: 1, 512, 128>}]} {
    %get3A = arith.constant 0 : index
    %get3A_0 = arith.constant 0 : index
    %get3A_1 = arith.constant 0 : index
    %get3A_2 = vector.load %arg2[%get3A, %get3A_0, %get3A_1] : memref<4x512x32xf32, #tpu.memory_space<vmem>>, vector<1x512x32xf32>
    %get3A_3 = vector.shape_cast %get3A_2 : vector<1x512x32xf32> to vector<512x32xf32>
    %get3A_4 = arith.constant 1 : index
    %get3A_5 = arith.constant 0 : index
    %get3A_6 = arith.constant 0 : index
    %get3A_7 = vector.load %arg2[%get3A_4, %get3A_5, %get3A_6] : memref<4x512x32xf32, #tpu.memory_space<vmem>>, vector<1x512x32xf32>
    %get3A_8 = vector.shape_cast %get3A_7 : vector<1x512x32xf32> to vector<512x32xf32>
    %get3A_9 = arith.constant 2 : index
    %get3A_10 = arith.constant 0 : index
    %get3A_11 = arith.constant 0 : index
    %get3A_12 = vector.load %arg2[%get3A_9, %get3A_10, %get3A_11] : memref<4x512x32xf32, #tpu.memory_space<vmem>>, vector<1x512x32xf32>
    %get3A_13 = vector.shape_cast %get3A_12 : vector<1x512x32xf32> to vector<512x32xf32>
    %get3A_14 = arith.constant 3 : index
    %get3A_15 = arith.constant 0 : index
    %get3A_16 = arith.constant 0 : index
    %get3A_17 = vector.load %arg2[%get3A_14, %get3A_15, %get3A_16] : memref<4x512x32xf32, #tpu.memory_space<vmem>>, vector<1x512x32xf32>
    %get3A_18 = vector.shape_cast %get3A_17 : vector<1x512x32xf32> to vector<512x32xf32>
    %concatenate3A = tpu.concatenate %get3A_3, %get3A_8, %get3A_13, %get3A_18 in 1 : vector<512x32xf32>, vector<512x32xf32>, vector<512x32xf32>, vector<512x32xf32> -> vector<512x128xf32>
    %get3A_19 = arith.constant 0 : index
    %get3A_20 = arith.constant 0 : index
    %get3A_21 = vector.load %arg3[%get3A_19, %get3A_20] : memref<512x16xf32, #tpu.memory_space<vmem>>, vector<512x16xf32>
    %slice3A = vector.extract_strided_slice %get3A_21 {offsets = [0, 0], sizes = [512, 1], strides = [1, 1]} : vector<512x16xf32> to vector<512x1xf32>
    %get3A_22 = arith.constant 0 : index
    %get3A_23 = arith.constant 0 : index
    %get3A_24 = vector.load %arg4[%get3A_22, %get3A_23] : memref<512x16xf32, #tpu.memory_space<vmem>>, vector<512x16xf32>
    %slice3A_25 = vector.extract_strided_slice %get3A_24 {offsets = [0, 0], sizes = [512, 1], strides = [1, 1]} : vector<512x16xf32> to vector<512x1xf32>
    %mul3A = arith.constant 2 : i32
    %mul3A_26 = arith.muli %mul3A, %arg0 : i32
    %lt3A = arith.constant 4 : i32
    %lt3A_27 = arith.cmpi slt, %mul3A_26, %lt3A : i32
    %select_n3A = arith.select %lt3A_27, %slice3A, %slice3A_25 : vector<512x1xf32>
    %mul3A_28 = vector.broadcast %select_n3A : vector<512x1xf32> to vector<512x128xf32>
    %mul3A_29 = arith.mulf %concatenate3A, %mul3A_28 : vector<512x128xf32>
    %get3A_30 = arith.constant 0 : index
    %get3A_31 = arith.constant 0 : index
    %get3A_32 = arith.constant 0 : index
    %get3A_33 = vector.load %arg5[%get3A_30, %get3A_31, %get3A_32] : memref<1x1x128xf32, #tpu.memory_space<vmem>>, vector<1x1x128xf32>
    %get3A_34 = vector.shape_cast %get3A_33 : vector<1x1x128xf32> to vector<128xf32>
    %mul3A_35 = arith.constant 0.999994993 : f32
    %mul3A_36 = vector.broadcast %mul3A_35 : f32 to vector<128xf32>
    %mul3A_37 = arith.mulf %get3A_34, %mul3A_36 : vector<128xf32>
    %broadcast_in_dim3A = vector.shape_cast %mul3A_37 : vector<128xf32> to vector<1x128xf32>
    %mul3A_38 = vector.broadcast %broadcast_in_dim3A : vector<1x128xf32> to vector<512x128xf32>
    %mul3A_39 = arith.mulf %mul3A_29, %mul3A_38 : vector<512x128xf32>
    %get3A_40 = arith.constant 0 : index
    %get3A_41 = arith.constant 0 : index
    %get3A_42 = arith.constant 0 : index
    %get3A_43 = vector.load %arg6[%get3A_40, %get3A_41, %get3A_42] : memref<1x1x128xf32, #tpu.memory_space<vmem>>, vector<1x1x128xf32>
    %get3A_44 = vector.shape_cast %get3A_43 : vector<1x1x128xf32> to vector<128xf32>
    %broadcast_in_dim3A_45 = vector.shape_cast %get3A_44 : vector<128xf32> to vector<1x128xf32>
    %add3A = vector.broadcast %broadcast_in_dim3A_45 : vector<1x128xf32> to vector<512x128xf32>
    %add3A_46 = arith.addf %mul3A_39, %add3A : vector<512x128xf32>
    %swap3A = arith.constant 0 : index
    %swap3A_47 = arith.constant 0 : index
    %swap3A_48 = arith.constant 0 : index
    %swap3A_49 = vector.load %arg7[%swap3A, %swap3A_47, %swap3A_48] : memref<1x512x128xf32, #tpu.memory_space<vmem>>, vector<1x512x128xf32>
    %swap3A_50 = vector.shape_cast %swap3A_49 : vector<1x512x128xf32> to vector<512x128xf32>
    %swap3A_51 = vector.shape_cast %add3A_46 : vector<512x128xf32> to vector<1x512x128xf32>
    tpu.vector_store %arg7[%swap3A, %swap3A_47, %swap3A_48], %swap3A_51 {strides = array<i32>} : memref<1x512x128xf32, #tpu.memory_space<vmem>>, vector<1x512x128xf32>,
    return
  }
  func.func @transform_0(%arg0: i32, %arg1: i32) -> (i32, i32, i32) {
    %c0_i32 = arith.constant 0 : i32
    %c0_i32_0 = arith.constant 0 : i32
    return %arg0, %arg1, %c0_i32 : i32, i32, i32
  }
  func.func @transform_1(%arg0: i32, %arg1: i32) -> (i32, i32) {
    %c0_i32 = arith.constant 0 : i32
    %c0_i32_0 = arith.constant 0 : i32
    return %arg1, %c0_i32 : i32, i32
  }
  func.func @transform_2(%arg0: i32, %arg1: i32) -> (i32, i32) {
    %c0_i32 = arith.constant 0 : i32
    %c0_i32_0 = arith.constant 0 : i32
    return %arg1, %c0_i32 : i32, i32
  }
  func.func @transform_3(%arg0: i32, %arg1: i32) -> (i32, i32, i32) {
    %c0_i32 = arith.constant 0 : i32
    %c0_i32_0 = arith.constant 0 : i32
    %c0_i32_1 = arith.constant 0 : i32
    return %arg0, %c0_i32, %c0_i32_0 : i32, i32, i32
  }
  func.func @transform_4(%arg0: i32, %arg1: i32) -> (i32, i32, i32) {
    %c0_i32 = arith.constant 0 : i32
    %c0_i32_0 = arith.constant 0 : i32
    %c0_i32_1 = arith.constant 0 : i32
    return %arg0, %c0_i32, %c0_i32_0 : i32, i32, i32
  }
  func.func @transform_5(%arg0: i32, %arg1: i32) -> (i32, i32, i32) {
    %c0_i32 = arith.constant 0 : i32
    %c0_i32_0 = arith.constant 0 : i32
    return %arg0, %arg1, %c0_i32 : i32, i32, i32
  }
}

module attributes {stable_mosaic.version = 14 : i64} {
  func.func @body(%arg0: i32, %arg1: memref<512x128xf32, #tpu.memory_space<vmem>>, %arg2: memref<2x512x128xf32, #tpu.memory_space<vmem>>, %arg3: memref<4x512x128xf32, #tpu.memory_space<vmem>>, %arg4: memref<8x512x32xf32, #tpu.memory_space<vmem>>, %arg5: memref<512x16xf32, #tpu.memory_space<vmem>>, %arg6: memref<512x16xf32, #tpu.memory_space<vmem>>, %arg7: memref<7x128x128xf32, #tpu.memory_space<vmem>>, %arg8: memref<1x128xf32, #tpu.memory_space<vmem>>, %arg9: memref<512x128xf32, #tpu.memory_space<vmem>>) attributes {dimension_semantics = [#tpu.dimension_semantics<arbitrary>], iteration_bounds = array<i64: 20>, scalar_prefetch = 0 : i64, scratch_operands = 0 : i64, tpu.core_type = #tpu.core_type<tc>, window_params = [{transform_indices = @transform_0, window_bounds = array<i64: 512, 128>}, {transform_indices = @transform_1, window_bounds = array<i64: 2, 512, 128>}, {transform_indices = @transform_2, window_bounds = array<i64: 4, 512, 128>}, {transform_indices = @transform_3, window_bounds = array<i64: 8, 512, 32>}, {transform_indices = @transform_4, window_bounds = array<i64: 512, 16>}, {transform_indices = @transform_5, window_bounds = array<i64: 512, 16>}, {pipeline_mode = #tpu.pipeline_mode<synchronous>, transform_indices = @transform_6, window_bounds = array<i64: 7, 128, 128>}, {pipeline_mode = #tpu.pipeline_mode<synchronous>, transform_indices = @transform_7, window_bounds = array<i64: 1, 128>}, {transform_indices = @transform_8, window_bounds = array<i64: 512, 128>}]} {
    %get3A = arith.constant 0 : index
    %get3A_0 = arith.constant 0 : index
    %get3A_1 = vector.load %arg1[%get3A, %get3A_0] : memref<512x128xf32, #tpu.memory_space<vmem>>, vector<512x128xf32>
    %get3A_2 = arith.constant 0 : index
    %get3A_3 = arith.constant 0 : index
    %get3A_4 = arith.constant 0 : index
    %get3A_5 = vector.load %arg7[%get3A_2, %get3A_3, %get3A_4] : memref<7x128x128xf32, #tpu.memory_space<vmem>>, vector<1x128x128xf32>
    %get3A_6 = vector.shape_cast %get3A_5 : vector<1x128x128xf32> to vector<128x128xf32>
    %dot_general3A = arith.constant dense<0.000000e+00> : vector<512x128xf32>
    %dot_general3A_7 = tpu.matmul %get3A_1, %get3A_6, %dot_general3A {dimension_numbers = #tpu.dot_dimension_numbers<[1], [0], [0], [1], [0, 0, 1, 1], [], []>, transpose_lhs_hint = false} : vector<512x128xf32>, vector<128x128xf32>, vector<512x128xf32> -> vector<512x128xf32>
    %get3A_8 = arith.constant 0 : index
    %get3A_9 = arith.constant 0 : index
    %get3A_10 = arith.constant 0 : index
    %get3A_11 = vector.load %arg2[%get3A_8, %get3A_9, %get3A_10] : memref<2x512x128xf32, #tpu.memory_space<vmem>>, vector<1x512x128xf32>
    %get3A_12 = vector.shape_cast %get3A_11 : vector<1x512x128xf32> to vector<512x128xf32>
    %get3A_13 = arith.constant 1 : index
    %get3A_14 = arith.constant 0 : index
    %get3A_15 = arith.constant 0 : index
    %get3A_16 = vector.load %arg7[%get3A_13, %get3A_14, %get3A_15] : memref<7x128x128xf32, #tpu.memory_space<vmem>>, vector<1x128x128xf32>
    %get3A_17 = vector.shape_cast %get3A_16 : vector<1x128x128xf32> to vector<128x128xf32>
    %dot_general3A_18 = arith.constant dense<0.000000e+00> : vector<512x128xf32>
    %dot_general3A_19 = tpu.matmul %get3A_12, %get3A_17, %dot_general3A_18 {dimension_numbers = #tpu.dot_dimension_numbers<[1], [0], [0], [1], [0, 0, 1, 1], [], []>, transpose_lhs_hint = false} : vector<512x128xf32>, vector<128x128xf32>, vector<512x128xf32> -> vector<512x128xf32>
    %add3A = arith.addf %dot_general3A_7, %dot_general3A_19 : vector<512x128xf32>
    %get3A_20 = arith.constant 1 : index
    %get3A_21 = arith.constant 0 : index
    %get3A_22 = arith.constant 0 : index
    %get3A_23 = vector.load %arg2[%get3A_20, %get3A_21, %get3A_22] : memref<2x512x128xf32, #tpu.memory_space<vmem>>, vector<1x512x128xf32>
    %get3A_24 = vector.shape_cast %get3A_23 : vector<1x512x128xf32> to vector<512x128xf32>
    %get3A_25 = arith.constant 2 : index
    %get3A_26 = arith.constant 0 : index
    %get3A_27 = arith.constant 0 : index
    %get3A_28 = vector.load %arg7[%get3A_25, %get3A_26, %get3A_27] : memref<7x128x128xf32, #tpu.memory_space<vmem>>, vector<1x128x128xf32>
    %get3A_29 = vector.shape_cast %get3A_28 : vector<1x128x128xf32> to vector<128x128xf32>
    %dot_general3A_30 = arith.constant dense<0.000000e+00> : vector<512x128xf32>
    %dot_general3A_31 = tpu.matmul %get3A_24, %get3A_29, %dot_general3A_30 {dimension_numbers = #tpu.dot_dimension_numbers<[1], [0], [0], [1], [0, 0, 1, 1], [], []>, transpose_lhs_hint = false} : vector<512x128xf32>, vector<128x128xf32>, vector<512x128xf32> -> vector<512x128xf32>
    %add3A_32 = arith.addf %add3A, %dot_general3A_31 : vector<512x128xf32>
    %get3A_33 = arith.constant 0 : index
    %get3A_34 = arith.constant 0 : index
    %get3A_35 = arith.constant 0 : index
    %get3A_36 = vector.load %arg3[%get3A_33, %get3A_34, %get3A_35] : memref<4x512x128xf32, #tpu.memory_space<vmem>>, vector<1x512x128xf32>
    %get3A_37 = vector.shape_cast %get3A_36 : vector<1x512x128xf32> to vector<512x128xf32>
    %get3A_38 = arith.constant 3 : index
    %get3A_39 = arith.constant 0 : index
    %get3A_40 = arith.constant 0 : index
    %get3A_41 = vector.load %arg7[%get3A_38, %get3A_39, %get3A_40] : memref<7x128x128xf32, #tpu.memory_space<vmem>>, vector<1x128x128xf32>
    %get3A_42 = vector.shape_cast %get3A_41 : vector<1x128x128xf32> to vector<128x128xf32>
    %dot_general3A_43 = arith.constant dense<0.000000e+00> : vector<512x128xf32>
    %dot_general3A_44 = tpu.matmul %get3A_37, %get3A_42, %dot_general3A_43 {dimension_numbers = #tpu.dot_dimension_numbers<[1], [0], [0], [1], [0, 0, 1, 1], [], []>, transpose_lhs_hint = false} : vector<512x128xf32>, vector<128x128xf32>, vector<512x128xf32> -> vector<512x128xf32>
    %add3A_45 = arith.addf %add3A_32, %dot_general3A_44 : vector<512x128xf32>
    %get3A_46 = arith.constant 1 : index
    %get3A_47 = arith.constant 0 : index
    %get3A_48 = arith.constant 0 : index
    %get3A_49 = vector.load %arg3[%get3A_46, %get3A_47, %get3A_48] : memref<4x512x128xf32, #tpu.memory_space<vmem>>, vector<1x512x128xf32>
    %get3A_50 = vector.shape_cast %get3A_49 : vector<1x512x128xf32> to vector<512x128xf32>
    %get3A_51 = arith.constant 4 : index
    %get3A_52 = arith.constant 0 : index
    %get3A_53 = arith.constant 0 : index
    %get3A_54 = vector.load %arg7[%get3A_51, %get3A_52, %get3A_53] : memref<7x128x128xf32, #tpu.memory_space<vmem>>, vector<1x128x128xf32>
    %get3A_55 = vector.shape_cast %get3A_54 : vector<1x128x128xf32> to vector<128x128xf32>
    %dot_general3A_56 = arith.constant dense<0.000000e+00> : vector<512x128xf32>
    %dot_general3A_57 = tpu.matmul %get3A_50, %get3A_55, %dot_general3A_56 {dimension_numbers = #tpu.dot_dimension_numbers<[1], [0], [0], [1], [0, 0, 1, 1], [], []>, transpose_lhs_hint = false} : vector<512x128xf32>, vector<128x128xf32>, vector<512x128xf32> -> vector<512x128xf32>
    %add3A_58 = arith.addf %add3A_45, %dot_general3A_57 : vector<512x128xf32>
    %get3A_59 = arith.constant 2 : index
    %get3A_60 = arith.constant 0 : index
    %get3A_61 = arith.constant 0 : index
    %get3A_62 = vector.load %arg3[%get3A_59, %get3A_60, %get3A_61] : memref<4x512x128xf32, #tpu.memory_space<vmem>>, vector<1x512x128xf32>
    %get3A_63 = vector.shape_cast %get3A_62 : vector<1x512x128xf32> to vector<512x128xf32>
    %get3A_64 = arith.constant 5 : index
    %get3A_65 = arith.constant 0 : index
    %get3A_66 = arith.constant 0 : index
    %get3A_67 = vector.load %arg7[%get3A_64, %get3A_65, %get3A_66] : memref<7x128x128xf32, #tpu.memory_space<vmem>>, vector<1x128x128xf32>
    %get3A_68 = vector.shape_cast %get3A_67 : vector<1x128x128xf32> to vector<128x128xf32>
    %dot_general3A_69 = arith.constant dense<0.000000e+00> : vector<512x128xf32>
    %dot_general3A_70 = tpu.matmul %get3A_63, %get3A_68, %dot_general3A_69 {dimension_numbers = #tpu.dot_dimension_numbers<[1], [0], [0], [1], [0, 0, 1, 1], [], []>, transpose_lhs_hint = false} : vector<512x128xf32>, vector<128x128xf32>, vector<512x128xf32> -> vector<512x128xf32>
    %add3A_71 = arith.addf %add3A_58, %dot_general3A_70 : vector<512x128xf32>
    %get3A_72 = arith.constant 3 : index
    %get3A_73 = arith.constant 0 : index
    %get3A_74 = arith.constant 0 : index
    %get3A_75 = vector.load %arg3[%get3A_72, %get3A_73, %get3A_74] : memref<4x512x128xf32, #tpu.memory_space<vmem>>, vector<1x512x128xf32>
    %get3A_76 = vector.shape_cast %get3A_75 : vector<1x512x128xf32> to vector<512x128xf32>
    %get3A_77 = arith.constant 6 : index
    %get3A_78 = arith.constant 0 : index
    %get3A_79 = arith.constant 0 : index
    %get3A_80 = vector.load %arg7[%get3A_77, %get3A_78, %get3A_79] : memref<7x128x128xf32, #tpu.memory_space<vmem>>, vector<1x128x128xf32>
    %get3A_81 = vector.shape_cast %get3A_80 : vector<1x128x128xf32> to vector<128x128xf32>
    %dot_general3A_82 = arith.constant dense<0.000000e+00> : vector<512x128xf32>
    %dot_general3A_83 = tpu.matmul %get3A_76, %get3A_81, %dot_general3A_82 {dimension_numbers = #tpu.dot_dimension_numbers<[1], [0], [0], [1], [0, 0, 1, 1], [], []>, transpose_lhs_hint = false} : vector<512x128xf32>, vector<128x128xf32>, vector<512x128xf32> -> vector<512x128xf32>
    %add3A_84 = arith.addf %add3A_71, %dot_general3A_83 : vector<512x128xf32>
    %get3A_85 = arith.constant 0 : index
    %get3A_86 = arith.constant 0 : index
    %get3A_87 = vector.load %arg5[%get3A_85, %get3A_86] : memref<512x16xf32, #tpu.memory_space<vmem>>, vector<512x16xf32>
    %slice3A = vector.extract_strided_slice %get3A_87 {offsets = [0, 0], sizes = [512, 1], strides = [1, 1]} : vector<512x16xf32> to vector<512x1xf32>
    %get3A_88 = arith.constant 0 : index
    %get3A_89 = arith.constant 0 : index
    %get3A_90 = vector.load %arg6[%get3A_88, %get3A_89] : memref<512x16xf32, #tpu.memory_space<vmem>>, vector<512x16xf32>
    %slice3A_91 = vector.extract_strided_slice %get3A_90 {offsets = [0, 0], sizes = [512, 1], strides = [1, 1]} : vector<512x16xf32> to vector<512x1xf32>
    %get3A_92 = arith.constant 0 : index
    %get3A_93 = arith.constant 0 : index
    %get3A_94 = arith.constant 0 : index
    %get3A_95 = vector.load %arg4[%get3A_92, %get3A_93, %get3A_94] : memref<8x512x32xf32, #tpu.memory_space<vmem>>, vector<1x512x32xf32>
    %get3A_96 = vector.shape_cast %get3A_95 : vector<1x512x32xf32> to vector<512x32xf32>
    %get3A_97 = arith.constant 1 : index
    %get3A_98 = arith.constant 0 : index
    %get3A_99 = arith.constant 0 : index
    %get3A_100 = vector.load %arg4[%get3A_97, %get3A_98, %get3A_99] : memref<8x512x32xf32, #tpu.memory_space<vmem>>, vector<1x512x32xf32>
    %get3A_101 = vector.shape_cast %get3A_100 : vector<1x512x32xf32> to vector<512x32xf32>
    %get3A_102 = arith.constant 2 : index
    %get3A_103 = arith.constant 0 : index
    %get3A_104 = arith.constant 0 : index
    %get3A_105 = vector.load %arg4[%get3A_102, %get3A_103, %get3A_104] : memref<8x512x32xf32, #tpu.memory_space<vmem>>, vector<1x512x32xf32>
    %get3A_106 = vector.shape_cast %get3A_105 : vector<1x512x32xf32> to vector<512x32xf32>
    %get3A_107 = arith.constant 3 : index
    %get3A_108 = arith.constant 0 : index
    %get3A_109 = arith.constant 0 : index
    %get3A_110 = vector.load %arg4[%get3A_107, %get3A_108, %get3A_109] : memref<8x512x32xf32, #tpu.memory_space<vmem>>, vector<1x512x32xf32>
    %get3A_111 = vector.shape_cast %get3A_110 : vector<1x512x32xf32> to vector<512x32xf32>
    %concatenate3A = tpu.concatenate %get3A_96, %get3A_101, %get3A_106, %get3A_111 in 1 : vector<512x32xf32>, vector<512x32xf32>, vector<512x32xf32>, vector<512x32xf32> -> vector<512x128xf32>
    %get3A_112 = arith.constant 4 : index
    %get3A_113 = arith.constant 0 : index
    %get3A_114 = arith.constant 0 : index
    %get3A_115 = vector.load %arg4[%get3A_112, %get3A_113, %get3A_114] : memref<8x512x32xf32, #tpu.memory_space<vmem>>, vector<1x512x32xf32>
    %get3A_116 = vector.shape_cast %get3A_115 : vector<1x512x32xf32> to vector<512x32xf32>
    %get3A_117 = arith.constant 5 : index
    %get3A_118 = arith.constant 0 : index
    %get3A_119 = arith.constant 0 : index
    %get3A_120 = vector.load %arg4[%get3A_117, %get3A_118, %get3A_119] : memref<8x512x32xf32, #tpu.memory_space<vmem>>, vector<1x512x32xf32>
    %get3A_121 = vector.shape_cast %get3A_120 : vector<1x512x32xf32> to vector<512x32xf32>
    %get3A_122 = arith.constant 6 : index
    %get3A_123 = arith.constant 0 : index
    %get3A_124 = arith.constant 0 : index
    %get3A_125 = vector.load %arg4[%get3A_122, %get3A_123, %get3A_124] : memref<8x512x32xf32, #tpu.memory_space<vmem>>, vector<1x512x32xf32>
    %get3A_126 = vector.shape_cast %get3A_125 : vector<1x512x32xf32> to vector<512x32xf32>
    %get3A_127 = arith.constant 7 : index
    %get3A_128 = arith.constant 0 : index
    %get3A_129 = arith.constant 0 : index
    %get3A_130 = vector.load %arg4[%get3A_127, %get3A_128, %get3A_129] : memref<8x512x32xf32, #tpu.memory_space<vmem>>, vector<1x512x32xf32>
    %get3A_131 = vector.shape_cast %get3A_130 : vector<1x512x32xf32> to vector<512x32xf32>
    %concatenate3A_132 = tpu.concatenate %get3A_116, %get3A_121, %get3A_126, %get3A_131 in 1 : vector<512x32xf32>, vector<512x32xf32>, vector<512x32xf32>, vector<512x32xf32> -> vector<512x128xf32>
    %mul3A = vector.broadcast %slice3A : vector<512x1xf32> to vector<512x128xf32>
    %mul3A_133 = arith.mulf %concatenate3A, %mul3A : vector<512x128xf32>
    %add3A_134 = arith.addf %add3A_84, %mul3A_133 : vector<512x128xf32>
    %mul3A_135 = vector.broadcast %slice3A_91 : vector<512x1xf32> to vector<512x128xf32>
    %mul3A_136 = arith.mulf %concatenate3A_132, %mul3A_135 : vector<512x128xf32>
    %add3A_137 = arith.addf %add3A_134, %mul3A_136 : vector<512x128xf32>
    %get3A_138 = arith.constant 0 : index
    %get3A_139 = arith.constant 0 : index
    %get3A_140 = vector.load %arg8[%get3A_138, %get3A_139] : memref<1x128xf32, #tpu.memory_space<vmem>>, vector<1x128xf32>
    %add3A_141 = vector.broadcast %get3A_140 : vector<1x128xf32> to vector<512x128xf32>
    %add3A_142 = arith.addf %add3A_137, %add3A_141 : vector<512x128xf32>
    %swap3A = arith.constant 0 : index
    %swap3A_143 = arith.constant 0 : index
    %swap3A_144 = vector.load %arg9[%swap3A, %swap3A_143] : memref<512x128xf32, #tpu.memory_space<vmem>>, vector<512x128xf32>
    tpu.vector_store %arg9[%swap3A, %swap3A_143], %add3A_142 {strides = array<i32>} : memref<512x128xf32, #tpu.memory_space<vmem>>, vector<512x128xf32>,
    return
  }
  func.func @transform_0(%arg0: i32) -> (i32, i32) {
    %c0_i32 = arith.constant 0 : i32
    %c0_i32_0 = arith.constant 0 : i32
    return %arg0, %c0_i32 : i32, i32
  }
  func.func @transform_1(%arg0: i32) -> (i32, i32, i32) {
    %c0_i32 = arith.constant 0 : i32
    %c0_i32_0 = arith.constant 0 : i32
    %c0_i32_1 = arith.constant 0 : i32
    return %c0_i32, %arg0, %c0_i32_0 : i32, i32, i32
  }
  func.func @transform_2(%arg0: i32) -> (i32, i32, i32) {
    %c0_i32 = arith.constant 0 : i32
    %c0_i32_0 = arith.constant 0 : i32
    %c0_i32_1 = arith.constant 0 : i32
    return %c0_i32, %arg0, %c0_i32_0 : i32, i32, i32
  }
  func.func @transform_3(%arg0: i32) -> (i32, i32, i32) {
    %c0_i32 = arith.constant 0 : i32
    %c0_i32_0 = arith.constant 0 : i32
    %c0_i32_1 = arith.constant 0 : i32
    return %c0_i32, %arg0, %c0_i32_0 : i32, i32, i32
  }
  func.func @transform_4(%arg0: i32) -> (i32, i32) {
    %c0_i32 = arith.constant 0 : i32
    %c0_i32_0 = arith.constant 0 : i32
    return %arg0, %c0_i32 : i32, i32
  }
  func.func @transform_5(%arg0: i32) -> (i32, i32) {
    %c0_i32 = arith.constant 0 : i32
    %c0_i32_0 = arith.constant 0 : i32
    return %arg0, %c0_i32 : i32, i32
  }
  func.func @transform_6(%arg0: i32) -> (i32, i32, i32) {
    %c0_i32 = arith.constant 0 : i32
    %c0_i32_0 = arith.constant 0 : i32
    %c0_i32_1 = arith.constant 0 : i32
    %c0_i32_2 = arith.constant 0 : i32
    return %c0_i32, %c0_i32_0, %c0_i32_1 : i32, i32, i32
  }
  func.func @transform_7(%arg0: i32) -> (i32, i32) {
    %c0_i32 = arith.constant 0 : i32
    %c0_i32_0 = arith.constant 0 : i32
    %c0_i32_1 = arith.constant 0 : i32
    return %c0_i32, %c0_i32_0 : i32, i32
  }
  func.func @transform_8(%arg0: i32) -> (i32, i32) {
    %c0_i32 = arith.constant 0 : i32
    %c0_i32_0 = arith.constant 0 : i32
    return %arg0, %c0_i32 : i32, i32
  }
}

</mosaic_0001>

<sc_bundles>
// kernel: kernel.12.cloned.1.call-start
scs
__scs_entry_jumppad:
0x0: {  	(pc) =	sbr.rel $0x88, $3  }
0x1: {  	(tag) =	ssettag $0x0;
	lr =	simm.s32 $0x1  }
0x2: {  	[smem:$0x3F96] =	sst lr;
	_ =	strace $0xD0000000  }
0x3: {  	_ = 	snop  }
0x4: {  	_ = 	snop  }
0x5: {  	_ = 	snop  }
0x6: {  	_ = 	snop  }
0x7: {  	_ = 	snop  }
__scs_overlays_trampoline_lowered:
0x8: {  	[smem:$0x3FA5] =	sst s0  }
0x9: {  	[smem:$0x3FA6] =	sst s1  }
0xa: {  	[smem:$0x3FA7] =	sst s2  }
0xb: {  	[smem:$0x3FA8] =	sst s3  }
0xc: {  	[smem:$0x3FA9] =	sst s4  }
0xd: {  	[smem:$0x3FAA] =	sst s5  }
0xe: {  	[smem:$0x3FAB] =	sst s6  }
0xf: {  	[smem:$0x3FAC] =	sst s7  }
0x10: {  	[smem:$0x3FAD] =	sst s8  }
0x11: {  	[smem:$0x3FAE] =	sst s9;
	s0 =	simm.s32 @!p0 $0x0  }
0x12: {  	s1 =	sld [smem:$0x3F94];
	s0 =	simm.s32 @p0 $0x1  }
0x13: {  	[smem:$0x3FAF] =	sst s0;
	s0 =	simm.s32 @!p1 $0x0  }
0x14: {  	s2 =	sld [smem:$0x3F93];
	s0 =	simm.s32 @p1 $0x1  }
0x15: {  	[smem:$0x3FB0] =	sst s0;
	s0 =	simm.s32 @!p2 $0x0  }
0x16: {  	s3 =	sld [smem:$0x3FDB];
	s0 =	simm.s32 @p2 $0x1  }
0x17: {  	s4 =	simm.s32 $0x1BF5;
	[smem:$0x3FB2] =	sst s0  }
0x18: {  	s0 =	sld [smem:$0x3F95];
	_ =	swait.ge [sflag:s4], $0x0  }
0x19: {  	s7 =	sld [smem:$0x3F96]  }
0x1a: {  	s8 =	sadd.s32 $0xFFFFE003, lr  }
0x1b: {  	s9 =	sadd.s32 $0xFFFFFEF7, lr;
	s5 =	simm.s32 $0xFFFFFFFF;
	p2 =	slt.u32 s8, $0xFFFFF086  }
0x1c: {  	p1 =	slt.u32 s9, $0xF7A;
	s5 =	simm.s32 @!p2 $0x0  }
0x1d: {  	s5 =	simm.s32 @p1 $0x1;
	p0 =	seq.s32 s7, s2  }
0x1e: {  	s7 =	smul.u32 @!p0 $0xF7A, s2;
	p2 =	seq.s32 @!p0 s5, $0x0  }
0x1f: {  	s9 =	smul.u32 $0xF7A, s1;
	s8 =	simm.s32 @!p0 $0x1BF5;
	p2 =	por !p2, p0  }
0x20: {  	[sflag:s8] =	ssyncset.s32 @!p0 $0xFFFFF086;
	s6 =	sadd.s32 @!p0 s3, s7;
	s7 =	simm.s32 @!p0 $0x108  }
0x21: {  	s3 =	sadd.s32 s3, s9;
	s6 =	sadd.s32 @!p0 $0x88, s6;
	s7 =	simm.s32 @p2 $0x1082  }
0x22: {  	[simem:s7], [sflag:s8] =	dma.local @!p0 [hbm:s6], $0xF7A  }
0x23: {  	s9 =	sor.u32 $0xD0000000, s2;
	s6 =	simm.s32 $0x108;
	_ =	swait.ge @!p0 [sflag:s8], $0x0  }
0x24: {  	s3 =	sadd.s32 $0x88, s3;
	s6 =	simm.s32 @!p1 $0x1082;
	[sflag:s4] =	ssyncset.s32 $0xFFFFF086  }
0x25: {  	[simem:s6], [sflag:s4] =	dma.local [hbm:s3], $0xF7A  }
0x26: {  	[smem:$0x3F96] =	sst s1;
	(tag) =	ssettag s2;
	_ =	strace s9  }
0x27: {  	s1 =	sld [smem:$0x3FA6]  }
0x28: {  	s2 =	sld [smem:$0x3FA7]  }
0x29: {  	s4 =	sld [smem:$0x3FA9]  }
0x2a: {  	p0 =	seq.s32 s5, $0x0;
	s5 =	sld [smem:$0x3FAA]  }
0x2b: {  	s6 =	sld [smem:$0x3FAB]  }
0x2c: {  	s7 =	sld [smem:$0x3FAC]  }
0x2d: {  	s3 =	simm.s32 $0x108;
	s8 =	sld [smem:$0x3FAD]  }
0x2e: {  	s3 =	simm.s32 @!p0 $0x1082;
	s9 =	sld [smem:$0x3FAE]  }
0x2f: {  	lr =	sadd.s32 s0, s3;
	s0 =	sld [smem:$0x3FA5]  }
0x30: {  	s3 =	sld [smem:$0x3FA8]  }
0x31: {  	[smem:$0x3FB1] =	sst s10  }
0x32: {  	s10 =	sld [smem:$0x3FAF];
	_ =	sdelay $0x3  }
0x33: {  	p0 =	seq.s32 s10, $0x1;
	s10 =	sld [smem:$0x3FB1];
	_ =	sdelay $0x3  }
0x34: {  	[smem:$0x3FB1] =	sst s10  }
0x35: {  	s10 =	sld [smem:$0x3FB0];
	_ =	sdelay $0x3  }
0x36: {  	p1 =	seq.s32 s10, $0x1;
	s10 =	sld [smem:$0x3FB1];
	_ =	sdelay $0x3  }
0x37: {  	[smem:$0x3FB1] =	sst s10  }
0x38: {  	s10 =	sld [smem:$0x3FB2]  }
0x39: {  	_ = 	snop;
	(pc) =	sbr.ind lr, $3  }
0x3a: {  	_ = 	snop  }
0x3b: {  	_ = 	snop  }
0x3c: {  	p2 =	seq.s32 s10, $0x1;
	s10 =	sld [smem:$0x3FB1]  }
0x3d: {  	_ =	shalt  }
0x3e: {  	_ =	shalt  }
0x3f: {  	_ =	shalt  }
0x40: {  	_ =	shalt  }
0x41: {  	_ =	shalt  }
0x42: {  	_ =	shalt  }
0x43: {  	_ =	shalt  }
0x44: {  	_ =	shalt  }
0x45: {  	_ =	shalt  }
0x46: {  	_ =	shalt  }
0x47: {  	_ =	shalt  }
0x48: {  	_ =	shalt  }
0x49: {  	_ =	shalt  }
0x4a: {  	_ =	shalt  }
0x4b: {  	_ =	shalt  }
0x4c: {  	_ =	shalt  }
0x4d: {  	_ =	shalt  }
0x4e: {  	_ =	shalt  }
0x4f: {  	_ =	shalt  }
0x50: {  	_ =	shalt  }
0x51: {  	_ =	shalt  }
0x52: {  	_ =	shalt  }
0x53: {  	_ =	shalt  }
0x54: {  	_ =	shalt  }
0x55: {  	_ =	shalt  }
0x56: {  	_ =	shalt  }
0x57: {  	_ =	shalt  }
0x58: {  	_ =	shalt  }
0x59: {  	_ =	shalt  }
0x5a: {  	_ =	shalt  }
0x5b: {  	_ =	shalt  }
0x5c: {  	_ =	shalt  }
0x5d: {  	_ =	shalt  }
0x5e: {  	_ =	shalt  }
0x5f: {  	_ =	shalt  }
0x60: {  	_ =	shalt  }
0x61: {  	_ =	shalt  }
0x62: {  	_ =	shalt  }
0x63: {  	_ =	shalt  }
0x64: {  	_ =	shalt  }
0x65: {  	_ =	shalt  }
0x66: {  	_ =	shalt  }
0x67: {  	_ =	shalt  }
0x68: {  	_ =	shalt  }
0x69: {  	_ =	shalt  }
0x6a: {  	_ =	shalt  }
0x6b: {  	_ =	shalt  }
0x6c: {  	_ =	shalt  }
0x6d: {  	_ =	shalt  }
0x6e: {  	_ =	shalt  }
0x6f: {  	_ =	shalt  }
0x70: {  	_ =	shalt  }
0x71: {  	_ =	shalt  }
0x72: {  	_ =	shalt  }
0x73: {  	_ =	shalt  }
0x74: {  	_ =	shalt  }
0x75: {  	_ =	shalt  }
0x76: {  	_ =	shalt  }
0x77: {  	_ =	shalt  }
0x78: {  	_ =	shalt  }
0x79: {  	_ =	shalt  }
0x7a: {  	_ =	shalt  }
0x7b: {  	_ =	shalt  }
0x7c: {  	_ =	shalt  }
0x7d: {  	_ =	shalt  }
0x7e: {  	_ =	shalt  }
0x7f: {  	_ =	shalt  }
0x80: {  	_ =	shalt  }
0x81: {  	_ =	shalt  }
0x82: {  	_ =	shalt  }
0x83: {  	_ =	shalt  }
0x84: {  	_ =	shalt  }
0x85: {  	_ =	shalt  }
0x86: {  	_ =	shalt  }
0x87: {  	_ =	shalt  }
.Lfunc_end0:
.L_simem_size_0:
called_computation_lowered:
.L_overlay_start_0:
0x88: {  	s2 =	sld [smem:$0x3FD9]  }
0x89: {  	s3 =	sld [smem:$0x3FFE];
	_ =	sdelay $0x1  }
0x8a: {  	s1 =	srdreg.scid  }
0x8b: {  	s0 =	sand.u32 $0x1, s1  }
0x8c: {  	s17 =	sshll.u32 s0, $0xA;
	s2 =	sadd.s32 s3, s2  }
0x8d: {  	s2 =	sadd.s32 s2, s17  }
0x8e: {  	[smem:$0x3FBD] =	sst s2  }
0x8f: {  	_ = 	snop  }
0x90: {  	s2 =	sld [smem:$0x3FD0];
	(tm) =	ssettm $0x1  }
0x91: {  	s18 =	sld [smem:$0x3FFB];
	_ =	sdelay $0x3  }
0x92: {  	_ =	strace s18  }
0x93: {  	s3 =	sld [smem:$0x3FFC];
	_ =	sdelay $0x3  }
0x94: {  	_ =	strace s3  }
0x95: {  	s3 =	sld [smem:$0x3FFD];
	_ =	sdelay $0x3  }
0x96: {  	_ =	strace s3  }
0x97: {  	_ =	strace $0x8FFFFFFF  }
0x98: {  	s19 =	sld [smem:$0x3FDB];
	_ =	sdelay $0x1  }
0x99: {  	s4 =	simm.s32 $_scs_section_size  }
0x9a: {  	s5 =	simm.s32 $_size__tile_overlayer_lowered;
	s6 =	simm.s32 $_tile_overlayer_lowered  }
0x9b: {  	s22 =	simm.s32 $0x1BFF;
	s21 =	sshll.u32 s6, $0x1;
	s3 =	sadd.s32 s4, s19  }
0x9c: {  	s7 =	simm.s32 $0x0;
	s20 =	sshll.u32 s5, $0x1;
	s5 =	sadd.s32 s21, s3  }
0x9d: {  	[timem:s7], [sflag:s22] =	dma.local [hbm:s5], s20  }
0x9e: {  	_ =	swait.ge [sflag:s22], s20  }
0x9f: {  	s4 =	ssub.s32 $0x0, s20;
	[sflag:s22] =	ssyncset.done $0x0  }
0xa0: {  	[sflag:s22] =	ssyncadd.s32 s4;
	_ =	sdelay $0x1  }
0xa1: {  	s23 =	simm.s32 $0x1B8B  }
0xa2: {  	_ =	swait.ge [sflag:s23], $0x1  }
0xa3: {  	[sflag:s23] =	ssyncset.done $0x0  }
0xa4: {  	s25 =	simm.s32 $0x1B8E;
	s24 =	sld [smem:$0x3FFE];
	[sflag:s23] =	ssyncadd.s32 $0xFFFFFFFF  }
0xa5: {  	s26 =	simm.s32 $execute0_lowered;
	[smem:$0x3FD2] =	sst s25  }
0xa6: {  	s5 =	sshll.u32 s26, $0x1;
	_ =	strace $0x80000046;
	[dreg:$0x1] =	wrdreg $0xFFFFFFFF  }
0xa7: {  	s28 =	simm.s32 $_size_execute0_lowered;
	s3 =	sadd.s32 s3, s5;
	[dreg:$0x0] =	wrdreg $0x0  }
0xa8: {  	s5 =	sshll.u32 s28, $0x1;
	[dreg:$0x2] =	wrdreg s3  }
0xa9: {  	[dreg:$0x3] =	wrdreg s5  }
0xaa: {  	[dreg:$0x4] =	wrdreg $0xC0  }
0xab: {  	_ =	task [dreg:s7], $0x5FFFF  }
0xac: {  	[dreg:$0x1] =	wrdreg $0xFFFFFFFF  }
0xad: {  	[dreg:$0x0] =	wrdreg $0x60  }
0xae: {  	[dreg:$0x2] =	wrdreg s2  }
0xaf: {  	[dreg:$0x3] =	wrdreg s24  }
0xb0: {  	[dreg:$0x4] =	wrdreg $0x60000  }
0xb1: {  	[dreg:$0x5] =	wrdreg $0x9  }
0xb2: {  	_ =	task.clear_ibuf [dreg:s7], $0x6FFFF;
	_ =	strace $0x90000046  }
0xb3: {  	s29 =	simm.s32 $0x9;
	_ =	strace $0x80000048  }
0xb4: {  	_ =	swait.ge [sflag:s29], $0x1  }
0xb5: {  	[sflag:s29] =	ssyncadd.s32 $0xFFFFFFFF  }
0xb6: {  	_ =	strace $0x90000048  }
0xb7: {  	_ =	sfence  }
0xb8: {  	s30 =	sld [smem:$0x0];
	_ =	sdelay $0x2  }
0xb9: {  	s31 =	sshll.u32 s1, $0xD;
	s1 =	sshrl.u32 s1, $0x2  }
0xba: {  	s3 =	sand.u32 $0x4000, s31;
	s1 =	sadd.s32 s1, s30  }
0xbb: {  	s0 =	sor.u32 s3, s0;
	s1 =	sshll.u32 s1, $0x11  }
0xbc: {  	s0 =	sor.u32 s1, s0  }
0xbd: {  	s0 =	sadd.s32 $0x8F2B, s0  }
0xbe: {  	[sflag:s0] =	ssyncadd.remote.s32 $0x1  }
0xbf: {  	_ =	sfence.sel $0xFFFF  }
0xc0: {  	[dreg:$0x0] =	wrdreg $0xFFFFFFFF;
	(pc) =	sbr.abs _section_cstart, $3  }
0xc1: {  	[dreg:$0x1] =	wrdreg $0xFFFFFFFF  }
0xc2: {  	_ =	task.clear_ibuf [dreg:s7], $0x2FFFF;
	_ =	strace $0x9FFFFFFF  }
0xc3: {  	(tm) =	ssettm $0x7FFFFFFF  }
tec
execute0_lowered:
.L_overlay_start_1:
0x0: {  	(tag) =	ssettag $0x1  }
0x1: {  	s5 =	rddreg [dreg:$0x0]  }
0x2: {  	s4 =	rddreg [dreg:$0x1];
	s0 =	srdreg.scid  }
0x3: {  	s2 =	rddreg [dreg:$0x2];
	s1 =	stileid.u32  }
0x4: {  	s3 =	simm.s32 $0x0;
	s12 =	simm.s32 $0x800;
	s13 =	simm.s32 $0x1  }
0x5: {  	s14 =	simm.s32 $0x1000;
	s15 =	simm.s32 $0x80;
	s8 =	smul.u32 $0x500, s1  }
0x6: {  	s6 =	sand.u32 $0x1, s0;
	s0 =	rddreg [dreg:$0x3];
	s9 =	smul.u32 $0xA000, s1  }
0x7: {  	s18 =	simm.s32 $0x0;
	[smem:$0x7FF] =	sst s3;
	s29 =	smul.u32 $0xA00, s1  }
0x8: {  	s16 =	sshll.u32 s1, $0x6;
	s7 =	smul.u32 $0x5000, s6;
	_ =	strace $0x80000047  }
0x9: {  	s10 =	smul.u32 $0xA000, s6;
	s6 =	ssub.s32 $0x2, s6;
	s16 =	sor.u32 $0x1C01, s16  }
0xa: {  	s30 =	sshrl.u32 s6, $0x1;
	s9 =	sshrl.u32 s9, $0x2;
	s7 =	sadd.s32 s8, s7  }
0xb: {  	s11 =	ssub.s32 s6, s30;
	s31 =	sadd.s32 s29, s10;
	s7 =	sadd.s32 s7, s4  }
0xc: {  	s4 =	sadd.s32 s9, s2;
	s5 =	sadd.s32 s5, s31;
	s6 =	sadd.s32 $0x3000, s7  }
0xd: {  	s7 =	smax.u32 s11, $0x1;
	s8 =	sadd.s32 $0x800, s4;
	s9 =	sadd.s32 $0x1000, s4  }
0xe: {  	v0 =	vimm.f32 $1.000000000e+00;
	v1 =	vimm.f32 $0.0e+00;
	s10 =	sadd.s32 $0x1800, s4;
	s11 =	sadd.s32 $0x2000, s4;
	s17 =	sshrl.u32 s4, $0x3  }
.LBB2_1:
0xf: {  	s19 =	simm.s32 $0x0  }
.LBB2_2:
0x10: {  	p0 =	sne.s32 s19, $0x1FC0  }
.Ltmp0:
0x11: {  	_ = 	snop;
	(pc) =	sbr.rel @p0 .LBB2_2-.Ltmp0, $3  }
0x12: {  	_ =	sdelay $0x1  }
0x13: {  	s20 =	sshra.s32 s19, $0x2  }
0x14: {  	s19 =	sadd.s32 $0x40, s19;
	[tilespmem:s20+$0x0] =	vst v0  }
0x15: {  	s19 =	simm.s32 $0x40;
	s20 =	simm.s32 $0x0  }
.LBB2_4:
0x16: {  	p0 =	sne.s32 s19, $0x1FC0;
	[tilespmem:s20+$0x800] =	vst v1;
	s20 =	smov.u32 s19;
	s19 =	sadd.s32 $0x40, s19  }
.Ltmp1:
0x17: {  	(pc) =	sbr.rel @p0 .LBB2_4-.Ltmp1, $2  }
0x18: {  	_ =	sdelay $0x2  }
0x19: {  	s20 =	sshra.s32 s20, $0x2  }
0x1a: {  	[tilespmem:s20+$0x800] =	vst v1  }
0x1b: {  	[spmem:s4] =	stream.linear.scatter [tilespmem:s12], [sflag:$0x1], $0x800, $0x38;
	[tilespmem:$0x8800] =	vst v63  }
0x1c: {  	_ =	swait.ge [sflag:s13], $0x800  }
0x1d: {  	[sflag:s13] =	ssyncset.done $0x0  }
0x1e: {  	[sflag:s13] =	ssyncadd.s32 $0xFFFFF800  }
0x1f: {  	[spmem:s8] =	stream.linear.scatter [tilespmem:s12], [sflag:$0x1], $0x800, $0x38;
	[tilespmem:$0x8800] =	vst v63  }
0x20: {  	_ =	swait.ge [sflag:s13], $0x800  }
0x21: {  	[sflag:s13] =	ssyncset.done $0x0  }
0x22: {  	[sflag:s13] =	ssyncadd.s32 $0xFFFFF800  }
0x23: {  	[spmem:s9] =	stream.linear.scatter [tilespmem:s12], [sflag:$0x1], $0x800, $0x38;
	[tilespmem:$0x8800] =	vst v63  }
0x24: {  	_ =	swait.ge [sflag:s13], $0x800  }
0x25: {  	[sflag:s13] =	ssyncset.done $0x0  }
0x26: {  	[sflag:s13] =	ssyncadd.s32 $0xFFFFF800  }
0x27: {  	[spmem:s10] =	stream.linear.scatter [tilespmem:s12], [sflag:$0x1], $0x800, $0x38;
	[tilespmem:$0x8800] =	vst v63  }
0x28: {  	_ =	swait.ge [sflag:s13], $0x800  }
0x29: {  	[sflag:s13] =	ssyncset.done $0x0  }
0x2a: {  	[sflag:s13] =	ssyncadd.s32 $0xFFFFF800  }
0x2b: {  	[spmem:s11] =	stream.linear.scatter [tilespmem:s12], [sflag:$0x1], $0x800, $0x38;
	[tilespmem:$0x8800] =	vst v63  }
0x2c: {  	_ =	swait.ge [sflag:s13], $0x800  }
0x2d: {  	[sflag:s13] =	ssyncset.done $0x0  }
0x2e: {  	[sflag:s13] =	ssyncadd.s32 $0xFFFFF800  }
0x2f: {  	s19 =	simm.s32 $0x0;
	[bflag:$0x0] =	sbarrier.arrive $0xFFFF  }
0x30: {  	[tilespmem:s14], [sflag:$0x1] =	stream.linear.gather [hbm4b:s5+s19], $0x5000, $0x38;
	[tilespmem:$0x8800] =	vst v63  }
0x31: {  	_ =	swait.ge [sflag:s13], $0x5000  }
0x32: {  	[sflag:s13] =	ssyncset.done $0x0  }
0x33: {  	s31 =	simm.s32 $0x1000;
	[sflag:s13] =	ssyncadd.s32 $0xFFFFB000  }
0x34: {  	[spmem:s2] =	stream.indirect.scatter.add.f32 [tilespmem:s3], [sflag:$0x1], $0x10, s31, s15, $0xb8;
	[tilespmem:$0x8800] =	vst v63  }
0x35: {  	s19 =	simm.s32 $0x200;
	_ =	swait.ge [sflag:s13], $0x800  }
.LBB2_6:
0x36: {  	s20 =	sshra.s32 s19, $0x2;
	[sflag:s13] =	ssyncset.done $0x0;
	p0 =	sne.s32 s19, $0x13E00  }
.Ltmp2:
0x37: {  	s20 =	sadd.s32 $0x1000, s20;
	[sflag:s13] =	ssyncadd.s32 $0xFFFFF800;
	(pc) =	sbr.rel @p0 .LBB2_6-.Ltmp2, $3  }
0x38: {  	[spmem:s2] =	stream.indirect.scatter.add.f32 [tilespmem:s3], [sflag:$0x1], $0x10, s20, s15, $0xb8;
	[tilespmem:$0x8800] =	vst v63  }
0x39: {  	s19 =	sadd.s32 $0x200, s19;
	_ =	sdelay $0x1  }
0x3a: {  	_ =	swait.ge [sflag:s13], $0x800  }
0x3b: {  	[sflag:s13] =	ssyncset.done $0x0;
	s18 =	sadd.s32 $0x1, s18  }
0x3c: {  	[sflag:s13] =	ssyncadd.s32 $0xFFFFF800;
	p0 =	sne.s32 s18, s7  }
.Ltmp3:
0x3d: {  	[bflag:$0x0] =	sbarrier.arrive $0xFFFF;
	(pc) =	sbr.rel @p0 .LBB2_1-.Ltmp3, $4  }
0x3e: {  	[hbm:s6], [sflag:s16] =	dma.local [spmem:s17], $0x500  }
0x3f: {  	_ =	swait.ge [sflag:s13], $0x500  }
0x40: {  	[sflag:s13] =	ssyncset.done $0x0  }
0x41: {  	[sflag:s13] =	ssyncadd.s32 $0xFFFFFB00  }
0x42: {  	_ =	sfence.sel $0x180000  }
0x43: {  	[bflag:$0x0] =	sbarrier.arrive $0xFFFF  }
0x44: {  	p0 =	sne.s32 s1, $0x0;
	_ =	strace $0x90000047  }
0x45: {  	s0 =	sadd.s32 @!p0 $0x100000, s0;
	[bflag:$0x2] =	sbarrier.arrive $0xFFFF  }
0x46: {  	[sflag:s0] =	ssyncadd.tile.s32 @!p0 $0x1;
	_ =	shalt  }
.Lfunc_end2:
_tile_overlayer_lowered:
.L_overlay_start_2:
0x47: {  	(tag) =	ssettag $0x2  }
0x48: {  	s0 =	rddreg [dreg:$0x0];
	s2 =	stileid.u32  }
0x49: {  	s1 =	rddreg [dreg:$0x1];
	p0 =	sne.s32 s2, $0x0  }
0x4a: {  	s3 =	rddreg [dreg:$0x2];
	[bflag:$0x3] =	sbarrier.arrive $0xFFFF;
	s2 =	simm.s32 @!p0 $0x1C01  }
0x4b: {  	[timem:s3], [sflag:s2] =	dma.local @!p0 [hbm:s0], s1  }
0x4c: {  	s0 =	simm.s32 @!p0 $0x1  }
0x4d: {  	_ =	swait.ge @!p0 [sflag:s0], s1  }
0x4e: {  	s1 =	ssub.s32 @!p0 $0x0, s1;
	[sflag:s0] =	ssyncset.done @!p0 $0x0  }
0x4f: {  	[sflag:s0] =	ssyncadd.s32 @!p0 s1  }
0x50: {  	[bflag:$0x3] =	sbarrier.arrive $0xFFFF  }
0x51: {  	_ =	shalt  }

// kernel: kernel.15.cloned.1.call-start
scs
__scs_entry_jumppad:
0x0: {  	(pc) =	sbr.rel $0x88, $3  }
0x1: {  	(tag) =	ssettag $0x0;
	lr =	simm.s32 $0x1  }
0x2: {  	[smem:$0x3F96] =	sst lr;
	_ =	strace $0xD0000000  }
0x3: {  	_ = 	snop  }
0x4: {  	_ = 	snop  }
0x5: {  	_ = 	snop  }
0x6: {  	_ = 	snop  }
0x7: {  	_ = 	snop  }
__scs_overlays_trampoline_lowered:
0x8: {  	[smem:$0x3FA5] =	sst s0  }
0x9: {  	[smem:$0x3FA6] =	sst s1  }
0xa: {  	[smem:$0x3FA7] =	sst s2  }
0xb: {  	[smem:$0x3FA8] =	sst s3  }
0xc: {  	[smem:$0x3FA9] =	sst s4  }
0xd: {  	[smem:$0x3FAA] =	sst s5  }
0xe: {  	[smem:$0x3FAB] =	sst s6  }
0xf: {  	[smem:$0x3FAC] =	sst s7  }
0x10: {  	[smem:$0x3FAD] =	sst s8  }
0x11: {  	[smem:$0x3FAE] =	sst s9;
	s0 =	simm.s32 @!p0 $0x0  }
0x12: {  	s1 =	sld [smem:$0x3F94];
	s0 =	simm.s32 @p0 $0x1  }
0x13: {  	[smem:$0x3FAF] =	sst s0;
	s0 =	simm.s32 @!p1 $0x0  }
0x14: {  	s2 =	sld [smem:$0x3F93];
	s0 =	simm.s32 @p1 $0x1  }
0x15: {  	[smem:$0x3FB0] =	sst s0;
	s0 =	simm.s32 @!p2 $0x0  }
0x16: {  	s3 =	sld [smem:$0x3FDB];
	s0 =	simm.s32 @p2 $0x1  }
0x17: {  	s4 =	simm.s32 $0x1BF5;
	[smem:$0x3FB2] =	sst s0  }
0x18: {  	s0 =	sld [smem:$0x3F95];
	_ =	swait.ge [sflag:s4], $0x0  }
0x19: {  	s7 =	sld [smem:$0x3F96]  }
0x1a: {  	s8 =	sadd.s32 $0xFFFFE003, lr  }
0x1b: {  	s9 =	sadd.s32 $0xFFFFFEF7, lr;
	s5 =	simm.s32 $0xFFFFFFFF;
	p2 =	slt.u32 s8, $0xFFFFF086  }
0x1c: {  	p1 =	slt.u32 s9, $0xF7A;
	s5 =	simm.s32 @!p2 $0x0  }
0x1d: {  	s5 =	simm.s32 @p1 $0x1;
	p0 =	seq.s32 s7, s2  }
0x1e: {  	s7 =	smul.u32 @!p0 $0xF7A, s2;
	p2 =	seq.s32 @!p0 s5, $0x0  }
0x1f: {  	s9 =	smul.u32 $0xF7A, s1;
	s8 =	simm.s32 @!p0 $0x1BF5;
	p2 =	por !p2, p0  }
0x20: {  	[sflag:s8] =	ssyncset.s32 @!p0 $0xFFFFF086;
	s6 =	sadd.s32 @!p0 s3, s7;
	s7 =	simm.s32 @!p0 $0x108  }
0x21: {  	s3 =	sadd.s32 s3, s9;
	s6 =	sadd.s32 @!p0 $0x88, s6;
	s7 =	simm.s32 @p2 $0x1082  }
0x22: {  	[simem:s7], [sflag:s8] =	dma.local @!p0 [hbm:s6], $0xF7A  }
0x23: {  	s9 =	sor.u32 $0xD0000000, s2;
	s6 =	simm.s32 $0x108;
	_ =	swait.ge @!p0 [sflag:s8], $0x0  }
0x24: {  	s3 =	sadd.s32 $0x88, s3;
	s6 =	simm.s32 @!p1 $0x1082;
	[sflag:s4] =	ssyncset.s32 $0xFFFFF086  }
0x25: {  	[simem:s6], [sflag:s4] =	dma.local [hbm:s3], $0xF7A  }
0x26: {  	[smem:$0x3F96] =	sst s1;
	(tag) =	ssettag s2;
	_ =	strace s9  }
0x27: {  	s1 =	sld [smem:$0x3FA6]  }
0x28: {  	s2 =	sld [smem:$0x3FA7]  }
0x29: {  	s4 =	sld [smem:$0x3FA9]  }
0x2a: {  	p0 =	seq.s32 s5, $0x0;
	s5 =	sld [smem:$0x3FAA]  }
0x2b: {  	s6 =	sld [smem:$0x3FAB]  }
0x2c: {  	s7 =	sld [smem:$0x3FAC]  }
0x2d: {  	s3 =	simm.s32 $0x108;
	s8 =	sld [smem:$0x3FAD]  }
0x2e: {  	s3 =	simm.s32 @!p0 $0x1082;
	s9 =	sld [smem:$0x3FAE]  }
0x2f: {  	lr =	sadd.s32 s0, s3;
	s0 =	sld [smem:$0x3FA5]  }
0x30: {  	s3 =	sld [smem:$0x3FA8]  }
0x31: {  	[smem:$0x3FB1] =	sst s10  }
0x32: {  	s10 =	sld [smem:$0x3FAF];
	_ =	sdelay $0x3  }
0x33: {  	p0 =	seq.s32 s10, $0x1;
	s10 =	sld [smem:$0x3FB1];
	_ =	sdelay $0x3  }
0x34: {  	[smem:$0x3FB1] =	sst s10  }
0x35: {  	s10 =	sld [smem:$0x3FB0];
	_ =	sdelay $0x3  }
0x36: {  	p1 =	seq.s32 s10, $0x1;
	s10 =	sld [smem:$0x3FB1];
	_ =	sdelay $0x3  }
0x37: {  	[smem:$0x3FB1] =	sst s10  }
0x38: {  	s10 =	sld [smem:$0x3FB2]  }
0x39: {  	_ = 	snop;
	(pc) =	sbr.ind lr, $3  }
0x3a: {  	_ = 	snop  }
0x3b: {  	_ = 	snop  }
0x3c: {  	p2 =	seq.s32 s10, $0x1;
	s10 =	sld [smem:$0x3FB1]  }
0x3d: {  	_ =	shalt  }
0x3e: {  	_ =	shalt  }
0x3f: {  	_ =	shalt  }
0x40: {  	_ =	shalt  }
0x41: {  	_ =	shalt  }
0x42: {  	_ =	shalt  }
0x43: {  	_ =	shalt  }
0x44: {  	_ =	shalt  }
0x45: {  	_ =	shalt  }
0x46: {  	_ =	shalt  }
0x47: {  	_ =	shalt  }
0x48: {  	_ =	shalt  }
0x49: {  	_ =	shalt  }
0x4a: {  	_ =	shalt  }
0x4b: {  	_ =	shalt  }
0x4c: {  	_ =	shalt  }
0x4d: {  	_ =	shalt  }
0x4e: {  	_ =	shalt  }
0x4f: {  	_ =	shalt  }
0x50: {  	_ =	shalt  }
0x51: {  	_ =	shalt  }
0x52: {  	_ =	shalt  }
0x53: {  	_ =	shalt  }
0x54: {  	_ =	shalt  }
0x55: {  	_ =	shalt  }
0x56: {  	_ =	shalt  }
0x57: {  	_ =	shalt  }
0x58: {  	_ =	shalt  }
0x59: {  	_ =	shalt  }
0x5a: {  	_ =	shalt  }
0x5b: {  	_ =	shalt  }
0x5c: {  	_ =	shalt  }
0x5d: {  	_ =	shalt  }
0x5e: {  	_ =	shalt  }
0x5f: {  	_ =	shalt  }
0x60: {  	_ =	shalt  }
0x61: {  	_ =	shalt  }
0x62: {  	_ =	shalt  }
0x63: {  	_ =	shalt  }
0x64: {  	_ =	shalt  }
0x65: {  	_ =	shalt  }
0x66: {  	_ =	shalt  }
0x67: {  	_ =	shalt  }
0x68: {  	_ =	shalt  }
0x69: {  	_ =	shalt  }
0x6a: {  	_ =	shalt  }
0x6b: {  	_ =	shalt  }
0x6c: {  	_ =	shalt  }
0x6d: {  	_ =	shalt  }
0x6e: {  	_ =	shalt  }
0x6f: {  	_ =	shalt  }
0x70: {  	_ =	shalt  }
0x71: {  	_ =	shalt  }
0x72: {  	_ =	shalt  }
0x73: {  	_ =	shalt  }
0x74: {  	_ =	shalt  }
0x75: {  	_ =	shalt  }
0x76: {  	_ =	shalt  }
0x77: {  	_ =	shalt  }
0x78: {  	_ =	shalt  }
0x79: {  	_ =	shalt  }
0x7a: {  	_ =	shalt  }
0x7b: {  	_ =	shalt  }
0x7c: {  	_ =	shalt  }
0x7d: {  	_ =	shalt  }
0x7e: {  	_ =	shalt  }
0x7f: {  	_ =	shalt  }
0x80: {  	_ =	shalt  }
0x81: {  	_ =	shalt  }
0x82: {  	_ =	shalt  }
0x83: {  	_ =	shalt  }
0x84: {  	_ =	shalt  }
0x85: {  	_ =	shalt  }
0x86: {  	_ =	shalt  }
0x87: {  	_ =	shalt  }
.Lfunc_end0:
.L_simem_size_0:
called_computation.1_lowered:
.L_overlay_start_0:
0x88: {  	s2 =	sld [smem:$0x3FD9]  }
0x89: {  	s3 =	sld [smem:$0x3FFE];
	_ =	sdelay $0x1  }
0x8a: {  	s1 =	srdreg.scid  }
0x8b: {  	s0 =	sand.u32 $0x1, s1  }
0x8c: {  	s17 =	sshll.u32 s0, $0xA;
	s2 =	sadd.s32 s3, s2  }
0x8d: {  	s2 =	sadd.s32 s2, s17  }
0x8e: {  	[smem:$0x3FBD] =	sst s2  }
0x8f: {  	_ = 	snop  }
0x90: {  	s2 =	sld [smem:$0x3FD0];
	(tm) =	ssettm $0x1  }
0x91: {  	s18 =	sld [smem:$0x3FFB];
	_ =	sdelay $0x3  }
0x92: {  	_ =	strace s18  }
0x93: {  	s3 =	sld [smem:$0x3FFC];
	_ =	sdelay $0x3  }
0x94: {  	_ =	strace s3  }
0x95: {  	s3 =	sld [smem:$0x3FFD];
	_ =	sdelay $0x3  }
0x96: {  	_ =	strace s3  }
0x97: {  	_ =	strace $0x8FFFFFFF  }
0x98: {  	s19 =	sld [smem:$0x3FDB];
	_ =	sdelay $0x1  }
0x99: {  	s4 =	simm.s32 $_scs_section_size  }
0x9a: {  	s5 =	simm.s32 $_size__tile_overlayer_lowered;
	s6 =	simm.s32 $_tile_overlayer_lowered  }
0x9b: {  	s22 =	simm.s32 $0x1BFF;
	s21 =	sshll.u32 s6, $0x1;
	s3 =	sadd.s32 s4, s19  }
0x9c: {  	s7 =	simm.s32 $0x0;
	s20 =	sshll.u32 s5, $0x1;
	s5 =	sadd.s32 s21, s3  }
0x9d: {  	[timem:s7], [sflag:s22] =	dma.local [hbm:s5], s20  }
0x9e: {  	_ =	swait.ge [sflag:s22], s20  }
0x9f: {  	s4 =	ssub.s32 $0x0, s20;
	[sflag:s22] =	ssyncset.done $0x0  }
0xa0: {  	[sflag:s22] =	ssyncadd.s32 s4;
	_ =	sdelay $0x1  }
0xa1: {  	s23 =	simm.s32 $0x1B8B  }
0xa2: {  	_ =	swait.ge [sflag:s23], $0x1  }
0xa3: {  	[sflag:s23] =	ssyncset.done $0x0  }
0xa4: {  	s25 =	simm.s32 $0x1B8E;
	s24 =	sld [smem:$0x3FFE];
	[sflag:s23] =	ssyncadd.s32 $0xFFFFFFFF  }
0xa5: {  	s26 =	simm.s32 $execute0_lowered;
	[smem:$0x3FD2] =	sst s25  }
0xa6: {  	s5 =	sshll.u32 s26, $0x1;
	_ =	strace $0x80000049;
	[dreg:$0x1] =	wrdreg $0xFFFFFFFF  }
0xa7: {  	s28 =	simm.s32 $_size_execute0_lowered;
	s3 =	sadd.s32 s3, s5;
	[dreg:$0x0] =	wrdreg $0x0  }
0xa8: {  	s5 =	sshll.u32 s28, $0x1;
	[dreg:$0x2] =	wrdreg s3  }
0xa9: {  	[dreg:$0x3] =	wrdreg s5  }
0xaa: {  	[dreg:$0x4] =	wrdreg $0xC0  }
0xab: {  	_ =	task [dreg:s7], $0x5FFFF  }
0xac: {  	[dreg:$0x1] =	wrdreg $0xFFFFFFFF  }
0xad: {  	[dreg:$0x0] =	wrdreg $0x60  }
0xae: {  	[dreg:$0x2] =	wrdreg s24  }
0xaf: {  	[dreg:$0x3] =	wrdreg s2  }
0xb0: {  	[dreg:$0x4] =	wrdreg $0x140000  }
0xb1: {  	[dreg:$0x5] =	wrdreg $0xF0000  }
0xb2: {  	[dreg:$0x6] =	wrdreg $0x9  }
0xb3: {  	_ =	task.clear_ibuf [dreg:s7], $0x7FFFF;
	_ =	strace $0x90000049  }
0xb4: {  	s29 =	simm.s32 $0x9;
	_ =	strace $0x8000004B  }
0xb5: {  	_ =	swait.ge [sflag:s29], $0x1  }
0xb6: {  	[sflag:s29] =	ssyncadd.s32 $0xFFFFFFFF  }
0xb7: {  	_ =	strace $0x9000004B  }
0xb8: {  	_ =	sfence  }
0xb9: {  	s30 =	sld [smem:$0x0];
	_ =	sdelay $0x2  }
0xba: {  	s31 =	sshll.u32 s1, $0xD;
	s1 =	sshrl.u32 s1, $0x2  }
0xbb: {  	s3 =	sand.u32 $0x4000, s31;
	s1 =	sadd.s32 s1, s30  }
0xbc: {  	s0 =	sor.u32 s3, s0;
	s1 =	sshll.u32 s1, $0x11  }
0xbd: {  	s0 =	sor.u32 s1, s0  }
0xbe: {  	s0 =	sadd.s32 $0x8F2B, s0  }
0xbf: {  	[sflag:s0] =	ssyncadd.remote.s32 $0x1  }
0xc0: {  	_ =	sfence.sel $0xFFFF  }
0xc1: {  	[dreg:$0x0] =	wrdreg $0xFFFFFFFF;
	(pc) =	sbr.abs _section_cstart, $3  }
0xc2: {  	[dreg:$0x1] =	wrdreg $0xFFFFFFFF  }
0xc3: {  	_ =	task.clear_ibuf [dreg:s7], $0x2FFFF;
	_ =	strace $0x9FFFFFFF  }
0xc4: {  	(tm) =	ssettm $0x7FFFFFFF  }
0xc5: {  	_ =	shalt  }
tec
execute0_lowered:
.L_overlay_start_1:
0x0: {  	(tag) =	ssettag $0x1  }
0x1: {  	s0 =	rddreg [dreg:$0x0]  }
0x2: {  	s1 =	rddreg [dreg:$0x1];
	s3 =	srdreg.scid  }
0x3: {  	s2 =	rddreg [dreg:$0x2];
	s11 =	stileid.u32;
	s7 =	simm.s32 $0x0  }
0x4: {  	s21 =	simm.s32 $0xE000;
	s28 =	simm.s32 $0xC000;
	s30 =	simm.s32 $0xD000  }
0x5: {  	s31 =	simm.s32 $0x1;
	s29 =	simm.s32 $0x5;
	s6 =	smul.u32 $0xA0, s11  }
0x6: {  	s4 =	sand.u32 $0x1, s3;
	s3 =	rddreg [dreg:$0x3];
	s8 =	smul.u32 $0x5000, s11  }
0x7: {  	[smem:$0x7FF] =	sst s7;
	s10 =	sadd.s32 $0x1B1000, s0;
	s9 =	smul.u32 $0x14000, s11  }
0x8: {  	s26 =	sshll.u32 s11, $0x6;
	s7 =	simm.s32 $0x6;
	s5 =	smul.u32 $0xA00, s4  }
0x9: {  	_ =	strace $0x8000004A;
	[dreg:$0x5] =	wrdreg s10;
	s13 =	ssub.s32 $0x2, s4  }
0xa: {  	s4 =	sshll.u32 s4, $0x2;
	s19 =	sor.u32 $0x1C0B, s26;
	s26 =	simm.s32 $0x9  }
0xb: {  	s14 =	sshrl.u32 s13, $0x1;
	s15 =	sadd.s32 s8, s2;
	[dreg:$0x9] =	wrdreg s4  }
0xc: {  	s16 =	sshrl.u32 s9, $0x2;
	s10 =	sshrl.u32 s8, $0x3;
	s18 =	sadd.s32 s8, s3  }
0xd: {  	s8 =	simm.s32 $0x8;
	s4 =	simm.s32 $0xA;
	s5 =	sadd.s32 s6, s5  }
0xe: {  	s17 =	sadd.s32 s16, s3;
	s20 =	sshrl.u32 s15, $0x3;
	s5 =	sshll.u32 s5, $0x4  }
0xf: {  	s22 =	sadd.s32 $0x1000, s17;
	s23 =	sadd.s32 $0x2000, s17;
	[dreg:$0xa] =	wrdreg s17  }
0x10: {  	s24 =	sadd.s32 $0x3000, s17;
	s25 =	sadd.s32 $0x4000, s17;
	[dreg:$0xc] =	wrdreg s22  }
0x11: {  	s17 =	simm.s32 $0xB;
	s12 =	sadd.s32 s5, s0;
	[dreg:$0xd] =	wrdreg s23  }
0x12: {  	s0 =	sadd.s32 $0x49000, s0;
	s1 =	sadd.s32 s1, s5;
	[dreg:$0xe] =	wrdreg s24  }
0x13: {  	[dreg:$0xf] =	wrdreg s25;
	s22 =	simm.s32 $0x80;
	s23 =	simm.s32 $0xA000  }
.Ltmp0:
0x14: {  	s24 =	simm.s32 $0xB000;
	s25 =	sshrl.u32 s18, $0x3;
	(pc) =	sbr.rel .LBB2_1-.Ltmp0, $4  }
0x15: {  	s18 =	simm.s32 $0x7;
	[dreg:$0x6] =	wrdreg s0;
	s0 =	ssub.s32 s13, s14  }
0x16: {  	s6 =	sadd.s32 $0xD000, s12;
	[dreg:$0x8] =	wrdreg s1;
	s12 =	simm.s32 $0x3  }
0x17: {  	s1 =	simm.s32 $0x4;
	[dreg:$0x7] =	wrdreg s6;
	s0 =	smax.u32 s0, $0x1  }
0x18: {  	v0 =	vimm.f32 $0.0e+00;
	s6 =	simm.s32 $0x0;
	[dreg:$0xb] =	wrdreg s0;
	s0 =	simm.s32 $0x2  }
.LBB2_8:
0x19: {  	s6 =	rddreg [dreg:$0x10]  }
0x1a: {  	s5 =	rddreg [dreg:$0xb];
	s6 =	sadd.s32 $0x1, s6  }
0x1b: {  	p0 =	sne.s32 s6, s5  }
.Ltmp1:
0x1c: {  	_ = 	snop;
	(pc) =	sbr.rel @!p0 .LBB2_9-.Ltmp1, $1  }
0x1d: {  	_ =	sdelay $0x3  }
.LBB2_1:
0x1e: {  	[dreg:$0x10] =	wrdreg s6  }
0x1f: {  	s5 =	simm.s32 $0x0;
	s15 =	rddreg [dreg:$0x7]  }
0x20: {  	[tilespmem:s5], [sflag:$0xB] =	stream.linear.gather [hbm4b:s15+s5], $0x5000, $0x38;
	[tilespmem:$0x19000] =	vst v63  }
0x21: {  	_ =	swait.ge [sflag:s17], $0x5000  }
0x22: {  	s9 =	simm.s32 $0x5000;
	[sflag:s17] =	ssyncset.done $0x0  }
.Ltmp2:
0x23: {  	s16 =	rddreg [dreg:$0x8];
	[sflag:s17] =	ssyncadd.s32 $0xFFFFB000;
	(pc) =	sbr.rel .LBB2_2-.Ltmp2, $4  }
0x24: {  	[tilespmem:s9], [sflag:$0xB] =	stream.linear.gather [hbm4b:s16+s5], $0x5000, $0x38;
	[tilespmem:$0x19000] =	vst v63  }
0x25: {  	_ =	swait.ge [sflag:s17], $0x5000  }
0x26: {  	[sflag:s17] =	ssyncset.done $0x0  }
0x27: {  	s5 =	simm.s32 $0x0;
	[sflag:s17] =	ssyncadd.s32 $0xFFFFB000  }
.LBB2_7:
0x28: {  	_ =	swait.ge [sflag:s29], $0x1000  }
0x29: {  	[sflag:s29] =	ssyncset.done $0x0  }
0x2a: {  	[sflag:s29] =	ssyncadd.s32 $0xFFFFF000  }
0x2b: {  	[spmem:s3] =	stream.indirect.scatter.add.f32 [tilespmem:s21], [sflag:$0xA], $0x20, s13, s22, $0xb8;
	[tilespmem:$0x19000] =	vst v63  }
0x2c: {  	_ =	swait.ge [sflag:s7], $0x1000  }
0x2d: {  	[sflag:s7] =	ssyncset.done $0x0  }
0x2e: {  	[sflag:s7] =	ssyncadd.s32 $0xFFFFF000  }
0x2f: {  	_ =	swait.ge [sflag:s18], $0x1000  }
0x30: {  	[sflag:s18] =	ssyncset.done $0x0  }
0x31: {  	[sflag:s18] =	ssyncadd.s32 $0xFFFFF000  }
0x32: {  	_ =	swait.ge [sflag:s8], $0x1000  }
0x33: {  	[sflag:s8] =	ssyncset.done $0x0  }
0x34: {  	[sflag:s8] =	ssyncadd.s32 $0xFFFFF000  }
0x35: {  	_ =	swait.ge [sflag:s26], $0x1000  }
0x36: {  	[sflag:s26] =	ssyncset.done $0x0  }
0x37: {  	[sflag:s26] =	ssyncadd.s32 $0xFFFFF000  }
0x38: {  	_ =	swait.ge [sflag:s4], $0x1000  }
0x39: {  	[sflag:s4] =	ssyncset.done $0x0;
	s9 =	rddreg [dreg:$0x6]  }
0x3a: {  	s5 =	sadd.s32 $0x1, s5;
	[sflag:s4] =	ssyncadd.s32 $0xFFFFF000;
	s6 =	sadd.s32 s9, s6  }
0x3b: {  	p0 =	sne.s32 s5, $0x4;
	[bflag:$0x0] =	sbarrier.arrive $0xFFFF;
	s6 =	sadd.s32 s10, s6  }
0x3c: {  	[hbm:s6], [sflag:s19] =	dma.local [spmem:s25], $0xA00  }
.Ltmp3:
0x3d: {  	_ =	swait.ge [sflag:s17], $0xA00;
	(pc) =	sbr.rel @!p0 .LBB2_8-.Ltmp3, $3  }
0x3e: {  	[sflag:s17] =	ssyncset.done $0x0  }
0x3f: {  	[sflag:s17] =	ssyncadd.s32 $0xFFFFF600  }
0x40: {  	[bflag:$0x0] =	sbarrier.arrive $0xFFFF;
	_ =	sdelay $0x1  }
.LBB2_2:
0x41: {  	s6 =	rddreg [dreg:$0x9]  }
0x42: {  	s6 =	sadd.s32 s6, s5  }
0x43: {  	s6 =	smul.u32 $0xA000, s6  }
0x44: {  	s9 =	rddreg [dreg:$0x5]  }
0x45: {  	s9 =	sadd.s32 s9, s6  }
0x46: {  	s9 =	sadd.s32 s10, s9  }
0x47: {  	[spmem:s20], [sflag:s19] =	dma.local [hbm:s9], $0xA00  }
0x48: {  	_ =	swait.ge [sflag:s17], $0xA00  }
0x49: {  	[sflag:s17] =	ssyncset.done $0x0  }
0x4a: {  	s11 =	simm.s32 $0x0;
	s9 =	simm.s32 $0x80;
	[sflag:s17] =	ssyncadd.s32 $0xFFFFF600  }
.LBB2_3:
0x4b: {  	p0 =	sne.s32 s9, $0x3F80;
	[tilespmem:s11+$0xE000] =	vst v0;
	s13 =	smov.u32 s9;
	s9 =	sadd.s32 $0x80, s9  }
.Ltmp4:
0x4c: {  	[tilespmem:s11+$0xE010] =	vst v0;
	(pc) =	sbr.rel @p0 .LBB2_3-.Ltmp4, $2  }
0x4d: {  	_ =	sdelay $0x2  }
0x4e: {  	s11 =	sshra.s32 s13, $0x2  }
0x4f: {  	[tilespmem:s11+$0xE000] =	vst v0  }
0x50: {  	[tilespmem:s11+$0xE010] =	vst v0;
	s9 =	rddreg [dreg:$0xa]  }
0x51: {  	[spmem:s9] =	stream.linear.scatter [tilespmem:s21], [sflag:$0xB], $0x1000, $0x38;
	[tilespmem:$0x19000] =	vst v63  }
0x52: {  	_ =	swait.ge [sflag:s17], $0x1000  }
0x53: {  	[sflag:s17] =	ssyncset.done $0x0  }
0x54: {  	s14 =	rddreg [dreg:$0xc];
	[sflag:s17] =	ssyncadd.s32 $0xFFFFF000  }
0x55: {  	[spmem:s14] =	stream.linear.scatter [tilespmem:s21], [sflag:$0xB], $0x1000, $0x38;
	[tilespmem:$0x19000] =	vst v63  }
0x56: {  	_ =	swait.ge [sflag:s17], $0x1000  }
0x57: {  	[sflag:s17] =	ssyncset.done $0x0  }
0x58: {  	s15 =	rddreg [dreg:$0xd];
	[sflag:s17] =	ssyncadd.s32 $0xFFFFF000  }
0x59: {  	[spmem:s15] =	stream.linear.scatter [tilespmem:s21], [sflag:$0xB], $0x1000, $0x38;
	[tilespmem:$0x19000] =	vst v63  }
0x5a: {  	_ =	swait.ge [sflag:s17], $0x1000  }
0x5b: {  	[sflag:s17] =	ssyncset.done $0x0  }
0x5c: {  	s16 =	rddreg [dreg:$0xe];
	[sflag:s17] =	ssyncadd.s32 $0xFFFFF000  }
0x5d: {  	[spmem:s16] =	stream.linear.scatter [tilespmem:s21], [sflag:$0xB], $0x1000, $0x38;
	[tilespmem:$0x19000] =	vst v63  }
0x5e: {  	_ =	swait.ge [sflag:s17], $0x1000  }
0x5f: {  	[sflag:s17] =	ssyncset.done $0x0  }
0x60: {  	s11 =	rddreg [dreg:$0xf];
	[sflag:s17] =	ssyncadd.s32 $0xFFFFF000  }
0x61: {  	[spmem:s11] =	stream.linear.scatter [tilespmem:s21], [sflag:$0xB], $0x1000, $0x38;
	[tilespmem:$0x19000] =	vst v63  }
0x62: {  	_ =	swait.ge [sflag:s17], $0x1000  }
0x63: {  	[sflag:s17] =	ssyncset.done $0x0  }
0x64: {  	[sflag:s17] =	ssyncadd.s32 $0xFFFFF000  }
0x65: {  	s9 =	simm.s32 $0x0;
	[bflag:$0x0] =	sbarrier.arrive $0xFFFF  }
0x66: {  	[tilespmem:s23], [sflag:$0x1] =	stream.indirect.gather [spmem:s2], $0x20, s9, s22, $0xb8;
	[tilespmem:$0x19000] =	vst v63  }
0x67: {  	_ = 	snop  }
0x68: {  	[tilespmem:s24], [sflag:$0x2] =	stream.indirect.gather [spmem:s2], $0x20, s22, s22, $0xb8;
	[tilespmem:$0x19000] =	vst v63  }
0x69: {  	s13 =	simm.s32 $0x100  }
0x6a: {  	[tilespmem:s28], [sflag:$0x3] =	stream.indirect.gather [spmem:s2], $0x20, s13, s22, $0xb8;
	[tilespmem:$0x19000] =	vst v63  }
0x6b: {  	s14 =	simm.s32 $0x180  }
0x6c: {  	[tilespmem:s30], [sflag:$0x4] =	stream.indirect.gather [spmem:s2], $0x20, s14, s22, $0xb8;
	[tilespmem:$0x19000] =	vst v63  }
0x6d: {  	_ =	swait.ge [sflag:s31], $0x1000  }
0x6e: {  	[sflag:s31] =	ssyncset.done $0x0  }
0x6f: {  	s15 =	simm.s32 $0x5000;
	[sflag:s31] =	ssyncadd.s32 $0xFFFFF000  }
0x70: {  	[spmem:s3] =	stream.indirect.scatter.add.f32 [tilespmem:s23], [sflag:$0x6], $0x20, s15, s22, $0xb8;
	[tilespmem:$0x19000] =	vst v63  }
0x71: {  	s16 =	simm.s32 $0x200  }
0x72: {  	[tilespmem:s21], [sflag:$0x5] =	stream.indirect.gather [spmem:s2], $0x20, s16, s22, $0xb8;
	[tilespmem:$0x19000] =	vst v63  }
0x73: {  	_ =	swait.ge [sflag:s0], $0x1000  }
0x74: {  	[sflag:s0] =	ssyncset.done $0x0  }
0x75: {  	s13 =	simm.s32 $0x5080;
	[sflag:s0] =	ssyncadd.s32 $0xFFFFF000  }
0x76: {  	[spmem:s3] =	stream.indirect.scatter.add.f32 [tilespmem:s24], [sflag:$0x7], $0x20, s13, s22, $0xb8;
	[tilespmem:$0x19000] =	vst v63  }
0x77: {  	_ =	swait.ge [sflag:s7], $0x1000  }
0x78: {  	[sflag:s7] =	ssyncset.done $0x0  }
0x79: {  	s14 =	simm.s32 $0x280;
	[sflag:s7] =	ssyncadd.s32 $0xFFFFF000  }
0x7a: {  	[tilespmem:s23], [sflag:$0x1] =	stream.indirect.gather [spmem:s2], $0x20, s14, s22, $0xb8;
	[tilespmem:$0x19000] =	vst v63  }
0x7b: {  	_ =	swait.ge [sflag:s12], $0x1000  }
0x7c: {  	[sflag:s12] =	ssyncset.done $0x0  }
0x7d: {  	s15 =	simm.s32 $0x5100;
	[sflag:s12] =	ssyncadd.s32 $0xFFFFF000  }
0x7e: {  	[spmem:s3] =	stream.indirect.scatter.add.f32 [tilespmem:s28], [sflag:$0x8], $0x20, s15, s22, $0xb8;
	[tilespmem:$0x19000] =	vst v63  }
0x7f: {  	_ =	swait.ge [sflag:s18], $0x1000  }
0x80: {  	[sflag:s18] =	ssyncset.done $0x0  }
0x81: {  	s16 =	simm.s32 $0x300;
	[sflag:s18] =	ssyncadd.s32 $0xFFFFF000  }
0x82: {  	[tilespmem:s24], [sflag:$0x2] =	stream.indirect.gather [spmem:s2], $0x20, s16, s22, $0xb8;
	[tilespmem:$0x19000] =	vst v63  }
0x83: {  	_ =	swait.ge [sflag:s1], $0x1000  }
0x84: {  	[sflag:s1] =	ssyncset.done $0x0  }
0x85: {  	s13 =	simm.s32 $0x5180;
	[sflag:s1] =	ssyncadd.s32 $0xFFFFF000  }
0x86: {  	[spmem:s3] =	stream.indirect.scatter.add.f32 [tilespmem:s30], [sflag:$0x9], $0x20, s13, s22, $0xb8;
	[tilespmem:$0x19000] =	vst v63  }
0x87: {  	_ =	swait.ge [sflag:s8], $0x1000  }
0x88: {  	[sflag:s8] =	ssyncset.done $0x0  }
0x89: {  	s14 =	simm.s32 $0x380;
	[sflag:s8] =	ssyncadd.s32 $0xFFFFF000  }
0x8a: {  	[tilespmem:s28], [sflag:$0x3] =	stream.indirect.gather [spmem:s2], $0x20, s14, s22, $0xb8;
	[tilespmem:$0x19000] =	vst v63  }
0x8b: {  	_ =	swait.ge [sflag:s29], $0x1000  }
0x8c: {  	[sflag:s29] =	ssyncset.done $0x0  }
0x8d: {  	s15 =	simm.s32 $0x5200;
	[sflag:s29] =	ssyncadd.s32 $0xFFFFF000  }
0x8e: {  	[spmem:s3] =	stream.indirect.scatter.add.f32 [tilespmem:s21], [sflag:$0xA], $0x20, s15, s22, $0xb8;
	[tilespmem:$0x19000] =	vst v63  }
0x8f: {  	_ =	swait.ge [sflag:s26], $0x1000  }
0x90: {  	[sflag:s26] =	ssyncset.done $0x0  }
0x91: {  	s16 =	simm.s32 $0x400;
	[sflag:s26] =	ssyncadd.s32 $0xFFFFF000  }
0x92: {  	[tilespmem:s30], [sflag:$0x4] =	stream.indirect.gather [spmem:s2], $0x20, s16, s22, $0xb8;
	[tilespmem:$0x19000] =	vst v63  }
.LBB2_5:
0x93: {  	_ =	swait.ge [sflag:s31], $0x1000  }
0x94: {  	s11 =	sshra.s32 s9, $0x2;
	[sflag:s31] =	ssyncset.done $0x0  }
0x95: {  	s13 =	sadd.s32 $0x5280, s11;
	[sflag:s31] =	ssyncadd.s32 $0xFFFFF000  }
0x96: {  	[spmem:s3] =	stream.indirect.scatter.add.f32 [tilespmem:s23], [sflag:$0x6], $0x20, s13, s22, $0xb8;
	[tilespmem:$0x19000] =	vst v63  }
0x97: {  	_ =	swait.ge [sflag:s4], $0x1000  }
0x98: {  	[sflag:s4] =	ssyncset.done $0x0  }
0x99: {  	s14 =	sadd.s32 $0x480, s11;
	[sflag:s4] =	ssyncadd.s32 $0xFFFFF000  }
0x9a: {  	[tilespmem:s21], [sflag:$0x5] =	stream.indirect.gather [spmem:s2], $0x20, s14, s22, $0xb8;
	[tilespmem:$0x19000] =	vst v63  }
0x9b: {  	_ =	swait.ge [sflag:s0], $0x1000  }
0x9c: {  	p0 =	seq.s32 s9, $0x12C00;
	[sflag:s0] =	ssyncset.done $0x0  }
0x9d: {  	s15 =	sadd.s32 $0x5300, s11;
	s13 =	simm.s32 @p0 $0x3;
	[sflag:s0] =	ssyncadd.s32 $0xFFFFF000  }
0x9e: {  	[spmem:s3] =	stream.indirect.scatter.add.f32 [tilespmem:s24], [sflag:$0x7], $0x20, s15, s22, $0xb8;
	[tilespmem:$0x19000] =	vst v63  }
0x9f: {  	_ =	swait.ge @p0 [sflag:s13], $0x1000  }
0xa0: {  	[sflag:s13] =	ssyncset.done @p0 $0x0  }
0xa1: {  	[sflag:s13] =	ssyncadd.s32 @p0 $0xFFFFF000;
	s13 =	sshra.s32 @p0 s9, $0x2  }
0xa2: {  	s14 =	simm.s32 @p0 $0x80;
	s15 =	simm.s32 @p0 $0xC000;
	s13 =	sadd.s32 @p0 $0x5380, s13  }
0xa3: {  	[spmem:s3] =	stream.indirect.scatter.add.f32 @p0 [tilespmem:s15], [sflag:$0x8], $0x20, s13, s14, $0xb8;
	[tilespmem:$0x19000] =	vst v63  }
0xa4: {  	s13 =	simm.s32 @!p0 $0x6  }
0xa5: {  	_ =	swait.ge @!p0 [sflag:s13], $0x1000  }
0xa6: {  	[sflag:s13] =	ssyncset.done @!p0 $0x0  }
0xa7: {  	[sflag:s13] =	ssyncadd.s32 @!p0 $0xFFFFF000;
	s13 =	sshra.s32 @!p0 s9, $0x2  }
0xa8: {  	s16 =	simm.s32 @!p0 $0xA000;
	s15 =	simm.s32 @!p0 $0x80;
	s14 =	sadd.s32 @!p0 $0x500, s13  }
0xa9: {  	[tilespmem:s16], [sflag:$0x1] =	stream.indirect.gather @!p0 [spmem:s2], $0x20, s14, s15, $0xb8;
	[tilespmem:$0x19000] =	vst v63  }
0xaa: {  	s14 =	simm.s32 @!p0 $0x3  }
0xab: {  	_ =	swait.ge @!p0 [sflag:s14], $0x1000  }
0xac: {  	[sflag:s14] =	ssyncset.done @!p0 $0x0  }
0xad: {  	s16 =	simm.s32 @!p0 $0xC000;
	[sflag:s14] =	ssyncadd.s32 @!p0 $0xFFFFF000;
	s14 =	sadd.s32 @!p0 $0x5380, s13  }
0xae: {  	[spmem:s3] =	stream.indirect.scatter.add.f32 @!p0 [tilespmem:s16], [sflag:$0x8], $0x20, s14, s15, $0xb8;
	[tilespmem:$0x19000] =	vst v63  }
0xaf: {  	s14 =	simm.s32 @!p0 $0x7  }
0xb0: {  	_ =	swait.ge @!p0 [sflag:s14], $0x1000  }
0xb1: {  	[sflag:s14] =	ssyncset.done @!p0 $0x0  }
0xb2: {  	s13 =	sadd.s32 @!p0 $0x580, s13;
	[sflag:s14] =	ssyncadd.s32 @!p0 $0xFFFFF000;
	s14 =	simm.s32 @!p0 $0xB000  }
0xb3: {  	[tilespmem:s14], [sflag:$0x2] =	stream.indirect.gather @!p0 [spmem:s2], $0x20, s13, s15, $0xb8;
	[tilespmem:$0x19000] =	vst v63  }
.Ltmp5:
0xb4: {  	_ = 	snop;
	(pc) =	sbr.rel @p0 .LBB2_7-.Ltmp5, $4  }
0xb5: {  	_ =	swait.ge [sflag:s1], $0x1000  }
0xb6: {  	[sflag:s1] =	ssyncset.done $0x0  }
0xb7: {  	s16 =	sadd.s32 $0x5400, s11;
	s13 =	sadd.s32 $0x5480, s11;
	[sflag:s1] =	ssyncadd.s32 $0xFFFFF000  }
0xb8: {  	[spmem:s3] =	stream.indirect.scatter.add.f32 [tilespmem:s30], [sflag:$0x9], $0x20, s16, s22, $0xb8;
	[tilespmem:$0x19000] =	vst v63  }
0xb9: {  	_ =	swait.ge [sflag:s8], $0x1000  }
0xba: {  	[sflag:s8] =	ssyncset.done $0x0  }
0xbb: {  	s14 =	sadd.s32 $0x600, s11;
	[sflag:s8] =	ssyncadd.s32 $0xFFFFF000  }
0xbc: {  	[tilespmem:s28], [sflag:$0x3] =	stream.indirect.gather [spmem:s2], $0x20, s14, s22, $0xb8;
	[tilespmem:$0x19000] =	vst v63  }
0xbd: {  	_ =	swait.ge [sflag:s29], $0x1000  }
0xbe: {  	[sflag:s29] =	ssyncset.done $0x0  }
0xbf: {  	[sflag:s29] =	ssyncadd.s32 $0xFFFFF000  }
0xc0: {  	[spmem:s3] =	stream.indirect.scatter.add.f32 [tilespmem:s21], [sflag:$0xA], $0x20, s13, s22, $0xb8;
	[tilespmem:$0x19000] =	vst v63  }
.Ltmp6:
0xc1: {  	_ = 	snop;
	(pc) =	sbr.rel .LBB2_5-.Ltmp6, $4  }
0xc2: {  	_ =	swait.ge [sflag:s26], $0x1000  }
0xc3: {  	[sflag:s26] =	ssyncset.done $0x0  }
0xc4: {  	s16 =	sadd.s32 $0x680, s11;
	s9 =	sadd.s32 $0xA00, s9;
	[sflag:s26] =	ssyncadd.s32 $0xFFFFF000  }
0xc5: {  	[tilespmem:s30], [sflag:$0x4] =	stream.indirect.gather [spmem:s2], $0x20, s16, s22, $0xb8;
	[tilespmem:$0x19000] =	vst v63  }
.LBB2_9:
0xc6: {  	_ =	sfence.sel $0x180000  }
0xc7: {  	[bflag:$0x0] =	sbarrier.arrive $0xFFFF  }
0xc8: {  	_ =	strace $0x9000004A  }
0xc9: {  	s0 =	stileid.u32;
	[bflag:$0x2] =	sbarrier.arrive $0xFFFF  }
0xca: {  	p0 =	sne.s32 s0, $0x0;
	s0 =	rddreg [dreg:$0x4]  }
0xcb: {  	s0 =	sadd.s32 @!p0 $0x100000, s0  }
0xcc: {  	[sflag:s0] =	ssyncadd.tile.s32 @!p0 $0x1;
	_ =	shalt  }
.Lfunc_end2:
_tile_overlayer_lowered:
.L_overlay_start_2:
0xcd: {  	(tag) =	ssettag $0x2  }
0xce: {  	s0 =	rddreg [dreg:$0x0];
	s2 =	stileid.u32  }
0xcf: {  	s1 =	rddreg [dreg:$0x1];
	p0 =	sne.s32 s2, $0x0  }
0xd0: {  	s3 =	rddreg [dreg:$0x2];
	[bflag:$0x3] =	sbarrier.arrive $0xFFFF;
	s2 =	simm.s32 @!p0 $0x1C0B  }
0xd1: {  	[timem:s3], [sflag:s2] =	dma.local @!p0 [hbm:s0], s1  }
0xd2: {  	s0 =	simm.s32 @!p0 $0xB  }
0xd3: {  	_ =	swait.ge @!p0 [sflag:s0], s1  }
0xd4: {  	s1 =	ssub.s32 @!p0 $0x0, s1;
	[sflag:s0] =	ssyncset.done @!p0 $0x0  }
0xd5: {  	[sflag:s0] =	ssyncadd.s32 @!p0 s1  }
0xd6: {  	[bflag:$0x3] =	sbarrier.arrive $0xFFFF  }
0xd7: {  	_ =	shalt  }

// kernel: kernel.18.cloned.1.call-start
scs
__scs_entry_jumppad:
0x0: {  	(pc) =	sbr.rel $0x88, $3  }
0x1: {  	(tag) =	ssettag $0x0;
	lr =	simm.s32 $0x1  }
0x2: {  	[smem:$0x3F96] =	sst lr;
	_ =	strace $0xD0000000  }
0x3: {  	_ = 	snop  }
0x4: {  	_ = 	snop  }
0x5: {  	_ = 	snop  }
0x6: {  	_ = 	snop  }
0x7: {  	_ = 	snop  }
__scs_overlays_trampoline_lowered:
0x8: {  	[smem:$0x3FA5] =	sst s0  }
0x9: {  	[smem:$0x3FA6] =	sst s1  }
0xa: {  	[smem:$0x3FA7] =	sst s2  }
0xb: {  	[smem:$0x3FA8] =	sst s3  }
0xc: {  	[smem:$0x3FA9] =	sst s4  }
0xd: {  	[smem:$0x3FAA] =	sst s5  }
0xe: {  	[smem:$0x3FAB] =	sst s6  }
0xf: {  	[smem:$0x3FAC] =	sst s7  }
0x10: {  	[smem:$0x3FAD] =	sst s8  }
0x11: {  	[smem:$0x3FAE] =	sst s9;
	s0 =	simm.s32 @!p0 $0x0  }
0x12: {  	s1 =	sld [smem:$0x3F94];
	s0 =	simm.s32 @p0 $0x1  }
0x13: {  	[smem:$0x3FAF] =	sst s0;
	s0 =	simm.s32 @!p1 $0x0  }
0x14: {  	s2 =	sld [smem:$0x3F93];
	s0 =	simm.s32 @p1 $0x1  }
0x15: {  	[smem:$0x3FB0] =	sst s0;
	s0 =	simm.s32 @!p2 $0x0  }
0x16: {  	s3 =	sld [smem:$0x3FDB];
	s0 =	simm.s32 @p2 $0x1  }
0x17: {  	s4 =	simm.s32 $0x1BF5;
	[smem:$0x3FB2] =	sst s0  }
0x18: {  	s0 =	sld [smem:$0x3F95];
	_ =	swait.ge [sflag:s4], $0x0  }
0x19: {  	s7 =	sld [smem:$0x3F96]  }
0x1a: {  	s8 =	sadd.s32 $0xFFFFE003, lr  }
0x1b: {  	s9 =	sadd.s32 $0xFFFFFEF7, lr;
	s5 =	simm.s32 $0xFFFFFFFF;
	p2 =	slt.u32 s8, $0xFFFFF086  }
0x1c: {  	p1 =	slt.u32 s9, $0xF7A;
	s5 =	simm.s32 @!p2 $0x0  }
0x1d: {  	s5 =	simm.s32 @p1 $0x1;
	p0 =	seq.s32 s7, s2  }
0x1e: {  	s7 =	smul.u32 @!p0 $0xF7A, s2;
	p2 =	seq.s32 @!p0 s5, $0x0  }
0x1f: {  	s9 =	smul.u32 $0xF7A, s1;
	s8 =	simm.s32 @!p0 $0x1BF5;
	p2 =	por !p2, p0  }
0x20: {  	[sflag:s8] =	ssyncset.s32 @!p0 $0xFFFFF086;
	s6 =	sadd.s32 @!p0 s3, s7;
	s7 =	simm.s32 @!p0 $0x108  }
0x21: {  	s3 =	sadd.s32 s3, s9;
	s6 =	sadd.s32 @!p0 $0x88, s6;
	s7 =	simm.s32 @p2 $0x1082  }
0x22: {  	[simem:s7], [sflag:s8] =	dma.local @!p0 [hbm:s6], $0xF7A  }
0x23: {  	s9 =	sor.u32 $0xD0000000, s2;
	s6 =	simm.s32 $0x108;
	_ =	swait.ge @!p0 [sflag:s8], $0x0  }
0x24: {  	s3 =	sadd.s32 $0x88, s3;
	s6 =	simm.s32 @!p1 $0x1082;
	[sflag:s4] =	ssyncset.s32 $0xFFFFF086  }
0x25: {  	[simem:s6], [sflag:s4] =	dma.local [hbm:s3], $0xF7A  }
0x26: {  	[smem:$0x3F96] =	sst s1;
	(tag) =	ssettag s2;
	_ =	strace s9  }
0x27: {  	s1 =	sld [smem:$0x3FA6]  }
0x28: {  	s2 =	sld [smem:$0x3FA7]  }
0x29: {  	s4 =	sld [smem:$0x3FA9]  }
0x2a: {  	p0 =	seq.s32 s5, $0x0;
	s5 =	sld [smem:$0x3FAA]  }
0x2b: {  	s6 =	sld [smem:$0x3FAB]  }
0x2c: {  	s7 =	sld [smem:$0x3FAC]  }
0x2d: {  	s3 =	simm.s32 $0x108;
	s8 =	sld [smem:$0x3FAD]  }
0x2e: {  	s3 =	simm.s32 @!p0 $0x1082;
	s9 =	sld [smem:$0x3FAE]  }
0x2f: {  	lr =	sadd.s32 s0, s3;
	s0 =	sld [smem:$0x3FA5]  }
0x30: {  	s3 =	sld [smem:$0x3FA8]  }
0x31: {  	[smem:$0x3FB1] =	sst s10  }
0x32: {  	s10 =	sld [smem:$0x3FAF];
	_ =	sdelay $0x3  }
0x33: {  	p0 =	seq.s32 s10, $0x1;
	s10 =	sld [smem:$0x3FB1];
	_ =	sdelay $0x3  }
0x34: {  	[smem:$0x3FB1] =	sst s10  }
0x35: {  	s10 =	sld [smem:$0x3FB0];
	_ =	sdelay $0x3  }
0x36: {  	p1 =	seq.s32 s10, $0x1;
	s10 =	sld [smem:$0x3FB1];
	_ =	sdelay $0x3  }
0x37: {  	[smem:$0x3FB1] =	sst s10  }
0x38: {  	s10 =	sld [smem:$0x3FB2]  }
0x39: {  	_ = 	snop;
	(pc) =	sbr.ind lr, $3  }
0x3a: {  	_ = 	snop  }
0x3b: {  	_ = 	snop  }
0x3c: {  	p2 =	seq.s32 s10, $0x1;
	s10 =	sld [smem:$0x3FB1]  }
0x3d: {  	_ =	shalt  }
0x3e: {  	_ =	shalt  }
0x3f: {  	_ =	shalt  }
0x40: {  	_ =	shalt  }
0x41: {  	_ =	shalt  }
0x42: {  	_ =	shalt  }
0x43: {  	_ =	shalt  }
0x44: {  	_ =	shalt  }
0x45: {  	_ =	shalt  }
0x46: {  	_ =	shalt  }
0x47: {  	_ =	shalt  }
0x48: {  	_ =	shalt  }
0x49: {  	_ =	shalt  }
0x4a: {  	_ =	shalt  }
0x4b: {  	_ =	shalt  }
0x4c: {  	_ =	shalt  }
0x4d: {  	_ =	shalt  }
0x4e: {  	_ =	shalt  }
0x4f: {  	_ =	shalt  }
0x50: {  	_ =	shalt  }
0x51: {  	_ =	shalt  }
0x52: {  	_ =	shalt  }
0x53: {  	_ =	shalt  }
0x54: {  	_ =	shalt  }
0x55: {  	_ =	shalt  }
0x56: {  	_ =	shalt  }
0x57: {  	_ =	shalt  }
0x58: {  	_ =	shalt  }
0x59: {  	_ =	shalt  }
0x5a: {  	_ =	shalt  }
0x5b: {  	_ =	shalt  }
0x5c: {  	_ =	shalt  }
0x5d: {  	_ =	shalt  }
0x5e: {  	_ =	shalt  }
0x5f: {  	_ =	shalt  }
0x60: {  	_ =	shalt  }
0x61: {  	_ =	shalt  }
0x62: {  	_ =	shalt  }
0x63: {  	_ =	shalt  }
0x64: {  	_ =	shalt  }
0x65: {  	_ =	shalt  }
0x66: {  	_ =	shalt  }
0x67: {  	_ =	shalt  }
0x68: {  	_ =	shalt  }
0x69: {  	_ =	shalt  }
0x6a: {  	_ =	shalt  }
0x6b: {  	_ =	shalt  }
0x6c: {  	_ =	shalt  }
0x6d: {  	_ =	shalt  }
0x6e: {  	_ =	shalt  }
0x6f: {  	_ =	shalt  }
0x70: {  	_ =	shalt  }
0x71: {  	_ =	shalt  }
0x72: {  	_ =	shalt  }
0x73: {  	_ =	shalt  }
0x74: {  	_ =	shalt  }
0x75: {  	_ =	shalt  }
0x76: {  	_ =	shalt  }
0x77: {  	_ =	shalt  }
0x78: {  	_ =	shalt  }
0x79: {  	_ =	shalt  }
0x7a: {  	_ =	shalt  }
0x7b: {  	_ =	shalt  }
0x7c: {  	_ =	shalt  }
0x7d: {  	_ =	shalt  }
0x7e: {  	_ =	shalt  }
0x7f: {  	_ =	shalt  }
0x80: {  	_ =	shalt  }
0x81: {  	_ =	shalt  }
0x82: {  	_ =	shalt  }
0x83: {  	_ =	shalt  }
0x84: {  	_ =	shalt  }
0x85: {  	_ =	shalt  }
0x86: {  	_ =	shalt  }
0x87: {  	_ =	shalt  }
.Lfunc_end0:
.L_simem_size_0:
called_computation.2_lowered:
.L_overlay_start_0:
0x88: {  	s2 =	sld [smem:$0x3FD9]  }
0x89: {  	s3 =	sld [smem:$0x3FFE];
	_ =	sdelay $0x1  }
0x8a: {  	s1 =	srdreg.scid  }
0x8b: {  	s0 =	sand.u32 $0x1, s1  }
0x8c: {  	s17 =	sshll.u32 s0, $0xA;
	s2 =	sadd.s32 s3, s2  }
0x8d: {  	s2 =	sadd.s32 s2, s17  }
0x8e: {  	[smem:$0x3FBD] =	sst s2  }
0x8f: {  	_ = 	snop  }
0x90: {  	s2 =	sld [smem:$0x3FD0];
	(tm) =	ssettm $0x1  }
0x91: {  	s18 =	sld [smem:$0x3FFB];
	_ =	sdelay $0x3  }
0x92: {  	_ =	strace s18  }
0x93: {  	s3 =	sld [smem:$0x3FFC];
	_ =	sdelay $0x3  }
0x94: {  	_ =	strace s3  }
0x95: {  	s3 =	sld [smem:$0x3FFD];
	_ =	sdelay $0x3  }
0x96: {  	_ =	strace s3  }
0x97: {  	_ =	strace $0x8FFFFFFF  }
0x98: {  	s19 =	sld [smem:$0x3FDB];
	_ =	sdelay $0x1  }
0x99: {  	s4 =	simm.s32 $_scs_section_size  }
0x9a: {  	s5 =	simm.s32 $_size__tile_overlayer_lowered;
	s6 =	simm.s32 $_tile_overlayer_lowered  }
0x9b: {  	s22 =	simm.s32 $0x1BFF;
	s21 =	sshll.u32 s6, $0x1;
	s3 =	sadd.s32 s4, s19  }
0x9c: {  	s7 =	simm.s32 $0x0;
	s20 =	sshll.u32 s5, $0x1;
	s5 =	sadd.s32 s21, s3  }
0x9d: {  	[timem:s7], [sflag:s22] =	dma.local [hbm:s5], s20  }
0x9e: {  	_ =	swait.ge [sflag:s22], s20  }
0x9f: {  	s4 =	ssub.s32 $0x0, s20;
	[sflag:s22] =	ssyncset.done $0x0  }
0xa0: {  	[sflag:s22] =	ssyncadd.s32 s4;
	_ =	sdelay $0x1  }
0xa1: {  	s23 =	simm.s32 $0x1B8B  }
0xa2: {  	_ =	swait.ge [sflag:s23], $0x1  }
0xa3: {  	[sflag:s23] =	ssyncset.done $0x0  }
0xa4: {  	s25 =	simm.s32 $0x1B8E;
	s24 =	sld [smem:$0x3FFE];
	[sflag:s23] =	ssyncadd.s32 $0xFFFFFFFF  }
0xa5: {  	s26 =	simm.s32 $execute0_lowered;
	[smem:$0x3FD2] =	sst s25  }
0xa6: {  	s5 =	sshll.u32 s26, $0x1;
	_ =	strace $0x8000004C;
	[dreg:$0x1] =	wrdreg $0xFFFFFFFF  }
0xa7: {  	s28 =	simm.s32 $_size_execute0_lowered;
	s3 =	sadd.s32 s3, s5;
	[dreg:$0x0] =	wrdreg $0x0  }
0xa8: {  	s5 =	sshll.u32 s28, $0x1;
	[dreg:$0x2] =	wrdreg s3  }
0xa9: {  	[dreg:$0x3] =	wrdreg s5  }
0xaa: {  	[dreg:$0x4] =	wrdreg $0xC0  }
0xab: {  	_ =	task [dreg:s7], $0x5FFFF  }
0xac: {  	[dreg:$0x1] =	wrdreg $0xFFFFFFFF  }
0xad: {  	[dreg:$0x0] =	wrdreg $0x60  }
0xae: {  	[dreg:$0x2] =	wrdreg s24  }
0xaf: {  	[dreg:$0x3] =	wrdreg s2  }
0xb0: {  	[dreg:$0x4] =	wrdreg $0x140000  }
0xb1: {  	[dreg:$0x5] =	wrdreg $0xF0000  }
0xb2: {  	[dreg:$0x6] =	wrdreg $0x9  }
0xb3: {  	_ =	task.clear_ibuf [dreg:s7], $0x7FFFF;
	_ =	strace $0x9000004C  }
0xb4: {  	s29 =	simm.s32 $0x9;
	_ =	strace $0x8000004E  }
0xb5: {  	_ =	swait.ge [sflag:s29], $0x1  }
0xb6: {  	[sflag:s29] =	ssyncadd.s32 $0xFFFFFFFF  }
0xb7: {  	_ =	strace $0x9000004E  }
0xb8: {  	_ =	sfence  }
0xb9: {  	s30 =	sld [smem:$0x0];
	_ =	sdelay $0x2  }
0xba: {  	s31 =	sshll.u32 s1, $0xD;
	s1 =	sshrl.u32 s1, $0x2  }
0xbb: {  	s3 =	sand.u32 $0x4000, s31;
	s1 =	sadd.s32 s1, s30  }
0xbc: {  	s0 =	sor.u32 s3, s0;
	s1 =	sshll.u32 s1, $0x11  }
0xbd: {  	s0 =	sor.u32 s1, s0  }
0xbe: {  	s0 =	sadd.s32 $0x8F2B, s0  }
0xbf: {  	[sflag:s0] =	ssyncadd.remote.s32 $0x1  }
0xc0: {  	_ =	sfence.sel $0xFFFF  }
0xc1: {  	[dreg:$0x0] =	wrdreg $0xFFFFFFFF;
	(pc) =	sbr.abs _section_cstart, $3  }
0xc2: {  	[dreg:$0x1] =	wrdreg $0xFFFFFFFF  }
0xc3: {  	_ =	task.clear_ibuf [dreg:s7], $0x2FFFF;
	_ =	strace $0x9FFFFFFF  }
0xc4: {  	(tm) =	ssettm $0x7FFFFFFF  }
0xc5: {  	_ =	shalt  }
tec
execute0_lowered:
.L_overlay_start_1:
0x0: {  	(tag) =	ssettag $0x1  }
0x1: {  	s0 =	rddreg [dreg:$0x0]  }
0x2: {  	s1 =	rddreg [dreg:$0x1];
	s3 =	srdreg.scid  }
0x3: {  	s2 =	rddreg [dreg:$0x2];
	s11 =	stileid.u32;
	s7 =	simm.s32 $0x0  }
0x4: {  	s21 =	simm.s32 $0xE000;
	s28 =	simm.s32 $0xC000;
	s30 =	simm.s32 $0xD000  }
0x5: {  	s31 =	simm.s32 $0x1;
	s29 =	simm.s32 $0x5;
	s6 =	smul.u32 $0xA0, s11  }
0x6: {  	s4 =	sand.u32 $0x1, s3;
	s3 =	rddreg [dreg:$0x3];
	s8 =	smul.u32 $0x5000, s11  }
0x7: {  	[smem:$0x7FF] =	sst s7;
	s10 =	sadd.s32 $0x459000, s0;
	s9 =	smul.u32 $0x14000, s11  }
0x8: {  	s26 =	sshll.u32 s11, $0x6;
	s7 =	simm.s32 $0x6;
	s5 =	smul.u32 $0xA00, s4  }
0x9: {  	_ =	strace $0x8000004D;
	[dreg:$0x5] =	wrdreg s10;
	s13 =	ssub.s32 $0x2, s4  }
0xa: {  	s4 =	sshll.u32 s4, $0x3;
	s19 =	sor.u32 $0x1C0B, s26;
	s26 =	simm.s32 $0x9  }
0xb: {  	s14 =	sshrl.u32 s13, $0x1;
	s15 =	sadd.s32 s8, s2;
	[dreg:$0x9] =	wrdreg s4  }
0xc: {  	s16 =	sshrl.u32 s9, $0x2;
	s10 =	sshrl.u32 s8, $0x3;
	s18 =	sadd.s32 s8, s3  }
0xd: {  	s8 =	simm.s32 $0x8;
	s4 =	simm.s32 $0xA;
	s5 =	sadd.s32 s6, s5  }
0xe: {  	s17 =	sadd.s32 s16, s3;
	s20 =	sshrl.u32 s15, $0x3;
	s5 =	sshll.u32 s5, $0x4  }
0xf: {  	s22 =	sadd.s32 $0x1000, s17;
	s23 =	sadd.s32 $0x2000, s17;
	[dreg:$0xa] =	wrdreg s17  }
0x10: {  	s24 =	sadd.s32 $0x3000, s17;
	s25 =	sadd.s32 $0x4000, s17;
	[dreg:$0xc] =	wrdreg s22  }
0x11: {  	s17 =	simm.s32 $0xB;
	s12 =	sadd.s32 s5, s0;
	[dreg:$0xd] =	wrdreg s23  }
0x12: {  	s0 =	sadd.s32 $0x1D9000, s0;
	s1 =	sadd.s32 s1, s5;
	[dreg:$0xe] =	wrdreg s24  }
0x13: {  	[dreg:$0xf] =	wrdreg s25;
	s22 =	simm.s32 $0x80;
	s23 =	simm.s32 $0xA000  }
.Ltmp0:
0x14: {  	s24 =	simm.s32 $0xB000;
	s25 =	sshrl.u32 s18, $0x3;
	(pc) =	sbr.rel .LBB2_1-.Ltmp0, $4  }
0x15: {  	s18 =	simm.s32 $0x7;
	[dreg:$0x6] =	wrdreg s0;
	s0 =	ssub.s32 s13, s14  }
0x16: {  	s6 =	sadd.s32 $0xD000, s12;
	[dreg:$0x8] =	wrdreg s1;
	s12 =	simm.s32 $0x3  }
0x17: {  	s1 =	simm.s32 $0x4;
	[dreg:$0x7] =	wrdreg s6;
	s0 =	smax.u32 s0, $0x1  }
0x18: {  	v0 =	vimm.f32 $0.0e+00;
	s6 =	simm.s32 $0x0;
	[dreg:$0xb] =	wrdreg s0;
	s0 =	simm.s32 $0x2  }
.LBB2_8:
0x19: {  	s6 =	rddreg [dreg:$0x10]  }
0x1a: {  	s5 =	rddreg [dreg:$0xb];
	s6 =	sadd.s32 $0x1, s6  }
0x1b: {  	p0 =	sne.s32 s6, s5  }
.Ltmp1:
0x1c: {  	_ = 	snop;
	(pc) =	sbr.rel @!p0 .LBB2_9-.Ltmp1, $1  }
0x1d: {  	_ =	sdelay $0x3  }
.LBB2_1:
0x1e: {  	[dreg:$0x10] =	wrdreg s6  }
0x1f: {  	s5 =	simm.s32 $0x0;
	s15 =	rddreg [dreg:$0x7]  }
0x20: {  	[tilespmem:s5], [sflag:$0xB] =	stream.linear.gather [hbm4b:s15+s5], $0x5000, $0x38;
	[tilespmem:$0x19000] =	vst v63  }
0x21: {  	_ =	swait.ge [sflag:s17], $0x5000  }
0x22: {  	s9 =	simm.s32 $0x5000;
	[sflag:s17] =	ssyncset.done $0x0  }
.Ltmp2:
0x23: {  	s16 =	rddreg [dreg:$0x8];
	[sflag:s17] =	ssyncadd.s32 $0xFFFFB000;
	(pc) =	sbr.rel .LBB2_2-.Ltmp2, $4  }
0x24: {  	[tilespmem:s9], [sflag:$0xB] =	stream.linear.gather [hbm4b:s16+s5], $0x5000, $0x38;
	[tilespmem:$0x19000] =	vst v63  }
0x25: {  	_ =	swait.ge [sflag:s17], $0x5000  }
0x26: {  	[sflag:s17] =	ssyncset.done $0x0  }
0x27: {  	s5 =	simm.s32 $0x0;
	[sflag:s17] =	ssyncadd.s32 $0xFFFFB000  }
.LBB2_7:
0x28: {  	_ =	swait.ge [sflag:s29], $0x1000  }
0x29: {  	[sflag:s29] =	ssyncset.done $0x0  }
0x2a: {  	[sflag:s29] =	ssyncadd.s32 $0xFFFFF000  }
0x2b: {  	[spmem:s3] =	stream.indirect.scatter.add.f32 [tilespmem:s21], [sflag:$0xA], $0x20, s13, s22, $0xb8;
	[tilespmem:$0x19000] =	vst v63  }
0x2c: {  	_ =	swait.ge [sflag:s7], $0x1000  }
0x2d: {  	[sflag:s7] =	ssyncset.done $0x0  }
0x2e: {  	[sflag:s7] =	ssyncadd.s32 $0xFFFFF000  }
0x2f: {  	_ =	swait.ge [sflag:s18], $0x1000  }
0x30: {  	[sflag:s18] =	ssyncset.done $0x0  }
0x31: {  	[sflag:s18] =	ssyncadd.s32 $0xFFFFF000  }
0x32: {  	_ =	swait.ge [sflag:s8], $0x1000  }
0x33: {  	[sflag:s8] =	ssyncset.done $0x0  }
0x34: {  	[sflag:s8] =	ssyncadd.s32 $0xFFFFF000  }
0x35: {  	_ =	swait.ge [sflag:s26], $0x1000  }
0x36: {  	[sflag:s26] =	ssyncset.done $0x0  }
0x37: {  	[sflag:s26] =	ssyncadd.s32 $0xFFFFF000  }
0x38: {  	_ =	swait.ge [sflag:s4], $0x1000  }
0x39: {  	[sflag:s4] =	ssyncset.done $0x0;
	s9 =	rddreg [dreg:$0x6]  }
0x3a: {  	s5 =	sadd.s32 $0x1, s5;
	[sflag:s4] =	ssyncadd.s32 $0xFFFFF000;
	s6 =	sadd.s32 s9, s6  }
0x3b: {  	p0 =	sne.s32 s5, $0x8;
	[bflag:$0x0] =	sbarrier.arrive $0xFFFF;
	s6 =	sadd.s32 s10, s6  }
0x3c: {  	[hbm:s6], [sflag:s19] =	dma.local [spmem:s25], $0xA00  }
.Ltmp3:
0x3d: {  	_ =	swait.ge [sflag:s17], $0xA00;
	(pc) =	sbr.rel @!p0 .LBB2_8-.Ltmp3, $3  }
0x3e: {  	[sflag:s17] =	ssyncset.done $0x0  }
0x3f: {  	[sflag:s17] =	ssyncadd.s32 $0xFFFFF600  }
0x40: {  	[bflag:$0x0] =	sbarrier.arrive $0xFFFF;
	_ =	sdelay $0x1  }
.LBB2_2:
0x41: {  	s6 =	rddreg [dreg:$0x9]  }
0x42: {  	s6 =	sadd.s32 s6, s5  }
0x43: {  	s6 =	smul.u32 $0xA000, s6  }
0x44: {  	s9 =	rddreg [dreg:$0x5]  }
0x45: {  	s9 =	sadd.s32 s9, s6  }
0x46: {  	s9 =	sadd.s32 s10, s9  }
0x47: {  	[spmem:s20], [sflag:s19] =	dma.local [hbm:s9], $0xA00  }
0x48: {  	_ =	swait.ge [sflag:s17], $0xA00  }
0x49: {  	[sflag:s17] =	ssyncset.done $0x0  }
0x4a: {  	s11 =	simm.s32 $0x0;
	s9 =	simm.s32 $0x80;
	[sflag:s17] =	ssyncadd.s32 $0xFFFFF600  }
.LBB2_3:
0x4b: {  	p0 =	sne.s32 s9, $0x3F80;
	[tilespmem:s11+$0xE000] =	vst v0;
	s13 =	smov.u32 s9;
	s9 =	sadd.s32 $0x80, s9  }
.Ltmp4:
0x4c: {  	[tilespmem:s11+$0xE010] =	vst v0;
	(pc) =	sbr.rel @p0 .LBB2_3-.Ltmp4, $2  }
0x4d: {  	_ =	sdelay $0x2  }
0x4e: {  	s11 =	sshra.s32 s13, $0x2  }
0x4f: {  	[tilespmem:s11+$0xE000] =	vst v0  }
0x50: {  	[tilespmem:s11+$0xE010] =	vst v0;
	s9 =	rddreg [dreg:$0xa]  }
0x51: {  	[spmem:s9] =	stream.linear.scatter [tilespmem:s21], [sflag:$0xB], $0x1000, $0x38;
	[tilespmem:$0x19000] =	vst v63  }
0x52: {  	_ =	swait.ge [sflag:s17], $0x1000  }
0x53: {  	[sflag:s17] =	ssyncset.done $0x0  }
0x54: {  	s14 =	rddreg [dreg:$0xc];
	[sflag:s17] =	ssyncadd.s32 $0xFFFFF000  }
0x55: {  	[spmem:s14] =	stream.linear.scatter [tilespmem:s21], [sflag:$0xB], $0x1000, $0x38;
	[tilespmem:$0x19000] =	vst v63  }
0x56: {  	_ =	swait.ge [sflag:s17], $0x1000  }
0x57: {  	[sflag:s17] =	ssyncset.done $0x0  }
0x58: {  	s15 =	rddreg [dreg:$0xd];
	[sflag:s17] =	ssyncadd.s32 $0xFFFFF000  }
0x59: {  	[spmem:s15] =	stream.linear.scatter [tilespmem:s21], [sflag:$0xB], $0x1000, $0x38;
	[tilespmem:$0x19000] =	vst v63  }
0x5a: {  	_ =	swait.ge [sflag:s17], $0x1000  }
0x5b: {  	[sflag:s17] =	ssyncset.done $0x0  }
0x5c: {  	s16 =	rddreg [dreg:$0xe];
	[sflag:s17] =	ssyncadd.s32 $0xFFFFF000  }
0x5d: {  	[spmem:s16] =	stream.linear.scatter [tilespmem:s21], [sflag:$0xB], $0x1000, $0x38;
	[tilespmem:$0x19000] =	vst v63  }
0x5e: {  	_ =	swait.ge [sflag:s17], $0x1000  }
0x5f: {  	[sflag:s17] =	ssyncset.done $0x0  }
0x60: {  	s11 =	rddreg [dreg:$0xf];
	[sflag:s17] =	ssyncadd.s32 $0xFFFFF000  }
0x61: {  	[spmem:s11] =	stream.linear.scatter [tilespmem:s21], [sflag:$0xB], $0x1000, $0x38;
	[tilespmem:$0x19000] =	vst v63  }
0x62: {  	_ =	swait.ge [sflag:s17], $0x1000  }
0x63: {  	[sflag:s17] =	ssyncset.done $0x0  }
0x64: {  	[sflag:s17] =	ssyncadd.s32 $0xFFFFF000  }
0x65: {  	s9 =	simm.s32 $0x0;
	[bflag:$0x0] =	sbarrier.arrive $0xFFFF  }
0x66: {  	[tilespmem:s23], [sflag:$0x1] =	stream.indirect.gather [spmem:s2], $0x20, s9, s22, $0xb8;
	[tilespmem:$0x19000] =	vst v63  }
0x67: {  	_ = 	snop  }
0x68: {  	[tilespmem:s24], [sflag:$0x2] =	stream.indirect.gather [spmem:s2], $0x20, s22, s22, $0xb8;
	[tilespmem:$0x19000] =	vst v63  }
0x69: {  	s13 =	simm.s32 $0x100  }
0x6a: {  	[tilespmem:s28], [sflag:$0x3] =	stream.indirect.gather [spmem:s2], $0x20, s13, s22, $0xb8;
	[tilespmem:$0x19000] =	vst v63  }
0x6b: {  	s14 =	simm.s32 $0x180  }
0x6c: {  	[tilespmem:s30], [sflag:$0x4] =	stream.indirect.gather [spmem:s2], $0x20, s14, s22, $0xb8;
	[tilespmem:$0x19000] =	vst v63  }
0x6d: {  	_ =	swait.ge [sflag:s31], $0x1000  }
0x6e: {  	[sflag:s31] =	ssyncset.done $0x0  }
0x6f: {  	s15 =	simm.s32 $0x5000;
	[sflag:s31] =	ssyncadd.s32 $0xFFFFF000  }
0x70: {  	[spmem:s3] =	stream.indirect.scatter.add.f32 [tilespmem:s23], [sflag:$0x6], $0x20, s15, s22, $0xb8;
	[tilespmem:$0x19000] =	vst v63  }
0x71: {  	s16 =	simm.s32 $0x200  }
0x72: {  	[tilespmem:s21], [sflag:$0x5] =	stream.indirect.gather [spmem:s2], $0x20, s16, s22, $0xb8;
	[tilespmem:$0x19000] =	vst v63  }
0x73: {  	_ =	swait.ge [sflag:s0], $0x1000  }
0x74: {  	[sflag:s0] =	ssyncset.done $0x0  }
0x75: {  	s13 =	simm.s32 $0x5080;
	[sflag:s0] =	ssyncadd.s32 $0xFFFFF000  }
0x76: {  	[spmem:s3] =	stream.indirect.scatter.add.f32 [tilespmem:s24], [sflag:$0x7], $0x20, s13, s22, $0xb8;
	[tilespmem:$0x19000] =	vst v63  }
0x77: {  	_ =	swait.ge [sflag:s7], $0x1000  }
0x78: {  	[sflag:s7] =	ssyncset.done $0x0  }
0x79: {  	s14 =	simm.s32 $0x280;
	[sflag:s7] =	ssyncadd.s32 $0xFFFFF000  }
0x7a: {  	[tilespmem:s23], [sflag:$0x1] =	stream.indirect.gather [spmem:s2], $0x20, s14, s22, $0xb8;
	[tilespmem:$0x19000] =	vst v63  }
0x7b: {  	_ =	swait.ge [sflag:s12], $0x1000  }
0x7c: {  	[sflag:s12] =	ssyncset.done $0x0  }
0x7d: {  	s15 =	simm.s32 $0x5100;
	[sflag:s12] =	ssyncadd.s32 $0xFFFFF000  }
0x7e: {  	[spmem:s3] =	stream.indirect.scatter.add.f32 [tilespmem:s28], [sflag:$0x8], $0x20, s15, s22, $0xb8;
	[tilespmem:$0x19000] =	vst v63  }
0x7f: {  	_ =	swait.ge [sflag:s18], $0x1000  }
0x80: {  	[sflag:s18] =	ssyncset.done $0x0  }
0x81: {  	s16 =	simm.s32 $0x300;
	[sflag:s18] =	ssyncadd.s32 $0xFFFFF000  }
0x82: {  	[tilespmem:s24], [sflag:$0x2] =	stream.indirect.gather [spmem:s2], $0x20, s16, s22, $0xb8;
	[tilespmem:$0x19000] =	vst v63  }
0x83: {  	_ =	swait.ge [sflag:s1], $0x1000  }
0x84: {  	[sflag:s1] =	ssyncset.done $0x0  }
0x85: {  	s13 =	simm.s32 $0x5180;
	[sflag:s1] =	ssyncadd.s32 $0xFFFFF000  }
0x86: {  	[spmem:s3] =	stream.indirect.scatter.add.f32 [tilespmem:s30], [sflag:$0x9], $0x20, s13, s22, $0xb8;
	[tilespmem:$0x19000] =	vst v63  }
0x87: {  	_ =	swait.ge [sflag:s8], $0x1000  }
0x88: {  	[sflag:s8] =	ssyncset.done $0x0  }
0x89: {  	s14 =	simm.s32 $0x380;
	[sflag:s8] =	ssyncadd.s32 $0xFFFFF000  }
0x8a: {  	[tilespmem:s28], [sflag:$0x3] =	stream.indirect.gather [spmem:s2], $0x20, s14, s22, $0xb8;
	[tilespmem:$0x19000] =	vst v63  }
0x8b: {  	_ =	swait.ge [sflag:s29], $0x1000  }
0x8c: {  	[sflag:s29] =	ssyncset.done $0x0  }
0x8d: {  	s15 =	simm.s32 $0x5200;
	[sflag:s29] =	ssyncadd.s32 $0xFFFFF000  }
0x8e: {  	[spmem:s3] =	stream.indirect.scatter.add.f32 [tilespmem:s21], [sflag:$0xA], $0x20, s15, s22, $0xb8;
	[tilespmem:$0x19000] =	vst v63  }
0x8f: {  	_ =	swait.ge [sflag:s26], $0x1000  }
0x90: {  	[sflag:s26] =	ssyncset.done $0x0  }
0x91: {  	s16 =	simm.s32 $0x400;
	[sflag:s26] =	ssyncadd.s32 $0xFFFFF000  }
0x92: {  	[tilespmem:s30], [sflag:$0x4] =	stream.indirect.gather [spmem:s2], $0x20, s16, s22, $0xb8;
	[tilespmem:$0x19000] =	vst v63  }
.LBB2_5:
0x93: {  	_ =	swait.ge [sflag:s31], $0x1000  }
0x94: {  	s11 =	sshra.s32 s9, $0x2;
	[sflag:s31] =	ssyncset.done $0x0  }
0x95: {  	s13 =	sadd.s32 $0x5280, s11;
	[sflag:s31] =	ssyncadd.s32 $0xFFFFF000  }
0x96: {  	[spmem:s3] =	stream.indirect.scatter.add.f32 [tilespmem:s23], [sflag:$0x6], $0x20, s13, s22, $0xb8;
	[tilespmem:$0x19000] =	vst v63  }
0x97: {  	_ =	swait.ge [sflag:s4], $0x1000  }
0x98: {  	[sflag:s4] =	ssyncset.done $0x0  }
0x99: {  	s14 =	sadd.s32 $0x480, s11;
	[sflag:s4] =	ssyncadd.s32 $0xFFFFF000  }
0x9a: {  	[tilespmem:s21], [sflag:$0x5] =	stream.indirect.gather [spmem:s2], $0x20, s14, s22, $0xb8;
	[tilespmem:$0x19000] =	vst v63  }
0x9b: {  	_ =	swait.ge [sflag:s0], $0x1000  }
0x9c: {  	p0 =	seq.s32 s9, $0x12C00;
	[sflag:s0] =	ssyncset.done $0x0  }
0x9d: {  	s15 =	sadd.s32 $0x5300, s11;
	s13 =	simm.s32 @p0 $0x3;
	[sflag:s0] =	ssyncadd.s32 $0xFFFFF000  }
0x9e: {  	[spmem:s3] =	stream.indirect.scatter.add.f32 [tilespmem:s24], [sflag:$0x7], $0x20, s15, s22, $0xb8;
	[tilespmem:$0x19000] =	vst v63  }
0x9f: {  	_ =	swait.ge @p0 [sflag:s13], $0x1000  }
0xa0: {  	[sflag:s13] =	ssyncset.done @p0 $0x0  }
0xa1: {  	[sflag:s13] =	ssyncadd.s32 @p0 $0xFFFFF000;
	s13 =	sshra.s32 @p0 s9, $0x2  }
0xa2: {  	s14 =	simm.s32 @p0 $0x80;
	s15 =	simm.s32 @p0 $0xC000;
	s13 =	sadd.s32 @p0 $0x5380, s13  }
0xa3: {  	[spmem:s3] =	stream.indirect.scatter.add.f32 @p0 [tilespmem:s15], [sflag:$0x8], $0x20, s13, s14, $0xb8;
	[tilespmem:$0x19000] =	vst v63  }
0xa4: {  	s13 =	simm.s32 @!p0 $0x6  }
0xa5: {  	_ =	swait.ge @!p0 [sflag:s13], $0x1000  }
0xa6: {  	[sflag:s13] =	ssyncset.done @!p0 $0x0  }
0xa7: {  	[sflag:s13] =	ssyncadd.s32 @!p0 $0xFFFFF000;
	s13 =	sshra.s32 @!p0 s9, $0x2  }
0xa8: {  	s16 =	simm.s32 @!p0 $0xA000;
	s15 =	simm.s32 @!p0 $0x80;
	s14 =	sadd.s32 @!p0 $0x500, s13  }
0xa9: {  	[tilespmem:s16], [sflag:$0x1] =	stream.indirect.gather @!p0 [spmem:s2], $0x20, s14, s15, $0xb8;
	[tilespmem:$0x19000] =	vst v63  }
0xaa: {  	s14 =	simm.s32 @!p0 $0x3  }
0xab: {  	_ =	swait.ge @!p0 [sflag:s14], $0x1000  }
0xac: {  	[sflag:s14] =	ssyncset.done @!p0 $0x0  }
0xad: {  	s16 =	simm.s32 @!p0 $0xC000;
	[sflag:s14] =	ssyncadd.s32 @!p0 $0xFFFFF000;
	s14 =	sadd.s32 @!p0 $0x5380, s13  }
0xae: {  	[spmem:s3] =	stream.indirect.scatter.add.f32 @!p0 [tilespmem:s16], [sflag:$0x8], $0x20, s14, s15, $0xb8;
	[tilespmem:$0x19000] =	vst v63  }
0xaf: {  	s14 =	simm.s32 @!p0 $0x7  }
0xb0: {  	_ =	swait.ge @!p0 [sflag:s14], $0x1000  }
0xb1: {  	[sflag:s14] =	ssyncset.done @!p0 $0x0  }
0xb2: {  	s13 =	sadd.s32 @!p0 $0x580, s13;
	[sflag:s14] =	ssyncadd.s32 @!p0 $0xFFFFF000;
	s14 =	simm.s32 @!p0 $0xB000  }
0xb3: {  	[tilespmem:s14], [sflag:$0x2] =	stream.indirect.gather @!p0 [spmem:s2], $0x20, s13, s15, $0xb8;
	[tilespmem:$0x19000] =	vst v63  }
.Ltmp5:
0xb4: {  	_ = 	snop;
	(pc) =	sbr.rel @p0 .LBB2_7-.Ltmp5, $4  }
0xb5: {  	_ =	swait.ge [sflag:s1], $0x1000  }
0xb6: {  	[sflag:s1] =	ssyncset.done $0x0  }
0xb7: {  	s16 =	sadd.s32 $0x5400, s11;
	s13 =	sadd.s32 $0x5480, s11;
	[sflag:s1] =	ssyncadd.s32 $0xFFFFF000  }
0xb8: {  	[spmem:s3] =	stream.indirect.scatter.add.f32 [tilespmem:s30], [sflag:$0x9], $0x20, s16, s22, $0xb8;
	[tilespmem:$0x19000] =	vst v63  }
0xb9: {  	_ =	swait.ge [sflag:s8], $0x1000  }
0xba: {  	[sflag:s8] =	ssyncset.done $0x0  }
0xbb: {  	s14 =	sadd.s32 $0x600, s11;
	[sflag:s8] =	ssyncadd.s32 $0xFFFFF000  }
0xbc: {  	[tilespmem:s28], [sflag:$0x3] =	stream.indirect.gather [spmem:s2], $0x20, s14, s22, $0xb8;
	[tilespmem:$0x19000] =	vst v63  }
0xbd: {  	_ =	swait.ge [sflag:s29], $0x1000  }
0xbe: {  	[sflag:s29] =	ssyncset.done $0x0  }
0xbf: {  	[sflag:s29] =	ssyncadd.s32 $0xFFFFF000  }
0xc0: {  	[spmem:s3] =	stream.indirect.scatter.add.f32 [tilespmem:s21], [sflag:$0xA], $0x20, s13, s22, $0xb8;
	[tilespmem:$0x19000] =	vst v63  }
.Ltmp6:
0xc1: {  	_ = 	snop;
	(pc) =	sbr.rel .LBB2_5-.Ltmp6, $4  }
0xc2: {  	_ =	swait.ge [sflag:s26], $0x1000  }
0xc3: {  	[sflag:s26] =	ssyncset.done $0x0  }
0xc4: {  	s16 =	sadd.s32 $0x680, s11;
	s9 =	sadd.s32 $0xA00, s9;
	[sflag:s26] =	ssyncadd.s32 $0xFFFFF000  }
0xc5: {  	[tilespmem:s30], [sflag:$0x4] =	stream.indirect.gather [spmem:s2], $0x20, s16, s22, $0xb8;
	[tilespmem:$0x19000] =	vst v63  }
.LBB2_9:
0xc6: {  	_ =	sfence.sel $0x180000  }
0xc7: {  	[bflag:$0x0] =	sbarrier.arrive $0xFFFF  }
0xc8: {  	_ =	strace $0x9000004D  }
0xc9: {  	s0 =	stileid.u32;
	[bflag:$0x2] =	sbarrier.arrive $0xFFFF  }
0xca: {  	p0 =	sne.s32 s0, $0x0;
	s0 =	rddreg [dreg:$0x4]  }
0xcb: {  	s0 =	sadd.s32 @!p0 $0x100000, s0  }
0xcc: {  	[sflag:s0] =	ssyncadd.tile.s32 @!p0 $0x1;
	_ =	shalt  }
.Lfunc_end2:
_tile_overlayer_lowered:
.L_overlay_start_2:
0xcd: {  	(tag) =	ssettag $0x2  }
0xce: {  	s0 =	rddreg [dreg:$0x0];
	s2 =	stileid.u32  }
0xcf: {  	s1 =	rddreg [dreg:$0x1];
	p0 =	sne.s32 s2, $0x0  }
0xd0: {  	s3 =	rddreg [dreg:$0x2];
	[bflag:$0x3] =	sbarrier.arrive $0xFFFF;
	s2 =	simm.s32 @!p0 $0x1C0B  }
0xd1: {  	[timem:s3], [sflag:s2] =	dma.local @!p0 [hbm:s0], s1  }
0xd2: {  	s0 =	simm.s32 @!p0 $0xB  }
0xd3: {  	_ =	swait.ge @!p0 [sflag:s0], s1  }
0xd4: {  	s1 =	ssub.s32 @!p0 $0x0, s1;
	[sflag:s0] =	ssyncset.done @!p0 $0x0  }
0xd5: {  	[sflag:s0] =	ssyncadd.s32 @!p0 s1  }
0xd6: {  	[bflag:$0x3] =	sbarrier.arrive $0xFFFF  }
0xd7: {  	_ =	shalt  }

// kernel: kernel.21.cloned.1.call-start
scs
__scs_entry_jumppad:
0x0: {  	(pc) =	sbr.rel $0x88, $3  }
0x1: {  	(tag) =	ssettag $0x0;
	lr =	simm.s32 $0x1  }
0x2: {  	[smem:$0x3F96] =	sst lr;
	_ =	strace $0xD0000000  }
0x3: {  	_ = 	snop  }
0x4: {  	_ = 	snop  }
0x5: {  	_ = 	snop  }
0x6: {  	_ = 	snop  }
0x7: {  	_ = 	snop  }
__scs_overlays_trampoline_lowered:
0x8: {  	[smem:$0x3FA5] =	sst s0  }
0x9: {  	[smem:$0x3FA6] =	sst s1  }
0xa: {  	[smem:$0x3FA7] =	sst s2  }
0xb: {  	[smem:$0x3FA8] =	sst s3  }
0xc: {  	[smem:$0x3FA9] =	sst s4  }
0xd: {  	[smem:$0x3FAA] =	sst s5  }
0xe: {  	[smem:$0x3FAB] =	sst s6  }
0xf: {  	[smem:$0x3FAC] =	sst s7  }
0x10: {  	[smem:$0x3FAD] =	sst s8  }
0x11: {  	[smem:$0x3FAE] =	sst s9;
	s0 =	simm.s32 @!p0 $0x0  }
0x12: {  	s1 =	sld [smem:$0x3F94];
	s0 =	simm.s32 @p0 $0x1  }
0x13: {  	[smem:$0x3FAF] =	sst s0;
	s0 =	simm.s32 @!p1 $0x0  }
0x14: {  	s2 =	sld [smem:$0x3F93];
	s0 =	simm.s32 @p1 $0x1  }
0x15: {  	[smem:$0x3FB0] =	sst s0;
	s0 =	simm.s32 @!p2 $0x0  }
0x16: {  	s3 =	sld [smem:$0x3FDB];
	s0 =	simm.s32 @p2 $0x1  }
0x17: {  	s4 =	simm.s32 $0x1BF5;
	[smem:$0x3FB2] =	sst s0  }
0x18: {  	s0 =	sld [smem:$0x3F95];
	_ =	swait.ge [sflag:s4], $0x0  }
0x19: {  	s7 =	sld [smem:$0x3F96]  }
0x1a: {  	s8 =	sadd.s32 $0xFFFFE003, lr  }
0x1b: {  	s9 =	sadd.s32 $0xFFFFFEF7, lr;
	s5 =	simm.s32 $0xFFFFFFFF;
	p2 =	slt.u32 s8, $0xFFFFF086  }
0x1c: {  	p1 =	slt.u32 s9, $0xF7A;
	s5 =	simm.s32 @!p2 $0x0  }
0x1d: {  	s5 =	simm.s32 @p1 $0x1;
	p0 =	seq.s32 s7, s2  }
0x1e: {  	s7 =	smul.u32 @!p0 $0xF7A, s2;
	p2 =	seq.s32 @!p0 s5, $0x0  }
0x1f: {  	s9 =	smul.u32 $0xF7A, s1;
	s8 =	simm.s32 @!p0 $0x1BF5;
	p2 =	por !p2, p0  }
0x20: {  	[sflag:s8] =	ssyncset.s32 @!p0 $0xFFFFF086;
	s6 =	sadd.s32 @!p0 s3, s7;
	s7 =	simm.s32 @!p0 $0x108  }
0x21: {  	s3 =	sadd.s32 s3, s9;
	s6 =	sadd.s32 @!p0 $0x88, s6;
	s7 =	simm.s32 @p2 $0x1082  }
0x22: {  	[simem:s7], [sflag:s8] =	dma.local @!p0 [hbm:s6], $0xF7A  }
0x23: {  	s9 =	sor.u32 $0xD0000000, s2;
	s6 =	simm.s32 $0x108;
	_ =	swait.ge @!p0 [sflag:s8], $0x0  }
0x24: {  	s3 =	sadd.s32 $0x88, s3;
	s6 =	simm.s32 @!p1 $0x1082;
	[sflag:s4] =	ssyncset.s32 $0xFFFFF086  }
0x25: {  	[simem:s6], [sflag:s4] =	dma.local [hbm:s3], $0xF7A  }
0x26: {  	[smem:$0x3F96] =	sst s1;
	(tag) =	ssettag s2;
	_ =	strace s9  }
0x27: {  	s1 =	sld [smem:$0x3FA6]  }
0x28: {  	s2 =	sld [smem:$0x3FA7]  }
0x29: {  	s4 =	sld [smem:$0x3FA9]  }
0x2a: {  	p0 =	seq.s32 s5, $0x0;
	s5 =	sld [smem:$0x3FAA]  }
0x2b: {  	s6 =	sld [smem:$0x3FAB]  }
0x2c: {  	s7 =	sld [smem:$0x3FAC]  }
0x2d: {  	s3 =	simm.s32 $0x108;
	s8 =	sld [smem:$0x3FAD]  }
0x2e: {  	s3 =	simm.s32 @!p0 $0x1082;
	s9 =	sld [smem:$0x3FAE]  }
0x2f: {  	lr =	sadd.s32 s0, s3;
	s0 =	sld [smem:$0x3FA5]  }
0x30: {  	s3 =	sld [smem:$0x3FA8]  }
0x31: {  	[smem:$0x3FB1] =	sst s10  }
0x32: {  	s10 =	sld [smem:$0x3FAF];
	_ =	sdelay $0x3  }
0x33: {  	p0 =	seq.s32 s10, $0x1;
	s10 =	sld [smem:$0x3FB1];
	_ =	sdelay $0x3  }
0x34: {  	[smem:$0x3FB1] =	sst s10  }
0x35: {  	s10 =	sld [smem:$0x3FB0];
	_ =	sdelay $0x3  }
0x36: {  	p1 =	seq.s32 s10, $0x1;
	s10 =	sld [smem:$0x3FB1];
	_ =	sdelay $0x3  }
0x37: {  	[smem:$0x3FB1] =	sst s10  }
0x38: {  	s10 =	sld [smem:$0x3FB2]  }
0x39: {  	_ = 	snop;
	(pc) =	sbr.ind lr, $3  }
0x3a: {  	_ = 	snop  }
0x3b: {  	_ = 	snop  }
0x3c: {  	p2 =	seq.s32 s10, $0x1;
	s10 =	sld [smem:$0x3FB1]  }
0x3d: {  	_ =	shalt  }
0x3e: {  	_ =	shalt  }
0x3f: {  	_ =	shalt  }
0x40: {  	_ =	shalt  }
0x41: {  	_ =	shalt  }
0x42: {  	_ =	shalt  }
0x43: {  	_ =	shalt  }
0x44: {  	_ =	shalt  }
0x45: {  	_ =	shalt  }
0x46: {  	_ =	shalt  }
0x47: {  	_ =	shalt  }
0x48: {  	_ =	shalt  }
0x49: {  	_ =	shalt  }
0x4a: {  	_ =	shalt  }
0x4b: {  	_ =	shalt  }
0x4c: {  	_ =	shalt  }
0x4d: {  	_ =	shalt  }
0x4e: {  	_ =	shalt  }
0x4f: {  	_ =	shalt  }
0x50: {  	_ =	shalt  }
0x51: {  	_ =	shalt  }
0x52: {  	_ =	shalt  }
0x53: {  	_ =	shalt  }
0x54: {  	_ =	shalt  }
0x55: {  	_ =	shalt  }
0x56: {  	_ =	shalt  }
0x57: {  	_ =	shalt  }
0x58: {  	_ =	shalt  }
0x59: {  	_ =	shalt  }
0x5a: {  	_ =	shalt  }
0x5b: {  	_ =	shalt  }
0x5c: {  	_ =	shalt  }
0x5d: {  	_ =	shalt  }
0x5e: {  	_ =	shalt  }
0x5f: {  	_ =	shalt  }
0x60: {  	_ =	shalt  }
0x61: {  	_ =	shalt  }
0x62: {  	_ =	shalt  }
0x63: {  	_ =	shalt  }
0x64: {  	_ =	shalt  }
0x65: {  	_ =	shalt  }
0x66: {  	_ =	shalt  }
0x67: {  	_ =	shalt  }
0x68: {  	_ =	shalt  }
0x69: {  	_ =	shalt  }
0x6a: {  	_ =	shalt  }
0x6b: {  	_ =	shalt  }
0x6c: {  	_ =	shalt  }
0x6d: {  	_ =	shalt  }
0x6e: {  	_ =	shalt  }
0x6f: {  	_ =	shalt  }
0x70: {  	_ =	shalt  }
0x71: {  	_ =	shalt  }
0x72: {  	_ =	shalt  }
0x73: {  	_ =	shalt  }
0x74: {  	_ =	shalt  }
0x75: {  	_ =	shalt  }
0x76: {  	_ =	shalt  }
0x77: {  	_ =	shalt  }
0x78: {  	_ =	shalt  }
0x79: {  	_ =	shalt  }
0x7a: {  	_ =	shalt  }
0x7b: {  	_ =	shalt  }
0x7c: {  	_ =	shalt  }
0x7d: {  	_ =	shalt  }
0x7e: {  	_ =	shalt  }
0x7f: {  	_ =	shalt  }
0x80: {  	_ =	shalt  }
0x81: {  	_ =	shalt  }
0x82: {  	_ =	shalt  }
0x83: {  	_ =	shalt  }
0x84: {  	_ =	shalt  }
0x85: {  	_ =	shalt  }
0x86: {  	_ =	shalt  }
0x87: {  	_ =	shalt  }
.Lfunc_end0:
.L_simem_size_0:
called_computation.3_lowered:
.L_overlay_start_0:
0x88: {  	s2 =	sld [smem:$0x3FD9]  }
0x89: {  	s3 =	sld [smem:$0x3FFE];
	_ =	sdelay $0x1  }
0x8a: {  	s1 =	srdreg.scid  }
0x8b: {  	s0 =	sand.u32 $0x1, s1  }
0x8c: {  	s17 =	sshll.u32 s0, $0xA;
	s2 =	sadd.s32 s3, s2  }
0x8d: {  	s2 =	sadd.s32 s2, s17  }
0x8e: {  	[smem:$0x3FBD] =	sst s2  }
0x8f: {  	_ = 	snop  }
0x90: {  	s2 =	sld [smem:$0x3FD0];
	(tm) =	ssettm $0x1  }
0x91: {  	s18 =	sld [smem:$0x3FFB];
	_ =	sdelay $0x3  }
0x92: {  	_ =	strace s18  }
0x93: {  	s3 =	sld [smem:$0x3FFC];
	_ =	sdelay $0x3  }
0x94: {  	_ =	strace s3  }
0x95: {  	s3 =	sld [smem:$0x3FFD];
	_ =	sdelay $0x3  }
0x96: {  	_ =	strace s3  }
0x97: {  	_ =	strace $0x8FFFFFFF  }
0x98: {  	s19 =	sld [smem:$0x3FDB];
	_ =	sdelay $0x1  }
0x99: {  	s4 =	simm.s32 $_scs_section_size  }
0x9a: {  	s5 =	simm.s32 $_size__tile_overlayer_lowered;
	s6 =	simm.s32 $_tile_overlayer_lowered  }
0x9b: {  	s22 =	simm.s32 $0x1BFF;
	s21 =	sshll.u32 s6, $0x1;
	s3 =	sadd.s32 s4, s19  }
0x9c: {  	s7 =	simm.s32 $0x0;
	s20 =	sshll.u32 s5, $0x1;
	s5 =	sadd.s32 s21, s3  }
0x9d: {  	[timem:s7], [sflag:s22] =	dma.local [hbm:s5], s20  }
0x9e: {  	_ =	swait.ge [sflag:s22], s20  }
0x9f: {  	s4 =	ssub.s32 $0x0, s20;
	[sflag:s22] =	ssyncset.done $0x0  }
0xa0: {  	[sflag:s22] =	ssyncadd.s32 s4;
	_ =	sdelay $0x1  }
0xa1: {  	s23 =	simm.s32 $0x1B8B  }
0xa2: {  	_ =	swait.ge [sflag:s23], $0x1  }
0xa3: {  	[sflag:s23] =	ssyncset.done $0x0  }
0xa4: {  	s25 =	simm.s32 $0x1B8E;
	s24 =	sld [smem:$0x3FFE];
	[sflag:s23] =	ssyncadd.s32 $0xFFFFFFFF  }
0xa5: {  	s26 =	simm.s32 $execute0_lowered;
	[smem:$0x3FD2] =	sst s25  }
0xa6: {  	s5 =	sshll.u32 s26, $0x1;
	_ =	strace $0x8000004F;
	[dreg:$0x1] =	wrdreg $0xFFFFFFFF  }
0xa7: {  	s28 =	simm.s32 $_size_execute0_lowered;
	s3 =	sadd.s32 s3, s5;
	[dreg:$0x0] =	wrdreg $0x0  }
0xa8: {  	s5 =	sshll.u32 s28, $0x1;
	[dreg:$0x2] =	wrdreg s3  }
0xa9: {  	[dreg:$0x3] =	wrdreg s5  }
0xaa: {  	[dreg:$0x4] =	wrdreg $0xC0  }
0xab: {  	_ =	task [dreg:s7], $0x5FFFF  }
0xac: {  	[dreg:$0x1] =	wrdreg $0xFFFFFFFF  }
0xad: {  	[dreg:$0x0] =	wrdreg $0x60  }
0xae: {  	[dreg:$0x2] =	wrdreg s24  }
0xaf: {  	[dreg:$0x3] =	wrdreg s2  }
0xb0: {  	[dreg:$0x4] =	wrdreg $0x140000  }
0xb1: {  	[dreg:$0x5] =	wrdreg $0xF0000  }
0xb2: {  	[dreg:$0x6] =	wrdreg $0x9  }
0xb3: {  	_ =	task.clear_ibuf [dreg:s7], $0x7FFFF;
	_ =	strace $0x9000004F  }
0xb4: {  	s29 =	simm.s32 $0x9;
	_ =	strace $0x80000051  }
0xb5: {  	_ =	swait.ge [sflag:s29], $0x1  }
0xb6: {  	[sflag:s29] =	ssyncadd.s32 $0xFFFFFFFF  }
0xb7: {  	_ =	strace $0x90000051  }
0xb8: {  	_ =	sfence  }
0xb9: {  	s30 =	sld [smem:$0x0];
	_ =	sdelay $0x2  }
0xba: {  	s31 =	sshll.u32 s1, $0xD;
	s1 =	sshrl.u32 s1, $0x2  }
0xbb: {  	s3 =	sand.u32 $0x4000, s31;
	s1 =	sadd.s32 s1, s30  }
0xbc: {  	s0 =	sor.u32 s3, s0;
	s1 =	sshll.u32 s1, $0x11  }
0xbd: {  	s0 =	sor.u32 s1, s0  }
0xbe: {  	s0 =	sadd.s32 $0x8F2B, s0  }
0xbf: {  	[sflag:s0] =	ssyncadd.remote.s32 $0x1  }
0xc0: {  	_ =	sfence.sel $0xFFFF  }
0xc1: {  	[dreg:$0x0] =	wrdreg $0xFFFFFFFF;
	(pc) =	sbr.abs _section_cstart, $3  }
0xc2: {  	[dreg:$0x1] =	wrdreg $0xFFFFFFFF  }
0xc3: {  	_ =	task.clear_ibuf [dreg:s7], $0x2FFFF;
	_ =	strace $0x9FFFFFFF  }
0xc4: {  	(tm) =	ssettm $0x7FFFFFFF  }
0xc5: {  	_ =	shalt  }
tec
execute0_lowered:
.L_overlay_start_1:
0x0: {  	(tag) =	ssettag $0x1  }
0x1: {  	s0 =	rddreg [dreg:$0x0]  }
0x2: {  	s1 =	rddreg [dreg:$0x1];
	s3 =	srdreg.scid  }
0x3: {  	s2 =	rddreg [dreg:$0x2];
	s11 =	stileid.u32;
	s7 =	simm.s32 $0x0  }
0x4: {  	s21 =	simm.s32 $0xE000;
	s28 =	simm.s32 $0xC000;
	s30 =	simm.s32 $0xD000  }
0x5: {  	s31 =	simm.s32 $0x1;
	s29 =	simm.s32 $0x5;
	s6 =	smul.u32 $0xA0, s11  }
0x6: {  	s4 =	sand.u32 $0x1, s3;
	s3 =	rddreg [dreg:$0x3];
	s8 =	smul.u32 $0x5000, s11  }
0x7: {  	[smem:$0x7FF] =	sst s7;
	s10 =	sadd.s32 $0x49000, s0;
	s9 =	smul.u32 $0x14000, s11  }
0x8: {  	s26 =	sshll.u32 s11, $0x6;
	s7 =	simm.s32 $0x6;
	s5 =	smul.u32 $0xA00, s4  }
0x9: {  	_ =	strace $0x80000050;
	[dreg:$0x5] =	wrdreg s10;
	s13 =	ssub.s32 $0x2, s4  }
0xa: {  	s4 =	sshll.u32 s4, $0x2;
	s19 =	sor.u32 $0x1C0B, s26;
	s26 =	simm.s32 $0x9  }
0xb: {  	s14 =	sshrl.u32 s13, $0x1;
	s15 =	sadd.s32 s8, s2;
	[dreg:$0x9] =	wrdreg s4  }
0xc: {  	s16 =	sshrl.u32 s9, $0x2;
	s10 =	sshrl.u32 s8, $0x3;
	s18 =	sadd.s32 s8, s3  }
0xd: {  	s8 =	simm.s32 $0x8;
	s4 =	simm.s32 $0xA;
	s5 =	sadd.s32 s6, s5  }
0xe: {  	s17 =	sadd.s32 s16, s3;
	s20 =	sshrl.u32 s15, $0x3;
	s5 =	sshll.u32 s5, $0x4  }
0xf: {  	s22 =	sadd.s32 $0x1000, s17;
	s23 =	sadd.s32 $0x2000, s17;
	[dreg:$0xa] =	wrdreg s17  }
0x10: {  	s24 =	sadd.s32 $0x3000, s17;
	s25 =	sadd.s32 $0x4000, s17;
	[dreg:$0xc] =	wrdreg s22  }
0x11: {  	s17 =	simm.s32 $0xB;
	s12 =	sadd.s32 s5, s0;
	[dreg:$0xd] =	wrdreg s23  }
0x12: {  	s0 =	sadd.s32 $0x1D9000, s0;
	s1 =	sadd.s32 s1, s5;
	[dreg:$0xe] =	wrdreg s24  }
0x13: {  	[dreg:$0xf] =	wrdreg s25;
	s22 =	simm.s32 $0x80;
	s23 =	simm.s32 $0xA000  }
.Ltmp0:
0x14: {  	s24 =	simm.s32 $0xB000;
	s25 =	sshrl.u32 s18, $0x3;
	(pc) =	sbr.rel .LBB2_1-.Ltmp0, $4  }
0x15: {  	s18 =	simm.s32 $0x7;
	[dreg:$0x6] =	wrdreg s0;
	s0 =	ssub.s32 s13, s14  }
0x16: {  	s6 =	sadd.s32 $0xD000, s12;
	[dreg:$0x8] =	wrdreg s1;
	s12 =	simm.s32 $0x3  }
0x17: {  	s1 =	simm.s32 $0x4;
	[dreg:$0x7] =	wrdreg s6;
	s0 =	smax.u32 s0, $0x1  }
0x18: {  	v0 =	vimm.f32 $0.0e+00;
	s6 =	simm.s32 $0x0;
	[dreg:$0xb] =	wrdreg s0;
	s0 =	simm.s32 $0x2  }
.LBB2_8:
0x19: {  	s6 =	rddreg [dreg:$0x10]  }
0x1a: {  	s5 =	rddreg [dreg:$0xb];
	s6 =	sadd.s32 $0x1, s6  }
0x1b: {  	p0 =	sne.s32 s6, s5  }
.Ltmp1:
0x1c: {  	_ = 	snop;
	(pc) =	sbr.rel @!p0 .LBB2_9-.Ltmp1, $1  }
0x1d: {  	_ =	sdelay $0x3  }
.LBB2_1:
0x1e: {  	[dreg:$0x10] =	wrdreg s6  }
0x1f: {  	s5 =	simm.s32 $0x0;
	s15 =	rddreg [dreg:$0x7]  }
0x20: {  	[tilespmem:s5], [sflag:$0xB] =	stream.linear.gather [hbm4b:s15+s5], $0x5000, $0x38;
	[tilespmem:$0x19000] =	vst v63  }
0x21: {  	_ =	swait.ge [sflag:s17], $0x5000  }
0x22: {  	s9 =	simm.s32 $0x5000;
	[sflag:s17] =	ssyncset.done $0x0  }
.Ltmp2:
0x23: {  	s16 =	rddreg [dreg:$0x8];
	[sflag:s17] =	ssyncadd.s32 $0xFFFFB000;
	(pc) =	sbr.rel .LBB2_2-.Ltmp2, $4  }
0x24: {  	[tilespmem:s9], [sflag:$0xB] =	stream.linear.gather [hbm4b:s16+s5], $0x5000, $0x38;
	[tilespmem:$0x19000] =	vst v63  }
0x25: {  	_ =	swait.ge [sflag:s17], $0x5000  }
0x26: {  	[sflag:s17] =	ssyncset.done $0x0  }
0x27: {  	s5 =	simm.s32 $0x0;
	[sflag:s17] =	ssyncadd.s32 $0xFFFFB000  }
.LBB2_7:
0x28: {  	_ =	swait.ge [sflag:s29], $0x1000  }
0x29: {  	[sflag:s29] =	ssyncset.done $0x0  }
0x2a: {  	[sflag:s29] =	ssyncadd.s32 $0xFFFFF000  }
0x2b: {  	[spmem:s3] =	stream.indirect.scatter.add.f32 [tilespmem:s21], [sflag:$0xA], $0x20, s13, s22, $0xb8;
	[tilespmem:$0x19000] =	vst v63  }
0x2c: {  	_ =	swait.ge [sflag:s7], $0x1000  }
0x2d: {  	[sflag:s7] =	ssyncset.done $0x0  }
0x2e: {  	[sflag:s7] =	ssyncadd.s32 $0xFFFFF000  }
0x2f: {  	_ =	swait.ge [sflag:s18], $0x1000  }
0x30: {  	[sflag:s18] =	ssyncset.done $0x0  }
0x31: {  	[sflag:s18] =	ssyncadd.s32 $0xFFFFF000  }
0x32: {  	_ =	swait.ge [sflag:s8], $0x1000  }
0x33: {  	[sflag:s8] =	ssyncset.done $0x0  }
0x34: {  	[sflag:s8] =	ssyncadd.s32 $0xFFFFF000  }
0x35: {  	_ =	swait.ge [sflag:s26], $0x1000  }
0x36: {  	[sflag:s26] =	ssyncset.done $0x0  }
0x37: {  	[sflag:s26] =	ssyncadd.s32 $0xFFFFF000  }
0x38: {  	_ =	swait.ge [sflag:s4], $0x1000  }
0x39: {  	[sflag:s4] =	ssyncset.done $0x0;
	s9 =	rddreg [dreg:$0x6]  }
0x3a: {  	s5 =	sadd.s32 $0x1, s5;
	[sflag:s4] =	ssyncadd.s32 $0xFFFFF000;
	s6 =	sadd.s32 s9, s6  }
0x3b: {  	p0 =	sne.s32 s5, $0x4;
	[bflag:$0x0] =	sbarrier.arrive $0xFFFF;
	s6 =	sadd.s32 s10, s6  }
0x3c: {  	[hbm:s6], [sflag:s19] =	dma.local [spmem:s25], $0xA00  }
.Ltmp3:
0x3d: {  	_ =	swait.ge [sflag:s17], $0xA00;
	(pc) =	sbr.rel @!p0 .LBB2_8-.Ltmp3, $3  }
0x3e: {  	[sflag:s17] =	ssyncset.done $0x0  }
0x3f: {  	[sflag:s17] =	ssyncadd.s32 $0xFFFFF600  }
0x40: {  	[bflag:$0x0] =	sbarrier.arrive $0xFFFF;
	_ =	sdelay $0x1  }
.LBB2_2:
0x41: {  	s6 =	rddreg [dreg:$0x9]  }
0x42: {  	s6 =	sadd.s32 s6, s5  }
0x43: {  	s6 =	smul.u32 $0xA000, s6  }
0x44: {  	s9 =	rddreg [dreg:$0x5]  }
0x45: {  	s9 =	sadd.s32 s9, s6  }
0x46: {  	s9 =	sadd.s32 s10, s9  }
0x47: {  	[spmem:s20], [sflag:s19] =	dma.local [hbm:s9], $0xA00  }
0x48: {  	_ =	swait.ge [sflag:s17], $0xA00  }
0x49: {  	[sflag:s17] =	ssyncset.done $0x0  }
0x4a: {  	s11 =	simm.s32 $0x0;
	s9 =	simm.s32 $0x80;
	[sflag:s17] =	ssyncadd.s32 $0xFFFFF600  }
.LBB2_3:
0x4b: {  	p0 =	sne.s32 s9, $0x3F80;
	[tilespmem:s11+$0xE000] =	vst v0;
	s13 =	smov.u32 s9;
	s9 =	sadd.s32 $0x80, s9  }
.Ltmp4:
0x4c: {  	[tilespmem:s11+$0xE010] =	vst v0;
	(pc) =	sbr.rel @p0 .LBB2_3-.Ltmp4, $2  }
0x4d: {  	_ =	sdelay $0x2  }
0x4e: {  	s11 =	sshra.s32 s13, $0x2  }
0x4f: {  	[tilespmem:s11+$0xE000] =	vst v0  }
0x50: {  	[tilespmem:s11+$0xE010] =	vst v0;
	s9 =	rddreg [dreg:$0xa]  }
0x51: {  	[spmem:s9] =	stream.linear.scatter [tilespmem:s21], [sflag:$0xB], $0x1000, $0x38;
	[tilespmem:$0x19000] =	vst v63  }
0x52: {  	_ =	swait.ge [sflag:s17], $0x1000  }
0x53: {  	[sflag:s17] =	ssyncset.done $0x0  }
0x54: {  	s14 =	rddreg [dreg:$0xc];
	[sflag:s17] =	ssyncadd.s32 $0xFFFFF000  }
0x55: {  	[spmem:s14] =	stream.linear.scatter [tilespmem:s21], [sflag:$0xB], $0x1000, $0x38;
	[tilespmem:$0x19000] =	vst v63  }
0x56: {  	_ =	swait.ge [sflag:s17], $0x1000  }
0x57: {  	[sflag:s17] =	ssyncset.done $0x0  }
0x58: {  	s15 =	rddreg [dreg:$0xd];
	[sflag:s17] =	ssyncadd.s32 $0xFFFFF000  }
0x59: {  	[spmem:s15] =	stream.linear.scatter [tilespmem:s21], [sflag:$0xB], $0x1000, $0x38;
	[tilespmem:$0x19000] =	vst v63  }
0x5a: {  	_ =	swait.ge [sflag:s17], $0x1000  }
0x5b: {  	[sflag:s17] =	ssyncset.done $0x0  }
0x5c: {  	s16 =	rddreg [dreg:$0xe];
	[sflag:s17] =	ssyncadd.s32 $0xFFFFF000  }
0x5d: {  	[spmem:s16] =	stream.linear.scatter [tilespmem:s21], [sflag:$0xB], $0x1000, $0x38;
	[tilespmem:$0x19000] =	vst v63  }
0x5e: {  	_ =	swait.ge [sflag:s17], $0x1000  }
0x5f: {  	[sflag:s17] =	ssyncset.done $0x0  }
0x60: {  	s11 =	rddreg [dreg:$0xf];
	[sflag:s17] =	ssyncadd.s32 $0xFFFFF000  }
0x61: {  	[spmem:s11] =	stream.linear.scatter [tilespmem:s21], [sflag:$0xB], $0x1000, $0x38;
	[tilespmem:$0x19000] =	vst v63  }
0x62: {  	_ =	swait.ge [sflag:s17], $0x1000  }
0x63: {  	[sflag:s17] =	ssyncset.done $0x0  }
0x64: {  	[sflag:s17] =	ssyncadd.s32 $0xFFFFF000  }
0x65: {  	s9 =	simm.s32 $0x0;
	[bflag:$0x0] =	sbarrier.arrive $0xFFFF  }
0x66: {  	[tilespmem:s23], [sflag:$0x1] =	stream.indirect.gather [spmem:s2], $0x20, s9, s22, $0xb8;
	[tilespmem:$0x19000] =	vst v63  }
0x67: {  	_ = 	snop  }
0x68: {  	[tilespmem:s24], [sflag:$0x2] =	stream.indirect.gather [spmem:s2], $0x20, s22, s22, $0xb8;
	[tilespmem:$0x19000] =	vst v63  }
0x69: {  	s13 =	simm.s32 $0x100  }
0x6a: {  	[tilespmem:s28], [sflag:$0x3] =	stream.indirect.gather [spmem:s2], $0x20, s13, s22, $0xb8;
	[tilespmem:$0x19000] =	vst v63  }
0x6b: {  	s14 =	simm.s32 $0x180  }
0x6c: {  	[tilespmem:s30], [sflag:$0x4] =	stream.indirect.gather [spmem:s2], $0x20, s14, s22, $0xb8;
	[tilespmem:$0x19000] =	vst v63  }
0x6d: {  	_ =	swait.ge [sflag:s31], $0x1000  }
0x6e: {  	[sflag:s31] =	ssyncset.done $0x0  }
0x6f: {  	s15 =	simm.s32 $0x5000;
	[sflag:s31] =	ssyncadd.s32 $0xFFFFF000  }
0x70: {  	[spmem:s3] =	stream.indirect.scatter.add.f32 [tilespmem:s23], [sflag:$0x6], $0x20, s15, s22, $0xb8;
	[tilespmem:$0x19000] =	vst v63  }
0x71: {  	s16 =	simm.s32 $0x200  }
0x72: {  	[tilespmem:s21], [sflag:$0x5] =	stream.indirect.gather [spmem:s2], $0x20, s16, s22, $0xb8;
	[tilespmem:$0x19000] =	vst v63  }
0x73: {  	_ =	swait.ge [sflag:s0], $0x1000  }
0x74: {  	[sflag:s0] =	ssyncset.done $0x0  }
0x75: {  	s13 =	simm.s32 $0x5080;
	[sflag:s0] =	ssyncadd.s32 $0xFFFFF000  }
0x76: {  	[spmem:s3] =	stream.indirect.scatter.add.f32 [tilespmem:s24], [sflag:$0x7], $0x20, s13, s22, $0xb8;
	[tilespmem:$0x19000] =	vst v63  }
0x77: {  	_ =	swait.ge [sflag:s7], $0x1000  }
0x78: {  	[sflag:s7] =	ssyncset.done $0x0  }
0x79: {  	s14 =	simm.s32 $0x280;
	[sflag:s7] =	ssyncadd.s32 $0xFFFFF000  }
0x7a: {  	[tilespmem:s23], [sflag:$0x1] =	stream.indirect.gather [spmem:s2], $0x20, s14, s22, $0xb8;
	[tilespmem:$0x19000] =	vst v63  }
0x7b: {  	_ =	swait.ge [sflag:s12], $0x1000  }
0x7c: {  	[sflag:s12] =	ssyncset.done $0x0  }
0x7d: {  	s15 =	simm.s32 $0x5100;
	[sflag:s12] =	ssyncadd.s32 $0xFFFFF000  }
0x7e: {  	[spmem:s3] =	stream.indirect.scatter.add.f32 [tilespmem:s28], [sflag:$0x8], $0x20, s15, s22, $0xb8;
	[tilespmem:$0x19000] =	vst v63  }
0x7f: {  	_ =	swait.ge [sflag:s18], $0x1000  }
0x80: {  	[sflag:s18] =	ssyncset.done $0x0  }
0x81: {  	s16 =	simm.s32 $0x300;
	[sflag:s18] =	ssyncadd.s32 $0xFFFFF000  }
0x82: {  	[tilespmem:s24], [sflag:$0x2] =	stream.indirect.gather [spmem:s2], $0x20, s16, s22, $0xb8;
	[tilespmem:$0x19000] =	vst v63  }
0x83: {  	_ =	swait.ge [sflag:s1], $0x1000  }
0x84: {  	[sflag:s1] =	ssyncset.done $0x0  }
0x85: {  	s13 =	simm.s32 $0x5180;
	[sflag:s1] =	ssyncadd.s32 $0xFFFFF000  }
0x86: {  	[spmem:s3] =	stream.indirect.scatter.add.f32 [tilespmem:s30], [sflag:$0x9], $0x20, s13, s22, $0xb8;
	[tilespmem:$0x19000] =	vst v63  }
0x87: {  	_ =	swait.ge [sflag:s8], $0x1000  }
0x88: {  	[sflag:s8] =	ssyncset.done $0x0  }
0x89: {  	s14 =	simm.s32 $0x380;
	[sflag:s8] =	ssyncadd.s32 $0xFFFFF000  }
0x8a: {  	[tilespmem:s28], [sflag:$0x3] =	stream.indirect.gather [spmem:s2], $0x20, s14, s22, $0xb8;
	[tilespmem:$0x19000] =	vst v63  }
0x8b: {  	_ =	swait.ge [sflag:s29], $0x1000  }
0x8c: {  	[sflag:s29] =	ssyncset.done $0x0  }
0x8d: {  	s15 =	simm.s32 $0x5200;
	[sflag:s29] =	ssyncadd.s32 $0xFFFFF000  }
0x8e: {  	[spmem:s3] =	stream.indirect.scatter.add.f32 [tilespmem:s21], [sflag:$0xA], $0x20, s15, s22, $0xb8;
	[tilespmem:$0x19000] =	vst v63  }
0x8f: {  	_ =	swait.ge [sflag:s26], $0x1000  }
0x90: {  	[sflag:s26] =	ssyncset.done $0x0  }
0x91: {  	s16 =	simm.s32 $0x400;
	[sflag:s26] =	ssyncadd.s32 $0xFFFFF000  }
0x92: {  	[tilespmem:s30], [sflag:$0x4] =	stream.indirect.gather [spmem:s2], $0x20, s16, s22, $0xb8;
	[tilespmem:$0x19000] =	vst v63  }
.LBB2_5:
0x93: {  	_ =	swait.ge [sflag:s31], $0x1000  }
0x94: {  	s11 =	sshra.s32 s9, $0x2;
	[sflag:s31] =	ssyncset.done $0x0  }
0x95: {  	s13 =	sadd.s32 $0x5280, s11;
	[sflag:s31] =	ssyncadd.s32 $0xFFFFF000  }
0x96: {  	[spmem:s3] =	stream.indirect.scatter.add.f32 [tilespmem:s23], [sflag:$0x6], $0x20, s13, s22, $0xb8;
	[tilespmem:$0x19000] =	vst v63  }
0x97: {  	_ =	swait.ge [sflag:s4], $0x1000  }
0x98: {  	[sflag:s4] =	ssyncset.done $0x0  }
0x99: {  	s14 =	sadd.s32 $0x480, s11;
	[sflag:s4] =	ssyncadd.s32 $0xFFFFF000  }
0x9a: {  	[tilespmem:s21], [sflag:$0x5] =	stream.indirect.gather [spmem:s2], $0x20, s14, s22, $0xb8;
	[tilespmem:$0x19000] =	vst v63  }
0x9b: {  	_ =	swait.ge [sflag:s0], $0x1000  }
0x9c: {  	p0 =	seq.s32 s9, $0x12C00;
	[sflag:s0] =	ssyncset.done $0x0  }
0x9d: {  	s15 =	sadd.s32 $0x5300, s11;
	s13 =	simm.s32 @p0 $0x3;
	[sflag:s0] =	ssyncadd.s32 $0xFFFFF000  }
0x9e: {  	[spmem:s3] =	stream.indirect.scatter.add.f32 [tilespmem:s24], [sflag:$0x7], $0x20, s15, s22, $0xb8;
	[tilespmem:$0x19000] =	vst v63  }
0x9f: {  	_ =	swait.ge @p0 [sflag:s13], $0x1000  }
0xa0: {  	[sflag:s13] =	ssyncset.done @p0 $0x0  }
0xa1: {  	[sflag:s13] =	ssyncadd.s32 @p0 $0xFFFFF000;
	s13 =	sshra.s32 @p0 s9, $0x2  }
0xa2: {  	s14 =	simm.s32 @p0 $0x80;
	s15 =	simm.s32 @p0 $0xC000;
	s13 =	sadd.s32 @p0 $0x5380, s13  }
0xa3: {  	[spmem:s3] =	stream.indirect.scatter.add.f32 @p0 [tilespmem:s15], [sflag:$0x8], $0x20, s13, s14, $0xb8;
	[tilespmem:$0x19000] =	vst v63  }
0xa4: {  	s13 =	simm.s32 @!p0 $0x6  }
0xa5: {  	_ =	swait.ge @!p0 [sflag:s13], $0x1000  }
0xa6: {  	[sflag:s13] =	ssyncset.done @!p0 $0x0  }
0xa7: {  	[sflag:s13] =	ssyncadd.s32 @!p0 $0xFFFFF000;
	s13 =	sshra.s32 @!p0 s9, $0x2  }
0xa8: {  	s16 =	simm.s32 @!p0 $0xA000;
	s15 =	simm.s32 @!p0 $0x80;
	s14 =	sadd.s32 @!p0 $0x500, s13  }
0xa9: {  	[tilespmem:s16], [sflag:$0x1] =	stream.indirect.gather @!p0 [spmem:s2], $0x20, s14, s15, $0xb8;
	[tilespmem:$0x19000] =	vst v63  }
0xaa: {  	s14 =	simm.s32 @!p0 $0x3  }
0xab: {  	_ =	swait.ge @!p0 [sflag:s14], $0x1000  }
0xac: {  	[sflag:s14] =	ssyncset.done @!p0 $0x0  }
0xad: {  	s16 =	simm.s32 @!p0 $0xC000;
	[sflag:s14] =	ssyncadd.s32 @!p0 $0xFFFFF000;
	s14 =	sadd.s32 @!p0 $0x5380, s13  }
0xae: {  	[spmem:s3] =	stream.indirect.scatter.add.f32 @!p0 [tilespmem:s16], [sflag:$0x8], $0x20, s14, s15, $0xb8;
	[tilespmem:$0x19000] =	vst v63  }
0xaf: {  	s14 =	simm.s32 @!p0 $0x7  }
0xb0: {  	_ =	swait.ge @!p0 [sflag:s14], $0x1000  }
0xb1: {  	[sflag:s14] =	ssyncset.done @!p0 $0x0  }
0xb2: {  	s13 =	sadd.s32 @!p0 $0x580, s13;
	[sflag:s14] =	ssyncadd.s32 @!p0 $0xFFFFF000;
	s14 =	simm.s32 @!p0 $0xB000  }
0xb3: {  	[tilespmem:s14], [sflag:$0x2] =	stream.indirect.gather @!p0 [spmem:s2], $0x20, s13, s15, $0xb8;
	[tilespmem:$0x19000] =	vst v63  }
.Ltmp5:
0xb4: {  	_ = 	snop;
	(pc) =	sbr.rel @p0 .LBB2_7-.Ltmp5, $4  }
0xb5: {  	_ =	swait.ge [sflag:s1], $0x1000  }
0xb6: {  	[sflag:s1] =	ssyncset.done $0x0  }
0xb7: {  	s16 =	sadd.s32 $0x5400, s11;
	s13 =	sadd.s32 $0x5480, s11;
	[sflag:s1] =	ssyncadd.s32 $0xFFFFF000  }
0xb8: {  	[spmem:s3] =	stream.indirect.scatter.add.f32 [tilespmem:s30], [sflag:$0x9], $0x20, s16, s22, $0xb8;
	[tilespmem:$0x19000] =	vst v63  }
0xb9: {  	_ =	swait.ge [sflag:s8], $0x1000  }
0xba: {  	[sflag:s8] =	ssyncset.done $0x0  }
0xbb: {  	s14 =	sadd.s32 $0x600, s11;
	[sflag:s8] =	ssyncadd.s32 $0xFFFFF000  }
0xbc: {  	[tilespmem:s28], [sflag:$0x3] =	stream.indirect.gather [spmem:s2], $0x20, s14, s22, $0xb8;
	[tilespmem:$0x19000] =	vst v63  }
0xbd: {  	_ =	swait.ge [sflag:s29], $0x1000  }
0xbe: {  	[sflag:s29] =	ssyncset.done $0x0  }
0xbf: {  	[sflag:s29] =	ssyncadd.s32 $0xFFFFF000  }
0xc0: {  	[spmem:s3] =	stream.indirect.scatter.add.f32 [tilespmem:s21], [sflag:$0xA], $0x20, s13, s22, $0xb8;
	[tilespmem:$0x19000] =	vst v63  }
.Ltmp6:
0xc1: {  	_ = 	snop;
	(pc) =	sbr.rel .LBB2_5-.Ltmp6, $4  }
0xc2: {  	_ =	swait.ge [sflag:s26], $0x1000  }
0xc3: {  	[sflag:s26] =	ssyncset.done $0x0  }
0xc4: {  	s16 =	sadd.s32 $0x680, s11;
	s9 =	sadd.s32 $0xA00, s9;
	[sflag:s26] =	ssyncadd.s32 $0xFFFFF000  }
0xc5: {  	[tilespmem:s30], [sflag:$0x4] =	stream.indirect.gather [spmem:s2], $0x20, s16, s22, $0xb8;
	[tilespmem:$0x19000] =	vst v63  }
.LBB2_9:
0xc6: {  	_ =	sfence.sel $0x180000  }
0xc7: {  	[bflag:$0x0] =	sbarrier.arrive $0xFFFF  }
0xc8: {  	_ =	strace $0x90000050  }
0xc9: {  	s0 =	stileid.u32;
	[bflag:$0x2] =	sbarrier.arrive $0xFFFF  }
0xca: {  	p0 =	sne.s32 s0, $0x0;
	s0 =	rddreg [dreg:$0x4]  }
0xcb: {  	s0 =	sadd.s32 @!p0 $0x100000, s0  }
0xcc: {  	[sflag:s0] =	ssyncadd.tile.s32 @!p0 $0x1;
	_ =	shalt  }
.Lfunc_end2:
_tile_overlayer_lowered:
.L_overlay_start_2:
0xcd: {  	(tag) =	ssettag $0x2  }
0xce: {  	s0 =	rddreg [dreg:$0x0];
	s2 =	stileid.u32  }
0xcf: {  	s1 =	rddreg [dreg:$0x1];
	p0 =	sne.s32 s2, $0x0  }
0xd0: {  	s3 =	rddreg [dreg:$0x2];
	[bflag:$0x3] =	sbarrier.arrive $0xFFFF;
	s2 =	simm.s32 @!p0 $0x1C0B  }
0xd1: {  	[timem:s3], [sflag:s2] =	dma.local @!p0 [hbm:s0], s1  }
0xd2: {  	s0 =	simm.s32 @!p0 $0xB  }
0xd3: {  	_ =	swait.ge @!p0 [sflag:s0], s1  }
0xd4: {  	s1 =	ssub.s32 @!p0 $0x0, s1;
	[sflag:s0] =	ssyncset.done @!p0 $0x0  }
0xd5: {  	[sflag:s0] =	ssyncadd.s32 @!p0 s1  }
0xd6: {  	[bflag:$0x3] =	sbarrier.arrive $0xFFFF  }
0xd7: {  	_ =	shalt  }

</sc_bundles>
